<compile_context>
chip_gen: v7x
topology: tpu7x:2x2x1
jax: 0.10.2.dev20260603
libtpu: 0.0.44.dev20260713+nightly
codegen_flags: <defaults>
</compile_context>

<pallas_src>
import functools

import jax
import jax.numpy as jnp
from jax import lax
from jax.experimental import pallas as pl
from jax.experimental.pallas import tpu as pltpu
from jax.experimental.pallas import tpu_sc as plsc

NC = 2
NS = 16
L = 16
NW = NC * NS

R, C, F = 4096, 2048, 8
SLABS = R // 8
SLABS_PW = SLABS // NW
QW = 256
NQ = C // QW
NCHUNK = SLABS_PW * NQ
NBUF = 4
NGRP = NCHUNK // NBUF


def _sc_body(x_hbm, et_hbm, out_hbm, *scratch):
    xvs = scratch[0:NBUF]
    ovs = scratch[NBUF:2 * NBUF]
    etv = scratch[2 * NBUF]
    lds = scratch[2 * NBUF + 1:2 * NBUF + 1 + NBUF]
    sts = scratch[2 * NBUF + 1 + NBUF:2 * NBUF + 1 + 2 * NBUF]

    wid = lax.axis_index("s") * NC + lax.axis_index("c")
    slab0 = wid * SLABS_PW
    pltpu.sync_copy(et_hbm, etv)
    ev = etv[pl.ds(0, L)]
    e0b = [jnp.broadcast_to(ev[f], (L,)) for f in range(F)]
    e1b = [jnp.broadcast_to(ev[F + f], (L,)) for f in range(F)]

    def addr(i):
        r0 = (slab0 + i // NQ) * 8
        q = (i % NQ) * QW
        return r0, q

    def load(i, xv, sem):
        r0, q = addr(i)
        return pltpu.make_async_copy(
            x_hbm.at[pl.ds(r0, 8), pl.ds(q, QW)], xv, sem)

    def store(i, ov, sem):
        r0, q = addr(i)
        return pltpu.make_async_copy(
            ov, out_hbm.at[pl.ds(r0, 8), :, pl.ds(q, QW)], sem)

    def compute(xv, ov):
        @plsc.parallel_loop(0, 8 * (QW // L), 1, unroll=2)
        def inner(it):
            s = it // (QW // L)
            v = (it % (QW // L)) * L
            m = xv[s, pl.ds(v, L)] > 0
            for f in range(F):
                ov[s, f, pl.ds(v, L)] = jnp.where(m, e1b[f], e0b[f])

    bufs = tuple(zip(xvs, ovs, lds, sts))

    for b in range(NBUF):
        load(b, xvs[b], lds[b]).start()
    for b, (xv, ov, ld, st) in enumerate(bufs):
        load(b, xv, ld).wait()
        compute(xv, ov)
        store(b, ov, st).start()
        load(b + NBUF, xv, ld).start()

    def grp_body(g, carry):
        for b, (xv, ov, ld, st) in enumerate(bufs):
            i = NBUF * g + b
            load(i, xv, ld).wait()
            store(i - NBUF, ov, st).wait()
            compute(xv, ov)
            store(i, ov, st).start()
            load(i + NBUF, xv, ld).start()
        return carry

    lax.fori_loop(1, NGRP - 1, grp_body, 0)

    for b, (xv, ov, ld, st) in enumerate(bufs):
        i = NCHUNK - NBUF + b
        load(i, xv, ld).wait()
        store(i - NBUF, ov, st).wait()
        compute(xv, ov)
        store(i, ov, st).start()
    for b, (xv, ov, ld, st) in enumerate(bufs):
        store(NCHUNK - NBUF + b, ov, st).wait()


@jax.jit
def kernel(x, embedding):
    et = embedding.reshape(-1)
    run = functools.partial(
        pl.kernel,
        out_type=jax.ShapeDtypeStruct((R, F, C), jnp.float32),
        mesh=plsc.VectorSubcoreMesh(core_axis_name="c", subcore_axis_name="s"),
        compiler_params=pltpu.CompilerParams(use_tc_tiling_on_sc=True),
        scratch_types=(
            [pltpu.VMEM((8, QW), jnp.float32) for _ in range(NBUF)]
            + [pltpu.VMEM((8, F, QW), jnp.float32) for _ in range(NBUF)]
            + [pltpu.VMEM((2 * F,), jnp.float32)]
            + [pltpu.SemaphoreType.DMA for _ in range(2 * NBUF)]
        ),
    )(_sc_body)
    z = run(x, et)
    return z.transpose(0, 2, 1)

# --- scband reference (transcript-rebuilt; emitter-appended) ---
"""Pipeline reference for scband-embed-90031104459440 (READ-ONLY COPY).

The authoritative reference and input builder live on the scoring server;
editing this copy changes nothing except your own understanding.
"""

import jax, jax.numpy as jnp
import numpy as np


def setup_inputs(seed: int = 0) -> dict:
    key = jax.random.key(seed)
    k1, k2 = jax.random.split(key)
    x = jax.random.normal(k1, (4096, 2048), dtype=jnp.float32)
    # nn.Embed param: [num_embeddings=n_state=2, features=state_feature=8]
    embedding = jax.random.normal(k2, (2, 8), dtype=jnp.float32) * 0.1
    return {"x": x, "embedding": embedding}


def reference(x, embedding):
    # Faithful translation of Embed.__call__:
    #   x = (x > 0).astype(int32)
    #   out = nn.Embed(num_embeddings=2, features=8)(x)  -> table gather
    idx = (x > 0).astype(jnp.int32)
    out = jnp.take(embedding, idx, axis=0)
    return out

if __name__ == "__main__":
    import jax
    _d = setup_inputs()
    print(jax.jit(kernel)(*tuple(_d.values())))

</pallas_src>

<mosaic_0001>
#map = affine_map<(d0, d1) -> (0, 0)>
#map1 = affine_map<(d0, d1) -> (0)>
#map2 = affine_map<(d0, d1) -> (0, 0, 0)>
module attributes {stable_mosaic.version = 14 : i64} {
  func.func @_sc_body(%arg0: i32, %arg1: i32, %arg2: memref<4096x2048xf32, #tpu.memory_space<hbm>>, %arg3: memref<16xf32, #tpu.memory_space<hbm>>, %arg4: memref<4096x8x2048xf32, #tpu.memory_space<hbm>>, %arg5: memref<8x256xf32, #tpu.memory_space<vmem>>, %arg6: memref<8x256xf32, #tpu.memory_space<vmem>>, %arg7: memref<8x256xf32, #tpu.memory_space<vmem>>, %arg8: memref<8x256xf32, #tpu.memory_space<vmem>>, %arg9: memref<8x8x256xf32, #tpu.memory_space<vmem>>, %arg10: memref<8x8x256xf32, #tpu.memory_space<vmem>>, %arg11: memref<8x8x256xf32, #tpu.memory_space<vmem>>, %arg12: memref<8x8x256xf32, #tpu.memory_space<vmem>>, %arg13: memref<16xf32, #tpu.memory_space<vmem>>, %arg14: memref<!tpu.dma_semaphore, #tpu.memory_space<semaphore_mem>>, %arg15: memref<!tpu.dma_semaphore, #tpu.memory_space<semaphore_mem>>, %arg16: memref<!tpu.dma_semaphore, #tpu.memory_space<semaphore_mem>>, %arg17: memref<!tpu.dma_semaphore, #tpu.memory_space<semaphore_mem>>, %arg18: memref<!tpu.dma_semaphore, #tpu.memory_space<semaphore_mem>>, %arg19: memref<!tpu.dma_semaphore, #tpu.memory_space<semaphore_mem>>, %arg20: memref<!tpu.dma_semaphore, #tpu.memory_space<semaphore_mem>>, %arg21: memref<!tpu.dma_semaphore, #tpu.memory_space<semaphore_mem>>) attributes {dimension_semantics = [#tpu.dimension_semantics<core_parallel>, #tpu.dimension_semantics<subcore_parallel>], iteration_bounds = array<i64: 2, 16>, scalar_prefetch = 0 : i64, scratch_operands = 17 : i64, tpu.core_type = #tpu.core_type<sc_vector_subcore>, window_params = [{transform_indices = #map}, {transform_indices = #map1}, {transform_indices = #map2}]} {
    %mul3A = arith.constant 2 : i32
    %mul3A_0 = arith.muli %arg1, %mul3A : i32
    %add3A = arith.addi %mul3A_0, %arg0 : i32
    %mul3A_1 = arith.constant 16 : i32
    %mul3A_2 = arith.muli %add3A, %mul3A_1 : i32
    "tpu.region"() ({
      %run_scoped3A = tpu.sem_alloc : memref<!tpu.dma_semaphore, #tpu.memory_space<semaphore_mem>>
      tpu.enqueue_dma source(%arg3 : memref<16xf32, #tpu.memory_space<hbm>>) target(%arg13 : memref<16xf32, #tpu.memory_space<vmem>>) target_semaphore(%run_scoped3A : memref<!tpu.dma_semaphore, #tpu.memory_space<semaphore_mem>>)
      tpu.wait_dma2 semaphore(%run_scoped3A : memref<!tpu.dma_semaphore, #tpu.memory_space<semaphore_mem>>) src(%arg3 : memref<16xf32, #tpu.memory_space<hbm>>) dst(%arg13 : memref<16xf32, #tpu.memory_space<vmem>>)
      tpu.yield
    }) : () -> ()
    %get3A = arith.constant 0 : index
    %get3A_3 = tpu.vector_load %arg13[%get3A] {strides = array<i32>} : memref<16xf32, #tpu.memory_space<vmem>>, vector<16xf32>,
    %get3A_4 = vector.shape_cast %get3A_3 : vector<16xf32> to vector<16xf32>
    %slice3A = vector.extract_strided_slice %get3A_4 {offsets = [0], sizes = [1], strides = [1]} : vector<16xf32> to vector<1xf32>
    %squeeze3A = vector.extract %slice3A[0] : f32 from vector<1xf32>
    %broadcast_in_dim3A = vector.broadcast %squeeze3A : f32 to vector<16xf32>
    %slice3A_5 = vector.extract_strided_slice %get3A_4 {offsets = [1], sizes = [1], strides = [1]} : vector<16xf32> to vector<1xf32>
    %squeeze3A_6 = vector.extract %slice3A_5[0] : f32 from vector<1xf32>
    %broadcast_in_dim3A_7 = vector.broadcast %squeeze3A_6 : f32 to vector<16xf32>
    %slice3A_8 = vector.extract_strided_slice %get3A_4 {offsets = [2], sizes = [1], strides = [1]} : vector<16xf32> to vector<1xf32>
    %squeeze3A_9 = vector.extract %slice3A_8[0] : f32 from vector<1xf32>
    %broadcast_in_dim3A_10 = vector.broadcast %squeeze3A_9 : f32 to vector<16xf32>
    %slice3A_11 = vector.extract_strided_slice %get3A_4 {offsets = [3], sizes = [1], strides = [1]} : vector<16xf32> to vector<1xf32>
    %squeeze3A_12 = vector.extract %slice3A_11[0] : f32 from vector<1xf32>
    %broadcast_in_dim3A_13 = vector.broadcast %squeeze3A_12 : f32 to vector<16xf32>
    %slice3A_14 = vector.extract_strided_slice %get3A_4 {offsets = [4], sizes = [1], strides = [1]} : vector<16xf32> to vector<1xf32>
    %squeeze3A_15 = vector.extract %slice3A_14[0] : f32 from vector<1xf32>
    %broadcast_in_dim3A_16 = vector.broadcast %squeeze3A_15 : f32 to vector<16xf32>
    %slice3A_17 = vector.extract_strided_slice %get3A_4 {offsets = [5], sizes = [1], strides = [1]} : vector<16xf32> to vector<1xf32>
    %squeeze3A_18 = vector.extract %slice3A_17[0] : f32 from vector<1xf32>
    %broadcast_in_dim3A_19 = vector.broadcast %squeeze3A_18 : f32 to vector<16xf32>
    %slice3A_20 = vector.extract_strided_slice %get3A_4 {offsets = [6], sizes = [1], strides = [1]} : vector<16xf32> to vector<1xf32>
    %squeeze3A_21 = vector.extract %slice3A_20[0] : f32 from vector<1xf32>
    %broadcast_in_dim3A_22 = vector.broadcast %squeeze3A_21 : f32 to vector<16xf32>
    %slice3A_23 = vector.extract_strided_slice %get3A_4 {offsets = [7], sizes = [1], strides = [1]} : vector<16xf32> to vector<1xf32>
    %squeeze3A_24 = vector.extract %slice3A_23[0] : f32 from vector<1xf32>
    %broadcast_in_dim3A_25 = vector.broadcast %squeeze3A_24 : f32 to vector<16xf32>
    %slice3A_26 = vector.extract_strided_slice %get3A_4 {offsets = [8], sizes = [1], strides = [1]} : vector<16xf32> to vector<1xf32>
    %squeeze3A_27 = vector.extract %slice3A_26[0] : f32 from vector<1xf32>
    %broadcast_in_dim3A_28 = vector.broadcast %squeeze3A_27 : f32 to vector<16xf32>
    %slice3A_29 = vector.extract_strided_slice %get3A_4 {offsets = [9], sizes = [1], strides = [1]} : vector<16xf32> to vector<1xf32>
    %squeeze3A_30 = vector.extract %slice3A_29[0] : f32 from vector<1xf32>
    %broadcast_in_dim3A_31 = vector.broadcast %squeeze3A_30 : f32 to vector<16xf32>
    %slice3A_32 = vector.extract_strided_slice %get3A_4 {offsets = [10], sizes = [1], strides = [1]} : vector<16xf32> to vector<1xf32>
    %squeeze3A_33 = vector.extract %slice3A_32[0] : f32 from vector<1xf32>
    %broadcast_in_dim3A_34 = vector.broadcast %squeeze3A_33 : f32 to vector<16xf32>
    %slice3A_35 = vector.extract_strided_slice %get3A_4 {offsets = [11], sizes = [1], strides = [1]} : vector<16xf32> to vector<1xf32>
    %squeeze3A_36 = vector.extract %slice3A_35[0] : f32 from vector<1xf32>
    %broadcast_in_dim3A_37 = vector.broadcast %squeeze3A_36 : f32 to vector<16xf32>
    %slice3A_38 = vector.extract_strided_slice %get3A_4 {offsets = [12], sizes = [1], strides = [1]} : vector<16xf32> to vector<1xf32>
    %squeeze3A_39 = vector.extract %slice3A_38[0] : f32 from vector<1xf32>
    %broadcast_in_dim3A_40 = vector.broadcast %squeeze3A_39 : f32 to vector<16xf32>
    %slice3A_41 = vector.extract_strided_slice %get3A_4 {offsets = [13], sizes = [1], strides = [1]} : vector<16xf32> to vector<1xf32>
    %squeeze3A_42 = vector.extract %slice3A_41[0] : f32 from vector<1xf32>
    %broadcast_in_dim3A_43 = vector.broadcast %squeeze3A_42 : f32 to vector<16xf32>
    %slice3A_44 = vector.extract_strided_slice %get3A_4 {offsets = [14], sizes = [1], strides = [1]} : vector<16xf32> to vector<1xf32>
    %squeeze3A_45 = vector.extract %slice3A_44[0] : f32 from vector<1xf32>
    %broadcast_in_dim3A_46 = vector.broadcast %squeeze3A_45 : f32 to vector<16xf32>
    %slice3A_47 = vector.extract_strided_slice %get3A_4 {offsets = [15], sizes = [1], strides = [1]} : vector<16xf32> to vector<1xf32>
    %squeeze3A_48 = vector.extract %slice3A_47[0] : f32 from vector<1xf32>
    %broadcast_in_dim3A_49 = vector.broadcast %squeeze3A_48 : f32 to vector<16xf32>
    %add3A_50 = arith.constant 0 : i32
    %add3A_51 = arith.addi %mul3A_2, %add3A_50 : i32
    %mul3A_52 = arith.constant 8 : i32
    %mul3A_53 = arith.muli %add3A_51, %mul3A_52 : i32
    %dma_start3A = arith.constant 0 : i32
    %dma_start3A_54 = tpu.memref_slice %arg2[%mul3A_53, %dma_start3A] : memref<4096x2048xf32, #tpu.memory_space<hbm>> -> memref<8x256xf32, #tpu.memory_space<hbm>>
    %dma_start3A_55 = arith.constant 0 : i32
    %dma_start3A_56 = tpu.memref_slice %arg2[%mul3A_53, %dma_start3A_55] : memref<4096x2048xf32, #tpu.memory_space<hbm>> -> memref<8x256xf32, #tpu.memory_space<hbm>>
    tpu.enqueue_dma source(%dma_start3A_56 : memref<8x256xf32, #tpu.memory_space<hbm>>) target(%arg5 : memref<8x256xf32, #tpu.memory_space<vmem>>) target_semaphore(%arg14 : memref<!tpu.dma_semaphore, #tpu.memory_space<semaphore_mem>>)
    %add3A_57 = arith.constant 0 : i32
    %add3A_58 = arith.addi %mul3A_2, %add3A_57 : i32
    %mul3A_59 = arith.constant 8 : i32
    %mul3A_60 = arith.muli %add3A_58, %mul3A_59 : i32
    %dma_start3A_61 = arith.constant 256 : i32
    %dma_start3A_62 = tpu.memref_slice %arg2[%mul3A_60, %dma_start3A_61] : memref<4096x2048xf32, #tpu.memory_space<hbm>> -> memref<8x256xf32, #tpu.memory_space<hbm>>
    %dma_start3A_63 = arith.constant 256 : i32
    %dma_start3A_64 = tpu.memref_slice %arg2[%mul3A_60, %dma_start3A_63] : memref<4096x2048xf32, #tpu.memory_space<hbm>> -> memref<8x256xf32, #tpu.memory_space<hbm>>
    tpu.enqueue_dma source(%dma_start3A_64 : memref<8x256xf32, #tpu.memory_space<hbm>>) target(%arg6 : memref<8x256xf32, #tpu.memory_space<vmem>>) target_semaphore(%arg15 : memref<!tpu.dma_semaphore, #tpu.memory_space<semaphore_mem>>)
    %add3A_65 = arith.constant 0 : i32
    %add3A_66 = arith.addi %mul3A_2, %add3A_65 : i32
    %mul3A_67 = arith.constant 8 : i32
    %mul3A_68 = arith.muli %add3A_66, %mul3A_67 : i32
    %dma_start3A_69 = arith.constant 512 : i32
    %dma_start3A_70 = tpu.memref_slice %arg2[%mul3A_68, %dma_start3A_69] : memref<4096x2048xf32, #tpu.memory_space<hbm>> -> memref<8x256xf32, #tpu.memory_space<hbm>>
    %dma_start3A_71 = arith.constant 512 : i32
    %dma_start3A_72 = tpu.memref_slice %arg2[%mul3A_68, %dma_start3A_71] : memref<4096x2048xf32, #tpu.memory_space<hbm>> -> memref<8x256xf32, #tpu.memory_space<hbm>>
    tpu.enqueue_dma source(%dma_start3A_72 : memref<8x256xf32, #tpu.memory_space<hbm>>) target(%arg7 : memref<8x256xf32, #tpu.memory_space<vmem>>) target_semaphore(%arg16 : memref<!tpu.dma_semaphore, #tpu.memory_space<semaphore_mem>>)
    %add3A_73 = arith.constant 0 : i32
    %add3A_74 = arith.addi %mul3A_2, %add3A_73 : i32
    %mul3A_75 = arith.constant 8 : i32
    %mul3A_76 = arith.muli %add3A_74, %mul3A_75 : i32
    %dma_start3A_77 = arith.constant 768 : i32
    %dma_start3A_78 = tpu.memref_slice %arg2[%mul3A_76, %dma_start3A_77] : memref<4096x2048xf32, #tpu.memory_space<hbm>> -> memref<8x256xf32, #tpu.memory_space<hbm>>
    %dma_start3A_79 = arith.constant 768 : i32
    %dma_start3A_80 = tpu.memref_slice %arg2[%mul3A_76, %dma_start3A_79] : memref<4096x2048xf32, #tpu.memory_space<hbm>> -> memref<8x256xf32, #tpu.memory_space<hbm>>
    tpu.enqueue_dma source(%dma_start3A_80 : memref<8x256xf32, #tpu.memory_space<hbm>>) target(%arg8 : memref<8x256xf32, #tpu.memory_space<vmem>>) target_semaphore(%arg17 : memref<!tpu.dma_semaphore, #tpu.memory_space<semaphore_mem>>)
    %add3A_81 = arith.constant 0 : i32
    %add3A_82 = arith.addi %mul3A_2, %add3A_81 : i32
    %mul3A_83 = arith.constant 8 : i32
    %mul3A_84 = arith.muli %add3A_82, %mul3A_83 : i32
    %dma_wait3A = arith.constant 0 : i32
    %dma_wait3A_85 = tpu.memref_slice %arg2[%mul3A_84, %dma_wait3A] : memref<4096x2048xf32, #tpu.memory_space<hbm>> -> memref<8x256xf32, #tpu.memory_space<hbm>>
    %dma_wait3A_86 = arith.constant 0 : i32
    %dma_wait3A_87 = tpu.memref_slice %arg2[%mul3A_84, %dma_wait3A_86] : memref<4096x2048xf32, #tpu.memory_space<hbm>> -> memref<8x256xf32, #tpu.memory_space<hbm>>
    tpu.wait_dma2 semaphore(%arg14 : memref<!tpu.dma_semaphore, #tpu.memory_space<semaphore_mem>>) src(%dma_wait3A_87 : memref<8x256xf32, #tpu.memory_space<hbm>>) dst(%arg5 : memref<8x256xf32, #tpu.memory_space<vmem>>)
    %parallel_loop3A = arith.constant 0 : i32
    %parallel_loop3A_88 = arith.constant 128 : i32
    %parallel_loop3A_89 = arith.constant 1 : i32
    scf.for %parallel_loop3A_364 = %parallel_loop3A to %parallel_loop3A_88 step %parallel_loop3A_89  : i32 {
      %parallel_loop3A_365 = arith.constant 16 : i32
      %parallel_loop3A_366 = arith.divsi %parallel_loop3A_364, %parallel_loop3A_365 : i32
      %parallel_loop3A_367 = arith.constant 0 : i32
      %parallel_loop3A_368 = arith.cmpi sgt, %parallel_loop3A_364, %parallel_loop3A_367 : i32
      %parallel_loop3A_369 = arith.extui %parallel_loop3A_368 : i1 to i32
      %parallel_loop3A_370 = arith.constant 0 : i32
      %parallel_loop3A_371 = arith.cmpi slt, %parallel_loop3A_364, %parallel_loop3A_370 : i32
      %parallel_loop3A_372 = arith.extui %parallel_loop3A_371 : i1 to i32
      %parallel_loop3A_373 = arith.subi %parallel_loop3A_369, %parallel_loop3A_372 : i32
      %parallel_loop3A_374 = arith.constant 0 : i32
      %parallel_loop3A_375 = arith.cmpi sgt, %parallel_loop3A_365, %parallel_loop3A_374 : i32
      %parallel_loop3A_376 = arith.extui %parallel_loop3A_375 : i1 to i32
      %parallel_loop3A_377 = arith.constant 0 : i32
      %parallel_loop3A_378 = arith.cmpi slt, %parallel_loop3A_365, %parallel_loop3A_377 : i32
      %parallel_loop3A_379 = arith.extui %parallel_loop3A_378 : i1 to i32
      %parallel_loop3A_380 = arith.subi %parallel_loop3A_376, %parallel_loop3A_379 : i32
      %parallel_loop3A_381 = arith.cmpi ne, %parallel_loop3A_373, %parallel_loop3A_380 : i32
      %parallel_loop3A_382 = arith.remsi %parallel_loop3A_364, %parallel_loop3A_365 : i32
      %parallel_loop3A_383 = arith.constant 0 : i32
      %parallel_loop3A_384 = arith.cmpi ne, %parallel_loop3A_382, %parallel_loop3A_383 : i32
      %parallel_loop3A_385 = arith.andi %parallel_loop3A_381, %parallel_loop3A_384 : i1
      %parallel_loop3A_386 = arith.constant 1 : i32
      %parallel_loop3A_387 = arith.subi %parallel_loop3A_366, %parallel_loop3A_386 : i32
      %parallel_loop3A_388 = arith.select %parallel_loop3A_385, %parallel_loop3A_387, %parallel_loop3A_366 : i32
      %parallel_loop3A_389 = arith.constant 16 : i32
      %parallel_loop3A_390 = arith.constant 0 : i32
      %parallel_loop3A_391 = arith.cmpi eq, %parallel_loop3A_389, %parallel_loop3A_390 : i32
      %parallel_loop3A_392 = arith.constant 1 : i32
      %parallel_loop3A_393 = arith.select %parallel_loop3A_391, %parallel_loop3A_392, %parallel_loop3A_389 : i32
      %parallel_loop3A_394 = arith.remsi %parallel_loop3A_364, %parallel_loop3A_393 : i32
      %parallel_loop3A_395 = arith.constant 0 : i32
      %parallel_loop3A_396 = arith.cmpi ne, %parallel_loop3A_394, %parallel_loop3A_395 : i32
      %parallel_loop3A_397 = arith.constant 0 : i32
      %parallel_loop3A_398 = arith.cmpi slt, %parallel_loop3A_394, %parallel_loop3A_397 : i32
      %parallel_loop3A_399 = arith.constant 0 : i32
      %parallel_loop3A_400 = arith.cmpi slt, %parallel_loop3A_393, %parallel_loop3A_399 : i32
      %parallel_loop3A_401 = arith.xori %parallel_loop3A_398, %parallel_loop3A_400 : i1
      %parallel_loop3A_402 = arith.andi %parallel_loop3A_401, %parallel_loop3A_396 : i1
      %parallel_loop3A_403 = arith.addi %parallel_loop3A_394, %parallel_loop3A_393 : i32
      %parallel_loop3A_404 = arith.select %parallel_loop3A_402, %parallel_loop3A_403, %parallel_loop3A_394 : i32
      %parallel_loop3A_405 = arith.constant 16 : i32
      %parallel_loop3A_406 = arith.muli %parallel_loop3A_404, %parallel_loop3A_405 : i32
      %parallel_loop3A_407 = arith.index_cast %parallel_loop3A_388 : i32 to index
      %parallel_loop3A_408 = arith.index_cast %parallel_loop3A_406 : i32 to index
      %parallel_loop3A_409 = tpu.vector_load %arg5[%parallel_loop3A_407, %parallel_loop3A_408] {strides = array<i32>} : memref<8x256xf32, #tpu.memory_space<vmem>>, vector<1x16xf32>,
      %parallel_loop3A_410 = vector.shape_cast %parallel_loop3A_409 : vector<1x16xf32> to vector<16xf32>
      %parallel_loop3A_411 = arith.constant 0.000000e+00 : f32
      %parallel_loop3A_412 = vector.broadcast %parallel_loop3A_411 : f32 to vector<16xf32>
      %parallel_loop3A_413 = arith.cmpf ogt, %parallel_loop3A_410, %parallel_loop3A_412 : vector<16xf32>
      %parallel_loop3A_414 = arith.select %parallel_loop3A_413, %broadcast_in_dim3A_28, %broadcast_in_dim3A : vector<16xi1>, vector<16xf32>
      %parallel_loop3A_415 = arith.constant 0 : i32
      %parallel_loop3A_416 = arith.index_cast %parallel_loop3A_388 : i32 to index
      %parallel_loop3A_417 = arith.index_cast %parallel_loop3A_415 : i32 to index
      %parallel_loop3A_418 = arith.index_cast %parallel_loop3A_406 : i32 to index
      %parallel_loop3A_419 = tpu.vector_load %arg9[%parallel_loop3A_416, %parallel_loop3A_417, %parallel_loop3A_418] {strides = array<i32>} : memref<8x8x256xf32, #tpu.memory_space<vmem>>, vector<1x1x16xf32>,
      %parallel_loop3A_420 = vector.shape_cast %parallel_loop3A_419 : vector<1x1x16xf32> to vector<16xf32>
      %parallel_loop3A_421 = vector.shape_cast %parallel_loop3A_414 : vector<16xf32> to vector<1x1x16xf32>
      tpu.vector_store %arg9[%parallel_loop3A_416, %parallel_loop3A_417, %parallel_loop3A_418], %parallel_loop3A_421 {strides = array<i32>} : memref<8x8x256xf32, #tpu.memory_space<vmem>>, vector<1x1x16xf32>,
      %parallel_loop3A_422 = arith.select %parallel_loop3A_413, %broadcast_in_dim3A_31, %broadcast_in_dim3A_7 : vector<16xi1>, vector<16xf32>
      %parallel_loop3A_423 = arith.constant 1 : i32
      %parallel_loop3A_424 = arith.index_cast %parallel_loop3A_388 : i32 to index
      %parallel_loop3A_425 = arith.index_cast %parallel_loop3A_423 : i32 to index
      %parallel_loop3A_426 = arith.index_cast %parallel_loop3A_406 : i32 to index
      %parallel_loop3A_427 = tpu.vector_load %arg9[%parallel_loop3A_424, %parallel_loop3A_425, %parallel_loop3A_426] {strides = array<i32>} : memref<8x8x256xf32, #tpu.memory_space<vmem>>, vector<1x1x16xf32>,
      %parallel_loop3A_428 = vector.shape_cast %parallel_loop3A_427 : vector<1x1x16xf32> to vector<16xf32>
      %parallel_loop3A_429 = vector.shape_cast %parallel_loop3A_422 : vector<16xf32> to vector<1x1x16xf32>
      tpu.vector_store %arg9[%parallel_loop3A_424, %parallel_loop3A_425, %parallel_loop3A_426], %parallel_loop3A_429 {strides = array<i32>} : memref<8x8x256xf32, #tpu.memory_space<vmem>>, vector<1x1x16xf32>,
      %parallel_loop3A_430 = arith.select %parallel_loop3A_413, %broadcast_in_dim3A_34, %broadcast_in_dim3A_10 : vector<16xi1>, vector<16xf32>
      %parallel_loop3A_431 = arith.constant 2 : i32
      %parallel_loop3A_432 = arith.index_cast %parallel_loop3A_388 : i32 to index
      %parallel_loop3A_433 = arith.index_cast %parallel_loop3A_431 : i32 to index
      %parallel_loop3A_434 = arith.index_cast %parallel_loop3A_406 : i32 to index
      %parallel_loop3A_435 = tpu.vector_load %arg9[%parallel_loop3A_432, %parallel_loop3A_433, %parallel_loop3A_434] {strides = array<i32>} : memref<8x8x256xf32, #tpu.memory_space<vmem>>, vector<1x1x16xf32>,
      %parallel_loop3A_436 = vector.shape_cast %parallel_loop3A_435 : vector<1x1x16xf32> to vector<16xf32>
      %parallel_loop3A_437 = vector.shape_cast %parallel_loop3A_430 : vector<16xf32> to vector<1x1x16xf32>
      tpu.vector_store %arg9[%parallel_loop3A_432, %parallel_loop3A_433, %parallel_loop3A_434], %parallel_loop3A_437 {strides = array<i32>} : memref<8x8x256xf32, #tpu.memory_space<vmem>>, vector<1x1x16xf32>,
      %parallel_loop3A_438 = arith.select %parallel_loop3A_413, %broadcast_in_dim3A_37, %broadcast_in_dim3A_13 : vector<16xi1>, vector<16xf32>
      %parallel_loop3A_439 = arith.constant 3 : i32
      %parallel_loop3A_440 = arith.index_cast %parallel_loop3A_388 : i32 to index
      %parallel_loop3A_441 = arith.index_cast %parallel_loop3A_439 : i32 to index
      %parallel_loop3A_442 = arith.index_cast %parallel_loop3A_406 : i32 to index
      %parallel_loop3A_443 = tpu.vector_load %arg9[%parallel_loop3A_440, %parallel_loop3A_441, %parallel_loop3A_442] {strides = array<i32>} : memref<8x8x256xf32, #tpu.memory_space<vmem>>, vector<1x1x16xf32>,
      %parallel_loop3A_444 = vector.shape_cast %parallel_loop3A_443 : vector<1x1x16xf32> to vector<16xf32>
      %parallel_loop3A_445 = vector.shape_cast %parallel_loop3A_438 : vector<16xf32> to vector<1x1x16xf32>
      tpu.vector_store %arg9[%parallel_loop3A_440, %parallel_loop3A_441, %parallel_loop3A_442], %parallel_loop3A_445 {strides = array<i32>} : memref<8x8x256xf32, #tpu.memory_space<vmem>>, vector<1x1x16xf32>,
      %parallel_loop3A_446 = arith.select %parallel_loop3A_413, %broadcast_in_dim3A_40, %broadcast_in_dim3A_16 : vector<16xi1>, vector<16xf32>
      %parallel_loop3A_447 = arith.constant 4 : i32
      %parallel_loop3A_448 = arith.index_cast %parallel_loop3A_388 : i32 to index
      %parallel_loop3A_449 = arith.index_cast %parallel_loop3A_447 : i32 to index
      %parallel_loop3A_450 = arith.index_cast %parallel_loop3A_406 : i32 to index
      %parallel_loop3A_451 = tpu.vector_load %arg9[%parallel_loop3A_448, %parallel_loop3A_449, %parallel_loop3A_450] {strides = array<i32>} : memref<8x8x256xf32, #tpu.memory_space<vmem>>, vector<1x1x16xf32>,
      %parallel_loop3A_452 = vector.shape_cast %parallel_loop3A_451 : vector<1x1x16xf32> to vector<16xf32>
      %parallel_loop3A_453 = vector.shape_cast %parallel_loop3A_446 : vector<16xf32> to vector<1x1x16xf32>
      tpu.vector_store %arg9[%parallel_loop3A_448, %parallel_loop3A_449, %parallel_loop3A_450], %parallel_loop3A_453 {strides = array<i32>} : memref<8x8x256xf32, #tpu.memory_space<vmem>>, vector<1x1x16xf32>,
      %parallel_loop3A_454 = arith.select %parallel_loop3A_413, %broadcast_in_dim3A_43, %broadcast_in_dim3A_19 : vector<16xi1>, vector<16xf32>
      %parallel_loop3A_455 = arith.constant 5 : i32
      %parallel_loop3A_456 = arith.index_cast %parallel_loop3A_388 : i32 to index
      %parallel_loop3A_457 = arith.index_cast %parallel_loop3A_455 : i32 to index
      %parallel_loop3A_458 = arith.index_cast %parallel_loop3A_406 : i32 to index
      %parallel_loop3A_459 = tpu.vector_load %arg9[%parallel_loop3A_456, %parallel_loop3A_457, %parallel_loop3A_458] {strides = array<i32>} : memref<8x8x256xf32, #tpu.memory_space<vmem>>, vector<1x1x16xf32>,
      %parallel_loop3A_460 = vector.shape_cast %parallel_loop3A_459 : vector<1x1x16xf32> to vector<16xf32>
      %parallel_loop3A_461 = vector.shape_cast %parallel_loop3A_454 : vector<16xf32> to vector<1x1x16xf32>
      tpu.vector_store %arg9[%parallel_loop3A_456, %parallel_loop3A_457, %parallel_loop3A_458], %parallel_loop3A_461 {strides = array<i32>} : memref<8x8x256xf32, #tpu.memory_space<vmem>>, vector<1x1x16xf32>,
      %parallel_loop3A_462 = arith.select %parallel_loop3A_413, %broadcast_in_dim3A_46, %broadcast_in_dim3A_22 : vector<16xi1>, vector<16xf32>
      %parallel_loop3A_463 = arith.constant 6 : i32
      %parallel_loop3A_464 = arith.index_cast %parallel_loop3A_388 : i32 to index
      %parallel_loop3A_465 = arith.index_cast %parallel_loop3A_463 : i32 to index
      %parallel_loop3A_466 = arith.index_cast %parallel_loop3A_406 : i32 to index
      %parallel_loop3A_467 = tpu.vector_load %arg9[%parallel_loop3A_464, %parallel_loop3A_465, %parallel_loop3A_466] {strides = array<i32>} : memref<8x8x256xf32, #tpu.memory_space<vmem>>, vector<1x1x16xf32>,
      %parallel_loop3A_468 = vector.shape_cast %parallel_loop3A_467 : vector<1x1x16xf32> to vector<16xf32>
      %parallel_loop3A_469 = vector.shape_cast %parallel_loop3A_462 : vector<16xf32> to vector<1x1x16xf32>
      tpu.vector_store %arg9[%parallel_loop3A_464, %parallel_loop3A_465, %parallel_loop3A_466], %parallel_loop3A_469 {strides = array<i32>} : memref<8x8x256xf32, #tpu.memory_space<vmem>>, vector<1x1x16xf32>,
      %parallel_loop3A_470 = arith.select %parallel_loop3A_413, %broadcast_in_dim3A_49, %broadcast_in_dim3A_25 : vector<16xi1>, vector<16xf32>
      %parallel_loop3A_471 = arith.constant 7 : i32
      %parallel_loop3A_472 = arith.index_cast %parallel_loop3A_388 : i32 to index
      %parallel_loop3A_473 = arith.index_cast %parallel_loop3A_471 : i32 to index
      %parallel_loop3A_474 = arith.index_cast %parallel_loop3A_406 : i32 to index
      %parallel_loop3A_475 = tpu.vector_load %arg9[%parallel_loop3A_472, %parallel_loop3A_473, %parallel_loop3A_474] {strides = array<i32>} : memref<8x8x256xf32, #tpu.memory_space<vmem>>, vector<1x1x16xf32>,
      %parallel_loop3A_476 = vector.shape_cast %parallel_loop3A_475 : vector<1x1x16xf32> to vector<16xf32>
      %parallel_loop3A_477 = vector.shape_cast %parallel_loop3A_470 : vector<16xf32> to vector<1x1x16xf32>
      tpu.vector_store %arg9[%parallel_loop3A_472, %parallel_loop3A_473, %parallel_loop3A_474], %parallel_loop3A_477 {strides = array<i32>} : memref<8x8x256xf32, #tpu.memory_space<vmem>>, vector<1x1x16xf32>,
    } {sc.loop_unroll_factor = 2 : i64, sc.parallel_access}
    %add3A_90 = arith.constant 0 : i32
    %add3A_91 = arith.addi %mul3A_2, %add3A_90 : i32
    %mul3A_92 = arith.constant 8 : i32
    %mul3A_93 = arith.muli %add3A_91, %mul3A_92 : i32
    %dma_start3A_94 = arith.constant 0 : i32
    %dma_start3A_95 = arith.constant 0 : i32
    %dma_start3A_96 = tpu.memref_slice %arg4[%mul3A_93, %dma_start3A_94, %dma_start3A_95] : memref<4096x8x2048xf32, #tpu.memory_space<hbm>> -> memref<8x8x256xf32, #tpu.memory_space<hbm>>
    %dma_start3A_97 = arith.constant 0 : i32
    %dma_start3A_98 = arith.constant 0 : i32
    %dma_start3A_99 = tpu.memref_slice %arg4[%mul3A_93, %dma_start3A_97, %dma_start3A_98] : memref<4096x8x2048xf32, #tpu.memory_space<hbm>> -> memref<8x8x256xf32, #tpu.memory_space<hbm>>
    tpu.enqueue_dma source(%arg9 : memref<8x8x256xf32, #tpu.memory_space<vmem>>) target(%dma_start3A_99 : memref<8x8x256xf32, #tpu.memory_space<hbm>>) target_semaphore(%arg18 : memref<!tpu.dma_semaphore, #tpu.memory_space<semaphore_mem>>)
    %add3A_100 = arith.constant 0 : i32
    %add3A_101 = arith.addi %mul3A_2, %add3A_100 : i32
    %mul3A_102 = arith.constant 8 : i32
    %mul3A_103 = arith.muli %add3A_101, %mul3A_102 : i32
    %dma_start3A_104 = arith.constant 1024 : i32
    %dma_start3A_105 = tpu.memref_slice %arg2[%mul3A_103, %dma_start3A_104] : memref<4096x2048xf32, #tpu.memory_space<hbm>> -> memref<8x256xf32, #tpu.memory_space<hbm>>
    %dma_start3A_106 = arith.constant 1024 : i32
    %dma_start3A_107 = tpu.memref_slice %arg2[%mul3A_103, %dma_start3A_106] : memref<4096x2048xf32, #tpu.memory_space<hbm>> -> memref<8x256xf32, #tpu.memory_space<hbm>>
    tpu.enqueue_dma source(%dma_start3A_107 : memref<8x256xf32, #tpu.memory_space<hbm>>) target(%arg5 : memref<8x256xf32, #tpu.memory_space<vmem>>) target_semaphore(%arg14 : memref<!tpu.dma_semaphore, #tpu.memory_space<semaphore_mem>>)
    %add3A_108 = arith.constant 0 : i32
    %add3A_109 = arith.addi %mul3A_2, %add3A_108 : i32
    %mul3A_110 = arith.constant 8 : i32
    %mul3A_111 = arith.muli %add3A_109, %mul3A_110 : i32
    %dma_wait3A_112 = arith.constant 256 : i32
    %dma_wait3A_113 = tpu.memref_slice %arg2[%mul3A_111, %dma_wait3A_112] : memref<4096x2048xf32, #tpu.memory_space<hbm>> -> memref<8x256xf32, #tpu.memory_space<hbm>>
    %dma_wait3A_114 = arith.constant 256 : i32
    %dma_wait3A_115 = tpu.memref_slice %arg2[%mul3A_111, %dma_wait3A_114] : memref<4096x2048xf32, #tpu.memory_space<hbm>> -> memref<8x256xf32, #tpu.memory_space<hbm>>
    tpu.wait_dma2 semaphore(%arg15 : memref<!tpu.dma_semaphore, #tpu.memory_space<semaphore_mem>>) src(%dma_wait3A_115 : memref<8x256xf32, #tpu.memory_space<hbm>>) dst(%arg6 : memref<8x256xf32, #tpu.memory_space<vmem>>)
    %parallel_loop3A_116 = arith.constant 0 : i32
    %parallel_loop3A_117 = arith.constant 128 : i32
    %parallel_loop3A_118 = arith.constant 1 : i32
    scf.for %parallel_loop3A_364 = %parallel_loop3A_116 to %parallel_loop3A_117 step %parallel_loop3A_118  : i32 {
      %parallel_loop3A_365 = arith.constant 16 : i32
      %parallel_loop3A_366 = arith.divsi %parallel_loop3A_364, %parallel_loop3A_365 : i32
      %parallel_loop3A_367 = arith.constant 0 : i32
      %parallel_loop3A_368 = arith.cmpi sgt, %parallel_loop3A_364, %parallel_loop3A_367 : i32
      %parallel_loop3A_369 = arith.extui %parallel_loop3A_368 : i1 to i32
      %parallel_loop3A_370 = arith.constant 0 : i32
      %parallel_loop3A_371 = arith.cmpi slt, %parallel_loop3A_364, %parallel_loop3A_370 : i32
      %parallel_loop3A_372 = arith.extui %parallel_loop3A_371 : i1 to i32
      %parallel_loop3A_373 = arith.subi %parallel_loop3A_369, %parallel_loop3A_372 : i32
      %parallel_loop3A_374 = arith.constant 0 : i32
      %parallel_loop3A_375 = arith.cmpi sgt, %parallel_loop3A_365, %parallel_loop3A_374 : i32
      %parallel_loop3A_376 = arith.extui %parallel_loop3A_375 : i1 to i32
      %parallel_loop3A_377 = arith.constant 0 : i32
      %parallel_loop3A_378 = arith.cmpi slt, %parallel_loop3A_365, %parallel_loop3A_377 : i32
      %parallel_loop3A_379 = arith.extui %parallel_loop3A_378 : i1 to i32
      %parallel_loop3A_380 = arith.subi %parallel_loop3A_376, %parallel_loop3A_379 : i32
      %parallel_loop3A_381 = arith.cmpi ne, %parallel_loop3A_373, %parallel_loop3A_380 : i32
      %parallel_loop3A_382 = arith.remsi %parallel_loop3A_364, %parallel_loop3A_365 : i32
      %parallel_loop3A_383 = arith.constant 0 : i32
      %parallel_loop3A_384 = arith.cmpi ne, %parallel_loop3A_382, %parallel_loop3A_383 : i32
      %parallel_loop3A_385 = arith.andi %parallel_loop3A_381, %parallel_loop3A_384 : i1
      %parallel_loop3A_386 = arith.constant 1 : i32
      %parallel_loop3A_387 = arith.subi %parallel_loop3A_366, %parallel_loop3A_386 : i32
      %parallel_loop3A_388 = arith.select %parallel_loop3A_385, %parallel_loop3A_387, %parallel_loop3A_366 : i32
      %parallel_loop3A_389 = arith.constant 16 : i32
      %parallel_loop3A_390 = arith.constant 0 : i32
      %parallel_loop3A_391 = arith.cmpi eq, %parallel_loop3A_389, %parallel_loop3A_390 : i32
      %parallel_loop3A_392 = arith.constant 1 : i32
      %parallel_loop3A_393 = arith.select %parallel_loop3A_391, %parallel_loop3A_392, %parallel_loop3A_389 : i32
      %parallel_loop3A_394 = arith.remsi %parallel_loop3A_364, %parallel_loop3A_393 : i32
      %parallel_loop3A_395 = arith.constant 0 : i32
      %parallel_loop3A_396 = arith.cmpi ne, %parallel_loop3A_394, %parallel_loop3A_395 : i32
      %parallel_loop3A_397 = arith.constant 0 : i32
      %parallel_loop3A_398 = arith.cmpi slt, %parallel_loop3A_394, %parallel_loop3A_397 : i32
      %parallel_loop3A_399 = arith.constant 0 : i32
      %parallel_loop3A_400 = arith.cmpi slt, %parallel_loop3A_393, %parallel_loop3A_399 : i32
      %parallel_loop3A_401 = arith.xori %parallel_loop3A_398, %parallel_loop3A_400 : i1
      %parallel_loop3A_402 = arith.andi %parallel_loop3A_401, %parallel_loop3A_396 : i1
      %parallel_loop3A_403 = arith.addi %parallel_loop3A_394, %parallel_loop3A_393 : i32
      %parallel_loop3A_404 = arith.select %parallel_loop3A_402, %parallel_loop3A_403, %parallel_loop3A_394 : i32
      %parallel_loop3A_405 = arith.constant 16 : i32
      %parallel_loop3A_406 = arith.muli %parallel_loop3A_404, %parallel_loop3A_405 : i32
      %parallel_loop3A_407 = arith.index_cast %parallel_loop3A_388 : i32 to index
      %parallel_loop3A_408 = arith.index_cast %parallel_loop3A_406 : i32 to index
      %parallel_loop3A_409 = tpu.vector_load %arg6[%parallel_loop3A_407, %parallel_loop3A_408] {strides = array<i32>} : memref<8x256xf32, #tpu.memory_space<vmem>>, vector<1x16xf32>,
      %parallel_loop3A_410 = vector.shape_cast %parallel_loop3A_409 : vector<1x16xf32> to vector<16xf32>
      %parallel_loop3A_411 = arith.constant 0.000000e+00 : f32
      %parallel_loop3A_412 = vector.broadcast %parallel_loop3A_411 : f32 to vector<16xf32>
      %parallel_loop3A_413 = arith.cmpf ogt, %parallel_loop3A_410, %parallel_loop3A_412 : vector<16xf32>
      %parallel_loop3A_414 = arith.select %parallel_loop3A_413, %broadcast_in_dim3A_28, %broadcast_in_dim3A : vector<16xi1>, vector<16xf32>
      %parallel_loop3A_415 = arith.constant 0 : i32
      %parallel_loop3A_416 = arith.index_cast %parallel_loop3A_388 : i32 to index
      %parallel_loop3A_417 = arith.index_cast %parallel_loop3A_415 : i32 to index
      %parallel_loop3A_418 = arith.index_cast %parallel_loop3A_406 : i32 to index
      %parallel_loop3A_419 = tpu.vector_load %arg10[%parallel_loop3A_416, %parallel_loop3A_417, %parallel_loop3A_418] {strides = array<i32>} : memref<8x8x256xf32, #tpu.memory_space<vmem>>, vector<1x1x16xf32>,
      %parallel_loop3A_420 = vector.shape_cast %parallel_loop3A_419 : vector<1x1x16xf32> to vector<16xf32>
      %parallel_loop3A_421 = vector.shape_cast %parallel_loop3A_414 : vector<16xf32> to vector<1x1x16xf32>
      tpu.vector_store %arg10[%parallel_loop3A_416, %parallel_loop3A_417, %parallel_loop3A_418], %parallel_loop3A_421 {strides = array<i32>} : memref<8x8x256xf32, #tpu.memory_space<vmem>>, vector<1x1x16xf32>,
      %parallel_loop3A_422 = arith.select %parallel_loop3A_413, %broadcast_in_dim3A_31, %broadcast_in_dim3A_7 : vector<16xi1>, vector<16xf32>
      %parallel_loop3A_423 = arith.constant 1 : i32
      %parallel_loop3A_424 = arith.index_cast %parallel_loop3A_388 : i32 to index
      %parallel_loop3A_425 = arith.index_cast %parallel_loop3A_423 : i32 to index
      %parallel_loop3A_426 = arith.index_cast %parallel_loop3A_406 : i32 to index
      %parallel_loop3A_427 = tpu.vector_load %arg10[%parallel_loop3A_424, %parallel_loop3A_425, %parallel_loop3A_426] {strides = array<i32>} : memref<8x8x256xf32, #tpu.memory_space<vmem>>, vector<1x1x16xf32>,
      %parallel_loop3A_428 = vector.shape_cast %parallel_loop3A_427 : vector<1x1x16xf32> to vector<16xf32>
      %parallel_loop3A_429 = vector.shape_cast %parallel_loop3A_422 : vector<16xf32> to vector<1x1x16xf32>
      tpu.vector_store %arg10[%parallel_loop3A_424, %parallel_loop3A_425, %parallel_loop3A_426], %parallel_loop3A_429 {strides = array<i32>} : memref<8x8x256xf32, #tpu.memory_space<vmem>>, vector<1x1x16xf32>,
      %parallel_loop3A_430 = arith.select %parallel_loop3A_413, %broadcast_in_dim3A_34, %broadcast_in_dim3A_10 : vector<16xi1>, vector<16xf32>
      %parallel_loop3A_431 = arith.constant 2 : i32
      %parallel_loop3A_432 = arith.index_cast %parallel_loop3A_388 : i32 to index
      %parallel_loop3A_433 = arith.index_cast %parallel_loop3A_431 : i32 to index
      %parallel_loop3A_434 = arith.index_cast %parallel_loop3A_406 : i32 to index
      %parallel_loop3A_435 = tpu.vector_load %arg10[%parallel_loop3A_432, %parallel_loop3A_433, %parallel_loop3A_434] {strides = array<i32>} : memref<8x8x256xf32, #tpu.memory_space<vmem>>, vector<1x1x16xf32>,
      %parallel_loop3A_436 = vector.shape_cast %parallel_loop3A_435 : vector<1x1x16xf32> to vector<16xf32>
      %parallel_loop3A_437 = vector.shape_cast %parallel_loop3A_430 : vector<16xf32> to vector<1x1x16xf32>
      tpu.vector_store %arg10[%parallel_loop3A_432, %parallel_loop3A_433, %parallel_loop3A_434], %parallel_loop3A_437 {strides = array<i32>} : memref<8x8x256xf32, #tpu.memory_space<vmem>>, vector<1x1x16xf32>,
      %parallel_loop3A_438 = arith.select %parallel_loop3A_413, %broadcast_in_dim3A_37, %broadcast_in_dim3A_13 : vector<16xi1>, vector<16xf32>
      %parallel_loop3A_439 = arith.constant 3 : i32
      %parallel_loop3A_440 = arith.index_cast %parallel_loop3A_388 : i32 to index
      %parallel_loop3A_441 = arith.index_cast %parallel_loop3A_439 : i32 to index
      %parallel_loop3A_442 = arith.index_cast %parallel_loop3A_406 : i32 to index
      %parallel_loop3A_443 = tpu.vector_load %arg10[%parallel_loop3A_440, %parallel_loop3A_441, %parallel_loop3A_442] {strides = array<i32>} : memref<8x8x256xf32, #tpu.memory_space<vmem>>, vector<1x1x16xf32>,
      %parallel_loop3A_444 = vector.shape_cast %parallel_loop3A_443 : vector<1x1x16xf32> to vector<16xf32>
      %parallel_loop3A_445 = vector.shape_cast %parallel_loop3A_438 : vector<16xf32> to vector<1x1x16xf32>
      tpu.vector_store %arg10[%parallel_loop3A_440, %parallel_loop3A_441, %parallel_loop3A_442], %parallel_loop3A_445 {strides = array<i32>} : memref<8x8x256xf32, #tpu.memory_space<vmem>>, vector<1x1x16xf32>,
      %parallel_loop3A_446 = arith.select %parallel_loop3A_413, %broadcast_in_dim3A_40, %broadcast_in_dim3A_16 : vector<16xi1>, vector<16xf32>
      %parallel_loop3A_447 = arith.constant 4 : i32
      %parallel_loop3A_448 = arith.index_cast %parallel_loop3A_388 : i32 to index
      %parallel_loop3A_449 = arith.index_cast %parallel_loop3A_447 : i32 to index
      %parallel_loop3A_450 = arith.index_cast %parallel_loop3A_406 : i32 to index
      %parallel_loop3A_451 = tpu.vector_load %arg10[%parallel_loop3A_448, %parallel_loop3A_449, %parallel_loop3A_450] {strides = array<i32>} : memref<8x8x256xf32, #tpu.memory_space<vmem>>, vector<1x1x16xf32>,
      %parallel_loop3A_452 = vector.shape_cast %parallel_loop3A_451 : vector<1x1x16xf32> to vector<16xf32>
      %parallel_loop3A_453 = vector.shape_cast %parallel_loop3A_446 : vector<16xf32> to vector<1x1x16xf32>
      tpu.vector_store %arg10[%parallel_loop3A_448, %parallel_loop3A_449, %parallel_loop3A_450], %parallel_loop3A_453 {strides = array<i32>} : memref<8x8x256xf32, #tpu.memory_space<vmem>>, vector<1x1x16xf32>,
      %parallel_loop3A_454 = arith.select %parallel_loop3A_413, %broadcast_in_dim3A_43, %broadcast_in_dim3A_19 : vector<16xi1>, vector<16xf32>
      %parallel_loop3A_455 = arith.constant 5 : i32
      %parallel_loop3A_456 = arith.index_cast %parallel_loop3A_388 : i32 to index
      %parallel_loop3A_457 = arith.index_cast %parallel_loop3A_455 : i32 to index
      %parallel_loop3A_458 = arith.index_cast %parallel_loop3A_406 : i32 to index
      %parallel_loop3A_459 = tpu.vector_load %arg10[%parallel_loop3A_456, %parallel_loop3A_457, %parallel_loop3A_458] {strides = array<i32>} : memref<8x8x256xf32, #tpu.memory_space<vmem>>, vector<1x1x16xf32>,
      %parallel_loop3A_460 = vector.shape_cast %parallel_loop3A_459 : vector<1x1x16xf32> to vector<16xf32>
      %parallel_loop3A_461 = vector.shape_cast %parallel_loop3A_454 : vector<16xf32> to vector<1x1x16xf32>
      tpu.vector_store %arg10[%parallel_loop3A_456, %parallel_loop3A_457, %parallel_loop3A_458], %parallel_loop3A_461 {strides = array<i32>} : memref<8x8x256xf32, #tpu.memory_space<vmem>>, vector<1x1x16xf32>,
      %parallel_loop3A_462 = arith.select %parallel_loop3A_413, %broadcast_in_dim3A_46, %broadcast_in_dim3A_22 : vector<16xi1>, vector<16xf32>
      %parallel_loop3A_463 = arith.constant 6 : i32
      %parallel_loop3A_464 = arith.index_cast %parallel_loop3A_388 : i32 to index
      %parallel_loop3A_465 = arith.index_cast %parallel_loop3A_463 : i32 to index
      %parallel_loop3A_466 = arith.index_cast %parallel_loop3A_406 : i32 to index
      %parallel_loop3A_467 = tpu.vector_load %arg10[%parallel_loop3A_464, %parallel_loop3A_465, %parallel_loop3A_466] {strides = array<i32>} : memref<8x8x256xf32, #tpu.memory_space<vmem>>, vector<1x1x16xf32>,
      %parallel_loop3A_468 = vector.shape_cast %parallel_loop3A_467 : vector<1x1x16xf32> to vector<16xf32>
      %parallel_loop3A_469 = vector.shape_cast %parallel_loop3A_462 : vector<16xf32> to vector<1x1x16xf32>
      tpu.vector_store %arg10[%parallel_loop3A_464, %parallel_loop3A_465, %parallel_loop3A_466], %parallel_loop3A_469 {strides = array<i32>} : memref<8x8x256xf32, #tpu.memory_space<vmem>>, vector<1x1x16xf32>,
      %parallel_loop3A_470 = arith.select %parallel_loop3A_413, %broadcast_in_dim3A_49, %broadcast_in_dim3A_25 : vector<16xi1>, vector<16xf32>
      %parallel_loop3A_471 = arith.constant 7 : i32
      %parallel_loop3A_472 = arith.index_cast %parallel_loop3A_388 : i32 to index
      %parallel_loop3A_473 = arith.index_cast %parallel_loop3A_471 : i32 to index
      %parallel_loop3A_474 = arith.index_cast %parallel_loop3A_406 : i32 to index
      %parallel_loop3A_475 = tpu.vector_load %arg10[%parallel_loop3A_472, %parallel_loop3A_473, %parallel_loop3A_474] {strides = array<i32>} : memref<8x8x256xf32, #tpu.memory_space<vmem>>, vector<1x1x16xf32>,
      %parallel_loop3A_476 = vector.shape_cast %parallel_loop3A_475 : vector<1x1x16xf32> to vector<16xf32>
      %parallel_loop3A_477 = vector.shape_cast %parallel_loop3A_470 : vector<16xf32> to vector<1x1x16xf32>
      tpu.vector_store %arg10[%parallel_loop3A_472, %parallel_loop3A_473, %parallel_loop3A_474], %parallel_loop3A_477 {strides = array<i32>} : memref<8x8x256xf32, #tpu.memory_space<vmem>>, vector<1x1x16xf32>,
    } {sc.loop_unroll_factor = 2 : i64, sc.parallel_access}
    %add3A_119 = arith.constant 0 : i32
    %add3A_120 = arith.addi %mul3A_2, %add3A_119 : i32
    %mul3A_121 = arith.constant 8 : i32
    %mul3A_122 = arith.muli %add3A_120, %mul3A_121 : i32
    %dma_start3A_123 = arith.constant 0 : i32
    %dma_start3A_124 = arith.constant 256 : i32
    %dma_start3A_125 = tpu.memref_slice %arg4[%mul3A_122, %dma_start3A_123, %dma_start3A_124] : memref<4096x8x2048xf32, #tpu.memory_space<hbm>> -> memref<8x8x256xf32, #tpu.memory_space<hbm>>
    %dma_start3A_126 = arith.constant 0 : i32
    %dma_start3A_127 = arith.constant 256 : i32
    %dma_start3A_128 = tpu.memref_slice %arg4[%mul3A_122, %dma_start3A_126, %dma_start3A_127] : memref<4096x8x2048xf32, #tpu.memory_space<hbm>> -> memref<8x8x256xf32, #tpu.memory_space<hbm>>
    tpu.enqueue_dma source(%arg10 : memref<8x8x256xf32, #tpu.memory_space<vmem>>) target(%dma_start3A_128 : memref<8x8x256xf32, #tpu.memory_space<hbm>>) target_semaphore(%arg19 : memref<!tpu.dma_semaphore, #tpu.memory_space<semaphore_mem>>)
    %add3A_129 = arith.constant 0 : i32
    %add3A_130 = arith.addi %mul3A_2, %add3A_129 : i32
    %mul3A_131 = arith.constant 8 : i32
    %mul3A_132 = arith.muli %add3A_130, %mul3A_131 : i32
    %dma_start3A_133 = arith.constant 1280 : i32
    %dma_start3A_134 = tpu.memref_slice %arg2[%mul3A_132, %dma_start3A_133] : memref<4096x2048xf32, #tpu.memory_space<hbm>> -> memref<8x256xf32, #tpu.memory_space<hbm>>
    %dma_start3A_135 = arith.constant 1280 : i32
    %dma_start3A_136 = tpu.memref_slice %arg2[%mul3A_132, %dma_start3A_135] : memref<4096x2048xf32, #tpu.memory_space<hbm>> -> memref<8x256xf32, #tpu.memory_space<hbm>>
    tpu.enqueue_dma source(%dma_start3A_136 : memref<8x256xf32, #tpu.memory_space<hbm>>) target(%arg6 : memref<8x256xf32, #tpu.memory_space<vmem>>) target_semaphore(%arg15 : memref<!tpu.dma_semaphore, #tpu.memory_space<semaphore_mem>>)
    %add3A_137 = arith.constant 0 : i32
    %add3A_138 = arith.addi %mul3A_2, %add3A_137 : i32
    %mul3A_139 = arith.constant 8 : i32
    %mul3A_140 = arith.muli %add3A_138, %mul3A_139 : i32
    %dma_wait3A_141 = arith.constant 512 : i32
    %dma_wait3A_142 = tpu.memref_slice %arg2[%mul3A_140, %dma_wait3A_141] : memref<4096x2048xf32, #tpu.memory_space<hbm>> -> memref<8x256xf32, #tpu.memory_space<hbm>>
    %dma_wait3A_143 = arith.constant 512 : i32
    %dma_wait3A_144 = tpu.memref_slice %arg2[%mul3A_140, %dma_wait3A_143] : memref<4096x2048xf32, #tpu.memory_space<hbm>> -> memref<8x256xf32, #tpu.memory_space<hbm>>
    tpu.wait_dma2 semaphore(%arg16 : memref<!tpu.dma_semaphore, #tpu.memory_space<semaphore_mem>>) src(%dma_wait3A_144 : memref<8x256xf32, #tpu.memory_space<hbm>>) dst(%arg7 : memref<8x256xf32, #tpu.memory_space<vmem>>)
    %parallel_loop3A_145 = arith.constant 0 : i32
    %parallel_loop3A_146 = arith.constant 128 : i32
    %parallel_loop3A_147 = arith.constant 1 : i32
    scf.for %parallel_loop3A_364 = %parallel_loop3A_145 to %parallel_loop3A_146 step %parallel_loop3A_147  : i32 {
      %parallel_loop3A_365 = arith.constant 16 : i32
      %parallel_loop3A_366 = arith.divsi %parallel_loop3A_364, %parallel_loop3A_365 : i32
      %parallel_loop3A_367 = arith.constant 0 : i32
      %parallel_loop3A_368 = arith.cmpi sgt, %parallel_loop3A_364, %parallel_loop3A_367 : i32
      %parallel_loop3A_369 = arith.extui %parallel_loop3A_368 : i1 to i32
      %parallel_loop3A_370 = arith.constant 0 : i32
      %parallel_loop3A_371 = arith.cmpi slt, %parallel_loop3A_364, %parallel_loop3A_370 : i32
      %parallel_loop3A_372 = arith.extui %parallel_loop3A_371 : i1 to i32
      %parallel_loop3A_373 = arith.subi %parallel_loop3A_369, %parallel_loop3A_372 : i32
      %parallel_loop3A_374 = arith.constant 0 : i32
      %parallel_loop3A_375 = arith.cmpi sgt, %parallel_loop3A_365, %parallel_loop3A_374 : i32
      %parallel_loop3A_376 = arith.extui %parallel_loop3A_375 : i1 to i32
      %parallel_loop3A_377 = arith.constant 0 : i32
      %parallel_loop3A_378 = arith.cmpi slt, %parallel_loop3A_365, %parallel_loop3A_377 : i32
      %parallel_loop3A_379 = arith.extui %parallel_loop3A_378 : i1 to i32
      %parallel_loop3A_380 = arith.subi %parallel_loop3A_376, %parallel_loop3A_379 : i32
      %parallel_loop3A_381 = arith.cmpi ne, %parallel_loop3A_373, %parallel_loop3A_380 : i32
      %parallel_loop3A_382 = arith.remsi %parallel_loop3A_364, %parallel_loop3A_365 : i32
      %parallel_loop3A_383 = arith.constant 0 : i32
      %parallel_loop3A_384 = arith.cmpi ne, %parallel_loop3A_382, %parallel_loop3A_383 : i32
      %parallel_loop3A_385 = arith.andi %parallel_loop3A_381, %parallel_loop3A_384 : i1
      %parallel_loop3A_386 = arith.constant 1 : i32
      %parallel_loop3A_387 = arith.subi %parallel_loop3A_366, %parallel_loop3A_386 : i32
      %parallel_loop3A_388 = arith.select %parallel_loop3A_385, %parallel_loop3A_387, %parallel_loop3A_366 : i32
      %parallel_loop3A_389 = arith.constant 16 : i32
      %parallel_loop3A_390 = arith.constant 0 : i32
      %parallel_loop3A_391 = arith.cmpi eq, %parallel_loop3A_389, %parallel_loop3A_390 : i32
      %parallel_loop3A_392 = arith.constant 1 : i32
      %parallel_loop3A_393 = arith.select %parallel_loop3A_391, %parallel_loop3A_392, %parallel_loop3A_389 : i32
      %parallel_loop3A_394 = arith.remsi %parallel_loop3A_364, %parallel_loop3A_393 : i32
      %parallel_loop3A_395 = arith.constant 0 : i32
      %parallel_loop3A_396 = arith.cmpi ne, %parallel_loop3A_394, %parallel_loop3A_395 : i32
      %parallel_loop3A_397 = arith.constant 0 : i32
      %parallel_loop3A_398 = arith.cmpi slt, %parallel_loop3A_394, %parallel_loop3A_397 : i32
      %parallel_loop3A_399 = arith.constant 0 : i32
      %parallel_loop3A_400 = arith.cmpi slt, %parallel_loop3A_393, %parallel_loop3A_399 : i32
      %parallel_loop3A_401 = arith.xori %parallel_loop3A_398, %parallel_loop3A_400 : i1
      %parallel_loop3A_402 = arith.andi %parallel_loop3A_401, %parallel_loop3A_396 : i1
      %parallel_loop3A_403 = arith.addi %parallel_loop3A_394, %parallel_loop3A_393 : i32
      %parallel_loop3A_404 = arith.select %parallel_loop3A_402, %parallel_loop3A_403, %parallel_loop3A_394 : i32
      %parallel_loop3A_405 = arith.constant 16 : i32
      %parallel_loop3A_406 = arith.muli %parallel_loop3A_404, %parallel_loop3A_405 : i32
      %parallel_loop3A_407 = arith.index_cast %parallel_loop3A_388 : i32 to index
      %parallel_loop3A_408 = arith.index_cast %parallel_loop3A_406 : i32 to index
      %parallel_loop3A_409 = tpu.vector_load %arg7[%parallel_loop3A_407, %parallel_loop3A_408] {strides = array<i32>} : memref<8x256xf32, #tpu.memory_space<vmem>>, vector<1x16xf32>,
      %parallel_loop3A_410 = vector.shape_cast %parallel_loop3A_409 : vector<1x16xf32> to vector<16xf32>
      %parallel_loop3A_411 = arith.constant 0.000000e+00 : f32
      %parallel_loop3A_412 = vector.broadcast %parallel_loop3A_411 : f32 to vector<16xf32>
      %parallel_loop3A_413 = arith.cmpf ogt, %parallel_loop3A_410, %parallel_loop3A_412 : vector<16xf32>
      %parallel_loop3A_414 = arith.select %parallel_loop3A_413, %broadcast_in_dim3A_28, %broadcast_in_dim3A : vector<16xi1>, vector<16xf32>
      %parallel_loop3A_415 = arith.constant 0 : i32
      %parallel_loop3A_416 = arith.index_cast %parallel_loop3A_388 : i32 to index
      %parallel_loop3A_417 = arith.index_cast %parallel_loop3A_415 : i32 to index
      %parallel_loop3A_418 = arith.index_cast %parallel_loop3A_406 : i32 to index
      %parallel_loop3A_419 = tpu.vector_load %arg11[%parallel_loop3A_416, %parallel_loop3A_417, %parallel_loop3A_418] {strides = array<i32>} : memref<8x8x256xf32, #tpu.memory_space<vmem>>, vector<1x1x16xf32>,
      %parallel_loop3A_420 = vector.shape_cast %parallel_loop3A_419 : vector<1x1x16xf32> to vector<16xf32>
      %parallel_loop3A_421 = vector.shape_cast %parallel_loop3A_414 : vector<16xf32> to vector<1x1x16xf32>
      tpu.vector_store %arg11[%parallel_loop3A_416, %parallel_loop3A_417, %parallel_loop3A_418], %parallel_loop3A_421 {strides = array<i32>} : memref<8x8x256xf32, #tpu.memory_space<vmem>>, vector<1x1x16xf32>,
      %parallel_loop3A_422 = arith.select %parallel_loop3A_413, %broadcast_in_dim3A_31, %broadcast_in_dim3A_7 : vector<16xi1>, vector<16xf32>
      %parallel_loop3A_423 = arith.constant 1 : i32
      %parallel_loop3A_424 = arith.index_cast %parallel_loop3A_388 : i32 to index
      %parallel_loop3A_425 = arith.index_cast %parallel_loop3A_423 : i32 to index
      %parallel_loop3A_426 = arith.index_cast %parallel_loop3A_406 : i32 to index
      %parallel_loop3A_427 = tpu.vector_load %arg11[%parallel_loop3A_424, %parallel_loop3A_425, %parallel_loop3A_426] {strides = array<i32>} : memref<8x8x256xf32, #tpu.memory_space<vmem>>, vector<1x1x16xf32>,
      %parallel_loop3A_428 = vector.shape_cast %parallel_loop3A_427 : vector<1x1x16xf32> to vector<16xf32>
      %parallel_loop3A_429 = vector.shape_cast %parallel_loop3A_422 : vector<16xf32> to vector<1x1x16xf32>
      tpu.vector_store %arg11[%parallel_loop3A_424, %parallel_loop3A_425, %parallel_loop3A_426], %parallel_loop3A_429 {strides = array<i32>} : memref<8x8x256xf32, #tpu.memory_space<vmem>>, vector<1x1x16xf32>,
      %parallel_loop3A_430 = arith.select %parallel_loop3A_413, %broadcast_in_dim3A_34, %broadcast_in_dim3A_10 : vector<16xi1>, vector<16xf32>
      %parallel_loop3A_431 = arith.constant 2 : i32
      %parallel_loop3A_432 = arith.index_cast %parallel_loop3A_388 : i32 to index
      %parallel_loop3A_433 = arith.index_cast %parallel_loop3A_431 : i32 to index
      %parallel_loop3A_434 = arith.index_cast %parallel_loop3A_406 : i32 to index
      %parallel_loop3A_435 = tpu.vector_load %arg11[%parallel_loop3A_432, %parallel_loop3A_433, %parallel_loop3A_434] {strides = array<i32>} : memref<8x8x256xf32, #tpu.memory_space<vmem>>, vector<1x1x16xf32>,
      %parallel_loop3A_436 = vector.shape_cast %parallel_loop3A_435 : vector<1x1x16xf32> to vector<16xf32>
      %parallel_loop3A_437 = vector.shape_cast %parallel_loop3A_430 : vector<16xf32> to vector<1x1x16xf32>
      tpu.vector_store %arg11[%parallel_loop3A_432, %parallel_loop3A_433, %parallel_loop3A_434], %parallel_loop3A_437 {strides = array<i32>} : memref<8x8x256xf32, #tpu.memory_space<vmem>>, vector<1x1x16xf32>,
      %parallel_loop3A_438 = arith.select %parallel_loop3A_413, %broadcast_in_dim3A_37, %broadcast_in_dim3A_13 : vector<16xi1>, vector<16xf32>
      %parallel_loop3A_439 = arith.constant 3 : i32
      %parallel_loop3A_440 = arith.index_cast %parallel_loop3A_388 : i32 to index
      %parallel_loop3A_441 = arith.index_cast %parallel_loop3A_439 : i32 to index
      %parallel_loop3A_442 = arith.index_cast %parallel_loop3A_406 : i32 to index
      %parallel_loop3A_443 = tpu.vector_load %arg11[%parallel_loop3A_440, %parallel_loop3A_441, %parallel_loop3A_442] {strides = array<i32>} : memref<8x8x256xf32, #tpu.memory_space<vmem>>, vector<1x1x16xf32>,
      %parallel_loop3A_444 = vector.shape_cast %parallel_loop3A_443 : vector<1x1x16xf32> to vector<16xf32>
      %parallel_loop3A_445 = vector.shape_cast %parallel_loop3A_438 : vector<16xf32> to vector<1x1x16xf32>
      tpu.vector_store %arg11[%parallel_loop3A_440, %parallel_loop3A_441, %parallel_loop3A_442], %parallel_loop3A_445 {strides = array<i32>} : memref<8x8x256xf32, #tpu.memory_space<vmem>>, vector<1x1x16xf32>,
      %parallel_loop3A_446 = arith.select %parallel_loop3A_413, %broadcast_in_dim3A_40, %broadcast_in_dim3A_16 : vector<16xi1>, vector<16xf32>
      %parallel_loop3A_447 = arith.constant 4 : i32
      %parallel_loop3A_448 = arith.index_cast %parallel_loop3A_388 : i32 to index
      %parallel_loop3A_449 = arith.index_cast %parallel_loop3A_447 : i32 to index
      %parallel_loop3A_450 = arith.index_cast %parallel_loop3A_406 : i32 to index
      %parallel_loop3A_451 = tpu.vector_load %arg11[%parallel_loop3A_448, %parallel_loop3A_449, %parallel_loop3A_450] {strides = array<i32>} : memref<8x8x256xf32, #tpu.memory_space<vmem>>, vector<1x1x16xf32>,
      %parallel_loop3A_452 = vector.shape_cast %parallel_loop3A_451 : vector<1x1x16xf32> to vector<16xf32>
      %parallel_loop3A_453 = vector.shape_cast %parallel_loop3A_446 : vector<16xf32> to vector<1x1x16xf32>
      tpu.vector_store %arg11[%parallel_loop3A_448, %parallel_loop3A_449, %parallel_loop3A_450], %parallel_loop3A_453 {strides = array<i32>} : memref<8x8x256xf32, #tpu.memory_space<vmem>>, vector<1x1x16xf32>,
      %parallel_loop3A_454 = arith.select %parallel_loop3A_413, %broadcast_in_dim3A_43, %broadcast_in_dim3A_19 : vector<16xi1>, vector<16xf32>
      %parallel_loop3A_455 = arith.constant 5 : i32
      %parallel_loop3A_456 = arith.index_cast %parallel_loop3A_388 : i32 to index
      %parallel_loop3A_457 = arith.index_cast %parallel_loop3A_455 : i32 to index
      %parallel_loop3A_458 = arith.index_cast %parallel_loop3A_406 : i32 to index
      %parallel_loop3A_459 = tpu.vector_load %arg11[%parallel_loop3A_456, %parallel_loop3A_457, %parallel_loop3A_458] {strides = array<i32>} : memref<8x8x256xf32, #tpu.memory_space<vmem>>, vector<1x1x16xf32>,
      %parallel_loop3A_460 = vector.shape_cast %parallel_loop3A_459 : vector<1x1x16xf32> to vector<16xf32>
      %parallel_loop3A_461 = vector.shape_cast %parallel_loop3A_454 : vector<16xf32> to vector<1x1x16xf32>
      tpu.vector_store %arg11[%parallel_loop3A_456, %parallel_loop3A_457, %parallel_loop3A_458], %parallel_loop3A_461 {strides = array<i32>} : memref<8x8x256xf32, #tpu.memory_space<vmem>>, vector<1x1x16xf32>,
      %parallel_loop3A_462 = arith.select %parallel_loop3A_413, %broadcast_in_dim3A_46, %broadcast_in_dim3A_22 : vector<16xi1>, vector<16xf32>
      %parallel_loop3A_463 = arith.constant 6 : i32
      %parallel_loop3A_464 = arith.index_cast %parallel_loop3A_388 : i32 to index
      %parallel_loop3A_465 = arith.index_cast %parallel_loop3A_463 : i32 to index
      %parallel_loop3A_466 = arith.index_cast %parallel_loop3A_406 : i32 to index
      %parallel_loop3A_467 = tpu.vector_load %arg11[%parallel_loop3A_464, %parallel_loop3A_465, %parallel_loop3A_466] {strides = array<i32>} : memref<8x8x256xf32, #tpu.memory_space<vmem>>, vector<1x1x16xf32>,
      %parallel_loop3A_468 = vector.shape_cast %parallel_loop3A_467 : vector<1x1x16xf32> to vector<16xf32>
      %parallel_loop3A_469 = vector.shape_cast %parallel_loop3A_462 : vector<16xf32> to vector<1x1x16xf32>
      tpu.vector_store %arg11[%parallel_loop3A_464, %parallel_loop3A_465, %parallel_loop3A_466], %parallel_loop3A_469 {strides = array<i32>} : memref<8x8x256xf32, #tpu.memory_space<vmem>>, vector<1x1x16xf32>,
      %parallel_loop3A_470 = arith.select %parallel_loop3A_413, %broadcast_in_dim3A_49, %broadcast_in_dim3A_25 : vector<16xi1>, vector<16xf32>
      %parallel_loop3A_471 = arith.constant 7 : i32
      %parallel_loop3A_472 = arith.index_cast %parallel_loop3A_388 : i32 to index
      %parallel_loop3A_473 = arith.index_cast %parallel_loop3A_471 : i32 to index
      %parallel_loop3A_474 = arith.index_cast %parallel_loop3A_406 : i32 to index
      %parallel_loop3A_475 = tpu.vector_load %arg11[%parallel_loop3A_472, %parallel_loop3A_473, %parallel_loop3A_474] {strides = array<i32>} : memref<8x8x256xf32, #tpu.memory_space<vmem>>, vector<1x1x16xf32>,
      %parallel_loop3A_476 = vector.shape_cast %parallel_loop3A_475 : vector<1x1x16xf32> to vector<16xf32>
      %parallel_loop3A_477 = vector.shape_cast %parallel_loop3A_470 : vector<16xf32> to vector<1x1x16xf32>
      tpu.vector_store %arg11[%parallel_loop3A_472, %parallel_loop3A_473, %parallel_loop3A_474], %parallel_loop3A_477 {strides = array<i32>} : memref<8x8x256xf32, #tpu.memory_space<vmem>>, vector<1x1x16xf32>,
    } {sc.loop_unroll_factor = 2 : i64, sc.parallel_access}
    %add3A_148 = arith.constant 0 : i32
    %add3A_149 = arith.addi %mul3A_2, %add3A_148 : i32
    %mul3A_150 = arith.constant 8 : i32
    %mul3A_151 = arith.muli %add3A_149, %mul3A_150 : i32
    %dma_start3A_152 = arith.constant 0 : i32
    %dma_start3A_153 = arith.constant 512 : i32
    %dma_start3A_154 = tpu.memref_slice %arg4[%mul3A_151, %dma_start3A_152, %dma_start3A_153] : memref<4096x8x2048xf32, #tpu.memory_space<hbm>> -> memref<8x8x256xf32, #tpu.memory_space<hbm>>
    %dma_start3A_155 = arith.constant 0 : i32
    %dma_start3A_156 = arith.constant 512 : i32
    %dma_start3A_157 = tpu.memref_slice %arg4[%mul3A_151, %dma_start3A_155, %dma_start3A_156] : memref<4096x8x2048xf32, #tpu.memory_space<hbm>> -> memref<8x8x256xf32, #tpu.memory_space<hbm>>
    tpu.enqueue_dma source(%arg11 : memref<8x8x256xf32, #tpu.memory_space<vmem>>) target(%dma_start3A_157 : memref<8x8x256xf32, #tpu.memory_space<hbm>>) target_semaphore(%arg20 : memref<!tpu.dma_semaphore, #tpu.memory_space<semaphore_mem>>)
    %add3A_158 = arith.constant 0 : i32
    %add3A_159 = arith.addi %mul3A_2, %add3A_158 : i32
    %mul3A_160 = arith.constant 8 : i32
    %mul3A_161 = arith.muli %add3A_159, %mul3A_160 : i32
    %dma_start3A_162 = arith.constant 1536 : i32
    %dma_start3A_163 = tpu.memref_slice %arg2[%mul3A_161, %dma_start3A_162] : memref<4096x2048xf32, #tpu.memory_space<hbm>> -> memref<8x256xf32, #tpu.memory_space<hbm>>
    %dma_start3A_164 = arith.constant 1536 : i32
    %dma_start3A_165 = tpu.memref_slice %arg2[%mul3A_161, %dma_start3A_164] : memref<4096x2048xf32, #tpu.memory_space<hbm>> -> memref<8x256xf32, #tpu.memory_space<hbm>>
    tpu.enqueue_dma source(%dma_start3A_165 : memref<8x256xf32, #tpu.memory_space<hbm>>) target(%arg7 : memref<8x256xf32, #tpu.memory_space<vmem>>) target_semaphore(%arg16 : memref<!tpu.dma_semaphore, #tpu.memory_space<semaphore_mem>>)
    %add3A_166 = arith.constant 0 : i32
    %add3A_167 = arith.addi %mul3A_2, %add3A_166 : i32
    %mul3A_168 = arith.constant 8 : i32
    %mul3A_169 = arith.muli %add3A_167, %mul3A_168 : i32
    %dma_wait3A_170 = arith.constant 768 : i32
    %dma_wait3A_171 = tpu.memref_slice %arg2[%mul3A_169, %dma_wait3A_170] : memref<4096x2048xf32, #tpu.memory_space<hbm>> -> memref<8x256xf32, #tpu.memory_space<hbm>>
    %dma_wait3A_172 = arith.constant 768 : i32
    %dma_wait3A_173 = tpu.memref_slice %arg2[%mul3A_169, %dma_wait3A_172] : memref<4096x2048xf32, #tpu.memory_space<hbm>> -> memref<8x256xf32, #tpu.memory_space<hbm>>
    tpu.wait_dma2 semaphore(%arg17 : memref<!tpu.dma_semaphore, #tpu.memory_space<semaphore_mem>>) src(%dma_wait3A_173 : memref<8x256xf32, #tpu.memory_space<hbm>>) dst(%arg8 : memref<8x256xf32, #tpu.memory_space<vmem>>)
    %parallel_loop3A_174 = arith.constant 0 : i32
    %parallel_loop3A_175 = arith.constant 128 : i32
    %parallel_loop3A_176 = arith.constant 1 : i32
    scf.for %parallel_loop3A_364 = %parallel_loop3A_174 to %parallel_loop3A_175 step %parallel_loop3A_176  : i32 {
      %parallel_loop3A_365 = arith.constant 16 : i32
      %parallel_loop3A_366 = arith.divsi %parallel_loop3A_364, %parallel_loop3A_365 : i32
      %parallel_loop3A_367 = arith.constant 0 : i32
      %parallel_loop3A_368 = arith.cmpi sgt, %parallel_loop3A_364, %parallel_loop3A_367 : i32
      %parallel_loop3A_369 = arith.extui %parallel_loop3A_368 : i1 to i32
      %parallel_loop3A_370 = arith.constant 0 : i32
      %parallel_loop3A_371 = arith.cmpi slt, %parallel_loop3A_364, %parallel_loop3A_370 : i32
      %parallel_loop3A_372 = arith.extui %parallel_loop3A_371 : i1 to i32
      %parallel_loop3A_373 = arith.subi %parallel_loop3A_369, %parallel_loop3A_372 : i32
      %parallel_loop3A_374 = arith.constant 0 : i32
      %parallel_loop3A_375 = arith.cmpi sgt, %parallel_loop3A_365, %parallel_loop3A_374 : i32
      %parallel_loop3A_376 = arith.extui %parallel_loop3A_375 : i1 to i32
      %parallel_loop3A_377 = arith.constant 0 : i32
      %parallel_loop3A_378 = arith.cmpi slt, %parallel_loop3A_365, %parallel_loop3A_377 : i32
      %parallel_loop3A_379 = arith.extui %parallel_loop3A_378 : i1 to i32
      %parallel_loop3A_380 = arith.subi %parallel_loop3A_376, %parallel_loop3A_379 : i32
      %parallel_loop3A_381 = arith.cmpi ne, %parallel_loop3A_373, %parallel_loop3A_380 : i32
      %parallel_loop3A_382 = arith.remsi %parallel_loop3A_364, %parallel_loop3A_365 : i32
      %parallel_loop3A_383 = arith.constant 0 : i32
      %parallel_loop3A_384 = arith.cmpi ne, %parallel_loop3A_382, %parallel_loop3A_383 : i32
      %parallel_loop3A_385 = arith.andi %parallel_loop3A_381, %parallel_loop3A_384 : i1
      %parallel_loop3A_386 = arith.constant 1 : i32
      %parallel_loop3A_387 = arith.subi %parallel_loop3A_366, %parallel_loop3A_386 : i32
      %parallel_loop3A_388 = arith.select %parallel_loop3A_385, %parallel_loop3A_387, %parallel_loop3A_366 : i32
      %parallel_loop3A_389 = arith.constant 16 : i32
      %parallel_loop3A_390 = arith.constant 0 : i32
      %parallel_loop3A_391 = arith.cmpi eq, %parallel_loop3A_389, %parallel_loop3A_390 : i32
      %parallel_loop3A_392 = arith.constant 1 : i32
      %parallel_loop3A_393 = arith.select %parallel_loop3A_391, %parallel_loop3A_392, %parallel_loop3A_389 : i32
      %parallel_loop3A_394 = arith.remsi %parallel_loop3A_364, %parallel_loop3A_393 : i32
      %parallel_loop3A_395 = arith.constant 0 : i32
      %parallel_loop3A_396 = arith.cmpi ne, %parallel_loop3A_394, %parallel_loop3A_395 : i32
      %parallel_loop3A_397 = arith.constant 0 : i32
      %parallel_loop3A_398 = arith.cmpi slt, %parallel_loop3A_394, %parallel_loop3A_397 : i32
      %parallel_loop3A_399 = arith.constant 0 : i32
      %parallel_loop3A_400 = arith.cmpi slt, %parallel_loop3A_393, %parallel_loop3A_399 : i32
      %parallel_loop3A_401 = arith.xori %parallel_loop3A_398, %parallel_loop3A_400 : i1
      %parallel_loop3A_402 = arith.andi %parallel_loop3A_401, %parallel_loop3A_396 : i1
      %parallel_loop3A_403 = arith.addi %parallel_loop3A_394, %parallel_loop3A_393 : i32
      %parallel_loop3A_404 = arith.select %parallel_loop3A_402, %parallel_loop3A_403, %parallel_loop3A_394 : i32
      %parallel_loop3A_405 = arith.constant 16 : i32
      %parallel_loop3A_406 = arith.muli %parallel_loop3A_404, %parallel_loop3A_405 : i32
      %parallel_loop3A_407 = arith.index_cast %parallel_loop3A_388 : i32 to index
      %parallel_loop3A_408 = arith.index_cast %parallel_loop3A_406 : i32 to index
      %parallel_loop3A_409 = tpu.vector_load %arg8[%parallel_loop3A_407, %parallel_loop3A_408] {strides = array<i32>} : memref<8x256xf32, #tpu.memory_space<vmem>>, vector<1x16xf32>,
      %parallel_loop3A_410 = vector.shape_cast %parallel_loop3A_409 : vector<1x16xf32> to vector<16xf32>
      %parallel_loop3A_411 = arith.constant 0.000000e+00 : f32
      %parallel_loop3A_412 = vector.broadcast %parallel_loop3A_411 : f32 to vector<16xf32>
      %parallel_loop3A_413 = arith.cmpf ogt, %parallel_loop3A_410, %parallel_loop3A_412 : vector<16xf32>
      %parallel_loop3A_414 = arith.select %parallel_loop3A_413, %broadcast_in_dim3A_28, %broadcast_in_dim3A : vector<16xi1>, vector<16xf32>
      %parallel_loop3A_415 = arith.constant 0 : i32
      %parallel_loop3A_416 = arith.index_cast %parallel_loop3A_388 : i32 to index
      %parallel_loop3A_417 = arith.index_cast %parallel_loop3A_415 : i32 to index
      %parallel_loop3A_418 = arith.index_cast %parallel_loop3A_406 : i32 to index
      %parallel_loop3A_419 = tpu.vector_load %arg12[%parallel_loop3A_416, %parallel_loop3A_417, %parallel_loop3A_418] {strides = array<i32>} : memref<8x8x256xf32, #tpu.memory_space<vmem>>, vector<1x1x16xf32>,
      %parallel_loop3A_420 = vector.shape_cast %parallel_loop3A_419 : vector<1x1x16xf32> to vector<16xf32>
      %parallel_loop3A_421 = vector.shape_cast %parallel_loop3A_414 : vector<16xf32> to vector<1x1x16xf32>
      tpu.vector_store %arg12[%parallel_loop3A_416, %parallel_loop3A_417, %parallel_loop3A_418], %parallel_loop3A_421 {strides = array<i32>} : memref<8x8x256xf32, #tpu.memory_space<vmem>>, vector<1x1x16xf32>,
      %parallel_loop3A_422 = arith.select %parallel_loop3A_413, %broadcast_in_dim3A_31, %broadcast_in_dim3A_7 : vector<16xi1>, vector<16xf32>
      %parallel_loop3A_423 = arith.constant 1 : i32
      %parallel_loop3A_424 = arith.index_cast %parallel_loop3A_388 : i32 to index
      %parallel_loop3A_425 = arith.index_cast %parallel_loop3A_423 : i32 to index
      %parallel_loop3A_426 = arith.index_cast %parallel_loop3A_406 : i32 to index
      %parallel_loop3A_427 = tpu.vector_load %arg12[%parallel_loop3A_424, %parallel_loop3A_425, %parallel_loop3A_426] {strides = array<i32>} : memref<8x8x256xf32, #tpu.memory_space<vmem>>, vector<1x1x16xf32>,
      %parallel_loop3A_428 = vector.shape_cast %parallel_loop3A_427 : vector<1x1x16xf32> to vector<16xf32>
      %parallel_loop3A_429 = vector.shape_cast %parallel_loop3A_422 : vector<16xf32> to vector<1x1x16xf32>
      tpu.vector_store %arg12[%parallel_loop3A_424, %parallel_loop3A_425, %parallel_loop3A_426], %parallel_loop3A_429 {strides = array<i32>} : memref<8x8x256xf32, #tpu.memory_space<vmem>>, vector<1x1x16xf32>,
      %parallel_loop3A_430 = arith.select %parallel_loop3A_413, %broadcast_in_dim3A_34, %broadcast_in_dim3A_10 : vector<16xi1>, vector<16xf32>
      %parallel_loop3A_431 = arith.constant 2 : i32
      %parallel_loop3A_432 = arith.index_cast %parallel_loop3A_388 : i32 to index
      %parallel_loop3A_433 = arith.index_cast %parallel_loop3A_431 : i32 to index
      %parallel_loop3A_434 = arith.index_cast %parallel_loop3A_406 : i32 to index
      %parallel_loop3A_435 = tpu.vector_load %arg12[%parallel_loop3A_432, %parallel_loop3A_433, %parallel_loop3A_434] {strides = array<i32>} : memref<8x8x256xf32, #tpu.memory_space<vmem>>, vector<1x1x16xf32>,
      %parallel_loop3A_436 = vector.shape_cast %parallel_loop3A_435 : vector<1x1x16xf32> to vector<16xf32>
      %parallel_loop3A_437 = vector.shape_cast %parallel_loop3A_430 : vector<16xf32> to vector<1x1x16xf32>
      tpu.vector_store %arg12[%parallel_loop3A_432, %parallel_loop3A_433, %parallel_loop3A_434], %parallel_loop3A_437 {strides = array<i32>} : memref<8x8x256xf32, #tpu.memory_space<vmem>>, vector<1x1x16xf32>,
      %parallel_loop3A_438 = arith.select %parallel_loop3A_413, %broadcast_in_dim3A_37, %broadcast_in_dim3A_13 : vector<16xi1>, vector<16xf32>
      %parallel_loop3A_439 = arith.constant 3 : i32
      %parallel_loop3A_440 = arith.index_cast %parallel_loop3A_388 : i32 to index
      %parallel_loop3A_441 = arith.index_cast %parallel_loop3A_439 : i32 to index
      %parallel_loop3A_442 = arith.index_cast %parallel_loop3A_406 : i32 to index
      %parallel_loop3A_443 = tpu.vector_load %arg12[%parallel_loop3A_440, %parallel_loop3A_441, %parallel_loop3A_442] {strides = array<i32>} : memref<8x8x256xf32, #tpu.memory_space<vmem>>, vector<1x1x16xf32>,
      %parallel_loop3A_444 = vector.shape_cast %parallel_loop3A_443 : vector<1x1x16xf32> to vector<16xf32>
      %parallel_loop3A_445 = vector.shape_cast %parallel_loop3A_438 : vector<16xf32> to vector<1x1x16xf32>
      tpu.vector_store %arg12[%parallel_loop3A_440, %parallel_loop3A_441, %parallel_loop3A_442], %parallel_loop3A_445 {strides = array<i32>} : memref<8x8x256xf32, #tpu.memory_space<vmem>>, vector<1x1x16xf32>,
      %parallel_loop3A_446 = arith.select %parallel_loop3A_413, %broadcast_in_dim3A_40, %broadcast_in_dim3A_16 : vector<16xi1>, vector<16xf32>
      %parallel_loop3A_447 = arith.constant 4 : i32
      %parallel_loop3A_448 = arith.index_cast %parallel_loop3A_388 : i32 to index
      %parallel_loop3A_449 = arith.index_cast %parallel_loop3A_447 : i32 to index
      %parallel_loop3A_450 = arith.index_cast %parallel_loop3A_406 : i32 to index
      %parallel_loop3A_451 = tpu.vector_load %arg12[%parallel_loop3A_448, %parallel_loop3A_449, %parallel_loop3A_450] {strides = array<i32>} : memref<8x8x256xf32, #tpu.memory_space<vmem>>, vector<1x1x16xf32>,
      %parallel_loop3A_452 = vector.shape_cast %parallel_loop3A_451 : vector<1x1x16xf32> to vector<16xf32>
      %parallel_loop3A_453 = vector.shape_cast %parallel_loop3A_446 : vector<16xf32> to vector<1x1x16xf32>
      tpu.vector_store %arg12[%parallel_loop3A_448, %parallel_loop3A_449, %parallel_loop3A_450], %parallel_loop3A_453 {strides = array<i32>} : memref<8x8x256xf32, #tpu.memory_space<vmem>>, vector<1x1x16xf32>,
      %parallel_loop3A_454 = arith.select %parallel_loop3A_413, %broadcast_in_dim3A_43, %broadcast_in_dim3A_19 : vector<16xi1>, vector<16xf32>
      %parallel_loop3A_455 = arith.constant 5 : i32
      %parallel_loop3A_456 = arith.index_cast %parallel_loop3A_388 : i32 to index
      %parallel_loop3A_457 = arith.index_cast %parallel_loop3A_455 : i32 to index
      %parallel_loop3A_458 = arith.index_cast %parallel_loop3A_406 : i32 to index
      %parallel_loop3A_459 = tpu.vector_load %arg12[%parallel_loop3A_456, %parallel_loop3A_457, %parallel_loop3A_458] {strides = array<i32>} : memref<8x8x256xf32, #tpu.memory_space<vmem>>, vector<1x1x16xf32>,
      %parallel_loop3A_460 = vector.shape_cast %parallel_loop3A_459 : vector<1x1x16xf32> to vector<16xf32>
      %parallel_loop3A_461 = vector.shape_cast %parallel_loop3A_454 : vector<16xf32> to vector<1x1x16xf32>
      tpu.vector_store %arg12[%parallel_loop3A_456, %parallel_loop3A_457, %parallel_loop3A_458], %parallel_loop3A_461 {strides = array<i32>} : memref<8x8x256xf32, #tpu.memory_space<vmem>>, vector<1x1x16xf32>,
      %parallel_loop3A_462 = arith.select %parallel_loop3A_413, %broadcast_in_dim3A_46, %broadcast_in_dim3A_22 : vector<16xi1>, vector<16xf32>
      %parallel_loop3A_463 = arith.constant 6 : i32
      %parallel_loop3A_464 = arith.index_cast %parallel_loop3A_388 : i32 to index
      %parallel_loop3A_465 = arith.index_cast %parallel_loop3A_463 : i32 to index
      %parallel_loop3A_466 = arith.index_cast %parallel_loop3A_406 : i32 to index
      %parallel_loop3A_467 = tpu.vector_load %arg12[%parallel_loop3A_464, %parallel_loop3A_465, %parallel_loop3A_466] {strides = array<i32>} : memref<8x8x256xf32, #tpu.memory_space<vmem>>, vector<1x1x16xf32>,
      %parallel_loop3A_468 = vector.shape_cast %parallel_loop3A_467 : vector<1x1x16xf32> to vector<16xf32>
      %parallel_loop3A_469 = vector.shape_cast %parallel_loop3A_462 : vector<16xf32> to vector<1x1x16xf32>
      tpu.vector_store %arg12[%parallel_loop3A_464, %parallel_loop3A_465, %parallel_loop3A_466], %parallel_loop3A_469 {strides = array<i32>} : memref<8x8x256xf32, #tpu.memory_space<vmem>>, vector<1x1x16xf32>,
      %parallel_loop3A_470 = arith.select %parallel_loop3A_413, %broadcast_in_dim3A_49, %broadcast_in_dim3A_25 : vector<16xi1>, vector<16xf32>
      %parallel_loop3A_471 = arith.constant 7 : i32
      %parallel_loop3A_472 = arith.index_cast %parallel_loop3A_388 : i32 to index
      %parallel_loop3A_473 = arith.index_cast %parallel_loop3A_471 : i32 to index
      %parallel_loop3A_474 = arith.index_cast %parallel_loop3A_406 : i32 to index
      %parallel_loop3A_475 = tpu.vector_load %arg12[%parallel_loop3A_472, %parallel_loop3A_473, %parallel_loop3A_474] {strides = array<i32>} : memref<8x8x256xf32, #tpu.memory_space<vmem>>, vector<1x1x16xf32>,
      %parallel_loop3A_476 = vector.shape_cast %parallel_loop3A_475 : vector<1x1x16xf32> to vector<16xf32>
      %parallel_loop3A_477 = vector.shape_cast %parallel_loop3A_470 : vector<16xf32> to vector<1x1x16xf32>
      tpu.vector_store %arg12[%parallel_loop3A_472, %parallel_loop3A_473, %parallel_loop3A_474], %parallel_loop3A_477 {strides = array<i32>} : memref<8x8x256xf32, #tpu.memory_space<vmem>>, vector<1x1x16xf32>,
    } {sc.loop_unroll_factor = 2 : i64, sc.parallel_access}
    %add3A_177 = arith.constant 0 : i32
    %add3A_178 = arith.addi %mul3A_2, %add3A_177 : i32
    %mul3A_179 = arith.constant 8 : i32
    %mul3A_180 = arith.muli %add3A_178, %mul3A_179 : i32
    %dma_start3A_181 = arith.constant 0 : i32
    %dma_start3A_182 = arith.constant 768 : i32
    %dma_start3A_183 = tpu.memref_slice %arg4[%mul3A_180, %dma_start3A_181, %dma_start3A_182] : memref<4096x8x2048xf32, #tpu.memory_space<hbm>> -> memref<8x8x256xf32, #tpu.memory_space<hbm>>
    %dma_start3A_184 = arith.constant 0 : i32
    %dma_start3A_185 = arith.constant 768 : i32
    %dma_start3A_186 = tpu.memref_slice %arg4[%mul3A_180, %dma_start3A_184, %dma_start3A_185] : memref<4096x8x2048xf32, #tpu.memory_space<hbm>> -> memref<8x8x256xf32, #tpu.memory_space<hbm>>
    tpu.enqueue_dma source(%arg12 : memref<8x8x256xf32, #tpu.memory_space<vmem>>) target(%dma_start3A_186 : memref<8x8x256xf32, #tpu.memory_space<hbm>>) target_semaphore(%arg21 : memref<!tpu.dma_semaphore, #tpu.memory_space<semaphore_mem>>)
    %add3A_187 = arith.constant 0 : i32
    %add3A_188 = arith.addi %mul3A_2, %add3A_187 : i32
    %mul3A_189 = arith.constant 8 : i32
    %mul3A_190 = arith.muli %add3A_188, %mul3A_189 : i32
    %dma_start3A_191 = arith.constant 1792 : i32
    %dma_start3A_192 = tpu.memref_slice %arg2[%mul3A_190, %dma_start3A_191] : memref<4096x2048xf32, #tpu.memory_space<hbm>> -> memref<8x256xf32, #tpu.memory_space<hbm>>
    %dma_start3A_193 = arith.constant 1792 : i32
    %dma_start3A_194 = tpu.memref_slice %arg2[%mul3A_190, %dma_start3A_193] : memref<4096x2048xf32, #tpu.memory_space<hbm>> -> memref<8x256xf32, #tpu.memory_space<hbm>>
    tpu.enqueue_dma source(%dma_start3A_194 : memref<8x256xf32, #tpu.memory_space<hbm>>) target(%arg8 : memref<8x256xf32, #tpu.memory_space<vmem>>) target_semaphore(%arg17 : memref<!tpu.dma_semaphore, #tpu.memory_space<semaphore_mem>>)
    %scan3A = arith.constant 0 : i32
    %scan3A_195 = arith.constant 1 : i32
    %scan3A_196 = arith.constant 30 : i32
    %scan3A_197 = arith.addi %scan3A_195, %scan3A_196 : i32
    %scan3A_198 = arith.constant 1 : i32
    scf.for %scan3A_364 = %scan3A_195 to %scan3A_197 step %scan3A_198  : i32 {
      %mul3A_365 = arith.constant 4 : i32
      %mul3A_366 = arith.muli %mul3A_365, %scan3A_364 : i32
      %add3A_367 = arith.constant 0 : i32
      %add3A_368 = arith.addi %mul3A_366, %add3A_367 : i32
      %jit3A = arith.constant 8 : i32
      %div3A = arith.divsi %add3A_368, %jit3A : i32
      %sign3A = arith.constant 0 : i32
      %sign3A_369 = arith.cmpi sgt, %add3A_368, %sign3A : i32
      %sign3A_370 = arith.extui %sign3A_369 : i1 to i32
      %sign3A_371 = arith.constant 0 : i32
      %sign3A_372 = arith.cmpi slt, %add3A_368, %sign3A_371 : i32
      %sign3A_373 = arith.extui %sign3A_372 : i1 to i32
      %sign3A_374 = arith.subi %sign3A_370, %sign3A_373 : i32
      %sign3A_375 = arith.constant 0 : i32
      %sign3A_376 = arith.cmpi sgt, %jit3A, %sign3A_375 : i32
      %sign3A_377 = arith.extui %sign3A_376 : i1 to i32
      %sign3A_378 = arith.constant 0 : i32
      %sign3A_379 = arith.cmpi slt, %jit3A, %sign3A_378 : i32
      %sign3A_380 = arith.extui %sign3A_379 : i1 to i32
      %sign3A_381 = arith.subi %sign3A_377, %sign3A_380 : i32
      %ne3A = arith.cmpi ne, %sign3A_374, %sign3A_381 : i32
      %rem3A = arith.remsi %add3A_368, %jit3A : i32
      %ne3A_382 = arith.constant 0 : i32
      %ne3A_383 = arith.cmpi ne, %rem3A, %ne3A_382 : i32
      %and3A = arith.andi %ne3A, %ne3A_383 : i1
      %sub3A = arith.constant 1 : i32
      %sub3A_384 = arith.subi %div3A, %sub3A : i32
      %select_n3A = arith.select %and3A, %sub3A_384, %div3A : i32
      %add3A_385 = arith.addi %mul3A_2, %select_n3A : i32
      %mul3A_386 = arith.constant 8 : i32
      %mul3A_387 = arith.muli %add3A_385, %mul3A_386 : i32
      %jit3A_388 = arith.constant 8 : i32
      %eq3A = arith.constant 0 : i32
      %eq3A_389 = arith.cmpi eq, %jit3A_388, %eq3A : i32
      %jit3A_390 = arith.constant 1 : i32
      %select_n3A_391 = arith.select %eq3A_389, %jit3A_390, %jit3A_388 : i32
      %rem3A_392 = arith.remsi %add3A_368, %select_n3A_391 : i32
      %ne3A_393 = arith.constant 0 : i32
      %ne3A_394 = arith.cmpi ne, %rem3A_392, %ne3A_393 : i32
      %lt3A = arith.constant 0 : i32
      %lt3A_395 = arith.cmpi slt, %rem3A_392, %lt3A : i32
      %lt3A_396 = arith.constant 0 : i32
      %lt3A_397 = arith.cmpi slt, %select_n3A_391, %lt3A_396 : i32
      %ne3A_398 = arith.xori %lt3A_395, %lt3A_397 : i1
      %and3A_399 = arith.andi %ne3A_398, %ne3A_394 : i1
      %add3A_400 = arith.addi %rem3A_392, %select_n3A_391 : i32
      %select_n3A_401 = arith.select %and3A_399, %add3A_400, %rem3A_392 : i32
      %mul3A_402 = arith.constant 256 : i32
      %mul3A_403 = arith.muli %select_n3A_401, %mul3A_402 : i32
      %dma_wait3A_404 = tpu.memref_slice %arg2[%mul3A_387, %mul3A_403] : memref<4096x2048xf32, #tpu.memory_space<hbm>> -> memref<8x256xf32, #tpu.memory_space<hbm>>
      %dma_wait3A_405 = tpu.memref_slice %arg2[%mul3A_387, %mul3A_403] : memref<4096x2048xf32, #tpu.memory_space<hbm>> -> memref<8x256xf32, #tpu.memory_space<hbm>>
      tpu.wait_dma2 semaphore(%arg14 : memref<!tpu.dma_semaphore, #tpu.memory_space<semaphore_mem>>) src(%dma_wait3A_405 : memref<8x256xf32, #tpu.memory_space<hbm>>) dst(%arg5 : memref<8x256xf32, #tpu.memory_space<vmem>>)
      %sub3A_406 = arith.constant 4 : i32
      %sub3A_407 = arith.subi %add3A_368, %sub3A_406 : i32
      %jit3A_408 = arith.constant 8 : i32
      %div3A_409 = arith.divsi %sub3A_407, %jit3A_408 : i32
      %sign3A_410 = arith.constant 0 : i32
      %sign3A_411 = arith.cmpi sgt, %sub3A_407, %sign3A_410 : i32
      %sign3A_412 = arith.extui %sign3A_411 : i1 to i32
      %sign3A_413 = arith.constant 0 : i32
      %sign3A_414 = arith.cmpi slt, %sub3A_407, %sign3A_413 : i32
      %sign3A_415 = arith.extui %sign3A_414 : i1 to i32
      %sign3A_416 = arith.subi %sign3A_412, %sign3A_415 : i32
      %sign3A_417 = arith.constant 0 : i32
      %sign3A_418 = arith.cmpi sgt, %jit3A_408, %sign3A_417 : i32
      %sign3A_419 = arith.extui %sign3A_418 : i1 to i32
      %sign3A_420 = arith.constant 0 : i32
      %sign3A_421 = arith.cmpi slt, %jit3A_408, %sign3A_420 : i32
      %sign3A_422 = arith.extui %sign3A_421 : i1 to i32
      %sign3A_423 = arith.subi %sign3A_419, %sign3A_422 : i32
      %ne3A_424 = arith.cmpi ne, %sign3A_416, %sign3A_423 : i32
      %rem3A_425 = arith.remsi %sub3A_407, %jit3A_408 : i32
      %ne3A_426 = arith.constant 0 : i32
      %ne3A_427 = arith.cmpi ne, %rem3A_425, %ne3A_426 : i32
      %and3A_428 = arith.andi %ne3A_424, %ne3A_427 : i1
      %sub3A_429 = arith.constant 1 : i32
      %sub3A_430 = arith.subi %div3A_409, %sub3A_429 : i32
      %select_n3A_431 = arith.select %and3A_428, %sub3A_430, %div3A_409 : i32
      %add3A_432 = arith.addi %mul3A_2, %select_n3A_431 : i32
      %mul3A_433 = arith.constant 8 : i32
      %mul3A_434 = arith.muli %add3A_432, %mul3A_433 : i32
      %jit3A_435 = arith.constant 8 : i32
      %eq3A_436 = arith.constant 0 : i32
      %eq3A_437 = arith.cmpi eq, %jit3A_435, %eq3A_436 : i32
      %jit3A_438 = arith.constant 1 : i32
      %select_n3A_439 = arith.select %eq3A_437, %jit3A_438, %jit3A_435 : i32
      %rem3A_440 = arith.remsi %sub3A_407, %select_n3A_439 : i32
      %ne3A_441 = arith.constant 0 : i32
      %ne3A_442 = arith.cmpi ne, %rem3A_440, %ne3A_441 : i32
      %lt3A_443 = arith.constant 0 : i32
      %lt3A_444 = arith.cmpi slt, %rem3A_440, %lt3A_443 : i32
      %lt3A_445 = arith.constant 0 : i32
      %lt3A_446 = arith.cmpi slt, %select_n3A_439, %lt3A_445 : i32
      %ne3A_447 = arith.xori %lt3A_444, %lt3A_446 : i1
      %and3A_448 = arith.andi %ne3A_447, %ne3A_442 : i1
      %add3A_449 = arith.addi %rem3A_440, %select_n3A_439 : i32
      %select_n3A_450 = arith.select %and3A_448, %add3A_449, %rem3A_440 : i32
      %mul3A_451 = arith.constant 256 : i32
      %mul3A_452 = arith.muli %select_n3A_450, %mul3A_451 : i32
      %dma_wait3A_453 = arith.constant 0 : i32
      %dma_wait3A_454 = tpu.memref_slice %arg4[%mul3A_434, %dma_wait3A_453, %mul3A_452] : memref<4096x8x2048xf32, #tpu.memory_space<hbm>> -> memref<8x8x256xf32, #tpu.memory_space<hbm>>
      %dma_wait3A_455 = arith.constant 0 : i32
      %dma_wait3A_456 = tpu.memref_slice %arg4[%mul3A_434, %dma_wait3A_455, %mul3A_452] : memref<4096x8x2048xf32, #tpu.memory_space<hbm>> -> memref<8x8x256xf32, #tpu.memory_space<hbm>>
      tpu.wait_dma2 semaphore(%arg18 : memref<!tpu.dma_semaphore, #tpu.memory_space<semaphore_mem>>) src(%arg9 : memref<8x8x256xf32, #tpu.memory_space<vmem>>) dst(%dma_wait3A_456 : memref<8x8x256xf32, #tpu.memory_space<hbm>>)
      %parallel_loop3A_457 = arith.constant 0 : i32
      %parallel_loop3A_458 = arith.constant 128 : i32
      %parallel_loop3A_459 = arith.constant 1 : i32
      scf.for %parallel_loop3A_1167 = %parallel_loop3A_457 to %parallel_loop3A_458 step %parallel_loop3A_459  : i32 {
        %parallel_loop3A_1168 = arith.constant 16 : i32
        %parallel_loop3A_1169 = arith.divsi %parallel_loop3A_1167, %parallel_loop3A_1168 : i32
        %parallel_loop3A_1170 = arith.constant 0 : i32
        %parallel_loop3A_1171 = arith.cmpi sgt, %parallel_loop3A_1167, %parallel_loop3A_1170 : i32
        %parallel_loop3A_1172 = arith.extui %parallel_loop3A_1171 : i1 to i32
        %parallel_loop3A_1173 = arith.constant 0 : i32
        %parallel_loop3A_1174 = arith.cmpi slt, %parallel_loop3A_1167, %parallel_loop3A_1173 : i32
        %parallel_loop3A_1175 = arith.extui %parallel_loop3A_1174 : i1 to i32
        %parallel_loop3A_1176 = arith.subi %parallel_loop3A_1172, %parallel_loop3A_1175 : i32
        %parallel_loop3A_1177 = arith.constant 0 : i32
        %parallel_loop3A_1178 = arith.cmpi sgt, %parallel_loop3A_1168, %parallel_loop3A_1177 : i32
        %parallel_loop3A_1179 = arith.extui %parallel_loop3A_1178 : i1 to i32
        %parallel_loop3A_1180 = arith.constant 0 : i32
        %parallel_loop3A_1181 = arith.cmpi slt, %parallel_loop3A_1168, %parallel_loop3A_1180 : i32
        %parallel_loop3A_1182 = arith.extui %parallel_loop3A_1181 : i1 to i32
        %parallel_loop3A_1183 = arith.subi %parallel_loop3A_1179, %parallel_loop3A_1182 : i32
        %parallel_loop3A_1184 = arith.cmpi ne, %parallel_loop3A_1176, %parallel_loop3A_1183 : i32
        %parallel_loop3A_1185 = arith.remsi %parallel_loop3A_1167, %parallel_loop3A_1168 : i32
        %parallel_loop3A_1186 = arith.constant 0 : i32
        %parallel_loop3A_1187 = arith.cmpi ne, %parallel_loop3A_1185, %parallel_loop3A_1186 : i32
        %parallel_loop3A_1188 = arith.andi %parallel_loop3A_1184, %parallel_loop3A_1187 : i1
        %parallel_loop3A_1189 = arith.constant 1 : i32
        %parallel_loop3A_1190 = arith.subi %parallel_loop3A_1169, %parallel_loop3A_1189 : i32
        %parallel_loop3A_1191 = arith.select %parallel_loop3A_1188, %parallel_loop3A_1190, %parallel_loop3A_1169 : i32
        %parallel_loop3A_1192 = arith.constant 16 : i32
        %parallel_loop3A_1193 = arith.constant 0 : i32
        %parallel_loop3A_1194 = arith.cmpi eq, %parallel_loop3A_1192, %parallel_loop3A_1193 : i32
        %parallel_loop3A_1195 = arith.constant 1 : i32
        %parallel_loop3A_1196 = arith.select %parallel_loop3A_1194, %parallel_loop3A_1195, %parallel_loop3A_1192 : i32
        %parallel_loop3A_1197 = arith.remsi %parallel_loop3A_1167, %parallel_loop3A_1196 : i32
        %parallel_loop3A_1198 = arith.constant 0 : i32
        %parallel_loop3A_1199 = arith.cmpi ne, %parallel_loop3A_1197, %parallel_loop3A_1198 : i32
        %parallel_loop3A_1200 = arith.constant 0 : i32
        %parallel_loop3A_1201 = arith.cmpi slt, %parallel_loop3A_1197, %parallel_loop3A_1200 : i32
        %parallel_loop3A_1202 = arith.constant 0 : i32
        %parallel_loop3A_1203 = arith.cmpi slt, %parallel_loop3A_1196, %parallel_loop3A_1202 : i32
        %parallel_loop3A_1204 = arith.xori %parallel_loop3A_1201, %parallel_loop3A_1203 : i1
        %parallel_loop3A_1205 = arith.andi %parallel_loop3A_1204, %parallel_loop3A_1199 : i1
        %parallel_loop3A_1206 = arith.addi %parallel_loop3A_1197, %parallel_loop3A_1196 : i32
        %parallel_loop3A_1207 = arith.select %parallel_loop3A_1205, %parallel_loop3A_1206, %parallel_loop3A_1197 : i32
        %parallel_loop3A_1208 = arith.constant 16 : i32
        %parallel_loop3A_1209 = arith.muli %parallel_loop3A_1207, %parallel_loop3A_1208 : i32
        %parallel_loop3A_1210 = arith.index_cast %parallel_loop3A_1191 : i32 to index
        %parallel_loop3A_1211 = arith.index_cast %parallel_loop3A_1209 : i32 to index
        %parallel_loop3A_1212 = tpu.vector_load %arg5[%parallel_loop3A_1210, %parallel_loop3A_1211] {strides = array<i32>} : memref<8x256xf32, #tpu.memory_space<vmem>>, vector<1x16xf32>,
        %parallel_loop3A_1213 = vector.shape_cast %parallel_loop3A_1212 : vector<1x16xf32> to vector<16xf32>
        %parallel_loop3A_1214 = arith.constant 0.000000e+00 : f32
        %parallel_loop3A_1215 = vector.broadcast %parallel_loop3A_1214 : f32 to vector<16xf32>
        %parallel_loop3A_1216 = arith.cmpf ogt, %parallel_loop3A_1213, %parallel_loop3A_1215 : vector<16xf32>
        %parallel_loop3A_1217 = arith.select %parallel_loop3A_1216, %broadcast_in_dim3A_28, %broadcast_in_dim3A : vector<16xi1>, vector<16xf32>
        %parallel_loop3A_1218 = arith.constant 0 : i32
        %parallel_loop3A_1219 = arith.index_cast %parallel_loop3A_1191 : i32 to index
        %parallel_loop3A_1220 = arith.index_cast %parallel_loop3A_1218 : i32 to index
        %parallel_loop3A_1221 = arith.index_cast %parallel_loop3A_1209 : i32 to index
        %parallel_loop3A_1222 = tpu.vector_load %arg9[%parallel_loop3A_1219, %parallel_loop3A_1220, %parallel_loop3A_1221] {strides = array<i32>} : memref<8x8x256xf32, #tpu.memory_space<vmem>>, vector<1x1x16xf32>,
        %parallel_loop3A_1223 = vector.shape_cast %parallel_loop3A_1222 : vector<1x1x16xf32> to vector<16xf32>
        %parallel_loop3A_1224 = vector.shape_cast %parallel_loop3A_1217 : vector<16xf32> to vector<1x1x16xf32>
        tpu.vector_store %arg9[%parallel_loop3A_1219, %parallel_loop3A_1220, %parallel_loop3A_1221], %parallel_loop3A_1224 {strides = array<i32>} : memref<8x8x256xf32, #tpu.memory_space<vmem>>, vector<1x1x16xf32>,
        %parallel_loop3A_1225 = arith.select %parallel_loop3A_1216, %broadcast_in_dim3A_31, %broadcast_in_dim3A_7 : vector<16xi1>, vector<16xf32>
        %parallel_loop3A_1226 = arith.constant 1 : i32
        %parallel_loop3A_1227 = arith.index_cast %parallel_loop3A_1191 : i32 to index
        %parallel_loop3A_1228 = arith.index_cast %parallel_loop3A_1226 : i32 to index
        %parallel_loop3A_1229 = arith.index_cast %parallel_loop3A_1209 : i32 to index
        %parallel_loop3A_1230 = tpu.vector_load %arg9[%parallel_loop3A_1227, %parallel_loop3A_1228, %parallel_loop3A_1229] {strides = array<i32>} : memref<8x8x256xf32, #tpu.memory_space<vmem>>, vector<1x1x16xf32>,
        %parallel_loop3A_1231 = vector.shape_cast %parallel_loop3A_1230 : vector<1x1x16xf32> to vector<16xf32>
        %parallel_loop3A_1232 = vector.shape_cast %parallel_loop3A_1225 : vector<16xf32> to vector<1x1x16xf32>
        tpu.vector_store %arg9[%parallel_loop3A_1227, %parallel_loop3A_1228, %parallel_loop3A_1229], %parallel_loop3A_1232 {strides = array<i32>} : memref<8x8x256xf32, #tpu.memory_space<vmem>>, vector<1x1x16xf32>,
        %parallel_loop3A_1233 = arith.select %parallel_loop3A_1216, %broadcast_in_dim3A_34, %broadcast_in_dim3A_10 : vector<16xi1>, vector<16xf32>
        %parallel_loop3A_1234 = arith.constant 2 : i32
        %parallel_loop3A_1235 = arith.index_cast %parallel_loop3A_1191 : i32 to index
        %parallel_loop3A_1236 = arith.index_cast %parallel_loop3A_1234 : i32 to index
        %parallel_loop3A_1237 = arith.index_cast %parallel_loop3A_1209 : i32 to index
        %parallel_loop3A_1238 = tpu.vector_load %arg9[%parallel_loop3A_1235, %parallel_loop3A_1236, %parallel_loop3A_1237] {strides = array<i32>} : memref<8x8x256xf32, #tpu.memory_space<vmem>>, vector<1x1x16xf32>,
        %parallel_loop3A_1239 = vector.shape_cast %parallel_loop3A_1238 : vector<1x1x16xf32> to vector<16xf32>
        %parallel_loop3A_1240 = vector.shape_cast %parallel_loop3A_1233 : vector<16xf32> to vector<1x1x16xf32>
        tpu.vector_store %arg9[%parallel_loop3A_1235, %parallel_loop3A_1236, %parallel_loop3A_1237], %parallel_loop3A_1240 {strides = array<i32>} : memref<8x8x256xf32, #tpu.memory_space<vmem>>, vector<1x1x16xf32>,
        %parallel_loop3A_1241 = arith.select %parallel_loop3A_1216, %broadcast_in_dim3A_37, %broadcast_in_dim3A_13 : vector<16xi1>, vector<16xf32>
        %parallel_loop3A_1242 = arith.constant 3 : i32
        %parallel_loop3A_1243 = arith.index_cast %parallel_loop3A_1191 : i32 to index
        %parallel_loop3A_1244 = arith.index_cast %parallel_loop3A_1242 : i32 to index
        %parallel_loop3A_1245 = arith.index_cast %parallel_loop3A_1209 : i32 to index
        %parallel_loop3A_1246 = tpu.vector_load %arg9[%parallel_loop3A_1243, %parallel_loop3A_1244, %parallel_loop3A_1245] {strides = array<i32>} : memref<8x8x256xf32, #tpu.memory_space<vmem>>, vector<1x1x16xf32>,
        %parallel_loop3A_1247 = vector.shape_cast %parallel_loop3A_1246 : vector<1x1x16xf32> to vector<16xf32>
        %parallel_loop3A_1248 = vector.shape_cast %parallel_loop3A_1241 : vector<16xf32> to vector<1x1x16xf32>
        tpu.vector_store %arg9[%parallel_loop3A_1243, %parallel_loop3A_1244, %parallel_loop3A_1245], %parallel_loop3A_1248 {strides = array<i32>} : memref<8x8x256xf32, #tpu.memory_space<vmem>>, vector<1x1x16xf32>,
        %parallel_loop3A_1249 = arith.select %parallel_loop3A_1216, %broadcast_in_dim3A_40, %broadcast_in_dim3A_16 : vector<16xi1>, vector<16xf32>
        %parallel_loop3A_1250 = arith.constant 4 : i32
        %parallel_loop3A_1251 = arith.index_cast %parallel_loop3A_1191 : i32 to index
        %parallel_loop3A_1252 = arith.index_cast %parallel_loop3A_1250 : i32 to index
        %parallel_loop3A_1253 = arith.index_cast %parallel_loop3A_1209 : i32 to index
        %parallel_loop3A_1254 = tpu.vector_load %arg9[%parallel_loop3A_1251, %parallel_loop3A_1252, %parallel_loop3A_1253] {strides = array<i32>} : memref<8x8x256xf32, #tpu.memory_space<vmem>>, vector<1x1x16xf32>,
        %parallel_loop3A_1255 = vector.shape_cast %parallel_loop3A_1254 : vector<1x1x16xf32> to vector<16xf32>
        %parallel_loop3A_1256 = vector.shape_cast %parallel_loop3A_1249 : vector<16xf32> to vector<1x1x16xf32>
        tpu.vector_store %arg9[%parallel_loop3A_1251, %parallel_loop3A_1252, %parallel_loop3A_1253], %parallel_loop3A_1256 {strides = array<i32>} : memref<8x8x256xf32, #tpu.memory_space<vmem>>, vector<1x1x16xf32>,
        %parallel_loop3A_1257 = arith.select %parallel_loop3A_1216, %broadcast_in_dim3A_43, %broadcast_in_dim3A_19 : vector<16xi1>, vector<16xf32>
        %parallel_loop3A_1258 = arith.constant 5 : i32
        %parallel_loop3A_1259 = arith.index_cast %parallel_loop3A_1191 : i32 to index
        %parallel_loop3A_1260 = arith.index_cast %parallel_loop3A_1258 : i32 to index
        %parallel_loop3A_1261 = arith.index_cast %parallel_loop3A_1209 : i32 to index
        %parallel_loop3A_1262 = tpu.vector_load %arg9[%parallel_loop3A_1259, %parallel_loop3A_1260, %parallel_loop3A_1261] {strides = array<i32>} : memref<8x8x256xf32, #tpu.memory_space<vmem>>, vector<1x1x16xf32>,
        %parallel_loop3A_1263 = vector.shape_cast %parallel_loop3A_1262 : vector<1x1x16xf32> to vector<16xf32>
        %parallel_loop3A_1264 = vector.shape_cast %parallel_loop3A_1257 : vector<16xf32> to vector<1x1x16xf32>
        tpu.vector_store %arg9[%parallel_loop3A_1259, %parallel_loop3A_1260, %parallel_loop3A_1261], %parallel_loop3A_1264 {strides = array<i32>} : memref<8x8x256xf32, #tpu.memory_space<vmem>>, vector<1x1x16xf32>,
        %parallel_loop3A_1265 = arith.select %parallel_loop3A_1216, %broadcast_in_dim3A_46, %broadcast_in_dim3A_22 : vector<16xi1>, vector<16xf32>
        %parallel_loop3A_1266 = arith.constant 6 : i32
        %parallel_loop3A_1267 = arith.index_cast %parallel_loop3A_1191 : i32 to index
        %parallel_loop3A_1268 = arith.index_cast %parallel_loop3A_1266 : i32 to index
        %parallel_loop3A_1269 = arith.index_cast %parallel_loop3A_1209 : i32 to index
        %parallel_loop3A_1270 = tpu.vector_load %arg9[%parallel_loop3A_1267, %parallel_loop3A_1268, %parallel_loop3A_1269] {strides = array<i32>} : memref<8x8x256xf32, #tpu.memory_space<vmem>>, vector<1x1x16xf32>,
        %parallel_loop3A_1271 = vector.shape_cast %parallel_loop3A_1270 : vector<1x1x16xf32> to vector<16xf32>
        %parallel_loop3A_1272 = vector.shape_cast %parallel_loop3A_1265 : vector<16xf32> to vector<1x1x16xf32>
        tpu.vector_store %arg9[%parallel_loop3A_1267, %parallel_loop3A_1268, %parallel_loop3A_1269], %parallel_loop3A_1272 {strides = array<i32>} : memref<8x8x256xf32, #tpu.memory_space<vmem>>, vector<1x1x16xf32>,
        %parallel_loop3A_1273 = arith.select %parallel_loop3A_1216, %broadcast_in_dim3A_49, %broadcast_in_dim3A_25 : vector<16xi1>, vector<16xf32>
        %parallel_loop3A_1274 = arith.constant 7 : i32
        %parallel_loop3A_1275 = arith.index_cast %parallel_loop3A_1191 : i32 to index
        %parallel_loop3A_1276 = arith.index_cast %parallel_loop3A_1274 : i32 to index
        %parallel_loop3A_1277 = arith.index_cast %parallel_loop3A_1209 : i32 to index
        %parallel_loop3A_1278 = tpu.vector_load %arg9[%parallel_loop3A_1275, %parallel_loop3A_1276, %parallel_loop3A_1277] {strides = array<i32>} : memref<8x8x256xf32, #tpu.memory_space<vmem>>, vector<1x1x16xf32>,
        %parallel_loop3A_1279 = vector.shape_cast %parallel_loop3A_1278 : vector<1x1x16xf32> to vector<16xf32>
        %parallel_loop3A_1280 = vector.shape_cast %parallel_loop3A_1273 : vector<16xf32> to vector<1x1x16xf32>
        tpu.vector_store %arg9[%parallel_loop3A_1275, %parallel_loop3A_1276, %parallel_loop3A_1277], %parallel_loop3A_1280 {strides = array<i32>} : memref<8x8x256xf32, #tpu.memory_space<vmem>>, vector<1x1x16xf32>,
      } {sc.loop_unroll_factor = 2 : i64, sc.parallel_access}
      %jit3A_460 = arith.constant 8 : i32
      %div3A_461 = arith.divsi %add3A_368, %jit3A_460 : i32
      %sign3A_462 = arith.constant 0 : i32
      %sign3A_463 = arith.cmpi sgt, %add3A_368, %sign3A_462 : i32
      %sign3A_464 = arith.extui %sign3A_463 : i1 to i32
      %sign3A_465 = arith.constant 0 : i32
      %sign3A_466 = arith.cmpi slt, %add3A_368, %sign3A_465 : i32
      %sign3A_467 = arith.extui %sign3A_466 : i1 to i32
      %sign3A_468 = arith.subi %sign3A_464, %sign3A_467 : i32
      %sign3A_469 = arith.constant 0 : i32
      %sign3A_470 = arith.cmpi sgt, %jit3A_460, %sign3A_469 : i32
      %sign3A_471 = arith.extui %sign3A_470 : i1 to i32
      %sign3A_472 = arith.constant 0 : i32
      %sign3A_473 = arith.cmpi slt, %jit3A_460, %sign3A_472 : i32
      %sign3A_474 = arith.extui %sign3A_473 : i1 to i32
      %sign3A_475 = arith.subi %sign3A_471, %sign3A_474 : i32
      %ne3A_476 = arith.cmpi ne, %sign3A_468, %sign3A_475 : i32
      %rem3A_477 = arith.remsi %add3A_368, %jit3A_460 : i32
      %ne3A_478 = arith.constant 0 : i32
      %ne3A_479 = arith.cmpi ne, %rem3A_477, %ne3A_478 : i32
      %and3A_480 = arith.andi %ne3A_476, %ne3A_479 : i1
      %sub3A_481 = arith.constant 1 : i32
      %sub3A_482 = arith.subi %div3A_461, %sub3A_481 : i32
      %select_n3A_483 = arith.select %and3A_480, %sub3A_482, %div3A_461 : i32
      %add3A_484 = arith.addi %mul3A_2, %select_n3A_483 : i32
      %mul3A_485 = arith.constant 8 : i32
      %mul3A_486 = arith.muli %add3A_484, %mul3A_485 : i32
      %jit3A_487 = arith.constant 8 : i32
      %eq3A_488 = arith.constant 0 : i32
      %eq3A_489 = arith.cmpi eq, %jit3A_487, %eq3A_488 : i32
      %jit3A_490 = arith.constant 1 : i32
      %select_n3A_491 = arith.select %eq3A_489, %jit3A_490, %jit3A_487 : i32
      %rem3A_492 = arith.remsi %add3A_368, %select_n3A_491 : i32
      %ne3A_493 = arith.constant 0 : i32
      %ne3A_494 = arith.cmpi ne, %rem3A_492, %ne3A_493 : i32
      %lt3A_495 = arith.constant 0 : i32
      %lt3A_496 = arith.cmpi slt, %rem3A_492, %lt3A_495 : i32
      %lt3A_497 = arith.constant 0 : i32
      %lt3A_498 = arith.cmpi slt, %select_n3A_491, %lt3A_497 : i32
      %ne3A_499 = arith.xori %lt3A_496, %lt3A_498 : i1
      %and3A_500 = arith.andi %ne3A_499, %ne3A_494 : i1
      %add3A_501 = arith.addi %rem3A_492, %select_n3A_491 : i32
      %select_n3A_502 = arith.select %and3A_500, %add3A_501, %rem3A_492 : i32
      %mul3A_503 = arith.constant 256 : i32
      %mul3A_504 = arith.muli %select_n3A_502, %mul3A_503 : i32
      %dma_start3A_505 = arith.constant 0 : i32
      %dma_start3A_506 = tpu.memref_slice %arg4[%mul3A_486, %dma_start3A_505, %mul3A_504] : memref<4096x8x2048xf32, #tpu.memory_space<hbm>> -> memref<8x8x256xf32, #tpu.memory_space<hbm>>
      %dma_start3A_507 = arith.constant 0 : i32
      %dma_start3A_508 = tpu.memref_slice %arg4[%mul3A_486, %dma_start3A_507, %mul3A_504] : memref<4096x8x2048xf32, #tpu.memory_space<hbm>> -> memref<8x8x256xf32, #tpu.memory_space<hbm>>
      tpu.enqueue_dma source(%arg9 : memref<8x8x256xf32, #tpu.memory_space<vmem>>) target(%dma_start3A_508 : memref<8x8x256xf32, #tpu.memory_space<hbm>>) target_semaphore(%arg18 : memref<!tpu.dma_semaphore, #tpu.memory_space<semaphore_mem>>)
      %add3A_509 = arith.constant 4 : i32
      %add3A_510 = arith.addi %add3A_368, %add3A_509 : i32
      %jit3A_511 = arith.constant 8 : i32
      %div3A_512 = arith.divsi %add3A_510, %jit3A_511 : i32
      %sign3A_513 = arith.constant 0 : i32
      %sign3A_514 = arith.cmpi sgt, %add3A_510, %sign3A_513 : i32
      %sign3A_515 = arith.extui %sign3A_514 : i1 to i32
      %sign3A_516 = arith.constant 0 : i32
      %sign3A_517 = arith.cmpi slt, %add3A_510, %sign3A_516 : i32
      %sign3A_518 = arith.extui %sign3A_517 : i1 to i32
      %sign3A_519 = arith.subi %sign3A_515, %sign3A_518 : i32
      %sign3A_520 = arith.constant 0 : i32
      %sign3A_521 = arith.cmpi sgt, %jit3A_511, %sign3A_520 : i32
      %sign3A_522 = arith.extui %sign3A_521 : i1 to i32
      %sign3A_523 = arith.constant 0 : i32
      %sign3A_524 = arith.cmpi slt, %jit3A_511, %sign3A_523 : i32
      %sign3A_525 = arith.extui %sign3A_524 : i1 to i32
      %sign3A_526 = arith.subi %sign3A_522, %sign3A_525 : i32
      %ne3A_527 = arith.cmpi ne, %sign3A_519, %sign3A_526 : i32
      %rem3A_528 = arith.remsi %add3A_510, %jit3A_511 : i32
      %ne3A_529 = arith.constant 0 : i32
      %ne3A_530 = arith.cmpi ne, %rem3A_528, %ne3A_529 : i32
      %and3A_531 = arith.andi %ne3A_527, %ne3A_530 : i1
      %sub3A_532 = arith.constant 1 : i32
      %sub3A_533 = arith.subi %div3A_512, %sub3A_532 : i32
      %select_n3A_534 = arith.select %and3A_531, %sub3A_533, %div3A_512 : i32
      %add3A_535 = arith.addi %mul3A_2, %select_n3A_534 : i32
      %mul3A_536 = arith.constant 8 : i32
      %mul3A_537 = arith.muli %add3A_535, %mul3A_536 : i32
      %jit3A_538 = arith.constant 8 : i32
      %eq3A_539 = arith.constant 0 : i32
      %eq3A_540 = arith.cmpi eq, %jit3A_538, %eq3A_539 : i32
      %jit3A_541 = arith.constant 1 : i32
      %select_n3A_542 = arith.select %eq3A_540, %jit3A_541, %jit3A_538 : i32
      %rem3A_543 = arith.remsi %add3A_510, %select_n3A_542 : i32
      %ne3A_544 = arith.constant 0 : i32
      %ne3A_545 = arith.cmpi ne, %rem3A_543, %ne3A_544 : i32
      %lt3A_546 = arith.constant 0 : i32
      %lt3A_547 = arith.cmpi slt, %rem3A_543, %lt3A_546 : i32
      %lt3A_548 = arith.constant 0 : i32
      %lt3A_549 = arith.cmpi slt, %select_n3A_542, %lt3A_548 : i32
      %ne3A_550 = arith.xori %lt3A_547, %lt3A_549 : i1
      %and3A_551 = arith.andi %ne3A_550, %ne3A_545 : i1
      %add3A_552 = arith.addi %rem3A_543, %select_n3A_542 : i32
      %select_n3A_553 = arith.select %and3A_551, %add3A_552, %rem3A_543 : i32
      %mul3A_554 = arith.constant 256 : i32
      %mul3A_555 = arith.muli %select_n3A_553, %mul3A_554 : i32
      %dma_start3A_556 = tpu.memref_slice %arg2[%mul3A_537, %mul3A_555] : memref<4096x2048xf32, #tpu.memory_space<hbm>> -> memref<8x256xf32, #tpu.memory_space<hbm>>
      %dma_start3A_557 = tpu.memref_slice %arg2[%mul3A_537, %mul3A_555] : memref<4096x2048xf32, #tpu.memory_space<hbm>> -> memref<8x256xf32, #tpu.memory_space<hbm>>
      tpu.enqueue_dma source(%dma_start3A_557 : memref<8x256xf32, #tpu.memory_space<hbm>>) target(%arg5 : memref<8x256xf32, #tpu.memory_space<vmem>>) target_semaphore(%arg14 : memref<!tpu.dma_semaphore, #tpu.memory_space<semaphore_mem>>)
      %mul3A_558 = arith.constant 4 : i32
      %mul3A_559 = arith.muli %mul3A_558, %scan3A_364 : i32
      %add3A_560 = arith.constant 1 : i32
      %add3A_561 = arith.addi %mul3A_559, %add3A_560 : i32
      %jit3A_562 = arith.constant 8 : i32
      %div3A_563 = arith.divsi %add3A_561, %jit3A_562 : i32
      %sign3A_564 = arith.constant 0 : i32
      %sign3A_565 = arith.cmpi sgt, %add3A_561, %sign3A_564 : i32
      %sign3A_566 = arith.extui %sign3A_565 : i1 to i32
      %sign3A_567 = arith.constant 0 : i32
      %sign3A_568 = arith.cmpi slt, %add3A_561, %sign3A_567 : i32
      %sign3A_569 = arith.extui %sign3A_568 : i1 to i32
      %sign3A_570 = arith.subi %sign3A_566, %sign3A_569 : i32
      %sign3A_571 = arith.constant 0 : i32
      %sign3A_572 = arith.cmpi sgt, %jit3A_562, %sign3A_571 : i32
      %sign3A_573 = arith.extui %sign3A_572 : i1 to i32
      %sign3A_574 = arith.constant 0 : i32
      %sign3A_575 = arith.cmpi slt, %jit3A_562, %sign3A_574 : i32
      %sign3A_576 = arith.extui %sign3A_575 : i1 to i32
      %sign3A_577 = arith.subi %sign3A_573, %sign3A_576 : i32
      %ne3A_578 = arith.cmpi ne, %sign3A_570, %sign3A_577 : i32
      %rem3A_579 = arith.remsi %add3A_561, %jit3A_562 : i32
      %ne3A_580 = arith.constant 0 : i32
      %ne3A_581 = arith.cmpi ne, %rem3A_579, %ne3A_580 : i32
      %and3A_582 = arith.andi %ne3A_578, %ne3A_581 : i1
      %sub3A_583 = arith.constant 1 : i32
      %sub3A_584 = arith.subi %div3A_563, %sub3A_583 : i32
      %select_n3A_585 = arith.select %and3A_582, %sub3A_584, %div3A_563 : i32
      %add3A_586 = arith.addi %mul3A_2, %select_n3A_585 : i32
      %mul3A_587 = arith.constant 8 : i32
      %mul3A_588 = arith.muli %add3A_586, %mul3A_587 : i32
      %jit3A_589 = arith.constant 8 : i32
      %eq3A_590 = arith.constant 0 : i32
      %eq3A_591 = arith.cmpi eq, %jit3A_589, %eq3A_590 : i32
      %jit3A_592 = arith.constant 1 : i32
      %select_n3A_593 = arith.select %eq3A_591, %jit3A_592, %jit3A_589 : i32
      %rem3A_594 = arith.remsi %add3A_561, %select_n3A_593 : i32
      %ne3A_595 = arith.constant 0 : i32
      %ne3A_596 = arith.cmpi ne, %rem3A_594, %ne3A_595 : i32
      %lt3A_597 = arith.constant 0 : i32
      %lt3A_598 = arith.cmpi slt, %rem3A_594, %lt3A_597 : i32
      %lt3A_599 = arith.constant 0 : i32
      %lt3A_600 = arith.cmpi slt, %select_n3A_593, %lt3A_599 : i32
      %ne3A_601 = arith.xori %lt3A_598, %lt3A_600 : i1
      %and3A_602 = arith.andi %ne3A_601, %ne3A_596 : i1
      %add3A_603 = arith.addi %rem3A_594, %select_n3A_593 : i32
      %select_n3A_604 = arith.select %and3A_602, %add3A_603, %rem3A_594 : i32
      %mul3A_605 = arith.constant 256 : i32
      %mul3A_606 = arith.muli %select_n3A_604, %mul3A_605 : i32
      %dma_wait3A_607 = tpu.memref_slice %arg2[%mul3A_588, %mul3A_606] : memref<4096x2048xf32, #tpu.memory_space<hbm>> -> memref<8x256xf32, #tpu.memory_space<hbm>>
      %dma_wait3A_608 = tpu.memref_slice %arg2[%mul3A_588, %mul3A_606] : memref<4096x2048xf32, #tpu.memory_space<hbm>> -> memref<8x256xf32, #tpu.memory_space<hbm>>
      tpu.wait_dma2 semaphore(%arg15 : memref<!tpu.dma_semaphore, #tpu.memory_space<semaphore_mem>>) src(%dma_wait3A_608 : memref<8x256xf32, #tpu.memory_space<hbm>>) dst(%arg6 : memref<8x256xf32, #tpu.memory_space<vmem>>)
      %sub3A_609 = arith.constant 4 : i32
      %sub3A_610 = arith.subi %add3A_561, %sub3A_609 : i32
      %jit3A_611 = arith.constant 8 : i32
      %div3A_612 = arith.divsi %sub3A_610, %jit3A_611 : i32
      %sign3A_613 = arith.constant 0 : i32
      %sign3A_614 = arith.cmpi sgt, %sub3A_610, %sign3A_613 : i32
      %sign3A_615 = arith.extui %sign3A_614 : i1 to i32
      %sign3A_616 = arith.constant 0 : i32
      %sign3A_617 = arith.cmpi slt, %sub3A_610, %sign3A_616 : i32
      %sign3A_618 = arith.extui %sign3A_617 : i1 to i32
      %sign3A_619 = arith.subi %sign3A_615, %sign3A_618 : i32
      %sign3A_620 = arith.constant 0 : i32
      %sign3A_621 = arith.cmpi sgt, %jit3A_611, %sign3A_620 : i32
      %sign3A_622 = arith.extui %sign3A_621 : i1 to i32
      %sign3A_623 = arith.constant 0 : i32
      %sign3A_624 = arith.cmpi slt, %jit3A_611, %sign3A_623 : i32
      %sign3A_625 = arith.extui %sign3A_624 : i1 to i32
      %sign3A_626 = arith.subi %sign3A_622, %sign3A_625 : i32
      %ne3A_627 = arith.cmpi ne, %sign3A_619, %sign3A_626 : i32
      %rem3A_628 = arith.remsi %sub3A_610, %jit3A_611 : i32
      %ne3A_629 = arith.constant 0 : i32
      %ne3A_630 = arith.cmpi ne, %rem3A_628, %ne3A_629 : i32
      %and3A_631 = arith.andi %ne3A_627, %ne3A_630 : i1
      %sub3A_632 = arith.constant 1 : i32
      %sub3A_633 = arith.subi %div3A_612, %sub3A_632 : i32
      %select_n3A_634 = arith.select %and3A_631, %sub3A_633, %div3A_612 : i32
      %add3A_635 = arith.addi %mul3A_2, %select_n3A_634 : i32
      %mul3A_636 = arith.constant 8 : i32
      %mul3A_637 = arith.muli %add3A_635, %mul3A_636 : i32
      %jit3A_638 = arith.constant 8 : i32
      %eq3A_639 = arith.constant 0 : i32
      %eq3A_640 = arith.cmpi eq, %jit3A_638, %eq3A_639 : i32
      %jit3A_641 = arith.constant 1 : i32
      %select_n3A_642 = arith.select %eq3A_640, %jit3A_641, %jit3A_638 : i32
      %rem3A_643 = arith.remsi %sub3A_610, %select_n3A_642 : i32
      %ne3A_644 = arith.constant 0 : i32
      %ne3A_645 = arith.cmpi ne, %rem3A_643, %ne3A_644 : i32
      %lt3A_646 = arith.constant 0 : i32
      %lt3A_647 = arith.cmpi slt, %rem3A_643, %lt3A_646 : i32
      %lt3A_648 = arith.constant 0 : i32
      %lt3A_649 = arith.cmpi slt, %select_n3A_642, %lt3A_648 : i32
      %ne3A_650 = arith.xori %lt3A_647, %lt3A_649 : i1
      %and3A_651 = arith.andi %ne3A_650, %ne3A_645 : i1
      %add3A_652 = arith.addi %rem3A_643, %select_n3A_642 : i32
      %select_n3A_653 = arith.select %and3A_651, %add3A_652, %rem3A_643 : i32
      %mul3A_654 = arith.constant 256 : i32
      %mul3A_655 = arith.muli %select_n3A_653, %mul3A_654 : i32
      %dma_wait3A_656 = arith.constant 0 : i32
      %dma_wait3A_657 = tpu.memref_slice %arg4[%mul3A_637, %dma_wait3A_656, %mul3A_655] : memref<4096x8x2048xf32, #tpu.memory_space<hbm>> -> memref<8x8x256xf32, #tpu.memory_space<hbm>>
      %dma_wait3A_658 = arith.constant 0 : i32
      %dma_wait3A_659 = tpu.memref_slice %arg4[%mul3A_637, %dma_wait3A_658, %mul3A_655] : memref<4096x8x2048xf32, #tpu.memory_space<hbm>> -> memref<8x8x256xf32, #tpu.memory_space<hbm>>
      tpu.wait_dma2 semaphore(%arg19 : memref<!tpu.dma_semaphore, #tpu.memory_space<semaphore_mem>>) src(%arg10 : memref<8x8x256xf32, #tpu.memory_space<vmem>>) dst(%dma_wait3A_659 : memref<8x8x256xf32, #tpu.memory_space<hbm>>)
      %parallel_loop3A_660 = arith.constant 0 : i32
      %parallel_loop3A_661 = arith.constant 128 : i32
      %parallel_loop3A_662 = arith.constant 1 : i32
      scf.for %parallel_loop3A_1167 = %parallel_loop3A_660 to %parallel_loop3A_661 step %parallel_loop3A_662  : i32 {
        %parallel_loop3A_1168 = arith.constant 16 : i32
        %parallel_loop3A_1169 = arith.divsi %parallel_loop3A_1167, %parallel_loop3A_1168 : i32
        %parallel_loop3A_1170 = arith.constant 0 : i32
        %parallel_loop3A_1171 = arith.cmpi sgt, %parallel_loop3A_1167, %parallel_loop3A_1170 : i32
        %parallel_loop3A_1172 = arith.extui %parallel_loop3A_1171 : i1 to i32
        %parallel_loop3A_1173 = arith.constant 0 : i32
        %parallel_loop3A_1174 = arith.cmpi slt, %parallel_loop3A_1167, %parallel_loop3A_1173 : i32
        %parallel_loop3A_1175 = arith.extui %parallel_loop3A_1174 : i1 to i32
        %parallel_loop3A_1176 = arith.subi %parallel_loop3A_1172, %parallel_loop3A_1175 : i32
        %parallel_loop3A_1177 = arith.constant 0 : i32
        %parallel_loop3A_1178 = arith.cmpi sgt, %parallel_loop3A_1168, %parallel_loop3A_1177 : i32
        %parallel_loop3A_1179 = arith.extui %parallel_loop3A_1178 : i1 to i32
        %parallel_loop3A_1180 = arith.constant 0 : i32
        %parallel_loop3A_1181 = arith.cmpi slt, %parallel_loop3A_1168, %parallel_loop3A_1180 : i32
        %parallel_loop3A_1182 = arith.extui %parallel_loop3A_1181 : i1 to i32
        %parallel_loop3A_1183 = arith.subi %parallel_loop3A_1179, %parallel_loop3A_1182 : i32
        %parallel_loop3A_1184 = arith.cmpi ne, %parallel_loop3A_1176, %parallel_loop3A_1183 : i32
        %parallel_loop3A_1185 = arith.remsi %parallel_loop3A_1167, %parallel_loop3A_1168 : i32
        %parallel_loop3A_1186 = arith.constant 0 : i32
        %parallel_loop3A_1187 = arith.cmpi ne, %parallel_loop3A_1185, %parallel_loop3A_1186 : i32
        %parallel_loop3A_1188 = arith.andi %parallel_loop3A_1184, %parallel_loop3A_1187 : i1
        %parallel_loop3A_1189 = arith.constant 1 : i32
        %parallel_loop3A_1190 = arith.subi %parallel_loop3A_1169, %parallel_loop3A_1189 : i32
        %parallel_loop3A_1191 = arith.select %parallel_loop3A_1188, %parallel_loop3A_1190, %parallel_loop3A_1169 : i32
        %parallel_loop3A_1192 = arith.constant 16 : i32
        %parallel_loop3A_1193 = arith.constant 0 : i32
        %parallel_loop3A_1194 = arith.cmpi eq, %parallel_loop3A_1192, %parallel_loop3A_1193 : i32
        %parallel_loop3A_1195 = arith.constant 1 : i32
        %parallel_loop3A_1196 = arith.select %parallel_loop3A_1194, %parallel_loop3A_1195, %parallel_loop3A_1192 : i32
        %parallel_loop3A_1197 = arith.remsi %parallel_loop3A_1167, %parallel_loop3A_1196 : i32
        %parallel_loop3A_1198 = arith.constant 0 : i32
        %parallel_loop3A_1199 = arith.cmpi ne, %parallel_loop3A_1197, %parallel_loop3A_1198 : i32
        %parallel_loop3A_1200 = arith.constant 0 : i32
        %parallel_loop3A_1201 = arith.cmpi slt, %parallel_loop3A_1197, %parallel_loop3A_1200 : i32
        %parallel_loop3A_1202 = arith.constant 0 : i32
        %parallel_loop3A_1203 = arith.cmpi slt, %parallel_loop3A_1196, %parallel_loop3A_1202 : i32
        %parallel_loop3A_1204 = arith.xori %parallel_loop3A_1201, %parallel_loop3A_1203 : i1
        %parallel_loop3A_1205 = arith.andi %parallel_loop3A_1204, %parallel_loop3A_1199 : i1
        %parallel_loop3A_1206 = arith.addi %parallel_loop3A_1197, %parallel_loop3A_1196 : i32
        %parallel_loop3A_1207 = arith.select %parallel_loop3A_1205, %parallel_loop3A_1206, %parallel_loop3A_1197 : i32
        %parallel_loop3A_1208 = arith.constant 16 : i32
        %parallel_loop3A_1209 = arith.muli %parallel_loop3A_1207, %parallel_loop3A_1208 : i32
        %parallel_loop3A_1210 = arith.index_cast %parallel_loop3A_1191 : i32 to index
        %parallel_loop3A_1211 = arith.index_cast %parallel_loop3A_1209 : i32 to index
        %parallel_loop3A_1212 = tpu.vector_load %arg6[%parallel_loop3A_1210, %parallel_loop3A_1211] {strides = array<i32>} : memref<8x256xf32, #tpu.memory_space<vmem>>, vector<1x16xf32>,
        %parallel_loop3A_1213 = vector.shape_cast %parallel_loop3A_1212 : vector<1x16xf32> to vector<16xf32>
        %parallel_loop3A_1214 = arith.constant 0.000000e+00 : f32
        %parallel_loop3A_1215 = vector.broadcast %parallel_loop3A_1214 : f32 to vector<16xf32>
        %parallel_loop3A_1216 = arith.cmpf ogt, %parallel_loop3A_1213, %parallel_loop3A_1215 : vector<16xf32>
        %parallel_loop3A_1217 = arith.select %parallel_loop3A_1216, %broadcast_in_dim3A_28, %broadcast_in_dim3A : vector<16xi1>, vector<16xf32>
        %parallel_loop3A_1218 = arith.constant 0 : i32
        %parallel_loop3A_1219 = arith.index_cast %parallel_loop3A_1191 : i32 to index
        %parallel_loop3A_1220 = arith.index_cast %parallel_loop3A_1218 : i32 to index
        %parallel_loop3A_1221 = arith.index_cast %parallel_loop3A_1209 : i32 to index
        %parallel_loop3A_1222 = tpu.vector_load %arg10[%parallel_loop3A_1219, %parallel_loop3A_1220, %parallel_loop3A_1221] {strides = array<i32>} : memref<8x8x256xf32, #tpu.memory_space<vmem>>, vector<1x1x16xf32>,
        %parallel_loop3A_1223 = vector.shape_cast %parallel_loop3A_1222 : vector<1x1x16xf32> to vector<16xf32>
        %parallel_loop3A_1224 = vector.shape_cast %parallel_loop3A_1217 : vector<16xf32> to vector<1x1x16xf32>
        tpu.vector_store %arg10[%parallel_loop3A_1219, %parallel_loop3A_1220, %parallel_loop3A_1221], %parallel_loop3A_1224 {strides = array<i32>} : memref<8x8x256xf32, #tpu.memory_space<vmem>>, vector<1x1x16xf32>,
        %parallel_loop3A_1225 = arith.select %parallel_loop3A_1216, %broadcast_in_dim3A_31, %broadcast_in_dim3A_7 : vector<16xi1>, vector<16xf32>
        %parallel_loop3A_1226 = arith.constant 1 : i32
        %parallel_loop3A_1227 = arith.index_cast %parallel_loop3A_1191 : i32 to index
        %parallel_loop3A_1228 = arith.index_cast %parallel_loop3A_1226 : i32 to index
        %parallel_loop3A_1229 = arith.index_cast %parallel_loop3A_1209 : i32 to index
        %parallel_loop3A_1230 = tpu.vector_load %arg10[%parallel_loop3A_1227, %parallel_loop3A_1228, %parallel_loop3A_1229] {strides = array<i32>} : memref<8x8x256xf32, #tpu.memory_space<vmem>>, vector<1x1x16xf32>,
        %parallel_loop3A_1231 = vector.shape_cast %parallel_loop3A_1230 : vector<1x1x16xf32> to vector<16xf32>
        %parallel_loop3A_1232 = vector.shape_cast %parallel_loop3A_1225 : vector<16xf32> to vector<1x1x16xf32>
        tpu.vector_store %arg10[%parallel_loop3A_1227, %parallel_loop3A_1228, %parallel_loop3A_1229], %parallel_loop3A_1232 {strides = array<i32>} : memref<8x8x256xf32, #tpu.memory_space<vmem>>, vector<1x1x16xf32>,
        %parallel_loop3A_1233 = arith.select %parallel_loop3A_1216, %broadcast_in_dim3A_34, %broadcast_in_dim3A_10 : vector<16xi1>, vector<16xf32>
        %parallel_loop3A_1234 = arith.constant 2 : i32
        %parallel_loop3A_1235 = arith.index_cast %parallel_loop3A_1191 : i32 to index
        %parallel_loop3A_1236 = arith.index_cast %parallel_loop3A_1234 : i32 to index
        %parallel_loop3A_1237 = arith.index_cast %parallel_loop3A_1209 : i32 to index
        %parallel_loop3A_1238 = tpu.vector_load %arg10[%parallel_loop3A_1235, %parallel_loop3A_1236, %parallel_loop3A_1237] {strides = array<i32>} : memref<8x8x256xf32, #tpu.memory_space<vmem>>, vector<1x1x16xf32>,
        %parallel_loop3A_1239 = vector.shape_cast %parallel_loop3A_1238 : vector<1x1x16xf32> to vector<16xf32>
        %parallel_loop3A_1240 = vector.shape_cast %parallel_loop3A_1233 : vector<16xf32> to vector<1x1x16xf32>
        tpu.vector_store %arg10[%parallel_loop3A_1235, %parallel_loop3A_1236, %parallel_loop3A_1237], %parallel_loop3A_1240 {strides = array<i32>} : memref<8x8x256xf32, #tpu.memory_space<vmem>>, vector<1x1x16xf32>,
        %parallel_loop3A_1241 = arith.select %parallel_loop3A_1216, %broadcast_in_dim3A_37, %broadcast_in_dim3A_13 : vector<16xi1>, vector<16xf32>
        %parallel_loop3A_1242 = arith.constant 3 : i32
        %parallel_loop3A_1243 = arith.index_cast %parallel_loop3A_1191 : i32 to index
        %parallel_loop3A_1244 = arith.index_cast %parallel_loop3A_1242 : i32 to index
        %parallel_loop3A_1245 = arith.index_cast %parallel_loop3A_1209 : i32 to index
        %parallel_loop3A_1246 = tpu.vector_load %arg10[%parallel_loop3A_1243, %parallel_loop3A_1244, %parallel_loop3A_1245] {strides = array<i32>} : memref<8x8x256xf32, #tpu.memory_space<vmem>>, vector<1x1x16xf32>,
        %parallel_loop3A_1247 = vector.shape_cast %parallel_loop3A_1246 : vector<1x1x16xf32> to vector<16xf32>
        %parallel_loop3A_1248 = vector.shape_cast %parallel_loop3A_1241 : vector<16xf32> to vector<1x1x16xf32>
        tpu.vector_store %arg10[%parallel_loop3A_1243, %parallel_loop3A_1244, %parallel_loop3A_1245], %parallel_loop3A_1248 {strides = array<i32>} : memref<8x8x256xf32, #tpu.memory_space<vmem>>, vector<1x1x16xf32>,
        %parallel_loop3A_1249 = arith.select %parallel_loop3A_1216, %broadcast_in_dim3A_40, %broadcast_in_dim3A_16 : vector<16xi1>, vector<16xf32>
        %parallel_loop3A_1250 = arith.constant 4 : i32
        %parallel_loop3A_1251 = arith.index_cast %parallel_loop3A_1191 : i32 to index
        %parallel_loop3A_1252 = arith.index_cast %parallel_loop3A_1250 : i32 to index
        %parallel_loop3A_1253 = arith.index_cast %parallel_loop3A_1209 : i32 to index
        %parallel_loop3A_1254 = tpu.vector_load %arg10[%parallel_loop3A_1251, %parallel_loop3A_1252, %parallel_loop3A_1253] {strides = array<i32>} : memref<8x8x256xf32, #tpu.memory_space<vmem>>, vector<1x1x16xf32>,
        %parallel_loop3A_1255 = vector.shape_cast %parallel_loop3A_1254 : vector<1x1x16xf32> to vector<16xf32>
        %parallel_loop3A_1256 = vector.shape_cast %parallel_loop3A_1249 : vector<16xf32> to vector<1x1x16xf32>
        tpu.vector_store %arg10[%parallel_loop3A_1251, %parallel_loop3A_1252, %parallel_loop3A_1253], %parallel_loop3A_1256 {strides = array<i32>} : memref<8x8x256xf32, #tpu.memory_space<vmem>>, vector<1x1x16xf32>,
        %parallel_loop3A_1257 = arith.select %parallel_loop3A_1216, %broadcast_in_dim3A_43, %broadcast_in_dim3A_19 : vector<16xi1>, vector<16xf32>
        %parallel_loop3A_1258 = arith.constant 5 : i32
        %parallel_loop3A_1259 = arith.index_cast %parallel_loop3A_1191 : i32 to index
        %parallel_loop3A_1260 = arith.index_cast %parallel_loop3A_1258 : i32 to index
        %parallel_loop3A_1261 = arith.index_cast %parallel_loop3A_1209 : i32 to index
        %parallel_loop3A_1262 = tpu.vector_load %arg10[%parallel_loop3A_1259, %parallel_loop3A_1260, %parallel_loop3A_1261] {strides = array<i32>} : memref<8x8x256xf32, #tpu.memory_space<vmem>>, vector<1x1x16xf32>,
        %parallel_loop3A_1263 = vector.shape_cast %parallel_loop3A_1262 : vector<1x1x16xf32> to vector<16xf32>
        %parallel_loop3A_1264 = vector.shape_cast %parallel_loop3A_1257 : vector<16xf32> to vector<1x1x16xf32>
        tpu.vector_store %arg10[%parallel_loop3A_1259, %parallel_loop3A_1260, %parallel_loop3A_1261], %parallel_loop3A_1264 {strides = array<i32>} : memref<8x8x256xf32, #tpu.memory_space<vmem>>, vector<1x1x16xf32>,
        %parallel_loop3A_1265 = arith.select %parallel_loop3A_1216, %broadcast_in_dim3A_46, %broadcast_in_dim3A_22 : vector<16xi1>, vector<16xf32>
        %parallel_loop3A_1266 = arith.constant 6 : i32
        %parallel_loop3A_1267 = arith.index_cast %parallel_loop3A_1191 : i32 to index
        %parallel_loop3A_1268 = arith.index_cast %parallel_loop3A_1266 : i32 to index
        %parallel_loop3A_1269 = arith.index_cast %parallel_loop3A_1209 : i32 to index
        %parallel_loop3A_1270 = tpu.vector_load %arg10[%parallel_loop3A_1267, %parallel_loop3A_1268, %parallel_loop3A_1269] {strides = array<i32>} : memref<8x8x256xf32, #tpu.memory_space<vmem>>, vector<1x1x16xf32>,
        %parallel_loop3A_1271 = vector.shape_cast %parallel_loop3A_1270 : vector<1x1x16xf32> to vector<16xf32>
        %parallel_loop3A_1272 = vector.shape_cast %parallel_loop3A_1265 : vector<16xf32> to vector<1x1x16xf32>
        tpu.vector_store %arg10[%parallel_loop3A_1267, %parallel_loop3A_1268, %parallel_loop3A_1269], %parallel_loop3A_1272 {strides = array<i32>} : memref<8x8x256xf32, #tpu.memory_space<vmem>>, vector<1x1x16xf32>,
        %parallel_loop3A_1273 = arith.select %parallel_loop3A_1216, %broadcast_in_dim3A_49, %broadcast_in_dim3A_25 : vector<16xi1>, vector<16xf32>
        %parallel_loop3A_1274 = arith.constant 7 : i32
        %parallel_loop3A_1275 = arith.index_cast %parallel_loop3A_1191 : i32 to index
        %parallel_loop3A_1276 = arith.index_cast %parallel_loop3A_1274 : i32 to index
        %parallel_loop3A_1277 = arith.index_cast %parallel_loop3A_1209 : i32 to index
        %parallel_loop3A_1278 = tpu.vector_load %arg10[%parallel_loop3A_1275, %parallel_loop3A_1276, %parallel_loop3A_1277] {strides = array<i32>} : memref<8x8x256xf32, #tpu.memory_space<vmem>>, vector<1x1x16xf32>,
        %parallel_loop3A_1279 = vector.shape_cast %parallel_loop3A_1278 : vector<1x1x16xf32> to vector<16xf32>
        %parallel_loop3A_1280 = vector.shape_cast %parallel_loop3A_1273 : vector<16xf32> to vector<1x1x16xf32>
        tpu.vector_store %arg10[%parallel_loop3A_1275, %parallel_loop3A_1276, %parallel_loop3A_1277], %parallel_loop3A_1280 {strides = array<i32>} : memref<8x8x256xf32, #tpu.memory_space<vmem>>, vector<1x1x16xf32>,
      } {sc.loop_unroll_factor = 2 : i64, sc.parallel_access}
      %jit3A_663 = arith.constant 8 : i32
      %div3A_664 = arith.divsi %add3A_561, %jit3A_663 : i32
      %sign3A_665 = arith.constant 0 : i32
      %sign3A_666 = arith.cmpi sgt, %add3A_561, %sign3A_665 : i32
      %sign3A_667 = arith.extui %sign3A_666 : i1 to i32
      %sign3A_668 = arith.constant 0 : i32
      %sign3A_669 = arith.cmpi slt, %add3A_561, %sign3A_668 : i32
      %sign3A_670 = arith.extui %sign3A_669 : i1 to i32
      %sign3A_671 = arith.subi %sign3A_667, %sign3A_670 : i32
      %sign3A_672 = arith.constant 0 : i32
      %sign3A_673 = arith.cmpi sgt, %jit3A_663, %sign3A_672 : i32
      %sign3A_674 = arith.extui %sign3A_673 : i1 to i32
      %sign3A_675 = arith.constant 0 : i32
      %sign3A_676 = arith.cmpi slt, %jit3A_663, %sign3A_675 : i32
      %sign3A_677 = arith.extui %sign3A_676 : i1 to i32
      %sign3A_678 = arith.subi %sign3A_674, %sign3A_677 : i32
      %ne3A_679 = arith.cmpi ne, %sign3A_671, %sign3A_678 : i32
      %rem3A_680 = arith.remsi %add3A_561, %jit3A_663 : i32
      %ne3A_681 = arith.constant 0 : i32
      %ne3A_682 = arith.cmpi ne, %rem3A_680, %ne3A_681 : i32
      %and3A_683 = arith.andi %ne3A_679, %ne3A_682 : i1
      %sub3A_684 = arith.constant 1 : i32
      %sub3A_685 = arith.subi %div3A_664, %sub3A_684 : i32
      %select_n3A_686 = arith.select %and3A_683, %sub3A_685, %div3A_664 : i32
      %add3A_687 = arith.addi %mul3A_2, %select_n3A_686 : i32
      %mul3A_688 = arith.constant 8 : i32
      %mul3A_689 = arith.muli %add3A_687, %mul3A_688 : i32
      %jit3A_690 = arith.constant 8 : i32
      %eq3A_691 = arith.constant 0 : i32
      %eq3A_692 = arith.cmpi eq, %jit3A_690, %eq3A_691 : i32
      %jit3A_693 = arith.constant 1 : i32
      %select_n3A_694 = arith.select %eq3A_692, %jit3A_693, %jit3A_690 : i32
      %rem3A_695 = arith.remsi %add3A_561, %select_n3A_694 : i32
      %ne3A_696 = arith.constant 0 : i32
      %ne3A_697 = arith.cmpi ne, %rem3A_695, %ne3A_696 : i32
      %lt3A_698 = arith.constant 0 : i32
      %lt3A_699 = arith.cmpi slt, %rem3A_695, %lt3A_698 : i32
      %lt3A_700 = arith.constant 0 : i32
      %lt3A_701 = arith.cmpi slt, %select_n3A_694, %lt3A_700 : i32
      %ne3A_702 = arith.xori %lt3A_699, %lt3A_701 : i1
      %and3A_703 = arith.andi %ne3A_702, %ne3A_697 : i1
      %add3A_704 = arith.addi %rem3A_695, %select_n3A_694 : i32
      %select_n3A_705 = arith.select %and3A_703, %add3A_704, %rem3A_695 : i32
      %mul3A_706 = arith.constant 256 : i32
      %mul3A_707 = arith.muli %select_n3A_705, %mul3A_706 : i32
      %dma_start3A_708 = arith.constant 0 : i32
      %dma_start3A_709 = tpu.memref_slice %arg4[%mul3A_689, %dma_start3A_708, %mul3A_707] : memref<4096x8x2048xf32, #tpu.memory_space<hbm>> -> memref<8x8x256xf32, #tpu.memory_space<hbm>>
      %dma_start3A_710 = arith.constant 0 : i32
      %dma_start3A_711 = tpu.memref_slice %arg4[%mul3A_689, %dma_start3A_710, %mul3A_707] : memref<4096x8x2048xf32, #tpu.memory_space<hbm>> -> memref<8x8x256xf32, #tpu.memory_space<hbm>>
      tpu.enqueue_dma source(%arg10 : memref<8x8x256xf32, #tpu.memory_space<vmem>>) target(%dma_start3A_711 : memref<8x8x256xf32, #tpu.memory_space<hbm>>) target_semaphore(%arg19 : memref<!tpu.dma_semaphore, #tpu.memory_space<semaphore_mem>>)
      %add3A_712 = arith.constant 4 : i32
      %add3A_713 = arith.addi %add3A_561, %add3A_712 : i32
      %jit3A_714 = arith.constant 8 : i32
      %div3A_715 = arith.divsi %add3A_713, %jit3A_714 : i32
      %sign3A_716 = arith.constant 0 : i32
      %sign3A_717 = arith.cmpi sgt, %add3A_713, %sign3A_716 : i32
      %sign3A_718 = arith.extui %sign3A_717 : i1 to i32
      %sign3A_719 = arith.constant 0 : i32
      %sign3A_720 = arith.cmpi slt, %add3A_713, %sign3A_719 : i32
      %sign3A_721 = arith.extui %sign3A_720 : i1 to i32
      %sign3A_722 = arith.subi %sign3A_718, %sign3A_721 : i32
      %sign3A_723 = arith.constant 0 : i32
      %sign3A_724 = arith.cmpi sgt, %jit3A_714, %sign3A_723 : i32
      %sign3A_725 = arith.extui %sign3A_724 : i1 to i32
      %sign3A_726 = arith.constant 0 : i32
      %sign3A_727 = arith.cmpi slt, %jit3A_714, %sign3A_726 : i32
      %sign3A_728 = arith.extui %sign3A_727 : i1 to i32
      %sign3A_729 = arith.subi %sign3A_725, %sign3A_728 : i32
      %ne3A_730 = arith.cmpi ne, %sign3A_722, %sign3A_729 : i32
      %rem3A_731 = arith.remsi %add3A_713, %jit3A_714 : i32
      %ne3A_732 = arith.constant 0 : i32
      %ne3A_733 = arith.cmpi ne, %rem3A_731, %ne3A_732 : i32
      %and3A_734 = arith.andi %ne3A_730, %ne3A_733 : i1
      %sub3A_735 = arith.constant 1 : i32
      %sub3A_736 = arith.subi %div3A_715, %sub3A_735 : i32
      %select_n3A_737 = arith.select %and3A_734, %sub3A_736, %div3A_715 : i32
      %add3A_738 = arith.addi %mul3A_2, %select_n3A_737 : i32
      %mul3A_739 = arith.constant 8 : i32
      %mul3A_740 = arith.muli %add3A_738, %mul3A_739 : i32
      %jit3A_741 = arith.constant 8 : i32
      %eq3A_742 = arith.constant 0 : i32
      %eq3A_743 = arith.cmpi eq, %jit3A_741, %eq3A_742 : i32
      %jit3A_744 = arith.constant 1 : i32
      %select_n3A_745 = arith.select %eq3A_743, %jit3A_744, %jit3A_741 : i32
      %rem3A_746 = arith.remsi %add3A_713, %select_n3A_745 : i32
      %ne3A_747 = arith.constant 0 : i32
      %ne3A_748 = arith.cmpi ne, %rem3A_746, %ne3A_747 : i32
      %lt3A_749 = arith.constant 0 : i32
      %lt3A_750 = arith.cmpi slt, %rem3A_746, %lt3A_749 : i32
      %lt3A_751 = arith.constant 0 : i32
      %lt3A_752 = arith.cmpi slt, %select_n3A_745, %lt3A_751 : i32
      %ne3A_753 = arith.xori %lt3A_750, %lt3A_752 : i1
      %and3A_754 = arith.andi %ne3A_753, %ne3A_748 : i1
      %add3A_755 = arith.addi %rem3A_746, %select_n3A_745 : i32
      %select_n3A_756 = arith.select %and3A_754, %add3A_755, %rem3A_746 : i32
      %mul3A_757 = arith.constant 256 : i32
      %mul3A_758 = arith.muli %select_n3A_756, %mul3A_757 : i32
      %dma_start3A_759 = tpu.memref_slice %arg2[%mul3A_740, %mul3A_758] : memref<4096x2048xf32, #tpu.memory_space<hbm>> -> memref<8x256xf32, #tpu.memory_space<hbm>>
      %dma_start3A_760 = tpu.memref_slice %arg2[%mul3A_740, %mul3A_758] : memref<4096x2048xf32, #tpu.memory_space<hbm>> -> memref<8x256xf32, #tpu.memory_space<hbm>>
      tpu.enqueue_dma source(%dma_start3A_760 : memref<8x256xf32, #tpu.memory_space<hbm>>) target(%arg6 : memref<8x256xf32, #tpu.memory_space<vmem>>) target_semaphore(%arg15 : memref<!tpu.dma_semaphore, #tpu.memory_space<semaphore_mem>>)
      %mul3A_761 = arith.constant 4 : i32
      %mul3A_762 = arith.muli %mul3A_761, %scan3A_364 : i32
      %add3A_763 = arith.constant 2 : i32
      %add3A_764 = arith.addi %mul3A_762, %add3A_763 : i32
      %jit3A_765 = arith.constant 8 : i32
      %div3A_766 = arith.divsi %add3A_764, %jit3A_765 : i32
      %sign3A_767 = arith.constant 0 : i32
      %sign3A_768 = arith.cmpi sgt, %add3A_764, %sign3A_767 : i32
      %sign3A_769 = arith.extui %sign3A_768 : i1 to i32
      %sign3A_770 = arith.constant 0 : i32
      %sign3A_771 = arith.cmpi slt, %add3A_764, %sign3A_770 : i32
      %sign3A_772 = arith.extui %sign3A_771 : i1 to i32
      %sign3A_773 = arith.subi %sign3A_769, %sign3A_772 : i32
      %sign3A_774 = arith.constant 0 : i32
      %sign3A_775 = arith.cmpi sgt, %jit3A_765, %sign3A_774 : i32
      %sign3A_776 = arith.extui %sign3A_775 : i1 to i32
      %sign3A_777 = arith.constant 0 : i32
      %sign3A_778 = arith.cmpi slt, %jit3A_765, %sign3A_777 : i32
      %sign3A_779 = arith.extui %sign3A_778 : i1 to i32
      %sign3A_780 = arith.subi %sign3A_776, %sign3A_779 : i32
      %ne3A_781 = arith.cmpi ne, %sign3A_773, %sign3A_780 : i32
      %rem3A_782 = arith.remsi %add3A_764, %jit3A_765 : i32
      %ne3A_783 = arith.constant 0 : i32
      %ne3A_784 = arith.cmpi ne, %rem3A_782, %ne3A_783 : i32
      %and3A_785 = arith.andi %ne3A_781, %ne3A_784 : i1
      %sub3A_786 = arith.constant 1 : i32
      %sub3A_787 = arith.subi %div3A_766, %sub3A_786 : i32
      %select_n3A_788 = arith.select %and3A_785, %sub3A_787, %div3A_766 : i32
      %add3A_789 = arith.addi %mul3A_2, %select_n3A_788 : i32
      %mul3A_790 = arith.constant 8 : i32
      %mul3A_791 = arith.muli %add3A_789, %mul3A_790 : i32
      %jit3A_792 = arith.constant 8 : i32
      %eq3A_793 = arith.constant 0 : i32
      %eq3A_794 = arith.cmpi eq, %jit3A_792, %eq3A_793 : i32
      %jit3A_795 = arith.constant 1 : i32
      %select_n3A_796 = arith.select %eq3A_794, %jit3A_795, %jit3A_792 : i32
      %rem3A_797 = arith.remsi %add3A_764, %select_n3A_796 : i32
      %ne3A_798 = arith.constant 0 : i32
      %ne3A_799 = arith.cmpi ne, %rem3A_797, %ne3A_798 : i32
      %lt3A_800 = arith.constant 0 : i32
      %lt3A_801 = arith.cmpi slt, %rem3A_797, %lt3A_800 : i32
      %lt3A_802 = arith.constant 0 : i32
      %lt3A_803 = arith.cmpi slt, %select_n3A_796, %lt3A_802 : i32
      %ne3A_804 = arith.xori %lt3A_801, %lt3A_803 : i1
      %and3A_805 = arith.andi %ne3A_804, %ne3A_799 : i1
      %add3A_806 = arith.addi %rem3A_797, %select_n3A_796 : i32
      %select_n3A_807 = arith.select %and3A_805, %add3A_806, %rem3A_797 : i32
      %mul3A_808 = arith.constant 256 : i32
      %mul3A_809 = arith.muli %select_n3A_807, %mul3A_808 : i32
      %dma_wait3A_810 = tpu.memref_slice %arg2[%mul3A_791, %mul3A_809] : memref<4096x2048xf32, #tpu.memory_space<hbm>> -> memref<8x256xf32, #tpu.memory_space<hbm>>
      %dma_wait3A_811 = tpu.memref_slice %arg2[%mul3A_791, %mul3A_809] : memref<4096x2048xf32, #tpu.memory_space<hbm>> -> memref<8x256xf32, #tpu.memory_space<hbm>>
      tpu.wait_dma2 semaphore(%arg16 : memref<!tpu.dma_semaphore, #tpu.memory_space<semaphore_mem>>) src(%dma_wait3A_811 : memref<8x256xf32, #tpu.memory_space<hbm>>) dst(%arg7 : memref<8x256xf32, #tpu.memory_space<vmem>>)
      %sub3A_812 = arith.constant 4 : i32
      %sub3A_813 = arith.subi %add3A_764, %sub3A_812 : i32
      %jit3A_814 = arith.constant 8 : i32
      %div3A_815 = arith.divsi %sub3A_813, %jit3A_814 : i32
      %sign3A_816 = arith.constant 0 : i32
      %sign3A_817 = arith.cmpi sgt, %sub3A_813, %sign3A_816 : i32
      %sign3A_818 = arith.extui %sign3A_817 : i1 to i32
      %sign3A_819 = arith.constant 0 : i32
      %sign3A_820 = arith.cmpi slt, %sub3A_813, %sign3A_819 : i32
      %sign3A_821 = arith.extui %sign3A_820 : i1 to i32
      %sign3A_822 = arith.subi %sign3A_818, %sign3A_821 : i32
      %sign3A_823 = arith.constant 0 : i32
      %sign3A_824 = arith.cmpi sgt, %jit3A_814, %sign3A_823 : i32
      %sign3A_825 = arith.extui %sign3A_824 : i1 to i32
      %sign3A_826 = arith.constant 0 : i32
      %sign3A_827 = arith.cmpi slt, %jit3A_814, %sign3A_826 : i32
      %sign3A_828 = arith.extui %sign3A_827 : i1 to i32
      %sign3A_829 = arith.subi %sign3A_825, %sign3A_828 : i32
      %ne3A_830 = arith.cmpi ne, %sign3A_822, %sign3A_829 : i32
      %rem3A_831 = arith.remsi %sub3A_813, %jit3A_814 : i32
      %ne3A_832 = arith.constant 0 : i32
      %ne3A_833 = arith.cmpi ne, %rem3A_831, %ne3A_832 : i32
      %and3A_834 = arith.andi %ne3A_830, %ne3A_833 : i1
      %sub3A_835 = arith.constant 1 : i32
      %sub3A_836 = arith.subi %div3A_815, %sub3A_835 : i32
      %select_n3A_837 = arith.select %and3A_834, %sub3A_836, %div3A_815 : i32
      %add3A_838 = arith.addi %mul3A_2, %select_n3A_837 : i32
      %mul3A_839 = arith.constant 8 : i32
      %mul3A_840 = arith.muli %add3A_838, %mul3A_839 : i32
      %jit3A_841 = arith.constant 8 : i32
      %eq3A_842 = arith.constant 0 : i32
      %eq3A_843 = arith.cmpi eq, %jit3A_841, %eq3A_842 : i32
      %jit3A_844 = arith.constant 1 : i32
      %select_n3A_845 = arith.select %eq3A_843, %jit3A_844, %jit3A_841 : i32
      %rem3A_846 = arith.remsi %sub3A_813, %select_n3A_845 : i32
      %ne3A_847 = arith.constant 0 : i32
      %ne3A_848 = arith.cmpi ne, %rem3A_846, %ne3A_847 : i32
      %lt3A_849 = arith.constant 0 : i32
      %lt3A_850 = arith.cmpi slt, %rem3A_846, %lt3A_849 : i32
      %lt3A_851 = arith.constant 0 : i32
      %lt3A_852 = arith.cmpi slt, %select_n3A_845, %lt3A_851 : i32
      %ne3A_853 = arith.xori %lt3A_850, %lt3A_852 : i1
      %and3A_854 = arith.andi %ne3A_853, %ne3A_848 : i1
      %add3A_855 = arith.addi %rem3A_846, %select_n3A_845 : i32
      %select_n3A_856 = arith.select %and3A_854, %add3A_855, %rem3A_846 : i32
      %mul3A_857 = arith.constant 256 : i32
      %mul3A_858 = arith.muli %select_n3A_856, %mul3A_857 : i32
      %dma_wait3A_859 = arith.constant 0 : i32
      %dma_wait3A_860 = tpu.memref_slice %arg4[%mul3A_840, %dma_wait3A_859, %mul3A_858] : memref<4096x8x2048xf32, #tpu.memory_space<hbm>> -> memref<8x8x256xf32, #tpu.memory_space<hbm>>
      %dma_wait3A_861 = arith.constant 0 : i32
      %dma_wait3A_862 = tpu.memref_slice %arg4[%mul3A_840, %dma_wait3A_861, %mul3A_858] : memref<4096x8x2048xf32, #tpu.memory_space<hbm>> -> memref<8x8x256xf32, #tpu.memory_space<hbm>>
      tpu.wait_dma2 semaphore(%arg20 : memref<!tpu.dma_semaphore, #tpu.memory_space<semaphore_mem>>) src(%arg11 : memref<8x8x256xf32, #tpu.memory_space<vmem>>) dst(%dma_wait3A_862 : memref<8x8x256xf32, #tpu.memory_space<hbm>>)
      %parallel_loop3A_863 = arith.constant 0 : i32
      %parallel_loop3A_864 = arith.constant 128 : i32
      %parallel_loop3A_865 = arith.constant 1 : i32
      scf.for %parallel_loop3A_1167 = %parallel_loop3A_863 to %parallel_loop3A_864 step %parallel_loop3A_865  : i32 {
        %parallel_loop3A_1168 = arith.constant 16 : i32
        %parallel_loop3A_1169 = arith.divsi %parallel_loop3A_1167, %parallel_loop3A_1168 : i32
        %parallel_loop3A_1170 = arith.constant 0 : i32
        %parallel_loop3A_1171 = arith.cmpi sgt, %parallel_loop3A_1167, %parallel_loop3A_1170 : i32
        %parallel_loop3A_1172 = arith.extui %parallel_loop3A_1171 : i1 to i32
        %parallel_loop3A_1173 = arith.constant 0 : i32
        %parallel_loop3A_1174 = arith.cmpi slt, %parallel_loop3A_1167, %parallel_loop3A_1173 : i32
        %parallel_loop3A_1175 = arith.extui %parallel_loop3A_1174 : i1 to i32
        %parallel_loop3A_1176 = arith.subi %parallel_loop3A_1172, %parallel_loop3A_1175 : i32
        %parallel_loop3A_1177 = arith.constant 0 : i32
        %parallel_loop3A_1178 = arith.cmpi sgt, %parallel_loop3A_1168, %parallel_loop3A_1177 : i32
        %parallel_loop3A_1179 = arith.extui %parallel_loop3A_1178 : i1 to i32
        %parallel_loop3A_1180 = arith.constant 0 : i32
        %parallel_loop3A_1181 = arith.cmpi slt, %parallel_loop3A_1168, %parallel_loop3A_1180 : i32
        %parallel_loop3A_1182 = arith.extui %parallel_loop3A_1181 : i1 to i32
        %parallel_loop3A_1183 = arith.subi %parallel_loop3A_1179, %parallel_loop3A_1182 : i32
        %parallel_loop3A_1184 = arith.cmpi ne, %parallel_loop3A_1176, %parallel_loop3A_1183 : i32
        %parallel_loop3A_1185 = arith.remsi %parallel_loop3A_1167, %parallel_loop3A_1168 : i32
        %parallel_loop3A_1186 = arith.constant 0 : i32
        %parallel_loop3A_1187 = arith.cmpi ne, %parallel_loop3A_1185, %parallel_loop3A_1186 : i32
        %parallel_loop3A_1188 = arith.andi %parallel_loop3A_1184, %parallel_loop3A_1187 : i1
        %parallel_loop3A_1189 = arith.constant 1 : i32
        %parallel_loop3A_1190 = arith.subi %parallel_loop3A_1169, %parallel_loop3A_1189 : i32
        %parallel_loop3A_1191 = arith.select %parallel_loop3A_1188, %parallel_loop3A_1190, %parallel_loop3A_1169 : i32
        %parallel_loop3A_1192 = arith.constant 16 : i32
        %parallel_loop3A_1193 = arith.constant 0 : i32
        %parallel_loop3A_1194 = arith.cmpi eq, %parallel_loop3A_1192, %parallel_loop3A_1193 : i32
        %parallel_loop3A_1195 = arith.constant 1 : i32
        %parallel_loop3A_1196 = arith.select %parallel_loop3A_1194, %parallel_loop3A_1195, %parallel_loop3A_1192 : i32
        %parallel_loop3A_1197 = arith.remsi %parallel_loop3A_1167, %parallel_loop3A_1196 : i32
        %parallel_loop3A_1198 = arith.constant 0 : i32
        %parallel_loop3A_1199 = arith.cmpi ne, %parallel_loop3A_1197, %parallel_loop3A_1198 : i32
        %parallel_loop3A_1200 = arith.constant 0 : i32
        %parallel_loop3A_1201 = arith.cmpi slt, %parallel_loop3A_1197, %parallel_loop3A_1200 : i32
        %parallel_loop3A_1202 = arith.constant 0 : i32
        %parallel_loop3A_1203 = arith.cmpi slt, %parallel_loop3A_1196, %parallel_loop3A_1202 : i32
        %parallel_loop3A_1204 = arith.xori %parallel_loop3A_1201, %parallel_loop3A_1203 : i1
        %parallel_loop3A_1205 = arith.andi %parallel_loop3A_1204, %parallel_loop3A_1199 : i1
        %parallel_loop3A_1206 = arith.addi %parallel_loop3A_1197, %parallel_loop3A_1196 : i32
        %parallel_loop3A_1207 = arith.select %parallel_loop3A_1205, %parallel_loop3A_1206, %parallel_loop3A_1197 : i32
        %parallel_loop3A_1208 = arith.constant 16 : i32
        %parallel_loop3A_1209 = arith.muli %parallel_loop3A_1207, %parallel_loop3A_1208 : i32
        %parallel_loop3A_1210 = arith.index_cast %parallel_loop3A_1191 : i32 to index
        %parallel_loop3A_1211 = arith.index_cast %parallel_loop3A_1209 : i32 to index
        %parallel_loop3A_1212 = tpu.vector_load %arg7[%parallel_loop3A_1210, %parallel_loop3A_1211] {strides = array<i32>} : memref<8x256xf32, #tpu.memory_space<vmem>>, vector<1x16xf32>,
        %parallel_loop3A_1213 = vector.shape_cast %parallel_loop3A_1212 : vector<1x16xf32> to vector<16xf32>
        %parallel_loop3A_1214 = arith.constant 0.000000e+00 : f32
        %parallel_loop3A_1215 = vector.broadcast %parallel_loop3A_1214 : f32 to vector<16xf32>
        %parallel_loop3A_1216 = arith.cmpf ogt, %parallel_loop3A_1213, %parallel_loop3A_1215 : vector<16xf32>
        %parallel_loop3A_1217 = arith.select %parallel_loop3A_1216, %broadcast_in_dim3A_28, %broadcast_in_dim3A : vector<16xi1>, vector<16xf32>
        %parallel_loop3A_1218 = arith.constant 0 : i32
        %parallel_loop3A_1219 = arith.index_cast %parallel_loop3A_1191 : i32 to index
        %parallel_loop3A_1220 = arith.index_cast %parallel_loop3A_1218 : i32 to index
        %parallel_loop3A_1221 = arith.index_cast %parallel_loop3A_1209 : i32 to index
        %parallel_loop3A_1222 = tpu.vector_load %arg11[%parallel_loop3A_1219, %parallel_loop3A_1220, %parallel_loop3A_1221] {strides = array<i32>} : memref<8x8x256xf32, #tpu.memory_space<vmem>>, vector<1x1x16xf32>,
        %parallel_loop3A_1223 = vector.shape_cast %parallel_loop3A_1222 : vector<1x1x16xf32> to vector<16xf32>
        %parallel_loop3A_1224 = vector.shape_cast %parallel_loop3A_1217 : vector<16xf32> to vector<1x1x16xf32>
        tpu.vector_store %arg11[%parallel_loop3A_1219, %parallel_loop3A_1220, %parallel_loop3A_1221], %parallel_loop3A_1224 {strides = array<i32>} : memref<8x8x256xf32, #tpu.memory_space<vmem>>, vector<1x1x16xf32>,
        %parallel_loop3A_1225 = arith.select %parallel_loop3A_1216, %broadcast_in_dim3A_31, %broadcast_in_dim3A_7 : vector<16xi1>, vector<16xf32>
        %parallel_loop3A_1226 = arith.constant 1 : i32
        %parallel_loop3A_1227 = arith.index_cast %parallel_loop3A_1191 : i32 to index
        %parallel_loop3A_1228 = arith.index_cast %parallel_loop3A_1226 : i32 to index
        %parallel_loop3A_1229 = arith.index_cast %parallel_loop3A_1209 : i32 to index
        %parallel_loop3A_1230 = tpu.vector_load %arg11[%parallel_loop3A_1227, %parallel_loop3A_1228, %parallel_loop3A_1229] {strides = array<i32>} : memref<8x8x256xf32, #tpu.memory_space<vmem>>, vector<1x1x16xf32>,
        %parallel_loop3A_1231 = vector.shape_cast %parallel_loop3A_1230 : vector<1x1x16xf32> to vector<16xf32>
        %parallel_loop3A_1232 = vector.shape_cast %parallel_loop3A_1225 : vector<16xf32> to vector<1x1x16xf32>
        tpu.vector_store %arg11[%parallel_loop3A_1227, %parallel_loop3A_1228, %parallel_loop3A_1229], %parallel_loop3A_1232 {strides = array<i32>} : memref<8x8x256xf32, #tpu.memory_space<vmem>>, vector<1x1x16xf32>,
        %parallel_loop3A_1233 = arith.select %parallel_loop3A_1216, %broadcast_in_dim3A_34, %broadcast_in_dim3A_10 : vector<16xi1>, vector<16xf32>
        %parallel_loop3A_1234 = arith.constant 2 : i32
        %parallel_loop3A_1235 = arith.index_cast %parallel_loop3A_1191 : i32 to index
        %parallel_loop3A_1236 = arith.index_cast %parallel_loop3A_1234 : i32 to index
        %parallel_loop3A_1237 = arith.index_cast %parallel_loop3A_1209 : i32 to index
        %parallel_loop3A_1238 = tpu.vector_load %arg11[%parallel_loop3A_1235, %parallel_loop3A_1236, %parallel_loop3A_1237] {strides = array<i32>} : memref<8x8x256xf32, #tpu.memory_space<vmem>>, vector<1x1x16xf32>,
        %parallel_loop3A_1239 = vector.shape_cast %parallel_loop3A_1238 : vector<1x1x16xf32> to vector<16xf32>
        %parallel_loop3A_1240 = vector.shape_cast %parallel_loop3A_1233 : vector<16xf32> to vector<1x1x16xf32>
        tpu.vector_store %arg11[%parallel_loop3A_1235, %parallel_loop3A_1236, %parallel_loop3A_1237], %parallel_loop3A_1240 {strides = array<i32>} : memref<8x8x256xf32, #tpu.memory_space<vmem>>, vector<1x1x16xf32>,
        %parallel_loop3A_1241 = arith.select %parallel_loop3A_1216, %broadcast_in_dim3A_37, %broadcast_in_dim3A_13 : vector<16xi1>, vector<16xf32>
        %parallel_loop3A_1242 = arith.constant 3 : i32
        %parallel_loop3A_1243 = arith.index_cast %parallel_loop3A_1191 : i32 to index
        %parallel_loop3A_1244 = arith.index_cast %parallel_loop3A_1242 : i32 to index
        %parallel_loop3A_1245 = arith.index_cast %parallel_loop3A_1209 : i32 to index
        %parallel_loop3A_1246 = tpu.vector_load %arg11[%parallel_loop3A_1243, %parallel_loop3A_1244, %parallel_loop3A_1245] {strides = array<i32>} : memref<8x8x256xf32, #tpu.memory_space<vmem>>, vector<1x1x16xf32>,
        %parallel_loop3A_1247 = vector.shape_cast %parallel_loop3A_1246 : vector<1x1x16xf32> to vector<16xf32>
        %parallel_loop3A_1248 = vector.shape_cast %parallel_loop3A_1241 : vector<16xf32> to vector<1x1x16xf32>
        tpu.vector_store %arg11[%parallel_loop3A_1243, %parallel_loop3A_1244, %parallel_loop3A_1245], %parallel_loop3A_1248 {strides = array<i32>} : memref<8x8x256xf32, #tpu.memory_space<vmem>>, vector<1x1x16xf32>,
        %parallel_loop3A_1249 = arith.select %parallel_loop3A_1216, %broadcast_in_dim3A_40, %broadcast_in_dim3A_16 : vector<16xi1>, vector<16xf32>
        %parallel_loop3A_1250 = arith.constant 4 : i32
        %parallel_loop3A_1251 = arith.index_cast %parallel_loop3A_1191 : i32 to index
        %parallel_loop3A_1252 = arith.index_cast %parallel_loop3A_1250 : i32 to index
        %parallel_loop3A_1253 = arith.index_cast %parallel_loop3A_1209 : i32 to index
        %parallel_loop3A_1254 = tpu.vector_load %arg11[%parallel_loop3A_1251, %parallel_loop3A_1252, %parallel_loop3A_1253] {strides = array<i32>} : memref<8x8x256xf32, #tpu.memory_space<vmem>>, vector<1x1x16xf32>,
        %parallel_loop3A_1255 = vector.shape_cast %parallel_loop3A_1254 : vector<1x1x16xf32> to vector<16xf32>
        %parallel_loop3A_1256 = vector.shape_cast %parallel_loop3A_1249 : vector<16xf32> to vector<1x1x16xf32>
        tpu.vector_store %arg11[%parallel_loop3A_1251, %parallel_loop3A_1252, %parallel_loop3A_1253], %parallel_loop3A_1256 {strides = array<i32>} : memref<8x8x256xf32, #tpu.memory_space<vmem>>, vector<1x1x16xf32>,
        %parallel_loop3A_1257 = arith.select %parallel_loop3A_1216, %broadcast_in_dim3A_43, %broadcast_in_dim3A_19 : vector<16xi1>, vector<16xf32>
        %parallel_loop3A_1258 = arith.constant 5 : i32
        %parallel_loop3A_1259 = arith.index_cast %parallel_loop3A_1191 : i32 to index
        %parallel_loop3A_1260 = arith.index_cast %parallel_loop3A_1258 : i32 to index
        %parallel_loop3A_1261 = arith.index_cast %parallel_loop3A_1209 : i32 to index
        %parallel_loop3A_1262 = tpu.vector_load %arg11[%parallel_loop3A_1259, %parallel_loop3A_1260, %parallel_loop3A_1261] {strides = array<i32>} : memref<8x8x256xf32, #tpu.memory_space<vmem>>, vector<1x1x16xf32>,
        %parallel_loop3A_1263 = vector.shape_cast %parallel_loop3A_1262 : vector<1x1x16xf32> to vector<16xf32>
        %parallel_loop3A_1264 = vector.shape_cast %parallel_loop3A_1257 : vector<16xf32> to vector<1x1x16xf32>
        tpu.vector_store %arg11[%parallel_loop3A_1259, %parallel_loop3A_1260, %parallel_loop3A_1261], %parallel_loop3A_1264 {strides = array<i32>} : memref<8x8x256xf32, #tpu.memory_space<vmem>>, vector<1x1x16xf32>,
        %parallel_loop3A_1265 = arith.select %parallel_loop3A_1216, %broadcast_in_dim3A_46, %broadcast_in_dim3A_22 : vector<16xi1>, vector<16xf32>
        %parallel_loop3A_1266 = arith.constant 6 : i32
        %parallel_loop3A_1267 = arith.index_cast %parallel_loop3A_1191 : i32 to index
        %parallel_loop3A_1268 = arith.index_cast %parallel_loop3A_1266 : i32 to index
        %parallel_loop3A_1269 = arith.index_cast %parallel_loop3A_1209 : i32 to index
        %parallel_loop3A_1270 = tpu.vector_load %arg11[%parallel_loop3A_1267, %parallel_loop3A_1268, %parallel_loop3A_1269] {strides = array<i32>} : memref<8x8x256xf32, #tpu.memory_space<vmem>>, vector<1x1x16xf32>,
        %parallel_loop3A_1271 = vector.shape_cast %parallel_loop3A_1270 : vector<1x1x16xf32> to vector<16xf32>
        %parallel_loop3A_1272 = vector.shape_cast %parallel_loop3A_1265 : vector<16xf32> to vector<1x1x16xf32>
        tpu.vector_store %arg11[%parallel_loop3A_1267, %parallel_loop3A_1268, %parallel_loop3A_1269], %parallel_loop3A_1272 {strides = array<i32>} : memref<8x8x256xf32, #tpu.memory_space<vmem>>, vector<1x1x16xf32>,
        %parallel_loop3A_1273 = arith.select %parallel_loop3A_1216, %broadcast_in_dim3A_49, %broadcast_in_dim3A_25 : vector<16xi1>, vector<16xf32>
        %parallel_loop3A_1274 = arith.constant 7 : i32
        %parallel_loop3A_1275 = arith.index_cast %parallel_loop3A_1191 : i32 to index
        %parallel_loop3A_1276 = arith.index_cast %parallel_loop3A_1274 : i32 to index
        %parallel_loop3A_1277 = arith.index_cast %parallel_loop3A_1209 : i32 to index
        %parallel_loop3A_1278 = tpu.vector_load %arg11[%parallel_loop3A_1275, %parallel_loop3A_1276, %parallel_loop3A_1277] {strides = array<i32>} : memref<8x8x256xf32, #tpu.memory_space<vmem>>, vector<1x1x16xf32>,
        %parallel_loop3A_1279 = vector.shape_cast %parallel_loop3A_1278 : vector<1x1x16xf32> to vector<16xf32>
        %parallel_loop3A_1280 = vector.shape_cast %parallel_loop3A_1273 : vector<16xf32> to vector<1x1x16xf32>
        tpu.vector_store %arg11[%parallel_loop3A_1275, %parallel_loop3A_1276, %parallel_loop3A_1277], %parallel_loop3A_1280 {strides = array<i32>} : memref<8x8x256xf32, #tpu.memory_space<vmem>>, vector<1x1x16xf32>,
      } {sc.loop_unroll_factor = 2 : i64, sc.parallel_access}
      %jit3A_866 = arith.constant 8 : i32
      %div3A_867 = arith.divsi %add3A_764, %jit3A_866 : i32
      %sign3A_868 = arith.constant 0 : i32
      %sign3A_869 = arith.cmpi sgt, %add3A_764, %sign3A_868 : i32
      %sign3A_870 = arith.extui %sign3A_869 : i1 to i32
      %sign3A_871 = arith.constant 0 : i32
      %sign3A_872 = arith.cmpi slt, %add3A_764, %sign3A_871 : i32
      %sign3A_873 = arith.extui %sign3A_872 : i1 to i32
      %sign3A_874 = arith.subi %sign3A_870, %sign3A_873 : i32
      %sign3A_875 = arith.constant 0 : i32
      %sign3A_876 = arith.cmpi sgt, %jit3A_866, %sign3A_875 : i32
      %sign3A_877 = arith.extui %sign3A_876 : i1 to i32
      %sign3A_878 = arith.constant 0 : i32
      %sign3A_879 = arith.cmpi slt, %jit3A_866, %sign3A_878 : i32
      %sign3A_880 = arith.extui %sign3A_879 : i1 to i32
      %sign3A_881 = arith.subi %sign3A_877, %sign3A_880 : i32
      %ne3A_882 = arith.cmpi ne, %sign3A_874, %sign3A_881 : i32
      %rem3A_883 = arith.remsi %add3A_764, %jit3A_866 : i32
      %ne3A_884 = arith.constant 0 : i32
      %ne3A_885 = arith.cmpi ne, %rem3A_883, %ne3A_884 : i32
      %and3A_886 = arith.andi %ne3A_882, %ne3A_885 : i1
      %sub3A_887 = arith.constant 1 : i32
      %sub3A_888 = arith.subi %div3A_867, %sub3A_887 : i32
      %select_n3A_889 = arith.select %and3A_886, %sub3A_888, %div3A_867 : i32
      %add3A_890 = arith.addi %mul3A_2, %select_n3A_889 : i32
      %mul3A_891 = arith.constant 8 : i32
      %mul3A_892 = arith.muli %add3A_890, %mul3A_891 : i32
      %jit3A_893 = arith.constant 8 : i32
      %eq3A_894 = arith.constant 0 : i32
      %eq3A_895 = arith.cmpi eq, %jit3A_893, %eq3A_894 : i32
      %jit3A_896 = arith.constant 1 : i32
      %select_n3A_897 = arith.select %eq3A_895, %jit3A_896, %jit3A_893 : i32
      %rem3A_898 = arith.remsi %add3A_764, %select_n3A_897 : i32
      %ne3A_899 = arith.constant 0 : i32
      %ne3A_900 = arith.cmpi ne, %rem3A_898, %ne3A_899 : i32
      %lt3A_901 = arith.constant 0 : i32
      %lt3A_902 = arith.cmpi slt, %rem3A_898, %lt3A_901 : i32
      %lt3A_903 = arith.constant 0 : i32
      %lt3A_904 = arith.cmpi slt, %select_n3A_897, %lt3A_903 : i32
      %ne3A_905 = arith.xori %lt3A_902, %lt3A_904 : i1
      %and3A_906 = arith.andi %ne3A_905, %ne3A_900 : i1
      %add3A_907 = arith.addi %rem3A_898, %select_n3A_897 : i32
      %select_n3A_908 = arith.select %and3A_906, %add3A_907, %rem3A_898 : i32
      %mul3A_909 = arith.constant 256 : i32
      %mul3A_910 = arith.muli %select_n3A_908, %mul3A_909 : i32
      %dma_start3A_911 = arith.constant 0 : i32
      %dma_start3A_912 = tpu.memref_slice %arg4[%mul3A_892, %dma_start3A_911, %mul3A_910] : memref<4096x8x2048xf32, #tpu.memory_space<hbm>> -> memref<8x8x256xf32, #tpu.memory_space<hbm>>
      %dma_start3A_913 = arith.constant 0 : i32
      %dma_start3A_914 = tpu.memref_slice %arg4[%mul3A_892, %dma_start3A_913, %mul3A_910] : memref<4096x8x2048xf32, #tpu.memory_space<hbm>> -> memref<8x8x256xf32, #tpu.memory_space<hbm>>
      tpu.enqueue_dma source(%arg11 : memref<8x8x256xf32, #tpu.memory_space<vmem>>) target(%dma_start3A_914 : memref<8x8x256xf32, #tpu.memory_space<hbm>>) target_semaphore(%arg20 : memref<!tpu.dma_semaphore, #tpu.memory_space<semaphore_mem>>)
      %add3A_915 = arith.constant 4 : i32
      %add3A_916 = arith.addi %add3A_764, %add3A_915 : i32
      %jit3A_917 = arith.constant 8 : i32
      %div3A_918 = arith.divsi %add3A_916, %jit3A_917 : i32
      %sign3A_919 = arith.constant 0 : i32
      %sign3A_920 = arith.cmpi sgt, %add3A_916, %sign3A_919 : i32
      %sign3A_921 = arith.extui %sign3A_920 : i1 to i32
      %sign3A_922 = arith.constant 0 : i32
      %sign3A_923 = arith.cmpi slt, %add3A_916, %sign3A_922 : i32
      %sign3A_924 = arith.extui %sign3A_923 : i1 to i32
      %sign3A_925 = arith.subi %sign3A_921, %sign3A_924 : i32
      %sign3A_926 = arith.constant 0 : i32
      %sign3A_927 = arith.cmpi sgt, %jit3A_917, %sign3A_926 : i32
      %sign3A_928 = arith.extui %sign3A_927 : i1 to i32
      %sign3A_929 = arith.constant 0 : i32
      %sign3A_930 = arith.cmpi slt, %jit3A_917, %sign3A_929 : i32
      %sign3A_931 = arith.extui %sign3A_930 : i1 to i32
      %sign3A_932 = arith.subi %sign3A_928, %sign3A_931 : i32
      %ne3A_933 = arith.cmpi ne, %sign3A_925, %sign3A_932 : i32
      %rem3A_934 = arith.remsi %add3A_916, %jit3A_917 : i32
      %ne3A_935 = arith.constant 0 : i32
      %ne3A_936 = arith.cmpi ne, %rem3A_934, %ne3A_935 : i32
      %and3A_937 = arith.andi %ne3A_933, %ne3A_936 : i1
      %sub3A_938 = arith.constant 1 : i32
      %sub3A_939 = arith.subi %div3A_918, %sub3A_938 : i32
      %select_n3A_940 = arith.select %and3A_937, %sub3A_939, %div3A_918 : i32
      %add3A_941 = arith.addi %mul3A_2, %select_n3A_940 : i32
      %mul3A_942 = arith.constant 8 : i32
      %mul3A_943 = arith.muli %add3A_941, %mul3A_942 : i32
      %jit3A_944 = arith.constant 8 : i32
      %eq3A_945 = arith.constant 0 : i32
      %eq3A_946 = arith.cmpi eq, %jit3A_944, %eq3A_945 : i32
      %jit3A_947 = arith.constant 1 : i32
      %select_n3A_948 = arith.select %eq3A_946, %jit3A_947, %jit3A_944 : i32
      %rem3A_949 = arith.remsi %add3A_916, %select_n3A_948 : i32
      %ne3A_950 = arith.constant 0 : i32
      %ne3A_951 = arith.cmpi ne, %rem3A_949, %ne3A_950 : i32
      %lt3A_952 = arith.constant 0 : i32
      %lt3A_953 = arith.cmpi slt, %rem3A_949, %lt3A_952 : i32
      %lt3A_954 = arith.constant 0 : i32
      %lt3A_955 = arith.cmpi slt, %select_n3A_948, %lt3A_954 : i32
      %ne3A_956 = arith.xori %lt3A_953, %lt3A_955 : i1
      %and3A_957 = arith.andi %ne3A_956, %ne3A_951 : i1
      %add3A_958 = arith.addi %rem3A_949, %select_n3A_948 : i32
      %select_n3A_959 = arith.select %and3A_957, %add3A_958, %rem3A_949 : i32
      %mul3A_960 = arith.constant 256 : i32
      %mul3A_961 = arith.muli %select_n3A_959, %mul3A_960 : i32
      %dma_start3A_962 = tpu.memref_slice %arg2[%mul3A_943, %mul3A_961] : memref<4096x2048xf32, #tpu.memory_space<hbm>> -> memref<8x256xf32, #tpu.memory_space<hbm>>
      %dma_start3A_963 = tpu.memref_slice %arg2[%mul3A_943, %mul3A_961] : memref<4096x2048xf32, #tpu.memory_space<hbm>> -> memref<8x256xf32, #tpu.memory_space<hbm>>
      tpu.enqueue_dma source(%dma_start3A_963 : memref<8x256xf32, #tpu.memory_space<hbm>>) target(%arg7 : memref<8x256xf32, #tpu.memory_space<vmem>>) target_semaphore(%arg16 : memref<!tpu.dma_semaphore, #tpu.memory_space<semaphore_mem>>)
      %mul3A_964 = arith.constant 4 : i32
      %mul3A_965 = arith.muli %mul3A_964, %scan3A_364 : i32
      %add3A_966 = arith.constant 3 : i32
      %add3A_967 = arith.addi %mul3A_965, %add3A_966 : i32
      %jit3A_968 = arith.constant 8 : i32
      %div3A_969 = arith.divsi %add3A_967, %jit3A_968 : i32
      %sign3A_970 = arith.constant 0 : i32
      %sign3A_971 = arith.cmpi sgt, %add3A_967, %sign3A_970 : i32
      %sign3A_972 = arith.extui %sign3A_971 : i1 to i32
      %sign3A_973 = arith.constant 0 : i32
      %sign3A_974 = arith.cmpi slt, %add3A_967, %sign3A_973 : i32
      %sign3A_975 = arith.extui %sign3A_974 : i1 to i32
      %sign3A_976 = arith.subi %sign3A_972, %sign3A_975 : i32
      %sign3A_977 = arith.constant 0 : i32
      %sign3A_978 = arith.cmpi sgt, %jit3A_968, %sign3A_977 : i32
      %sign3A_979 = arith.extui %sign3A_978 : i1 to i32
      %sign3A_980 = arith.constant 0 : i32
      %sign3A_981 = arith.cmpi slt, %jit3A_968, %sign3A_980 : i32
      %sign3A_982 = arith.extui %sign3A_981 : i1 to i32
      %sign3A_983 = arith.subi %sign3A_979, %sign3A_982 : i32
      %ne3A_984 = arith.cmpi ne, %sign3A_976, %sign3A_983 : i32
      %rem3A_985 = arith.remsi %add3A_967, %jit3A_968 : i32
      %ne3A_986 = arith.constant 0 : i32
      %ne3A_987 = arith.cmpi ne, %rem3A_985, %ne3A_986 : i32
      %and3A_988 = arith.andi %ne3A_984, %ne3A_987 : i1
      %sub3A_989 = arith.constant 1 : i32
      %sub3A_990 = arith.subi %div3A_969, %sub3A_989 : i32
      %select_n3A_991 = arith.select %and3A_988, %sub3A_990, %div3A_969 : i32
      %add3A_992 = arith.addi %mul3A_2, %select_n3A_991 : i32
      %mul3A_993 = arith.constant 8 : i32
      %mul3A_994 = arith.muli %add3A_992, %mul3A_993 : i32
      %jit3A_995 = arith.constant 8 : i32
      %eq3A_996 = arith.constant 0 : i32
      %eq3A_997 = arith.cmpi eq, %jit3A_995, %eq3A_996 : i32
      %jit3A_998 = arith.constant 1 : i32
      %select_n3A_999 = arith.select %eq3A_997, %jit3A_998, %jit3A_995 : i32
      %rem3A_1000 = arith.remsi %add3A_967, %select_n3A_999 : i32
      %ne3A_1001 = arith.constant 0 : i32
      %ne3A_1002 = arith.cmpi ne, %rem3A_1000, %ne3A_1001 : i32
      %lt3A_1003 = arith.constant 0 : i32
      %lt3A_1004 = arith.cmpi slt, %rem3A_1000, %lt3A_1003 : i32
      %lt3A_1005 = arith.constant 0 : i32
      %lt3A_1006 = arith.cmpi slt, %select_n3A_999, %lt3A_1005 : i32
      %ne3A_1007 = arith.xori %lt3A_1004, %lt3A_1006 : i1
      %and3A_1008 = arith.andi %ne3A_1007, %ne3A_1002 : i1
      %add3A_1009 = arith.addi %rem3A_1000, %select_n3A_999 : i32
      %select_n3A_1010 = arith.select %and3A_1008, %add3A_1009, %rem3A_1000 : i32
      %mul3A_1011 = arith.constant 256 : i32
      %mul3A_1012 = arith.muli %select_n3A_1010, %mul3A_1011 : i32
      %dma_wait3A_1013 = tpu.memref_slice %arg2[%mul3A_994, %mul3A_1012] : memref<4096x2048xf32, #tpu.memory_space<hbm>> -> memref<8x256xf32, #tpu.memory_space<hbm>>
      %dma_wait3A_1014 = tpu.memref_slice %arg2[%mul3A_994, %mul3A_1012] : memref<4096x2048xf32, #tpu.memory_space<hbm>> -> memref<8x256xf32, #tpu.memory_space<hbm>>
      tpu.wait_dma2 semaphore(%arg17 : memref<!tpu.dma_semaphore, #tpu.memory_space<semaphore_mem>>) src(%dma_wait3A_1014 : memref<8x256xf32, #tpu.memory_space<hbm>>) dst(%arg8 : memref<8x256xf32, #tpu.memory_space<vmem>>)
      %sub3A_1015 = arith.constant 4 : i32
      %sub3A_1016 = arith.subi %add3A_967, %sub3A_1015 : i32
      %jit3A_1017 = arith.constant 8 : i32
      %div3A_1018 = arith.divsi %sub3A_1016, %jit3A_1017 : i32
      %sign3A_1019 = arith.constant 0 : i32
      %sign3A_1020 = arith.cmpi sgt, %sub3A_1016, %sign3A_1019 : i32
      %sign3A_1021 = arith.extui %sign3A_1020 : i1 to i32
      %sign3A_1022 = arith.constant 0 : i32
      %sign3A_1023 = arith.cmpi slt, %sub3A_1016, %sign3A_1022 : i32
      %sign3A_1024 = arith.extui %sign3A_1023 : i1 to i32
      %sign3A_1025 = arith.subi %sign3A_1021, %sign3A_1024 : i32
      %sign3A_1026 = arith.constant 0 : i32
      %sign3A_1027 = arith.cmpi sgt, %jit3A_1017, %sign3A_1026 : i32
      %sign3A_1028 = arith.extui %sign3A_1027 : i1 to i32
      %sign3A_1029 = arith.constant 0 : i32
      %sign3A_1030 = arith.cmpi slt, %jit3A_1017, %sign3A_1029 : i32
      %sign3A_1031 = arith.extui %sign3A_1030 : i1 to i32
      %sign3A_1032 = arith.subi %sign3A_1028, %sign3A_1031 : i32
      %ne3A_1033 = arith.cmpi ne, %sign3A_1025, %sign3A_1032 : i32
      %rem3A_1034 = arith.remsi %sub3A_1016, %jit3A_1017 : i32
      %ne3A_1035 = arith.constant 0 : i32
      %ne3A_1036 = arith.cmpi ne, %rem3A_1034, %ne3A_1035 : i32
      %and3A_1037 = arith.andi %ne3A_1033, %ne3A_1036 : i1
      %sub3A_1038 = arith.constant 1 : i32
      %sub3A_1039 = arith.subi %div3A_1018, %sub3A_1038 : i32
      %select_n3A_1040 = arith.select %and3A_1037, %sub3A_1039, %div3A_1018 : i32
      %add3A_1041 = arith.addi %mul3A_2, %select_n3A_1040 : i32
      %mul3A_1042 = arith.constant 8 : i32
      %mul3A_1043 = arith.muli %add3A_1041, %mul3A_1042 : i32
      %jit3A_1044 = arith.constant 8 : i32
      %eq3A_1045 = arith.constant 0 : i32
      %eq3A_1046 = arith.cmpi eq, %jit3A_1044, %eq3A_1045 : i32
      %jit3A_1047 = arith.constant 1 : i32
      %select_n3A_1048 = arith.select %eq3A_1046, %jit3A_1047, %jit3A_1044 : i32
      %rem3A_1049 = arith.remsi %sub3A_1016, %select_n3A_1048 : i32
      %ne3A_1050 = arith.constant 0 : i32
      %ne3A_1051 = arith.cmpi ne, %rem3A_1049, %ne3A_1050 : i32
      %lt3A_1052 = arith.constant 0 : i32
      %lt3A_1053 = arith.cmpi slt, %rem3A_1049, %lt3A_1052 : i32
      %lt3A_1054 = arith.constant 0 : i32
      %lt3A_1055 = arith.cmpi slt, %select_n3A_1048, %lt3A_1054 : i32
      %ne3A_1056 = arith.xori %lt3A_1053, %lt3A_1055 : i1
      %and3A_1057 = arith.andi %ne3A_1056, %ne3A_1051 : i1
      %add3A_1058 = arith.addi %rem3A_1049, %select_n3A_1048 : i32
      %select_n3A_1059 = arith.select %and3A_1057, %add3A_1058, %rem3A_1049 : i32
      %mul3A_1060 = arith.constant 256 : i32
      %mul3A_1061 = arith.muli %select_n3A_1059, %mul3A_1060 : i32
      %dma_wait3A_1062 = arith.constant 0 : i32
      %dma_wait3A_1063 = tpu.memref_slice %arg4[%mul3A_1043, %dma_wait3A_1062, %mul3A_1061] : memref<4096x8x2048xf32, #tpu.memory_space<hbm>> -> memref<8x8x256xf32, #tpu.memory_space<hbm>>
      %dma_wait3A_1064 = arith.constant 0 : i32
      %dma_wait3A_1065 = tpu.memref_slice %arg4[%mul3A_1043, %dma_wait3A_1064, %mul3A_1061] : memref<4096x8x2048xf32, #tpu.memory_space<hbm>> -> memref<8x8x256xf32, #tpu.memory_space<hbm>>
      tpu.wait_dma2 semaphore(%arg21 : memref<!tpu.dma_semaphore, #tpu.memory_space<semaphore_mem>>) src(%arg12 : memref<8x8x256xf32, #tpu.memory_space<vmem>>) dst(%dma_wait3A_1065 : memref<8x8x256xf32, #tpu.memory_space<hbm>>)
      %parallel_loop3A_1066 = arith.constant 0 : i32
      %parallel_loop3A_1067 = arith.constant 128 : i32
      %parallel_loop3A_1068 = arith.constant 1 : i32
      scf.for %parallel_loop3A_1167 = %parallel_loop3A_1066 to %parallel_loop3A_1067 step %parallel_loop3A_1068  : i32 {
        %parallel_loop3A_1168 = arith.constant 16 : i32
        %parallel_loop3A_1169 = arith.divsi %parallel_loop3A_1167, %parallel_loop3A_1168 : i32
        %parallel_loop3A_1170 = arith.constant 0 : i32
        %parallel_loop3A_1171 = arith.cmpi sgt, %parallel_loop3A_1167, %parallel_loop3A_1170 : i32
        %parallel_loop3A_1172 = arith.extui %parallel_loop3A_1171 : i1 to i32
        %parallel_loop3A_1173 = arith.constant 0 : i32
        %parallel_loop3A_1174 = arith.cmpi slt, %parallel_loop3A_1167, %parallel_loop3A_1173 : i32
        %parallel_loop3A_1175 = arith.extui %parallel_loop3A_1174 : i1 to i32
        %parallel_loop3A_1176 = arith.subi %parallel_loop3A_1172, %parallel_loop3A_1175 : i32
        %parallel_loop3A_1177 = arith.constant 0 : i32
        %parallel_loop3A_1178 = arith.cmpi sgt, %parallel_loop3A_1168, %parallel_loop3A_1177 : i32
        %parallel_loop3A_1179 = arith.extui %parallel_loop3A_1178 : i1 to i32
        %parallel_loop3A_1180 = arith.constant 0 : i32
        %parallel_loop3A_1181 = arith.cmpi slt, %parallel_loop3A_1168, %parallel_loop3A_1180 : i32
        %parallel_loop3A_1182 = arith.extui %parallel_loop3A_1181 : i1 to i32
        %parallel_loop3A_1183 = arith.subi %parallel_loop3A_1179, %parallel_loop3A_1182 : i32
        %parallel_loop3A_1184 = arith.cmpi ne, %parallel_loop3A_1176, %parallel_loop3A_1183 : i32
        %parallel_loop3A_1185 = arith.remsi %parallel_loop3A_1167, %parallel_loop3A_1168 : i32
        %parallel_loop3A_1186 = arith.constant 0 : i32
        %parallel_loop3A_1187 = arith.cmpi ne, %parallel_loop3A_1185, %parallel_loop3A_1186 : i32
        %parallel_loop3A_1188 = arith.andi %parallel_loop3A_1184, %parallel_loop3A_1187 : i1
        %parallel_loop3A_1189 = arith.constant 1 : i32
        %parallel_loop3A_1190 = arith.subi %parallel_loop3A_1169, %parallel_loop3A_1189 : i32
        %parallel_loop3A_1191 = arith.select %parallel_loop3A_1188, %parallel_loop3A_1190, %parallel_loop3A_1169 : i32
        %parallel_loop3A_1192 = arith.constant 16 : i32
        %parallel_loop3A_1193 = arith.constant 0 : i32
        %parallel_loop3A_1194 = arith.cmpi eq, %parallel_loop3A_1192, %parallel_loop3A_1193 : i32
        %parallel_loop3A_1195 = arith.constant 1 : i32
        %parallel_loop3A_1196 = arith.select %parallel_loop3A_1194, %parallel_loop3A_1195, %parallel_loop3A_1192 : i32
        %parallel_loop3A_1197 = arith.remsi %parallel_loop3A_1167, %parallel_loop3A_1196 : i32
        %parallel_loop3A_1198 = arith.constant 0 : i32
        %parallel_loop3A_1199 = arith.cmpi ne, %parallel_loop3A_1197, %parallel_loop3A_1198 : i32
        %parallel_loop3A_1200 = arith.constant 0 : i32
        %parallel_loop3A_1201 = arith.cmpi slt, %parallel_loop3A_1197, %parallel_loop3A_1200 : i32
        %parallel_loop3A_1202 = arith.constant 0 : i32
        %parallel_loop3A_1203 = arith.cmpi slt, %parallel_loop3A_1196, %parallel_loop3A_1202 : i32
        %parallel_loop3A_1204 = arith.xori %parallel_loop3A_1201, %parallel_loop3A_1203 : i1
        %parallel_loop3A_1205 = arith.andi %parallel_loop3A_1204, %parallel_loop3A_1199 : i1
        %parallel_loop3A_1206 = arith.addi %parallel_loop3A_1197, %parallel_loop3A_1196 : i32
        %parallel_loop3A_1207 = arith.select %parallel_loop3A_1205, %parallel_loop3A_1206, %parallel_loop3A_1197 : i32
        %parallel_loop3A_1208 = arith.constant 16 : i32
        %parallel_loop3A_1209 = arith.muli %parallel_loop3A_1207, %parallel_loop3A_1208 : i32
        %parallel_loop3A_1210 = arith.index_cast %parallel_loop3A_1191 : i32 to index
        %parallel_loop3A_1211 = arith.index_cast %parallel_loop3A_1209 : i32 to index
        %parallel_loop3A_1212 = tpu.vector_load %arg8[%parallel_loop3A_1210, %parallel_loop3A_1211] {strides = array<i32>} : memref<8x256xf32, #tpu.memory_space<vmem>>, vector<1x16xf32>,
        %parallel_loop3A_1213 = vector.shape_cast %parallel_loop3A_1212 : vector<1x16xf32> to vector<16xf32>
        %parallel_loop3A_1214 = arith.constant 0.000000e+00 : f32
        %parallel_loop3A_1215 = vector.broadcast %parallel_loop3A_1214 : f32 to vector<16xf32>
        %parallel_loop3A_1216 = arith.cmpf ogt, %parallel_loop3A_1213, %parallel_loop3A_1215 : vector<16xf32>
        %parallel_loop3A_1217 = arith.select %parallel_loop3A_1216, %broadcast_in_dim3A_28, %broadcast_in_dim3A : vector<16xi1>, vector<16xf32>
        %parallel_loop3A_1218 = arith.constant 0 : i32
        %parallel_loop3A_1219 = arith.index_cast %parallel_loop3A_1191 : i32 to index
        %parallel_loop3A_1220 = arith.index_cast %parallel_loop3A_1218 : i32 to index
        %parallel_loop3A_1221 = arith.index_cast %parallel_loop3A_1209 : i32 to index
        %parallel_loop3A_1222 = tpu.vector_load %arg12[%parallel_loop3A_1219, %parallel_loop3A_1220, %parallel_loop3A_1221] {strides = array<i32>} : memref<8x8x256xf32, #tpu.memory_space<vmem>>, vector<1x1x16xf32>,
        %parallel_loop3A_1223 = vector.shape_cast %parallel_loop3A_1222 : vector<1x1x16xf32> to vector<16xf32>
        %parallel_loop3A_1224 = vector.shape_cast %parallel_loop3A_1217 : vector<16xf32> to vector<1x1x16xf32>
        tpu.vector_store %arg12[%parallel_loop3A_1219, %parallel_loop3A_1220, %parallel_loop3A_1221], %parallel_loop3A_1224 {strides = array<i32>} : memref<8x8x256xf32, #tpu.memory_space<vmem>>, vector<1x1x16xf32>,
        %parallel_loop3A_1225 = arith.select %parallel_loop3A_1216, %broadcast_in_dim3A_31, %broadcast_in_dim3A_7 : vector<16xi1>, vector<16xf32>
        %parallel_loop3A_1226 = arith.constant 1 : i32
        %parallel_loop3A_1227 = arith.index_cast %parallel_loop3A_1191 : i32 to index
        %parallel_loop3A_1228 = arith.index_cast %parallel_loop3A_1226 : i32 to index
        %parallel_loop3A_1229 = arith.index_cast %parallel_loop3A_1209 : i32 to index
        %parallel_loop3A_1230 = tpu.vector_load %arg12[%parallel_loop3A_1227, %parallel_loop3A_1228, %parallel_loop3A_1229] {strides = array<i32>} : memref<8x8x256xf32, #tpu.memory_space<vmem>>, vector<1x1x16xf32>,
        %parallel_loop3A_1231 = vector.shape_cast %parallel_loop3A_1230 : vector<1x1x16xf32> to vector<16xf32>
        %parallel_loop3A_1232 = vector.shape_cast %parallel_loop3A_1225 : vector<16xf32> to vector<1x1x16xf32>
        tpu.vector_store %arg12[%parallel_loop3A_1227, %parallel_loop3A_1228, %parallel_loop3A_1229], %parallel_loop3A_1232 {strides = array<i32>} : memref<8x8x256xf32, #tpu.memory_space<vmem>>, vector<1x1x16xf32>,
        %parallel_loop3A_1233 = arith.select %parallel_loop3A_1216, %broadcast_in_dim3A_34, %broadcast_in_dim3A_10 : vector<16xi1>, vector<16xf32>
        %parallel_loop3A_1234 = arith.constant 2 : i32
        %parallel_loop3A_1235 = arith.index_cast %parallel_loop3A_1191 : i32 to index
        %parallel_loop3A_1236 = arith.index_cast %parallel_loop3A_1234 : i32 to index
        %parallel_loop3A_1237 = arith.index_cast %parallel_loop3A_1209 : i32 to index
        %parallel_loop3A_1238 = tpu.vector_load %arg12[%parallel_loop3A_1235, %parallel_loop3A_1236, %parallel_loop3A_1237] {strides = array<i32>} : memref<8x8x256xf32, #tpu.memory_space<vmem>>, vector<1x1x16xf32>,
        %parallel_loop3A_1239 = vector.shape_cast %parallel_loop3A_1238 : vector<1x1x16xf32> to vector<16xf32>
        %parallel_loop3A_1240 = vector.shape_cast %parallel_loop3A_1233 : vector<16xf32> to vector<1x1x16xf32>
        tpu.vector_store %arg12[%parallel_loop3A_1235, %parallel_loop3A_1236, %parallel_loop3A_1237], %parallel_loop3A_1240 {strides = array<i32>} : memref<8x8x256xf32, #tpu.memory_space<vmem>>, vector<1x1x16xf32>,
        %parallel_loop3A_1241 = arith.select %parallel_loop3A_1216, %broadcast_in_dim3A_37, %broadcast_in_dim3A_13 : vector<16xi1>, vector<16xf32>
        %parallel_loop3A_1242 = arith.constant 3 : i32
        %parallel_loop3A_1243 = arith.index_cast %parallel_loop3A_1191 : i32 to index
        %parallel_loop3A_1244 = arith.index_cast %parallel_loop3A_1242 : i32 to index
        %parallel_loop3A_1245 = arith.index_cast %parallel_loop3A_1209 : i32 to index
        %parallel_loop3A_1246 = tpu.vector_load %arg12[%parallel_loop3A_1243, %parallel_loop3A_1244, %parallel_loop3A_1245] {strides = array<i32>} : memref<8x8x256xf32, #tpu.memory_space<vmem>>, vector<1x1x16xf32>,
        %parallel_loop3A_1247 = vector.shape_cast %parallel_loop3A_1246 : vector<1x1x16xf32> to vector<16xf32>
        %parallel_loop3A_1248 = vector.shape_cast %parallel_loop3A_1241 : vector<16xf32> to vector<1x1x16xf32>
        tpu.vector_store %arg12[%parallel_loop3A_1243, %parallel_loop3A_1244, %parallel_loop3A_1245], %parallel_loop3A_1248 {strides = array<i32>} : memref<8x8x256xf32, #tpu.memory_space<vmem>>, vector<1x1x16xf32>,
        %parallel_loop3A_1249 = arith.select %parallel_loop3A_1216, %broadcast_in_dim3A_40, %broadcast_in_dim3A_16 : vector<16xi1>, vector<16xf32>
        %parallel_loop3A_1250 = arith.constant 4 : i32
        %parallel_loop3A_1251 = arith.index_cast %parallel_loop3A_1191 : i32 to index
        %parallel_loop3A_1252 = arith.index_cast %parallel_loop3A_1250 : i32 to index
        %parallel_loop3A_1253 = arith.index_cast %parallel_loop3A_1209 : i32 to index
        %parallel_loop3A_1254 = tpu.vector_load %arg12[%parallel_loop3A_1251, %parallel_loop3A_1252, %parallel_loop3A_1253] {strides = array<i32>} : memref<8x8x256xf32, #tpu.memory_space<vmem>>, vector<1x1x16xf32>,
        %parallel_loop3A_1255 = vector.shape_cast %parallel_loop3A_1254 : vector<1x1x16xf32> to vector<16xf32>
        %parallel_loop3A_1256 = vector.shape_cast %parallel_loop3A_1249 : vector<16xf32> to vector<1x1x16xf32>
        tpu.vector_store %arg12[%parallel_loop3A_1251, %parallel_loop3A_1252, %parallel_loop3A_1253], %parallel_loop3A_1256 {strides = array<i32>} : memref<8x8x256xf32, #tpu.memory_space<vmem>>, vector<1x1x16xf32>,
        %parallel_loop3A_1257 = arith.select %parallel_loop3A_1216, %broadcast_in_dim3A_43, %broadcast_in_dim3A_19 : vector<16xi1>, vector<16xf32>
        %parallel_loop3A_1258 = arith.constant 5 : i32
        %parallel_loop3A_1259 = arith.index_cast %parallel_loop3A_1191 : i32 to index
        %parallel_loop3A_1260 = arith.index_cast %parallel_loop3A_1258 : i32 to index
        %parallel_loop3A_1261 = arith.index_cast %parallel_loop3A_1209 : i32 to index
        %parallel_loop3A_1262 = tpu.vector_load %arg12[%parallel_loop3A_1259, %parallel_loop3A_1260, %parallel_loop3A_1261] {strides = array<i32>} : memref<8x8x256xf32, #tpu.memory_space<vmem>>, vector<1x1x16xf32>,
        %parallel_loop3A_1263 = vector.shape_cast %parallel_loop3A_1262 : vector<1x1x16xf32> to vector<16xf32>
        %parallel_loop3A_1264 = vector.shape_cast %parallel_loop3A_1257 : vector<16xf32> to vector<1x1x16xf32>
        tpu.vector_store %arg12[%parallel_loop3A_1259, %parallel_loop3A_1260, %parallel_loop3A_1261], %parallel_loop3A_1264 {strides = array<i32>} : memref<8x8x256xf32, #tpu.memory_space<vmem>>, vector<1x1x16xf32>,
        %parallel_loop3A_1265 = arith.select %parallel_loop3A_1216, %broadcast_in_dim3A_46, %broadcast_in_dim3A_22 : vector<16xi1>, vector<16xf32>
        %parallel_loop3A_1266 = arith.constant 6 : i32
        %parallel_loop3A_1267 = arith.index_cast %parallel_loop3A_1191 : i32 to index
        %parallel_loop3A_1268 = arith.index_cast %parallel_loop3A_1266 : i32 to index
        %parallel_loop3A_1269 = arith.index_cast %parallel_loop3A_1209 : i32 to index
        %parallel_loop3A_1270 = tpu.vector_load %arg12[%parallel_loop3A_1267, %parallel_loop3A_1268, %parallel_loop3A_1269] {strides = array<i32>} : memref<8x8x256xf32, #tpu.memory_space<vmem>>, vector<1x1x16xf32>,
        %parallel_loop3A_1271 = vector.shape_cast %parallel_loop3A_1270 : vector<1x1x16xf32> to vector<16xf32>
        %parallel_loop3A_1272 = vector.shape_cast %parallel_loop3A_1265 : vector<16xf32> to vector<1x1x16xf32>
        tpu.vector_store %arg12[%parallel_loop3A_1267, %parallel_loop3A_1268, %parallel_loop3A_1269], %parallel_loop3A_1272 {strides = array<i32>} : memref<8x8x256xf32, #tpu.memory_space<vmem>>, vector<1x1x16xf32>,
        %parallel_loop3A_1273 = arith.select %parallel_loop3A_1216, %broadcast_in_dim3A_49, %broadcast_in_dim3A_25 : vector<16xi1>, vector<16xf32>
        %parallel_loop3A_1274 = arith.constant 7 : i32
        %parallel_loop3A_1275 = arith.index_cast %parallel_loop3A_1191 : i32 to index
        %parallel_loop3A_1276 = arith.index_cast %parallel_loop3A_1274 : i32 to index
        %parallel_loop3A_1277 = arith.index_cast %parallel_loop3A_1209 : i32 to index
        %parallel_loop3A_1278 = tpu.vector_load %arg12[%parallel_loop3A_1275, %parallel_loop3A_1276, %parallel_loop3A_1277] {strides = array<i32>} : memref<8x8x256xf32, #tpu.memory_space<vmem>>, vector<1x1x16xf32>,
        %parallel_loop3A_1279 = vector.shape_cast %parallel_loop3A_1278 : vector<1x1x16xf32> to vector<16xf32>
        %parallel_loop3A_1280 = vector.shape_cast %parallel_loop3A_1273 : vector<16xf32> to vector<1x1x16xf32>
        tpu.vector_store %arg12[%parallel_loop3A_1275, %parallel_loop3A_1276, %parallel_loop3A_1277], %parallel_loop3A_1280 {strides = array<i32>} : memref<8x8x256xf32, #tpu.memory_space<vmem>>, vector<1x1x16xf32>,
      } {sc.loop_unroll_factor = 2 : i64, sc.parallel_access}
      %jit3A_1069 = arith.constant 8 : i32
      %div3A_1070 = arith.divsi %add3A_967, %jit3A_1069 : i32
      %sign3A_1071 = arith.constant 0 : i32
      %sign3A_1072 = arith.cmpi sgt, %add3A_967, %sign3A_1071 : i32
      %sign3A_1073 = arith.extui %sign3A_1072 : i1 to i32
      %sign3A_1074 = arith.constant 0 : i32
      %sign3A_1075 = arith.cmpi slt, %add3A_967, %sign3A_1074 : i32
      %sign3A_1076 = arith.extui %sign3A_1075 : i1 to i32
      %sign3A_1077 = arith.subi %sign3A_1073, %sign3A_1076 : i32
      %sign3A_1078 = arith.constant 0 : i32
      %sign3A_1079 = arith.cmpi sgt, %jit3A_1069, %sign3A_1078 : i32
      %sign3A_1080 = arith.extui %sign3A_1079 : i1 to i32
      %sign3A_1081 = arith.constant 0 : i32
      %sign3A_1082 = arith.cmpi slt, %jit3A_1069, %sign3A_1081 : i32
      %sign3A_1083 = arith.extui %sign3A_1082 : i1 to i32
      %sign3A_1084 = arith.subi %sign3A_1080, %sign3A_1083 : i32
      %ne3A_1085 = arith.cmpi ne, %sign3A_1077, %sign3A_1084 : i32
      %rem3A_1086 = arith.remsi %add3A_967, %jit3A_1069 : i32
      %ne3A_1087 = arith.constant 0 : i32
      %ne3A_1088 = arith.cmpi ne, %rem3A_1086, %ne3A_1087 : i32
      %and3A_1089 = arith.andi %ne3A_1085, %ne3A_1088 : i1
      %sub3A_1090 = arith.constant 1 : i32
      %sub3A_1091 = arith.subi %div3A_1070, %sub3A_1090 : i32
      %select_n3A_1092 = arith.select %and3A_1089, %sub3A_1091, %div3A_1070 : i32
      %add3A_1093 = arith.addi %mul3A_2, %select_n3A_1092 : i32
      %mul3A_1094 = arith.constant 8 : i32
      %mul3A_1095 = arith.muli %add3A_1093, %mul3A_1094 : i32
      %jit3A_1096 = arith.constant 8 : i32
      %eq3A_1097 = arith.constant 0 : i32
      %eq3A_1098 = arith.cmpi eq, %jit3A_1096, %eq3A_1097 : i32
      %jit3A_1099 = arith.constant 1 : i32
      %select_n3A_1100 = arith.select %eq3A_1098, %jit3A_1099, %jit3A_1096 : i32
      %rem3A_1101 = arith.remsi %add3A_967, %select_n3A_1100 : i32
      %ne3A_1102 = arith.constant 0 : i32
      %ne3A_1103 = arith.cmpi ne, %rem3A_1101, %ne3A_1102 : i32
      %lt3A_1104 = arith.constant 0 : i32
      %lt3A_1105 = arith.cmpi slt, %rem3A_1101, %lt3A_1104 : i32
      %lt3A_1106 = arith.constant 0 : i32
      %lt3A_1107 = arith.cmpi slt, %select_n3A_1100, %lt3A_1106 : i32
      %ne3A_1108 = arith.xori %lt3A_1105, %lt3A_1107 : i1
      %and3A_1109 = arith.andi %ne3A_1108, %ne3A_1103 : i1
      %add3A_1110 = arith.addi %rem3A_1101, %select_n3A_1100 : i32
      %select_n3A_1111 = arith.select %and3A_1109, %add3A_1110, %rem3A_1101 : i32
      %mul3A_1112 = arith.constant 256 : i32
      %mul3A_1113 = arith.muli %select_n3A_1111, %mul3A_1112 : i32
      %dma_start3A_1114 = arith.constant 0 : i32
      %dma_start3A_1115 = tpu.memref_slice %arg4[%mul3A_1095, %dma_start3A_1114, %mul3A_1113] : memref<4096x8x2048xf32, #tpu.memory_space<hbm>> -> memref<8x8x256xf32, #tpu.memory_space<hbm>>
      %dma_start3A_1116 = arith.constant 0 : i32
      %dma_start3A_1117 = tpu.memref_slice %arg4[%mul3A_1095, %dma_start3A_1116, %mul3A_1113] : memref<4096x8x2048xf32, #tpu.memory_space<hbm>> -> memref<8x8x256xf32, #tpu.memory_space<hbm>>
      tpu.enqueue_dma source(%arg12 : memref<8x8x256xf32, #tpu.memory_space<vmem>>) target(%dma_start3A_1117 : memref<8x8x256xf32, #tpu.memory_space<hbm>>) target_semaphore(%arg21 : memref<!tpu.dma_semaphore, #tpu.memory_space<semaphore_mem>>)
      %add3A_1118 = arith.constant 4 : i32
      %add3A_1119 = arith.addi %add3A_967, %add3A_1118 : i32
      %jit3A_1120 = arith.constant 8 : i32
      %div3A_1121 = arith.divsi %add3A_1119, %jit3A_1120 : i32
      %sign3A_1122 = arith.constant 0 : i32
      %sign3A_1123 = arith.cmpi sgt, %add3A_1119, %sign3A_1122 : i32
      %sign3A_1124 = arith.extui %sign3A_1123 : i1 to i32
      %sign3A_1125 = arith.constant 0 : i32
      %sign3A_1126 = arith.cmpi slt, %add3A_1119, %sign3A_1125 : i32
      %sign3A_1127 = arith.extui %sign3A_1126 : i1 to i32
      %sign3A_1128 = arith.subi %sign3A_1124, %sign3A_1127 : i32
      %sign3A_1129 = arith.constant 0 : i32
      %sign3A_1130 = arith.cmpi sgt, %jit3A_1120, %sign3A_1129 : i32
      %sign3A_1131 = arith.extui %sign3A_1130 : i1 to i32
      %sign3A_1132 = arith.constant 0 : i32
      %sign3A_1133 = arith.cmpi slt, %jit3A_1120, %sign3A_1132 : i32
      %sign3A_1134 = arith.extui %sign3A_1133 : i1 to i32
      %sign3A_1135 = arith.subi %sign3A_1131, %sign3A_1134 : i32
      %ne3A_1136 = arith.cmpi ne, %sign3A_1128, %sign3A_1135 : i32
      %rem3A_1137 = arith.remsi %add3A_1119, %jit3A_1120 : i32
      %ne3A_1138 = arith.constant 0 : i32
      %ne3A_1139 = arith.cmpi ne, %rem3A_1137, %ne3A_1138 : i32
      %and3A_1140 = arith.andi %ne3A_1136, %ne3A_1139 : i1
      %sub3A_1141 = arith.constant 1 : i32
      %sub3A_1142 = arith.subi %div3A_1121, %sub3A_1141 : i32
      %select_n3A_1143 = arith.select %and3A_1140, %sub3A_1142, %div3A_1121 : i32
      %add3A_1144 = arith.addi %mul3A_2, %select_n3A_1143 : i32
      %mul3A_1145 = arith.constant 8 : i32
      %mul3A_1146 = arith.muli %add3A_1144, %mul3A_1145 : i32
      %jit3A_1147 = arith.constant 8 : i32
      %eq3A_1148 = arith.constant 0 : i32
      %eq3A_1149 = arith.cmpi eq, %jit3A_1147, %eq3A_1148 : i32
      %jit3A_1150 = arith.constant 1 : i32
      %select_n3A_1151 = arith.select %eq3A_1149, %jit3A_1150, %jit3A_1147 : i32
      %rem3A_1152 = arith.remsi %add3A_1119, %select_n3A_1151 : i32
      %ne3A_1153 = arith.constant 0 : i32
      %ne3A_1154 = arith.cmpi ne, %rem3A_1152, %ne3A_1153 : i32
      %lt3A_1155 = arith.constant 0 : i32
      %lt3A_1156 = arith.cmpi slt, %rem3A_1152, %lt3A_1155 : i32
      %lt3A_1157 = arith.constant 0 : i32
      %lt3A_1158 = arith.cmpi slt, %select_n3A_1151, %lt3A_1157 : i32
      %ne3A_1159 = arith.xori %lt3A_1156, %lt3A_1158 : i1
      %and3A_1160 = arith.andi %ne3A_1159, %ne3A_1154 : i1
      %add3A_1161 = arith.addi %rem3A_1152, %select_n3A_1151 : i32
      %select_n3A_1162 = arith.select %and3A_1160, %add3A_1161, %rem3A_1152 : i32
      %mul3A_1163 = arith.constant 256 : i32
      %mul3A_1164 = arith.muli %select_n3A_1162, %mul3A_1163 : i32
      %dma_start3A_1165 = tpu.memref_slice %arg2[%mul3A_1146, %mul3A_1164] : memref<4096x2048xf32, #tpu.memory_space<hbm>> -> memref<8x256xf32, #tpu.memory_space<hbm>>
      %dma_start3A_1166 = tpu.memref_slice %arg2[%mul3A_1146, %mul3A_1164] : memref<4096x2048xf32, #tpu.memory_space<hbm>> -> memref<8x256xf32, #tpu.memory_space<hbm>>
      tpu.enqueue_dma source(%dma_start3A_1166 : memref<8x256xf32, #tpu.memory_space<hbm>>) target(%arg8 : memref<8x256xf32, #tpu.memory_space<vmem>>) target_semaphore(%arg17 : memref<!tpu.dma_semaphore, #tpu.memory_space<semaphore_mem>>)
    }
    %scan3A_199 = arith.constant 30 : i32
    %add3A_200 = arith.constant 15 : i32
    %add3A_201 = arith.addi %mul3A_2, %add3A_200 : i32
    %mul3A_202 = arith.constant 8 : i32
    %mul3A_203 = arith.muli %add3A_201, %mul3A_202 : i32
    %dma_wait3A_204 = arith.constant 1024 : i32
    %dma_wait3A_205 = tpu.memref_slice %arg2[%mul3A_203, %dma_wait3A_204] : memref<4096x2048xf32, #tpu.memory_space<hbm>> -> memref<8x256xf32, #tpu.memory_space<hbm>>
    %dma_wait3A_206 = arith.constant 1024 : i32
    %dma_wait3A_207 = tpu.memref_slice %arg2[%mul3A_203, %dma_wait3A_206] : memref<4096x2048xf32, #tpu.memory_space<hbm>> -> memref<8x256xf32, #tpu.memory_space<hbm>>
    tpu.wait_dma2 semaphore(%arg14 : memref<!tpu.dma_semaphore, #tpu.memory_space<semaphore_mem>>) src(%dma_wait3A_207 : memref<8x256xf32, #tpu.memory_space<hbm>>) dst(%arg5 : memref<8x256xf32, #tpu.memory_space<vmem>>)
    %add3A_208 = arith.constant 15 : i32
    %add3A_209 = arith.addi %mul3A_2, %add3A_208 : i32
    %mul3A_210 = arith.constant 8 : i32
    %mul3A_211 = arith.muli %add3A_209, %mul3A_210 : i32
    %dma_wait3A_212 = arith.constant 0 : i32
    %dma_wait3A_213 = arith.constant 0 : i32
    %dma_wait3A_214 = tpu.memref_slice %arg4[%mul3A_211, %dma_wait3A_212, %dma_wait3A_213] : memref<4096x8x2048xf32, #tpu.memory_space<hbm>> -> memref<8x8x256xf32, #tpu.memory_space<hbm>>
    %dma_wait3A_215 = arith.constant 0 : i32
    %dma_wait3A_216 = arith.constant 0 : i32
    %dma_wait3A_217 = tpu.memref_slice %arg4[%mul3A_211, %dma_wait3A_215, %dma_wait3A_216] : memref<4096x8x2048xf32, #tpu.memory_space<hbm>> -> memref<8x8x256xf32, #tpu.memory_space<hbm>>
    tpu.wait_dma2 semaphore(%arg18 : memref<!tpu.dma_semaphore, #tpu.memory_space<semaphore_mem>>) src(%arg9 : memref<8x8x256xf32, #tpu.memory_space<vmem>>) dst(%dma_wait3A_217 : memref<8x8x256xf32, #tpu.memory_space<hbm>>)
    %parallel_loop3A_218 = arith.constant 0 : i32
    %parallel_loop3A_219 = arith.constant 128 : i32
    %parallel_loop3A_220 = arith.constant 1 : i32
    scf.for %parallel_loop3A_364 = %parallel_loop3A_218 to %parallel_loop3A_219 step %parallel_loop3A_220  : i32 {
      %parallel_loop3A_365 = arith.constant 16 : i32
      %parallel_loop3A_366 = arith.divsi %parallel_loop3A_364, %parallel_loop3A_365 : i32
      %parallel_loop3A_367 = arith.constant 0 : i32
      %parallel_loop3A_368 = arith.cmpi sgt, %parallel_loop3A_364, %parallel_loop3A_367 : i32
      %parallel_loop3A_369 = arith.extui %parallel_loop3A_368 : i1 to i32
      %parallel_loop3A_370 = arith.constant 0 : i32
      %parallel_loop3A_371 = arith.cmpi slt, %parallel_loop3A_364, %parallel_loop3A_370 : i32
      %parallel_loop3A_372 = arith.extui %parallel_loop3A_371 : i1 to i32
      %parallel_loop3A_373 = arith.subi %parallel_loop3A_369, %parallel_loop3A_372 : i32
      %parallel_loop3A_374 = arith.constant 0 : i32
      %parallel_loop3A_375 = arith.cmpi sgt, %parallel_loop3A_365, %parallel_loop3A_374 : i32
      %parallel_loop3A_376 = arith.extui %parallel_loop3A_375 : i1 to i32
      %parallel_loop3A_377 = arith.constant 0 : i32
      %parallel_loop3A_378 = arith.cmpi slt, %parallel_loop3A_365, %parallel_loop3A_377 : i32
      %parallel_loop3A_379 = arith.extui %parallel_loop3A_378 : i1 to i32
      %parallel_loop3A_380 = arith.subi %parallel_loop3A_376, %parallel_loop3A_379 : i32
      %parallel_loop3A_381 = arith.cmpi ne, %parallel_loop3A_373, %parallel_loop3A_380 : i32
      %parallel_loop3A_382 = arith.remsi %parallel_loop3A_364, %parallel_loop3A_365 : i32
      %parallel_loop3A_383 = arith.constant 0 : i32
      %parallel_loop3A_384 = arith.cmpi ne, %parallel_loop3A_382, %parallel_loop3A_383 : i32
      %parallel_loop3A_385 = arith.andi %parallel_loop3A_381, %parallel_loop3A_384 : i1
      %parallel_loop3A_386 = arith.constant 1 : i32
      %parallel_loop3A_387 = arith.subi %parallel_loop3A_366, %parallel_loop3A_386 : i32
      %parallel_loop3A_388 = arith.select %parallel_loop3A_385, %parallel_loop3A_387, %parallel_loop3A_366 : i32
      %parallel_loop3A_389 = arith.constant 16 : i32
      %parallel_loop3A_390 = arith.constant 0 : i32
      %parallel_loop3A_391 = arith.cmpi eq, %parallel_loop3A_389, %parallel_loop3A_390 : i32
      %parallel_loop3A_392 = arith.constant 1 : i32
      %parallel_loop3A_393 = arith.select %parallel_loop3A_391, %parallel_loop3A_392, %parallel_loop3A_389 : i32
      %parallel_loop3A_394 = arith.remsi %parallel_loop3A_364, %parallel_loop3A_393 : i32
      %parallel_loop3A_395 = arith.constant 0 : i32
      %parallel_loop3A_396 = arith.cmpi ne, %parallel_loop3A_394, %parallel_loop3A_395 : i32
      %parallel_loop3A_397 = arith.constant 0 : i32
      %parallel_loop3A_398 = arith.cmpi slt, %parallel_loop3A_394, %parallel_loop3A_397 : i32
      %parallel_loop3A_399 = arith.constant 0 : i32
      %parallel_loop3A_400 = arith.cmpi slt, %parallel_loop3A_393, %parallel_loop3A_399 : i32
      %parallel_loop3A_401 = arith.xori %parallel_loop3A_398, %parallel_loop3A_400 : i1
      %parallel_loop3A_402 = arith.andi %parallel_loop3A_401, %parallel_loop3A_396 : i1
      %parallel_loop3A_403 = arith.addi %parallel_loop3A_394, %parallel_loop3A_393 : i32
      %parallel_loop3A_404 = arith.select %parallel_loop3A_402, %parallel_loop3A_403, %parallel_loop3A_394 : i32
      %parallel_loop3A_405 = arith.constant 16 : i32
      %parallel_loop3A_406 = arith.muli %parallel_loop3A_404, %parallel_loop3A_405 : i32
      %parallel_loop3A_407 = arith.index_cast %parallel_loop3A_388 : i32 to index
      %parallel_loop3A_408 = arith.index_cast %parallel_loop3A_406 : i32 to index
      %parallel_loop3A_409 = tpu.vector_load %arg5[%parallel_loop3A_407, %parallel_loop3A_408] {strides = array<i32>} : memref<8x256xf32, #tpu.memory_space<vmem>>, vector<1x16xf32>,
      %parallel_loop3A_410 = vector.shape_cast %parallel_loop3A_409 : vector<1x16xf32> to vector<16xf32>
      %parallel_loop3A_411 = arith.constant 0.000000e+00 : f32
      %parallel_loop3A_412 = vector.broadcast %parallel_loop3A_411 : f32 to vector<16xf32>
      %parallel_loop3A_413 = arith.cmpf ogt, %parallel_loop3A_410, %parallel_loop3A_412 : vector<16xf32>
      %parallel_loop3A_414 = arith.select %parallel_loop3A_413, %broadcast_in_dim3A_28, %broadcast_in_dim3A : vector<16xi1>, vector<16xf32>
      %parallel_loop3A_415 = arith.constant 0 : i32
      %parallel_loop3A_416 = arith.index_cast %parallel_loop3A_388 : i32 to index
      %parallel_loop3A_417 = arith.index_cast %parallel_loop3A_415 : i32 to index
      %parallel_loop3A_418 = arith.index_cast %parallel_loop3A_406 : i32 to index
      %parallel_loop3A_419 = tpu.vector_load %arg9[%parallel_loop3A_416, %parallel_loop3A_417, %parallel_loop3A_418] {strides = array<i32>} : memref<8x8x256xf32, #tpu.memory_space<vmem>>, vector<1x1x16xf32>,
      %parallel_loop3A_420 = vector.shape_cast %parallel_loop3A_419 : vector<1x1x16xf32> to vector<16xf32>
      %parallel_loop3A_421 = vector.shape_cast %parallel_loop3A_414 : vector<16xf32> to vector<1x1x16xf32>
      tpu.vector_store %arg9[%parallel_loop3A_416, %parallel_loop3A_417, %parallel_loop3A_418], %parallel_loop3A_421 {strides = array<i32>} : memref<8x8x256xf32, #tpu.memory_space<vmem>>, vector<1x1x16xf32>,
      %parallel_loop3A_422 = arith.select %parallel_loop3A_413, %broadcast_in_dim3A_31, %broadcast_in_dim3A_7 : vector<16xi1>, vector<16xf32>
      %parallel_loop3A_423 = arith.constant 1 : i32
      %parallel_loop3A_424 = arith.index_cast %parallel_loop3A_388 : i32 to index
      %parallel_loop3A_425 = arith.index_cast %parallel_loop3A_423 : i32 to index
      %parallel_loop3A_426 = arith.index_cast %parallel_loop3A_406 : i32 to index
      %parallel_loop3A_427 = tpu.vector_load %arg9[%parallel_loop3A_424, %parallel_loop3A_425, %parallel_loop3A_426] {strides = array<i32>} : memref<8x8x256xf32, #tpu.memory_space<vmem>>, vector<1x1x16xf32>,
      %parallel_loop3A_428 = vector.shape_cast %parallel_loop3A_427 : vector<1x1x16xf32> to vector<16xf32>
      %parallel_loop3A_429 = vector.shape_cast %parallel_loop3A_422 : vector<16xf32> to vector<1x1x16xf32>
      tpu.vector_store %arg9[%parallel_loop3A_424, %parallel_loop3A_425, %parallel_loop3A_426], %parallel_loop3A_429 {strides = array<i32>} : memref<8x8x256xf32, #tpu.memory_space<vmem>>, vector<1x1x16xf32>,
      %parallel_loop3A_430 = arith.select %parallel_loop3A_413, %broadcast_in_dim3A_34, %broadcast_in_dim3A_10 : vector<16xi1>, vector<16xf32>
      %parallel_loop3A_431 = arith.constant 2 : i32
      %parallel_loop3A_432 = arith.index_cast %parallel_loop3A_388 : i32 to index
      %parallel_loop3A_433 = arith.index_cast %parallel_loop3A_431 : i32 to index
      %parallel_loop3A_434 = arith.index_cast %parallel_loop3A_406 : i32 to index
      %parallel_loop3A_435 = tpu.vector_load %arg9[%parallel_loop3A_432, %parallel_loop3A_433, %parallel_loop3A_434] {strides = array<i32>} : memref<8x8x256xf32, #tpu.memory_space<vmem>>, vector<1x1x16xf32>,
      %parallel_loop3A_436 = vector.shape_cast %parallel_loop3A_435 : vector<1x1x16xf32> to vector<16xf32>
      %parallel_loop3A_437 = vector.shape_cast %parallel_loop3A_430 : vector<16xf32> to vector<1x1x16xf32>
      tpu.vector_store %arg9[%parallel_loop3A_432, %parallel_loop3A_433, %parallel_loop3A_434], %parallel_loop3A_437 {strides = array<i32>} : memref<8x8x256xf32, #tpu.memory_space<vmem>>, vector<1x1x16xf32>,
      %parallel_loop3A_438 = arith.select %parallel_loop3A_413, %broadcast_in_dim3A_37, %broadcast_in_dim3A_13 : vector<16xi1>, vector<16xf32>
      %parallel_loop3A_439 = arith.constant 3 : i32
      %parallel_loop3A_440 = arith.index_cast %parallel_loop3A_388 : i32 to index
      %parallel_loop3A_441 = arith.index_cast %parallel_loop3A_439 : i32 to index
      %parallel_loop3A_442 = arith.index_cast %parallel_loop3A_406 : i32 to index
      %parallel_loop3A_443 = tpu.vector_load %arg9[%parallel_loop3A_440, %parallel_loop3A_441, %parallel_loop3A_442] {strides = array<i32>} : memref<8x8x256xf32, #tpu.memory_space<vmem>>, vector<1x1x16xf32>,
      %parallel_loop3A_444 = vector.shape_cast %parallel_loop3A_443 : vector<1x1x16xf32> to vector<16xf32>
      %parallel_loop3A_445 = vector.shape_cast %parallel_loop3A_438 : vector<16xf32> to vector<1x1x16xf32>
      tpu.vector_store %arg9[%parallel_loop3A_440, %parallel_loop3A_441, %parallel_loop3A_442], %parallel_loop3A_445 {strides = array<i32>} : memref<8x8x256xf32, #tpu.memory_space<vmem>>, vector<1x1x16xf32>,
      %parallel_loop3A_446 = arith.select %parallel_loop3A_413, %broadcast_in_dim3A_40, %broadcast_in_dim3A_16 : vector<16xi1>, vector<16xf32>
      %parallel_loop3A_447 = arith.constant 4 : i32
      %parallel_loop3A_448 = arith.index_cast %parallel_loop3A_388 : i32 to index
      %parallel_loop3A_449 = arith.index_cast %parallel_loop3A_447 : i32 to index
      %parallel_loop3A_450 = arith.index_cast %parallel_loop3A_406 : i32 to index
      %parallel_loop3A_451 = tpu.vector_load %arg9[%parallel_loop3A_448, %parallel_loop3A_449, %parallel_loop3A_450] {strides = array<i32>} : memref<8x8x256xf32, #tpu.memory_space<vmem>>, vector<1x1x16xf32>,
      %parallel_loop3A_452 = vector.shape_cast %parallel_loop3A_451 : vector<1x1x16xf32> to vector<16xf32>
      %parallel_loop3A_453 = vector.shape_cast %parallel_loop3A_446 : vector<16xf32> to vector<1x1x16xf32>
      tpu.vector_store %arg9[%parallel_loop3A_448, %parallel_loop3A_449, %parallel_loop3A_450], %parallel_loop3A_453 {strides = array<i32>} : memref<8x8x256xf32, #tpu.memory_space<vmem>>, vector<1x1x16xf32>,
      %parallel_loop3A_454 = arith.select %parallel_loop3A_413, %broadcast_in_dim3A_43, %broadcast_in_dim3A_19 : vector<16xi1>, vector<16xf32>
      %parallel_loop3A_455 = arith.constant 5 : i32
      %parallel_loop3A_456 = arith.index_cast %parallel_loop3A_388 : i32 to index
      %parallel_loop3A_457 = arith.index_cast %parallel_loop3A_455 : i32 to index
      %parallel_loop3A_458 = arith.index_cast %parallel_loop3A_406 : i32 to index
      %parallel_loop3A_459 = tpu.vector_load %arg9[%parallel_loop3A_456, %parallel_loop3A_457, %parallel_loop3A_458] {strides = array<i32>} : memref<8x8x256xf32, #tpu.memory_space<vmem>>, vector<1x1x16xf32>,
      %parallel_loop3A_460 = vector.shape_cast %parallel_loop3A_459 : vector<1x1x16xf32> to vector<16xf32>
      %parallel_loop3A_461 = vector.shape_cast %parallel_loop3A_454 : vector<16xf32> to vector<1x1x16xf32>
      tpu.vector_store %arg9[%parallel_loop3A_456, %parallel_loop3A_457, %parallel_loop3A_458], %parallel_loop3A_461 {strides = array<i32>} : memref<8x8x256xf32, #tpu.memory_space<vmem>>, vector<1x1x16xf32>,
      %parallel_loop3A_462 = arith.select %parallel_loop3A_413, %broadcast_in_dim3A_46, %broadcast_in_dim3A_22 : vector<16xi1>, vector<16xf32>
      %parallel_loop3A_463 = arith.constant 6 : i32
      %parallel_loop3A_464 = arith.index_cast %parallel_loop3A_388 : i32 to index
      %parallel_loop3A_465 = arith.index_cast %parallel_loop3A_463 : i32 to index
      %parallel_loop3A_466 = arith.index_cast %parallel_loop3A_406 : i32 to index
      %parallel_loop3A_467 = tpu.vector_load %arg9[%parallel_loop3A_464, %parallel_loop3A_465, %parallel_loop3A_466] {strides = array<i32>} : memref<8x8x256xf32, #tpu.memory_space<vmem>>, vector<1x1x16xf32>,
      %parallel_loop3A_468 = vector.shape_cast %parallel_loop3A_467 : vector<1x1x16xf32> to vector<16xf32>
      %parallel_loop3A_469 = vector.shape_cast %parallel_loop3A_462 : vector<16xf32> to vector<1x1x16xf32>
      tpu.vector_store %arg9[%parallel_loop3A_464, %parallel_loop3A_465, %parallel_loop3A_466], %parallel_loop3A_469 {strides = array<i32>} : memref<8x8x256xf32, #tpu.memory_space<vmem>>, vector<1x1x16xf32>,
      %parallel_loop3A_470 = arith.select %parallel_loop3A_413, %broadcast_in_dim3A_49, %broadcast_in_dim3A_25 : vector<16xi1>, vector<16xf32>
      %parallel_loop3A_471 = arith.constant 7 : i32
      %parallel_loop3A_472 = arith.index_cast %parallel_loop3A_388 : i32 to index
      %parallel_loop3A_473 = arith.index_cast %parallel_loop3A_471 : i32 to index
      %parallel_loop3A_474 = arith.index_cast %parallel_loop3A_406 : i32 to index
      %parallel_loop3A_475 = tpu.vector_load %arg9[%parallel_loop3A_472, %parallel_loop3A_473, %parallel_loop3A_474] {strides = array<i32>} : memref<8x8x256xf32, #tpu.memory_space<vmem>>, vector<1x1x16xf32>,
      %parallel_loop3A_476 = vector.shape_cast %parallel_loop3A_475 : vector<1x1x16xf32> to vector<16xf32>
      %parallel_loop3A_477 = vector.shape_cast %parallel_loop3A_470 : vector<16xf32> to vector<1x1x16xf32>
      tpu.vector_store %arg9[%parallel_loop3A_472, %parallel_loop3A_473, %parallel_loop3A_474], %parallel_loop3A_477 {strides = array<i32>} : memref<8x8x256xf32, #tpu.memory_space<vmem>>, vector<1x1x16xf32>,
    } {sc.loop_unroll_factor = 2 : i64, sc.parallel_access}
    %add3A_221 = arith.constant 15 : i32
    %add3A_222 = arith.addi %mul3A_2, %add3A_221 : i32
    %mul3A_223 = arith.constant 8 : i32
    %mul3A_224 = arith.muli %add3A_222, %mul3A_223 : i32
    %dma_start3A_225 = arith.constant 0 : i32
    %dma_start3A_226 = arith.constant 1024 : i32
    %dma_start3A_227 = tpu.memref_slice %arg4[%mul3A_224, %dma_start3A_225, %dma_start3A_226] : memref<4096x8x2048xf32, #tpu.memory_space<hbm>> -> memref<8x8x256xf32, #tpu.memory_space<hbm>>
    %dma_start3A_228 = arith.constant 0 : i32
    %dma_start3A_229 = arith.constant 1024 : i32
    %dma_start3A_230 = tpu.memref_slice %arg4[%mul3A_224, %dma_start3A_228, %dma_start3A_229] : memref<4096x8x2048xf32, #tpu.memory_space<hbm>> -> memref<8x8x256xf32, #tpu.memory_space<hbm>>
    tpu.enqueue_dma source(%arg9 : memref<8x8x256xf32, #tpu.memory_space<vmem>>) target(%dma_start3A_230 : memref<8x8x256xf32, #tpu.memory_space<hbm>>) target_semaphore(%arg18 : memref<!tpu.dma_semaphore, #tpu.memory_space<semaphore_mem>>)
    %add3A_231 = arith.constant 15 : i32
    %add3A_232 = arith.addi %mul3A_2, %add3A_231 : i32
    %mul3A_233 = arith.constant 8 : i32
    %mul3A_234 = arith.muli %add3A_232, %mul3A_233 : i32
    %dma_wait3A_235 = arith.constant 1280 : i32
    %dma_wait3A_236 = tpu.memref_slice %arg2[%mul3A_234, %dma_wait3A_235] : memref<4096x2048xf32, #tpu.memory_space<hbm>> -> memref<8x256xf32, #tpu.memory_space<hbm>>
    %dma_wait3A_237 = arith.constant 1280 : i32
    %dma_wait3A_238 = tpu.memref_slice %arg2[%mul3A_234, %dma_wait3A_237] : memref<4096x2048xf32, #tpu.memory_space<hbm>> -> memref<8x256xf32, #tpu.memory_space<hbm>>
    tpu.wait_dma2 semaphore(%arg15 : memref<!tpu.dma_semaphore, #tpu.memory_space<semaphore_mem>>) src(%dma_wait3A_238 : memref<8x256xf32, #tpu.memory_space<hbm>>) dst(%arg6 : memref<8x256xf32, #tpu.memory_space<vmem>>)
    %add3A_239 = arith.constant 15 : i32
    %add3A_240 = arith.addi %mul3A_2, %add3A_239 : i32
    %mul3A_241 = arith.constant 8 : i32
    %mul3A_242 = arith.muli %add3A_240, %mul3A_241 : i32
    %dma_wait3A_243 = arith.constant 0 : i32
    %dma_wait3A_244 = arith.constant 256 : i32
    %dma_wait3A_245 = tpu.memref_slice %arg4[%mul3A_242, %dma_wait3A_243, %dma_wait3A_244] : memref<4096x8x2048xf32, #tpu.memory_space<hbm>> -> memref<8x8x256xf32, #tpu.memory_space<hbm>>
    %dma_wait3A_246 = arith.constant 0 : i32
    %dma_wait3A_247 = arith.constant 256 : i32
    %dma_wait3A_248 = tpu.memref_slice %arg4[%mul3A_242, %dma_wait3A_246, %dma_wait3A_247] : memref<4096x8x2048xf32, #tpu.memory_space<hbm>> -> memref<8x8x256xf32, #tpu.memory_space<hbm>>
    tpu.wait_dma2 semaphore(%arg19 : memref<!tpu.dma_semaphore, #tpu.memory_space<semaphore_mem>>) src(%arg10 : memref<8x8x256xf32, #tpu.memory_space<vmem>>) dst(%dma_wait3A_248 : memref<8x8x256xf32, #tpu.memory_space<hbm>>)
    %parallel_loop3A_249 = arith.constant 0 : i32
    %parallel_loop3A_250 = arith.constant 128 : i32
    %parallel_loop3A_251 = arith.constant 1 : i32
    scf.for %parallel_loop3A_364 = %parallel_loop3A_249 to %parallel_loop3A_250 step %parallel_loop3A_251  : i32 {
      %parallel_loop3A_365 = arith.constant 16 : i32
      %parallel_loop3A_366 = arith.divsi %parallel_loop3A_364, %parallel_loop3A_365 : i32
      %parallel_loop3A_367 = arith.constant 0 : i32
      %parallel_loop3A_368 = arith.cmpi sgt, %parallel_loop3A_364, %parallel_loop3A_367 : i32
      %parallel_loop3A_369 = arith.extui %parallel_loop3A_368 : i1 to i32
      %parallel_loop3A_370 = arith.constant 0 : i32
      %parallel_loop3A_371 = arith.cmpi slt, %parallel_loop3A_364, %parallel_loop3A_370 : i32
      %parallel_loop3A_372 = arith.extui %parallel_loop3A_371 : i1 to i32
      %parallel_loop3A_373 = arith.subi %parallel_loop3A_369, %parallel_loop3A_372 : i32
      %parallel_loop3A_374 = arith.constant 0 : i32
      %parallel_loop3A_375 = arith.cmpi sgt, %parallel_loop3A_365, %parallel_loop3A_374 : i32
      %parallel_loop3A_376 = arith.extui %parallel_loop3A_375 : i1 to i32
      %parallel_loop3A_377 = arith.constant 0 : i32
      %parallel_loop3A_378 = arith.cmpi slt, %parallel_loop3A_365, %parallel_loop3A_377 : i32
      %parallel_loop3A_379 = arith.extui %parallel_loop3A_378 : i1 to i32
      %parallel_loop3A_380 = arith.subi %parallel_loop3A_376, %parallel_loop3A_379 : i32
      %parallel_loop3A_381 = arith.cmpi ne, %parallel_loop3A_373, %parallel_loop3A_380 : i32
      %parallel_loop3A_382 = arith.remsi %parallel_loop3A_364, %parallel_loop3A_365 : i32
      %parallel_loop3A_383 = arith.constant 0 : i32
      %parallel_loop3A_384 = arith.cmpi ne, %parallel_loop3A_382, %parallel_loop3A_383 : i32
      %parallel_loop3A_385 = arith.andi %parallel_loop3A_381, %parallel_loop3A_384 : i1
      %parallel_loop3A_386 = arith.constant 1 : i32
      %parallel_loop3A_387 = arith.subi %parallel_loop3A_366, %parallel_loop3A_386 : i32
      %parallel_loop3A_388 = arith.select %parallel_loop3A_385, %parallel_loop3A_387, %parallel_loop3A_366 : i32
      %parallel_loop3A_389 = arith.constant 16 : i32
      %parallel_loop3A_390 = arith.constant 0 : i32
      %parallel_loop3A_391 = arith.cmpi eq, %parallel_loop3A_389, %parallel_loop3A_390 : i32
      %parallel_loop3A_392 = arith.constant 1 : i32
      %parallel_loop3A_393 = arith.select %parallel_loop3A_391, %parallel_loop3A_392, %parallel_loop3A_389 : i32
      %parallel_loop3A_394 = arith.remsi %parallel_loop3A_364, %parallel_loop3A_393 : i32
      %parallel_loop3A_395 = arith.constant 0 : i32
      %parallel_loop3A_396 = arith.cmpi ne, %parallel_loop3A_394, %parallel_loop3A_395 : i32
      %parallel_loop3A_397 = arith.constant 0 : i32
      %parallel_loop3A_398 = arith.cmpi slt, %parallel_loop3A_394, %parallel_loop3A_397 : i32
      %parallel_loop3A_399 = arith.constant 0 : i32
      %parallel_loop3A_400 = arith.cmpi slt, %parallel_loop3A_393, %parallel_loop3A_399 : i32
      %parallel_loop3A_401 = arith.xori %parallel_loop3A_398, %parallel_loop3A_400 : i1
      %parallel_loop3A_402 = arith.andi %parallel_loop3A_401, %parallel_loop3A_396 : i1
      %parallel_loop3A_403 = arith.addi %parallel_loop3A_394, %parallel_loop3A_393 : i32
      %parallel_loop3A_404 = arith.select %parallel_loop3A_402, %parallel_loop3A_403, %parallel_loop3A_394 : i32
      %parallel_loop3A_405 = arith.constant 16 : i32
      %parallel_loop3A_406 = arith.muli %parallel_loop3A_404, %parallel_loop3A_405 : i32
      %parallel_loop3A_407 = arith.index_cast %parallel_loop3A_388 : i32 to index
      %parallel_loop3A_408 = arith.index_cast %parallel_loop3A_406 : i32 to index
      %parallel_loop3A_409 = tpu.vector_load %arg6[%parallel_loop3A_407, %parallel_loop3A_408] {strides = array<i32>} : memref<8x256xf32, #tpu.memory_space<vmem>>, vector<1x16xf32>,
      %parallel_loop3A_410 = vector.shape_cast %parallel_loop3A_409 : vector<1x16xf32> to vector<16xf32>
      %parallel_loop3A_411 = arith.constant 0.000000e+00 : f32
      %parallel_loop3A_412 = vector.broadcast %parallel_loop3A_411 : f32 to vector<16xf32>
      %parallel_loop3A_413 = arith.cmpf ogt, %parallel_loop3A_410, %parallel_loop3A_412 : vector<16xf32>
      %parallel_loop3A_414 = arith.select %parallel_loop3A_413, %broadcast_in_dim3A_28, %broadcast_in_dim3A : vector<16xi1>, vector<16xf32>
      %parallel_loop3A_415 = arith.constant 0 : i32
      %parallel_loop3A_416 = arith.index_cast %parallel_loop3A_388 : i32 to index
      %parallel_loop3A_417 = arith.index_cast %parallel_loop3A_415 : i32 to index
      %parallel_loop3A_418 = arith.index_cast %parallel_loop3A_406 : i32 to index
      %parallel_loop3A_419 = tpu.vector_load %arg10[%parallel_loop3A_416, %parallel_loop3A_417, %parallel_loop3A_418] {strides = array<i32>} : memref<8x8x256xf32, #tpu.memory_space<vmem>>, vector<1x1x16xf32>,
      %parallel_loop3A_420 = vector.shape_cast %parallel_loop3A_419 : vector<1x1x16xf32> to vector<16xf32>
      %parallel_loop3A_421 = vector.shape_cast %parallel_loop3A_414 : vector<16xf32> to vector<1x1x16xf32>
      tpu.vector_store %arg10[%parallel_loop3A_416, %parallel_loop3A_417, %parallel_loop3A_418], %parallel_loop3A_421 {strides = array<i32>} : memref<8x8x256xf32, #tpu.memory_space<vmem>>, vector<1x1x16xf32>,
      %parallel_loop3A_422 = arith.select %parallel_loop3A_413, %broadcast_in_dim3A_31, %broadcast_in_dim3A_7 : vector<16xi1>, vector<16xf32>
      %parallel_loop3A_423 = arith.constant 1 : i32
      %parallel_loop3A_424 = arith.index_cast %parallel_loop3A_388 : i32 to index
      %parallel_loop3A_425 = arith.index_cast %parallel_loop3A_423 : i32 to index
      %parallel_loop3A_426 = arith.index_cast %parallel_loop3A_406 : i32 to index
      %parallel_loop3A_427 = tpu.vector_load %arg10[%parallel_loop3A_424, %parallel_loop3A_425, %parallel_loop3A_426] {strides = array<i32>} : memref<8x8x256xf32, #tpu.memory_space<vmem>>, vector<1x1x16xf32>,
      %parallel_loop3A_428 = vector.shape_cast %parallel_loop3A_427 : vector<1x1x16xf32> to vector<16xf32>
      %parallel_loop3A_429 = vector.shape_cast %parallel_loop3A_422 : vector<16xf32> to vector<1x1x16xf32>
      tpu.vector_store %arg10[%parallel_loop3A_424, %parallel_loop3A_425, %parallel_loop3A_426], %parallel_loop3A_429 {strides = array<i32>} : memref<8x8x256xf32, #tpu.memory_space<vmem>>, vector<1x1x16xf32>,
      %parallel_loop3A_430 = arith.select %parallel_loop3A_413, %broadcast_in_dim3A_34, %broadcast_in_dim3A_10 : vector<16xi1>, vector<16xf32>
      %parallel_loop3A_431 = arith.constant 2 : i32
      %parallel_loop3A_432 = arith.index_cast %parallel_loop3A_388 : i32 to index
      %parallel_loop3A_433 = arith.index_cast %parallel_loop3A_431 : i32 to index
      %parallel_loop3A_434 = arith.index_cast %parallel_loop3A_406 : i32 to index
      %parallel_loop3A_435 = tpu.vector_load %arg10[%parallel_loop3A_432, %parallel_loop3A_433, %parallel_loop3A_434] {strides = array<i32>} : memref<8x8x256xf32, #tpu.memory_space<vmem>>, vector<1x1x16xf32>,
      %parallel_loop3A_436 = vector.shape_cast %parallel_loop3A_435 : vector<1x1x16xf32> to vector<16xf32>
      %parallel_loop3A_437 = vector.shape_cast %parallel_loop3A_430 : vector<16xf32> to vector<1x1x16xf32>
      tpu.vector_store %arg10[%parallel_loop3A_432, %parallel_loop3A_433, %parallel_loop3A_434], %parallel_loop3A_437 {strides = array<i32>} : memref<8x8x256xf32, #tpu.memory_space<vmem>>, vector<1x1x16xf32>,
      %parallel_loop3A_438 = arith.select %parallel_loop3A_413, %broadcast_in_dim3A_37, %broadcast_in_dim3A_13 : vector<16xi1>, vector<16xf32>
      %parallel_loop3A_439 = arith.constant 3 : i32
      %parallel_loop3A_440 = arith.index_cast %parallel_loop3A_388 : i32 to index
      %parallel_loop3A_441 = arith.index_cast %parallel_loop3A_439 : i32 to index
      %parallel_loop3A_442 = arith.index_cast %parallel_loop3A_406 : i32 to index
      %parallel_loop3A_443 = tpu.vector_load %arg10[%parallel_loop3A_440, %parallel_loop3A_441, %parallel_loop3A_442] {strides = array<i32>} : memref<8x8x256xf32, #tpu.memory_space<vmem>>, vector<1x1x16xf32>,
      %parallel_loop3A_444 = vector.shape_cast %parallel_loop3A_443 : vector<1x1x16xf32> to vector<16xf32>
      %parallel_loop3A_445 = vector.shape_cast %parallel_loop3A_438 : vector<16xf32> to vector<1x1x16xf32>
      tpu.vector_store %arg10[%parallel_loop3A_440, %parallel_loop3A_441, %parallel_loop3A_442], %parallel_loop3A_445 {strides = array<i32>} : memref<8x8x256xf32, #tpu.memory_space<vmem>>, vector<1x1x16xf32>,
      %parallel_loop3A_446 = arith.select %parallel_loop3A_413, %broadcast_in_dim3A_40, %broadcast_in_dim3A_16 : vector<16xi1>, vector<16xf32>
      %parallel_loop3A_447 = arith.constant 4 : i32
      %parallel_loop3A_448 = arith.index_cast %parallel_loop3A_388 : i32 to index
      %parallel_loop3A_449 = arith.index_cast %parallel_loop3A_447 : i32 to index
      %parallel_loop3A_450 = arith.index_cast %parallel_loop3A_406 : i32 to index
      %parallel_loop3A_451 = tpu.vector_load %arg10[%parallel_loop3A_448, %parallel_loop3A_449, %parallel_loop3A_450] {strides = array<i32>} : memref<8x8x256xf32, #tpu.memory_space<vmem>>, vector<1x1x16xf32>,
      %parallel_loop3A_452 = vector.shape_cast %parallel_loop3A_451 : vector<1x1x16xf32> to vector<16xf32>
      %parallel_loop3A_453 = vector.shape_cast %parallel_loop3A_446 : vector<16xf32> to vector<1x1x16xf32>
      tpu.vector_store %arg10[%parallel_loop3A_448, %parallel_loop3A_449, %parallel_loop3A_450], %parallel_loop3A_453 {strides = array<i32>} : memref<8x8x256xf32, #tpu.memory_space<vmem>>, vector<1x1x16xf32>,
      %parallel_loop3A_454 = arith.select %parallel_loop3A_413, %broadcast_in_dim3A_43, %broadcast_in_dim3A_19 : vector<16xi1>, vector<16xf32>
      %parallel_loop3A_455 = arith.constant 5 : i32
      %parallel_loop3A_456 = arith.index_cast %parallel_loop3A_388 : i32 to index
      %parallel_loop3A_457 = arith.index_cast %parallel_loop3A_455 : i32 to index
      %parallel_loop3A_458 = arith.index_cast %parallel_loop3A_406 : i32 to index
      %parallel_loop3A_459 = tpu.vector_load %arg10[%parallel_loop3A_456, %parallel_loop3A_457, %parallel_loop3A_458] {strides = array<i32>} : memref<8x8x256xf32, #tpu.memory_space<vmem>>, vector<1x1x16xf32>,
      %parallel_loop3A_460 = vector.shape_cast %parallel_loop3A_459 : vector<1x1x16xf32> to vector<16xf32>
      %parallel_loop3A_461 = vector.shape_cast %parallel_loop3A_454 : vector<16xf32> to vector<1x1x16xf32>
      tpu.vector_store %arg10[%parallel_loop3A_456, %parallel_loop3A_457, %parallel_loop3A_458], %parallel_loop3A_461 {strides = array<i32>} : memref<8x8x256xf32, #tpu.memory_space<vmem>>, vector<1x1x16xf32>,
      %parallel_loop3A_462 = arith.select %parallel_loop3A_413, %broadcast_in_dim3A_46, %broadcast_in_dim3A_22 : vector<16xi1>, vector<16xf32>
      %parallel_loop3A_463 = arith.constant 6 : i32
      %parallel_loop3A_464 = arith.index_cast %parallel_loop3A_388 : i32 to index
      %parallel_loop3A_465 = arith.index_cast %parallel_loop3A_463 : i32 to index
      %parallel_loop3A_466 = arith.index_cast %parallel_loop3A_406 : i32 to index
      %parallel_loop3A_467 = tpu.vector_load %arg10[%parallel_loop3A_464, %parallel_loop3A_465, %parallel_loop3A_466] {strides = array<i32>} : memref<8x8x256xf32, #tpu.memory_space<vmem>>, vector<1x1x16xf32>,
      %parallel_loop3A_468 = vector.shape_cast %parallel_loop3A_467 : vector<1x1x16xf32> to vector<16xf32>
      %parallel_loop3A_469 = vector.shape_cast %parallel_loop3A_462 : vector<16xf32> to vector<1x1x16xf32>
      tpu.vector_store %arg10[%parallel_loop3A_464, %parallel_loop3A_465, %parallel_loop3A_466], %parallel_loop3A_469 {strides = array<i32>} : memref<8x8x256xf32, #tpu.memory_space<vmem>>, vector<1x1x16xf32>,
      %parallel_loop3A_470 = arith.select %parallel_loop3A_413, %broadcast_in_dim3A_49, %broadcast_in_dim3A_25 : vector<16xi1>, vector<16xf32>
      %parallel_loop3A_471 = arith.constant 7 : i32
      %parallel_loop3A_472 = arith.index_cast %parallel_loop3A_388 : i32 to index
      %parallel_loop3A_473 = arith.index_cast %parallel_loop3A_471 : i32 to index
      %parallel_loop3A_474 = arith.index_cast %parallel_loop3A_406 : i32 to index
      %parallel_loop3A_475 = tpu.vector_load %arg10[%parallel_loop3A_472, %parallel_loop3A_473, %parallel_loop3A_474] {strides = array<i32>} : memref<8x8x256xf32, #tpu.memory_space<vmem>>, vector<1x1x16xf32>,
      %parallel_loop3A_476 = vector.shape_cast %parallel_loop3A_475 : vector<1x1x16xf32> to vector<16xf32>
      %parallel_loop3A_477 = vector.shape_cast %parallel_loop3A_470 : vector<16xf32> to vector<1x1x16xf32>
      tpu.vector_store %arg10[%parallel_loop3A_472, %parallel_loop3A_473, %parallel_loop3A_474], %parallel_loop3A_477 {strides = array<i32>} : memref<8x8x256xf32, #tpu.memory_space<vmem>>, vector<1x1x16xf32>,
    } {sc.loop_unroll_factor = 2 : i64, sc.parallel_access}
    %add3A_252 = arith.constant 15 : i32
    %add3A_253 = arith.addi %mul3A_2, %add3A_252 : i32
    %mul3A_254 = arith.constant 8 : i32
    %mul3A_255 = arith.muli %add3A_253, %mul3A_254 : i32
    %dma_start3A_256 = arith.constant 0 : i32
    %dma_start3A_257 = arith.constant 1280 : i32
    %dma_start3A_258 = tpu.memref_slice %arg4[%mul3A_255, %dma_start3A_256, %dma_start3A_257] : memref<4096x8x2048xf32, #tpu.memory_space<hbm>> -> memref<8x8x256xf32, #tpu.memory_space<hbm>>
    %dma_start3A_259 = arith.constant 0 : i32
    %dma_start3A_260 = arith.constant 1280 : i32
    %dma_start3A_261 = tpu.memref_slice %arg4[%mul3A_255, %dma_start3A_259, %dma_start3A_260] : memref<4096x8x2048xf32, #tpu.memory_space<hbm>> -> memref<8x8x256xf32, #tpu.memory_space<hbm>>
    tpu.enqueue_dma source(%arg10 : memref<8x8x256xf32, #tpu.memory_space<vmem>>) target(%dma_start3A_261 : memref<8x8x256xf32, #tpu.memory_space<hbm>>) target_semaphore(%arg19 : memref<!tpu.dma_semaphore, #tpu.memory_space<semaphore_mem>>)
    %add3A_262 = arith.constant 15 : i32
    %add3A_263 = arith.addi %mul3A_2, %add3A_262 : i32
    %mul3A_264 = arith.constant 8 : i32
    %mul3A_265 = arith.muli %add3A_263, %mul3A_264 : i32
    %dma_wait3A_266 = arith.constant 1536 : i32
    %dma_wait3A_267 = tpu.memref_slice %arg2[%mul3A_265, %dma_wait3A_266] : memref<4096x2048xf32, #tpu.memory_space<hbm>> -> memref<8x256xf32, #tpu.memory_space<hbm>>
    %dma_wait3A_268 = arith.constant 1536 : i32
    %dma_wait3A_269 = tpu.memref_slice %arg2[%mul3A_265, %dma_wait3A_268] : memref<4096x2048xf32, #tpu.memory_space<hbm>> -> memref<8x256xf32, #tpu.memory_space<hbm>>
    tpu.wait_dma2 semaphore(%arg16 : memref<!tpu.dma_semaphore, #tpu.memory_space<semaphore_mem>>) src(%dma_wait3A_269 : memref<8x256xf32, #tpu.memory_space<hbm>>) dst(%arg7 : memref<8x256xf32, #tpu.memory_space<vmem>>)
    %add3A_270 = arith.constant 15 : i32
    %add3A_271 = arith.addi %mul3A_2, %add3A_270 : i32
    %mul3A_272 = arith.constant 8 : i32
    %mul3A_273 = arith.muli %add3A_271, %mul3A_272 : i32
    %dma_wait3A_274 = arith.constant 0 : i32
    %dma_wait3A_275 = arith.constant 512 : i32
    %dma_wait3A_276 = tpu.memref_slice %arg4[%mul3A_273, %dma_wait3A_274, %dma_wait3A_275] : memref<4096x8x2048xf32, #tpu.memory_space<hbm>> -> memref<8x8x256xf32, #tpu.memory_space<hbm>>
    %dma_wait3A_277 = arith.constant 0 : i32
    %dma_wait3A_278 = arith.constant 512 : i32
    %dma_wait3A_279 = tpu.memref_slice %arg4[%mul3A_273, %dma_wait3A_277, %dma_wait3A_278] : memref<4096x8x2048xf32, #tpu.memory_space<hbm>> -> memref<8x8x256xf32, #tpu.memory_space<hbm>>
    tpu.wait_dma2 semaphore(%arg20 : memref<!tpu.dma_semaphore, #tpu.memory_space<semaphore_mem>>) src(%arg11 : memref<8x8x256xf32, #tpu.memory_space<vmem>>) dst(%dma_wait3A_279 : memref<8x8x256xf32, #tpu.memory_space<hbm>>)
    %parallel_loop3A_280 = arith.constant 0 : i32
    %parallel_loop3A_281 = arith.constant 128 : i32
    %parallel_loop3A_282 = arith.constant 1 : i32
    scf.for %parallel_loop3A_364 = %parallel_loop3A_280 to %parallel_loop3A_281 step %parallel_loop3A_282  : i32 {
      %parallel_loop3A_365 = arith.constant 16 : i32
      %parallel_loop3A_366 = arith.divsi %parallel_loop3A_364, %parallel_loop3A_365 : i32
      %parallel_loop3A_367 = arith.constant 0 : i32
      %parallel_loop3A_368 = arith.cmpi sgt, %parallel_loop3A_364, %parallel_loop3A_367 : i32
      %parallel_loop3A_369 = arith.extui %parallel_loop3A_368 : i1 to i32
      %parallel_loop3A_370 = arith.constant 0 : i32
      %parallel_loop3A_371 = arith.cmpi slt, %parallel_loop3A_364, %parallel_loop3A_370 : i32
      %parallel_loop3A_372 = arith.extui %parallel_loop3A_371 : i1 to i32
      %parallel_loop3A_373 = arith.subi %parallel_loop3A_369, %parallel_loop3A_372 : i32
      %parallel_loop3A_374 = arith.constant 0 : i32
      %parallel_loop3A_375 = arith.cmpi sgt, %parallel_loop3A_365, %parallel_loop3A_374 : i32
      %parallel_loop3A_376 = arith.extui %parallel_loop3A_375 : i1 to i32
      %parallel_loop3A_377 = arith.constant 0 : i32
      %parallel_loop3A_378 = arith.cmpi slt, %parallel_loop3A_365, %parallel_loop3A_377 : i32
      %parallel_loop3A_379 = arith.extui %parallel_loop3A_378 : i1 to i32
      %parallel_loop3A_380 = arith.subi %parallel_loop3A_376, %parallel_loop3A_379 : i32
      %parallel_loop3A_381 = arith.cmpi ne, %parallel_loop3A_373, %parallel_loop3A_380 : i32
      %parallel_loop3A_382 = arith.remsi %parallel_loop3A_364, %parallel_loop3A_365 : i32
      %parallel_loop3A_383 = arith.constant 0 : i32
      %parallel_loop3A_384 = arith.cmpi ne, %parallel_loop3A_382, %parallel_loop3A_383 : i32
      %parallel_loop3A_385 = arith.andi %parallel_loop3A_381, %parallel_loop3A_384 : i1
      %parallel_loop3A_386 = arith.constant 1 : i32
      %parallel_loop3A_387 = arith.subi %parallel_loop3A_366, %parallel_loop3A_386 : i32
      %parallel_loop3A_388 = arith.select %parallel_loop3A_385, %parallel_loop3A_387, %parallel_loop3A_366 : i32
      %parallel_loop3A_389 = arith.constant 16 : i32
      %parallel_loop3A_390 = arith.constant 0 : i32
      %parallel_loop3A_391 = arith.cmpi eq, %parallel_loop3A_389, %parallel_loop3A_390 : i32
      %parallel_loop3A_392 = arith.constant 1 : i32
      %parallel_loop3A_393 = arith.select %parallel_loop3A_391, %parallel_loop3A_392, %parallel_loop3A_389 : i32
      %parallel_loop3A_394 = arith.remsi %parallel_loop3A_364, %parallel_loop3A_393 : i32
      %parallel_loop3A_395 = arith.constant 0 : i32
      %parallel_loop3A_396 = arith.cmpi ne, %parallel_loop3A_394, %parallel_loop3A_395 : i32
      %parallel_loop3A_397 = arith.constant 0 : i32
      %parallel_loop3A_398 = arith.cmpi slt, %parallel_loop3A_394, %parallel_loop3A_397 : i32
      %parallel_loop3A_399 = arith.constant 0 : i32
      %parallel_loop3A_400 = arith.cmpi slt, %parallel_loop3A_393, %parallel_loop3A_399 : i32
      %parallel_loop3A_401 = arith.xori %parallel_loop3A_398, %parallel_loop3A_400 : i1
      %parallel_loop3A_402 = arith.andi %parallel_loop3A_401, %parallel_loop3A_396 : i1
      %parallel_loop3A_403 = arith.addi %parallel_loop3A_394, %parallel_loop3A_393 : i32
      %parallel_loop3A_404 = arith.select %parallel_loop3A_402, %parallel_loop3A_403, %parallel_loop3A_394 : i32
      %parallel_loop3A_405 = arith.constant 16 : i32
      %parallel_loop3A_406 = arith.muli %parallel_loop3A_404, %parallel_loop3A_405 : i32
      %parallel_loop3A_407 = arith.index_cast %parallel_loop3A_388 : i32 to index
      %parallel_loop3A_408 = arith.index_cast %parallel_loop3A_406 : i32 to index
      %parallel_loop3A_409 = tpu.vector_load %arg7[%parallel_loop3A_407, %parallel_loop3A_408] {strides = array<i32>} : memref<8x256xf32, #tpu.memory_space<vmem>>, vector<1x16xf32>,
      %parallel_loop3A_410 = vector.shape_cast %parallel_loop3A_409 : vector<1x16xf32> to vector<16xf32>
      %parallel_loop3A_411 = arith.constant 0.000000e+00 : f32
      %parallel_loop3A_412 = vector.broadcast %parallel_loop3A_411 : f32 to vector<16xf32>
      %parallel_loop3A_413 = arith.cmpf ogt, %parallel_loop3A_410, %parallel_loop3A_412 : vector<16xf32>
      %parallel_loop3A_414 = arith.select %parallel_loop3A_413, %broadcast_in_dim3A_28, %broadcast_in_dim3A : vector<16xi1>, vector<16xf32>
      %parallel_loop3A_415 = arith.constant 0 : i32
      %parallel_loop3A_416 = arith.index_cast %parallel_loop3A_388 : i32 to index
      %parallel_loop3A_417 = arith.index_cast %parallel_loop3A_415 : i32 to index
      %parallel_loop3A_418 = arith.index_cast %parallel_loop3A_406 : i32 to index
      %parallel_loop3A_419 = tpu.vector_load %arg11[%parallel_loop3A_416, %parallel_loop3A_417, %parallel_loop3A_418] {strides = array<i32>} : memref<8x8x256xf32, #tpu.memory_space<vmem>>, vector<1x1x16xf32>,
      %parallel_loop3A_420 = vector.shape_cast %parallel_loop3A_419 : vector<1x1x16xf32> to vector<16xf32>
      %parallel_loop3A_421 = vector.shape_cast %parallel_loop3A_414 : vector<16xf32> to vector<1x1x16xf32>
      tpu.vector_store %arg11[%parallel_loop3A_416, %parallel_loop3A_417, %parallel_loop3A_418], %parallel_loop3A_421 {strides = array<i32>} : memref<8x8x256xf32, #tpu.memory_space<vmem>>, vector<1x1x16xf32>,
      %parallel_loop3A_422 = arith.select %parallel_loop3A_413, %broadcast_in_dim3A_31, %broadcast_in_dim3A_7 : vector<16xi1>, vector<16xf32>
      %parallel_loop3A_423 = arith.constant 1 : i32
      %parallel_loop3A_424 = arith.index_cast %parallel_loop3A_388 : i32 to index
      %parallel_loop3A_425 = arith.index_cast %parallel_loop3A_423 : i32 to index
      %parallel_loop3A_426 = arith.index_cast %parallel_loop3A_406 : i32 to index
      %parallel_loop3A_427 = tpu.vector_load %arg11[%parallel_loop3A_424, %parallel_loop3A_425, %parallel_loop3A_426] {strides = array<i32>} : memref<8x8x256xf32, #tpu.memory_space<vmem>>, vector<1x1x16xf32>,
      %parallel_loop3A_428 = vector.shape_cast %parallel_loop3A_427 : vector<1x1x16xf32> to vector<16xf32>
      %parallel_loop3A_429 = vector.shape_cast %parallel_loop3A_422 : vector<16xf32> to vector<1x1x16xf32>
      tpu.vector_store %arg11[%parallel_loop3A_424, %parallel_loop3A_425, %parallel_loop3A_426], %parallel_loop3A_429 {strides = array<i32>} : memref<8x8x256xf32, #tpu.memory_space<vmem>>, vector<1x1x16xf32>,
      %parallel_loop3A_430 = arith.select %parallel_loop3A_413, %broadcast_in_dim3A_34, %broadcast_in_dim3A_10 : vector<16xi1>, vector<16xf32>
      %parallel_loop3A_431 = arith.constant 2 : i32
      %parallel_loop3A_432 = arith.index_cast %parallel_loop3A_388 : i32 to index
      %parallel_loop3A_433 = arith.index_cast %parallel_loop3A_431 : i32 to index
      %parallel_loop3A_434 = arith.index_cast %parallel_loop3A_406 : i32 to index
      %parallel_loop3A_435 = tpu.vector_load %arg11[%parallel_loop3A_432, %parallel_loop3A_433, %parallel_loop3A_434] {strides = array<i32>} : memref<8x8x256xf32, #tpu.memory_space<vmem>>, vector<1x1x16xf32>,
      %parallel_loop3A_436 = vector.shape_cast %parallel_loop3A_435 : vector<1x1x16xf32> to vector<16xf32>
      %parallel_loop3A_437 = vector.shape_cast %parallel_loop3A_430 : vector<16xf32> to vector<1x1x16xf32>
      tpu.vector_store %arg11[%parallel_loop3A_432, %parallel_loop3A_433, %parallel_loop3A_434], %parallel_loop3A_437 {strides = array<i32>} : memref<8x8x256xf32, #tpu.memory_space<vmem>>, vector<1x1x16xf32>,
      %parallel_loop3A_438 = arith.select %parallel_loop3A_413, %broadcast_in_dim3A_37, %broadcast_in_dim3A_13 : vector<16xi1>, vector<16xf32>
      %parallel_loop3A_439 = arith.constant 3 : i32
      %parallel_loop3A_440 = arith.index_cast %parallel_loop3A_388 : i32 to index
      %parallel_loop3A_441 = arith.index_cast %parallel_loop3A_439 : i32 to index
      %parallel_loop3A_442 = arith.index_cast %parallel_loop3A_406 : i32 to index
      %parallel_loop3A_443 = tpu.vector_load %arg11[%parallel_loop3A_440, %parallel_loop3A_441, %parallel_loop3A_442] {strides = array<i32>} : memref<8x8x256xf32, #tpu.memory_space<vmem>>, vector<1x1x16xf32>,
      %parallel_loop3A_444 = vector.shape_cast %parallel_loop3A_443 : vector<1x1x16xf32> to vector<16xf32>
      %parallel_loop3A_445 = vector.shape_cast %parallel_loop3A_438 : vector<16xf32> to vector<1x1x16xf32>
      tpu.vector_store %arg11[%parallel_loop3A_440, %parallel_loop3A_441, %parallel_loop3A_442], %parallel_loop3A_445 {strides = array<i32>} : memref<8x8x256xf32, #tpu.memory_space<vmem>>, vector<1x1x16xf32>,
      %parallel_loop3A_446 = arith.select %parallel_loop3A_413, %broadcast_in_dim3A_40, %broadcast_in_dim3A_16 : vector<16xi1>, vector<16xf32>
      %parallel_loop3A_447 = arith.constant 4 : i32
      %parallel_loop3A_448 = arith.index_cast %parallel_loop3A_388 : i32 to index
      %parallel_loop3A_449 = arith.index_cast %parallel_loop3A_447 : i32 to index
      %parallel_loop3A_450 = arith.index_cast %parallel_loop3A_406 : i32 to index
      %parallel_loop3A_451 = tpu.vector_load %arg11[%parallel_loop3A_448, %parallel_loop3A_449, %parallel_loop3A_450] {strides = array<i32>} : memref<8x8x256xf32, #tpu.memory_space<vmem>>, vector<1x1x16xf32>,
      %parallel_loop3A_452 = vector.shape_cast %parallel_loop3A_451 : vector<1x1x16xf32> to vector<16xf32>
      %parallel_loop3A_453 = vector.shape_cast %parallel_loop3A_446 : vector<16xf32> to vector<1x1x16xf32>
      tpu.vector_store %arg11[%parallel_loop3A_448, %parallel_loop3A_449, %parallel_loop3A_450], %parallel_loop3A_453 {strides = array<i32>} : memref<8x8x256xf32, #tpu.memory_space<vmem>>, vector<1x1x16xf32>,
      %parallel_loop3A_454 = arith.select %parallel_loop3A_413, %broadcast_in_dim3A_43, %broadcast_in_dim3A_19 : vector<16xi1>, vector<16xf32>
      %parallel_loop3A_455 = arith.constant 5 : i32
      %parallel_loop3A_456 = arith.index_cast %parallel_loop3A_388 : i32 to index
      %parallel_loop3A_457 = arith.index_cast %parallel_loop3A_455 : i32 to index
      %parallel_loop3A_458 = arith.index_cast %parallel_loop3A_406 : i32 to index
      %parallel_loop3A_459 = tpu.vector_load %arg11[%parallel_loop3A_456, %parallel_loop3A_457, %parallel_loop3A_458] {strides = array<i32>} : memref<8x8x256xf32, #tpu.memory_space<vmem>>, vector<1x1x16xf32>,
      %parallel_loop3A_460 = vector.shape_cast %parallel_loop3A_459 : vector<1x1x16xf32> to vector<16xf32>
      %parallel_loop3A_461 = vector.shape_cast %parallel_loop3A_454 : vector<16xf32> to vector<1x1x16xf32>
      tpu.vector_store %arg11[%parallel_loop3A_456, %parallel_loop3A_457, %parallel_loop3A_458], %parallel_loop3A_461 {strides = array<i32>} : memref<8x8x256xf32, #tpu.memory_space<vmem>>, vector<1x1x16xf32>,
      %parallel_loop3A_462 = arith.select %parallel_loop3A_413, %broadcast_in_dim3A_46, %broadcast_in_dim3A_22 : vector<16xi1>, vector<16xf32>
      %parallel_loop3A_463 = arith.constant 6 : i32
      %parallel_loop3A_464 = arith.index_cast %parallel_loop3A_388 : i32 to index
      %parallel_loop3A_465 = arith.index_cast %parallel_loop3A_463 : i32 to index
      %parallel_loop3A_466 = arith.index_cast %parallel_loop3A_406 : i32 to index
      %parallel_loop3A_467 = tpu.vector_load %arg11[%parallel_loop3A_464, %parallel_loop3A_465, %parallel_loop3A_466] {strides = array<i32>} : memref<8x8x256xf32, #tpu.memory_space<vmem>>, vector<1x1x16xf32>,
      %parallel_loop3A_468 = vector.shape_cast %parallel_loop3A_467 : vector<1x1x16xf32> to vector<16xf32>
      %parallel_loop3A_469 = vector.shape_cast %parallel_loop3A_462 : vector<16xf32> to vector<1x1x16xf32>
      tpu.vector_store %arg11[%parallel_loop3A_464, %parallel_loop3A_465, %parallel_loop3A_466], %parallel_loop3A_469 {strides = array<i32>} : memref<8x8x256xf32, #tpu.memory_space<vmem>>, vector<1x1x16xf32>,
      %parallel_loop3A_470 = arith.select %parallel_loop3A_413, %broadcast_in_dim3A_49, %broadcast_in_dim3A_25 : vector<16xi1>, vector<16xf32>
      %parallel_loop3A_471 = arith.constant 7 : i32
      %parallel_loop3A_472 = arith.index_cast %parallel_loop3A_388 : i32 to index
      %parallel_loop3A_473 = arith.index_cast %parallel_loop3A_471 : i32 to index
      %parallel_loop3A_474 = arith.index_cast %parallel_loop3A_406 : i32 to index
      %parallel_loop3A_475 = tpu.vector_load %arg11[%parallel_loop3A_472, %parallel_loop3A_473, %parallel_loop3A_474] {strides = array<i32>} : memref<8x8x256xf32, #tpu.memory_space<vmem>>, vector<1x1x16xf32>,
      %parallel_loop3A_476 = vector.shape_cast %parallel_loop3A_475 : vector<1x1x16xf32> to vector<16xf32>
      %parallel_loop3A_477 = vector.shape_cast %parallel_loop3A_470 : vector<16xf32> to vector<1x1x16xf32>
      tpu.vector_store %arg11[%parallel_loop3A_472, %parallel_loop3A_473, %parallel_loop3A_474], %parallel_loop3A_477 {strides = array<i32>} : memref<8x8x256xf32, #tpu.memory_space<vmem>>, vector<1x1x16xf32>,
    } {sc.loop_unroll_factor = 2 : i64, sc.parallel_access}
    %add3A_283 = arith.constant 15 : i32
    %add3A_284 = arith.addi %mul3A_2, %add3A_283 : i32
    %mul3A_285 = arith.constant 8 : i32
    %mul3A_286 = arith.muli %add3A_284, %mul3A_285 : i32
    %dma_start3A_287 = arith.constant 0 : i32
    %dma_start3A_288 = arith.constant 1536 : i32
    %dma_start3A_289 = tpu.memref_slice %arg4[%mul3A_286, %dma_start3A_287, %dma_start3A_288] : memref<4096x8x2048xf32, #tpu.memory_space<hbm>> -> memref<8x8x256xf32, #tpu.memory_space<hbm>>
    %dma_start3A_290 = arith.constant 0 : i32
    %dma_start3A_291 = arith.constant 1536 : i32
    %dma_start3A_292 = tpu.memref_slice %arg4[%mul3A_286, %dma_start3A_290, %dma_start3A_291] : memref<4096x8x2048xf32, #tpu.memory_space<hbm>> -> memref<8x8x256xf32, #tpu.memory_space<hbm>>
    tpu.enqueue_dma source(%arg11 : memref<8x8x256xf32, #tpu.memory_space<vmem>>) target(%dma_start3A_292 : memref<8x8x256xf32, #tpu.memory_space<hbm>>) target_semaphore(%arg20 : memref<!tpu.dma_semaphore, #tpu.memory_space<semaphore_mem>>)
    %add3A_293 = arith.constant 15 : i32
    %add3A_294 = arith.addi %mul3A_2, %add3A_293 : i32
    %mul3A_295 = arith.constant 8 : i32
    %mul3A_296 = arith.muli %add3A_294, %mul3A_295 : i32
    %dma_wait3A_297 = arith.constant 1792 : i32
    %dma_wait3A_298 = tpu.memref_slice %arg2[%mul3A_296, %dma_wait3A_297] : memref<4096x2048xf32, #tpu.memory_space<hbm>> -> memref<8x256xf32, #tpu.memory_space<hbm>>
    %dma_wait3A_299 = arith.constant 1792 : i32
    %dma_wait3A_300 = tpu.memref_slice %arg2[%mul3A_296, %dma_wait3A_299] : memref<4096x2048xf32, #tpu.memory_space<hbm>> -> memref<8x256xf32, #tpu.memory_space<hbm>>
    tpu.wait_dma2 semaphore(%arg17 : memref<!tpu.dma_semaphore, #tpu.memory_space<semaphore_mem>>) src(%dma_wait3A_300 : memref<8x256xf32, #tpu.memory_space<hbm>>) dst(%arg8 : memref<8x256xf32, #tpu.memory_space<vmem>>)
    %add3A_301 = arith.constant 15 : i32
    %add3A_302 = arith.addi %mul3A_2, %add3A_301 : i32
    %mul3A_303 = arith.constant 8 : i32
    %mul3A_304 = arith.muli %add3A_302, %mul3A_303 : i32
    %dma_wait3A_305 = arith.constant 0 : i32
    %dma_wait3A_306 = arith.constant 768 : i32
    %dma_wait3A_307 = tpu.memref_slice %arg4[%mul3A_304, %dma_wait3A_305, %dma_wait3A_306] : memref<4096x8x2048xf32, #tpu.memory_space<hbm>> -> memref<8x8x256xf32, #tpu.memory_space<hbm>>
    %dma_wait3A_308 = arith.constant 0 : i32
    %dma_wait3A_309 = arith.constant 768 : i32
    %dma_wait3A_310 = tpu.memref_slice %arg4[%mul3A_304, %dma_wait3A_308, %dma_wait3A_309] : memref<4096x8x2048xf32, #tpu.memory_space<hbm>> -> memref<8x8x256xf32, #tpu.memory_space<hbm>>
    tpu.wait_dma2 semaphore(%arg21 : memref<!tpu.dma_semaphore, #tpu.memory_space<semaphore_mem>>) src(%arg12 : memref<8x8x256xf32, #tpu.memory_space<vmem>>) dst(%dma_wait3A_310 : memref<8x8x256xf32, #tpu.memory_space<hbm>>)
    %parallel_loop3A_311 = arith.constant 0 : i32
    %parallel_loop3A_312 = arith.constant 128 : i32
    %parallel_loop3A_313 = arith.constant 1 : i32
    scf.for %parallel_loop3A_364 = %parallel_loop3A_311 to %parallel_loop3A_312 step %parallel_loop3A_313  : i32 {
      %parallel_loop3A_365 = arith.constant 16 : i32
      %parallel_loop3A_366 = arith.divsi %parallel_loop3A_364, %parallel_loop3A_365 : i32
      %parallel_loop3A_367 = arith.constant 0 : i32
      %parallel_loop3A_368 = arith.cmpi sgt, %parallel_loop3A_364, %parallel_loop3A_367 : i32
      %parallel_loop3A_369 = arith.extui %parallel_loop3A_368 : i1 to i32
      %parallel_loop3A_370 = arith.constant 0 : i32
      %parallel_loop3A_371 = arith.cmpi slt, %parallel_loop3A_364, %parallel_loop3A_370 : i32
      %parallel_loop3A_372 = arith.extui %parallel_loop3A_371 : i1 to i32
      %parallel_loop3A_373 = arith.subi %parallel_loop3A_369, %parallel_loop3A_372 : i32
      %parallel_loop3A_374 = arith.constant 0 : i32
      %parallel_loop3A_375 = arith.cmpi sgt, %parallel_loop3A_365, %parallel_loop3A_374 : i32
      %parallel_loop3A_376 = arith.extui %parallel_loop3A_375 : i1 to i32
      %parallel_loop3A_377 = arith.constant 0 : i32
      %parallel_loop3A_378 = arith.cmpi slt, %parallel_loop3A_365, %parallel_loop3A_377 : i32
      %parallel_loop3A_379 = arith.extui %parallel_loop3A_378 : i1 to i32
      %parallel_loop3A_380 = arith.subi %parallel_loop3A_376, %parallel_loop3A_379 : i32
      %parallel_loop3A_381 = arith.cmpi ne, %parallel_loop3A_373, %parallel_loop3A_380 : i32
      %parallel_loop3A_382 = arith.remsi %parallel_loop3A_364, %parallel_loop3A_365 : i32
      %parallel_loop3A_383 = arith.constant 0 : i32
      %parallel_loop3A_384 = arith.cmpi ne, %parallel_loop3A_382, %parallel_loop3A_383 : i32
      %parallel_loop3A_385 = arith.andi %parallel_loop3A_381, %parallel_loop3A_384 : i1
      %parallel_loop3A_386 = arith.constant 1 : i32
      %parallel_loop3A_387 = arith.subi %parallel_loop3A_366, %parallel_loop3A_386 : i32
      %parallel_loop3A_388 = arith.select %parallel_loop3A_385, %parallel_loop3A_387, %parallel_loop3A_366 : i32
      %parallel_loop3A_389 = arith.constant 16 : i32
      %parallel_loop3A_390 = arith.constant 0 : i32
      %parallel_loop3A_391 = arith.cmpi eq, %parallel_loop3A_389, %parallel_loop3A_390 : i32
      %parallel_loop3A_392 = arith.constant 1 : i32
      %parallel_loop3A_393 = arith.select %parallel_loop3A_391, %parallel_loop3A_392, %parallel_loop3A_389 : i32
      %parallel_loop3A_394 = arith.remsi %parallel_loop3A_364, %parallel_loop3A_393 : i32
      %parallel_loop3A_395 = arith.constant 0 : i32
      %parallel_loop3A_396 = arith.cmpi ne, %parallel_loop3A_394, %parallel_loop3A_395 : i32
      %parallel_loop3A_397 = arith.constant 0 : i32
      %parallel_loop3A_398 = arith.cmpi slt, %parallel_loop3A_394, %parallel_loop3A_397 : i32
      %parallel_loop3A_399 = arith.constant 0 : i32
      %parallel_loop3A_400 = arith.cmpi slt, %parallel_loop3A_393, %parallel_loop3A_399 : i32
      %parallel_loop3A_401 = arith.xori %parallel_loop3A_398, %parallel_loop3A_400 : i1
      %parallel_loop3A_402 = arith.andi %parallel_loop3A_401, %parallel_loop3A_396 : i1
      %parallel_loop3A_403 = arith.addi %parallel_loop3A_394, %parallel_loop3A_393 : i32
      %parallel_loop3A_404 = arith.select %parallel_loop3A_402, %parallel_loop3A_403, %parallel_loop3A_394 : i32
      %parallel_loop3A_405 = arith.constant 16 : i32
      %parallel_loop3A_406 = arith.muli %parallel_loop3A_404, %parallel_loop3A_405 : i32
      %parallel_loop3A_407 = arith.index_cast %parallel_loop3A_388 : i32 to index
      %parallel_loop3A_408 = arith.index_cast %parallel_loop3A_406 : i32 to index
      %parallel_loop3A_409 = tpu.vector_load %arg8[%parallel_loop3A_407, %parallel_loop3A_408] {strides = array<i32>} : memref<8x256xf32, #tpu.memory_space<vmem>>, vector<1x16xf32>,
      %parallel_loop3A_410 = vector.shape_cast %parallel_loop3A_409 : vector<1x16xf32> to vector<16xf32>
      %parallel_loop3A_411 = arith.constant 0.000000e+00 : f32
      %parallel_loop3A_412 = vector.broadcast %parallel_loop3A_411 : f32 to vector<16xf32>
      %parallel_loop3A_413 = arith.cmpf ogt, %parallel_loop3A_410, %parallel_loop3A_412 : vector<16xf32>
      %parallel_loop3A_414 = arith.select %parallel_loop3A_413, %broadcast_in_dim3A_28, %broadcast_in_dim3A : vector<16xi1>, vector<16xf32>
      %parallel_loop3A_415 = arith.constant 0 : i32
      %parallel_loop3A_416 = arith.index_cast %parallel_loop3A_388 : i32 to index
      %parallel_loop3A_417 = arith.index_cast %parallel_loop3A_415 : i32 to index
      %parallel_loop3A_418 = arith.index_cast %parallel_loop3A_406 : i32 to index
      %parallel_loop3A_419 = tpu.vector_load %arg12[%parallel_loop3A_416, %parallel_loop3A_417, %parallel_loop3A_418] {strides = array<i32>} : memref<8x8x256xf32, #tpu.memory_space<vmem>>, vector<1x1x16xf32>,
      %parallel_loop3A_420 = vector.shape_cast %parallel_loop3A_419 : vector<1x1x16xf32> to vector<16xf32>
      %parallel_loop3A_421 = vector.shape_cast %parallel_loop3A_414 : vector<16xf32> to vector<1x1x16xf32>
      tpu.vector_store %arg12[%parallel_loop3A_416, %parallel_loop3A_417, %parallel_loop3A_418], %parallel_loop3A_421 {strides = array<i32>} : memref<8x8x256xf32, #tpu.memory_space<vmem>>, vector<1x1x16xf32>,
      %parallel_loop3A_422 = arith.select %parallel_loop3A_413, %broadcast_in_dim3A_31, %broadcast_in_dim3A_7 : vector<16xi1>, vector<16xf32>
      %parallel_loop3A_423 = arith.constant 1 : i32
      %parallel_loop3A_424 = arith.index_cast %parallel_loop3A_388 : i32 to index
      %parallel_loop3A_425 = arith.index_cast %parallel_loop3A_423 : i32 to index
      %parallel_loop3A_426 = arith.index_cast %parallel_loop3A_406 : i32 to index
      %parallel_loop3A_427 = tpu.vector_load %arg12[%parallel_loop3A_424, %parallel_loop3A_425, %parallel_loop3A_426] {strides = array<i32>} : memref<8x8x256xf32, #tpu.memory_space<vmem>>, vector<1x1x16xf32>,
      %parallel_loop3A_428 = vector.shape_cast %parallel_loop3A_427 : vector<1x1x16xf32> to vector<16xf32>
      %parallel_loop3A_429 = vector.shape_cast %parallel_loop3A_422 : vector<16xf32> to vector<1x1x16xf32>
      tpu.vector_store %arg12[%parallel_loop3A_424, %parallel_loop3A_425, %parallel_loop3A_426], %parallel_loop3A_429 {strides = array<i32>} : memref<8x8x256xf32, #tpu.memory_space<vmem>>, vector<1x1x16xf32>,
      %parallel_loop3A_430 = arith.select %parallel_loop3A_413, %broadcast_in_dim3A_34, %broadcast_in_dim3A_10 : vector<16xi1>, vector<16xf32>
      %parallel_loop3A_431 = arith.constant 2 : i32
      %parallel_loop3A_432 = arith.index_cast %parallel_loop3A_388 : i32 to index
      %parallel_loop3A_433 = arith.index_cast %parallel_loop3A_431 : i32 to index
      %parallel_loop3A_434 = arith.index_cast %parallel_loop3A_406 : i32 to index
      %parallel_loop3A_435 = tpu.vector_load %arg12[%parallel_loop3A_432, %parallel_loop3A_433, %parallel_loop3A_434] {strides = array<i32>} : memref<8x8x256xf32, #tpu.memory_space<vmem>>, vector<1x1x16xf32>,
      %parallel_loop3A_436 = vector.shape_cast %parallel_loop3A_435 : vector<1x1x16xf32> to vector<16xf32>
      %parallel_loop3A_437 = vector.shape_cast %parallel_loop3A_430 : vector<16xf32> to vector<1x1x16xf32>
      tpu.vector_store %arg12[%parallel_loop3A_432, %parallel_loop3A_433, %parallel_loop3A_434], %parallel_loop3A_437 {strides = array<i32>} : memref<8x8x256xf32, #tpu.memory_space<vmem>>, vector<1x1x16xf32>,
      %parallel_loop3A_438 = arith.select %parallel_loop3A_413, %broadcast_in_dim3A_37, %broadcast_in_dim3A_13 : vector<16xi1>, vector<16xf32>
      %parallel_loop3A_439 = arith.constant 3 : i32
      %parallel_loop3A_440 = arith.index_cast %parallel_loop3A_388 : i32 to index
      %parallel_loop3A_441 = arith.index_cast %parallel_loop3A_439 : i32 to index
      %parallel_loop3A_442 = arith.index_cast %parallel_loop3A_406 : i32 to index
      %parallel_loop3A_443 = tpu.vector_load %arg12[%parallel_loop3A_440, %parallel_loop3A_441, %parallel_loop3A_442] {strides = array<i32>} : memref<8x8x256xf32, #tpu.memory_space<vmem>>, vector<1x1x16xf32>,
      %parallel_loop3A_444 = vector.shape_cast %parallel_loop3A_443 : vector<1x1x16xf32> to vector<16xf32>
      %parallel_loop3A_445 = vector.shape_cast %parallel_loop3A_438 : vector<16xf32> to vector<1x1x16xf32>
      tpu.vector_store %arg12[%parallel_loop3A_440, %parallel_loop3A_441, %parallel_loop3A_442], %parallel_loop3A_445 {strides = array<i32>} : memref<8x8x256xf32, #tpu.memory_space<vmem>>, vector<1x1x16xf32>,
      %parallel_loop3A_446 = arith.select %parallel_loop3A_413, %broadcast_in_dim3A_40, %broadcast_in_dim3A_16 : vector<16xi1>, vector<16xf32>
      %parallel_loop3A_447 = arith.constant 4 : i32
      %parallel_loop3A_448 = arith.index_cast %parallel_loop3A_388 : i32 to index
      %parallel_loop3A_449 = arith.index_cast %parallel_loop3A_447 : i32 to index
      %parallel_loop3A_450 = arith.index_cast %parallel_loop3A_406 : i32 to index
      %parallel_loop3A_451 = tpu.vector_load %arg12[%parallel_loop3A_448, %parallel_loop3A_449, %parallel_loop3A_450] {strides = array<i32>} : memref<8x8x256xf32, #tpu.memory_space<vmem>>, vector<1x1x16xf32>,
      %parallel_loop3A_452 = vector.shape_cast %parallel_loop3A_451 : vector<1x1x16xf32> to vector<16xf32>
      %parallel_loop3A_453 = vector.shape_cast %parallel_loop3A_446 : vector<16xf32> to vector<1x1x16xf32>
      tpu.vector_store %arg12[%parallel_loop3A_448, %parallel_loop3A_449, %parallel_loop3A_450], %parallel_loop3A_453 {strides = array<i32>} : memref<8x8x256xf32, #tpu.memory_space<vmem>>, vector<1x1x16xf32>,
      %parallel_loop3A_454 = arith.select %parallel_loop3A_413, %broadcast_in_dim3A_43, %broadcast_in_dim3A_19 : vector<16xi1>, vector<16xf32>
      %parallel_loop3A_455 = arith.constant 5 : i32
      %parallel_loop3A_456 = arith.index_cast %parallel_loop3A_388 : i32 to index
      %parallel_loop3A_457 = arith.index_cast %parallel_loop3A_455 : i32 to index
      %parallel_loop3A_458 = arith.index_cast %parallel_loop3A_406 : i32 to index
      %parallel_loop3A_459 = tpu.vector_load %arg12[%parallel_loop3A_456, %parallel_loop3A_457, %parallel_loop3A_458] {strides = array<i32>} : memref<8x8x256xf32, #tpu.memory_space<vmem>>, vector<1x1x16xf32>,
      %parallel_loop3A_460 = vector.shape_cast %parallel_loop3A_459 : vector<1x1x16xf32> to vector<16xf32>
      %parallel_loop3A_461 = vector.shape_cast %parallel_loop3A_454 : vector<16xf32> to vector<1x1x16xf32>
      tpu.vector_store %arg12[%parallel_loop3A_456, %parallel_loop3A_457, %parallel_loop3A_458], %parallel_loop3A_461 {strides = array<i32>} : memref<8x8x256xf32, #tpu.memory_space<vmem>>, vector<1x1x16xf32>,
      %parallel_loop3A_462 = arith.select %parallel_loop3A_413, %broadcast_in_dim3A_46, %broadcast_in_dim3A_22 : vector<16xi1>, vector<16xf32>
      %parallel_loop3A_463 = arith.constant 6 : i32
      %parallel_loop3A_464 = arith.index_cast %parallel_loop3A_388 : i32 to index
      %parallel_loop3A_465 = arith.index_cast %parallel_loop3A_463 : i32 to index
      %parallel_loop3A_466 = arith.index_cast %parallel_loop3A_406 : i32 to index
      %parallel_loop3A_467 = tpu.vector_load %arg12[%parallel_loop3A_464, %parallel_loop3A_465, %parallel_loop3A_466] {strides = array<i32>} : memref<8x8x256xf32, #tpu.memory_space<vmem>>, vector<1x1x16xf32>,
      %parallel_loop3A_468 = vector.shape_cast %parallel_loop3A_467 : vector<1x1x16xf32> to vector<16xf32>
      %parallel_loop3A_469 = vector.shape_cast %parallel_loop3A_462 : vector<16xf32> to vector<1x1x16xf32>
      tpu.vector_store %arg12[%parallel_loop3A_464, %parallel_loop3A_465, %parallel_loop3A_466], %parallel_loop3A_469 {strides = array<i32>} : memref<8x8x256xf32, #tpu.memory_space<vmem>>, vector<1x1x16xf32>,
      %parallel_loop3A_470 = arith.select %parallel_loop3A_413, %broadcast_in_dim3A_49, %broadcast_in_dim3A_25 : vector<16xi1>, vector<16xf32>
      %parallel_loop3A_471 = arith.constant 7 : i32
      %parallel_loop3A_472 = arith.index_cast %parallel_loop3A_388 : i32 to index
      %parallel_loop3A_473 = arith.index_cast %parallel_loop3A_471 : i32 to index
      %parallel_loop3A_474 = arith.index_cast %parallel_loop3A_406 : i32 to index
      %parallel_loop3A_475 = tpu.vector_load %arg12[%parallel_loop3A_472, %parallel_loop3A_473, %parallel_loop3A_474] {strides = array<i32>} : memref<8x8x256xf32, #tpu.memory_space<vmem>>, vector<1x1x16xf32>,
      %parallel_loop3A_476 = vector.shape_cast %parallel_loop3A_475 : vector<1x1x16xf32> to vector<16xf32>
      %parallel_loop3A_477 = vector.shape_cast %parallel_loop3A_470 : vector<16xf32> to vector<1x1x16xf32>
      tpu.vector_store %arg12[%parallel_loop3A_472, %parallel_loop3A_473, %parallel_loop3A_474], %parallel_loop3A_477 {strides = array<i32>} : memref<8x8x256xf32, #tpu.memory_space<vmem>>, vector<1x1x16xf32>,
    } {sc.loop_unroll_factor = 2 : i64, sc.parallel_access}
    %add3A_314 = arith.constant 15 : i32
    %add3A_315 = arith.addi %mul3A_2, %add3A_314 : i32
    %mul3A_316 = arith.constant 8 : i32
    %mul3A_317 = arith.muli %add3A_315, %mul3A_316 : i32
    %dma_start3A_318 = arith.constant 0 : i32
    %dma_start3A_319 = arith.constant 1792 : i32
    %dma_start3A_320 = tpu.memref_slice %arg4[%mul3A_317, %dma_start3A_318, %dma_start3A_319] : memref<4096x8x2048xf32, #tpu.memory_space<hbm>> -> memref<8x8x256xf32, #tpu.memory_space<hbm>>
    %dma_start3A_321 = arith.constant 0 : i32
    %dma_start3A_322 = arith.constant 1792 : i32
    %dma_start3A_323 = tpu.memref_slice %arg4[%mul3A_317, %dma_start3A_321, %dma_start3A_322] : memref<4096x8x2048xf32, #tpu.memory_space<hbm>> -> memref<8x8x256xf32, #tpu.memory_space<hbm>>
    tpu.enqueue_dma source(%arg12 : memref<8x8x256xf32, #tpu.memory_space<vmem>>) target(%dma_start3A_323 : memref<8x8x256xf32, #tpu.memory_space<hbm>>) target_semaphore(%arg21 : memref<!tpu.dma_semaphore, #tpu.memory_space<semaphore_mem>>)
    %add3A_324 = arith.constant 15 : i32
    %add3A_325 = arith.addi %mul3A_2, %add3A_324 : i32
    %mul3A_326 = arith.constant 8 : i32
    %mul3A_327 = arith.muli %add3A_325, %mul3A_326 : i32
    %dma_wait3A_328 = arith.constant 0 : i32
    %dma_wait3A_329 = arith.constant 1024 : i32
    %dma_wait3A_330 = tpu.memref_slice %arg4[%mul3A_327, %dma_wait3A_328, %dma_wait3A_329] : memref<4096x8x2048xf32, #tpu.memory_space<hbm>> -> memref<8x8x256xf32, #tpu.memory_space<hbm>>
    %dma_wait3A_331 = arith.constant 0 : i32
    %dma_wait3A_332 = arith.constant 1024 : i32
    %dma_wait3A_333 = tpu.memref_slice %arg4[%mul3A_327, %dma_wait3A_331, %dma_wait3A_332] : memref<4096x8x2048xf32, #tpu.memory_space<hbm>> -> memref<8x8x256xf32, #tpu.memory_space<hbm>>
    tpu.wait_dma2 semaphore(%arg18 : memref<!tpu.dma_semaphore, #tpu.memory_space<semaphore_mem>>) src(%arg9 : memref<8x8x256xf32, #tpu.memory_space<vmem>>) dst(%dma_wait3A_333 : memref<8x8x256xf32, #tpu.memory_space<hbm>>)
    %add3A_334 = arith.constant 15 : i32
    %add3A_335 = arith.addi %mul3A_2, %add3A_334 : i32
    %mul3A_336 = arith.constant 8 : i32
    %mul3A_337 = arith.muli %add3A_335, %mul3A_336 : i32
    %dma_wait3A_338 = arith.constant 0 : i32
    %dma_wait3A_339 = arith.constant 1280 : i32
    %dma_wait3A_340 = tpu.memref_slice %arg4[%mul3A_337, %dma_wait3A_338, %dma_wait3A_339] : memref<4096x8x2048xf32, #tpu.memory_space<hbm>> -> memref<8x8x256xf32, #tpu.memory_space<hbm>>
    %dma_wait3A_341 = arith.constant 0 : i32
    %dma_wait3A_342 = arith.constant 1280 : i32
    %dma_wait3A_343 = tpu.memref_slice %arg4[%mul3A_337, %dma_wait3A_341, %dma_wait3A_342] : memref<4096x8x2048xf32, #tpu.memory_space<hbm>> -> memref<8x8x256xf32, #tpu.memory_space<hbm>>
    tpu.wait_dma2 semaphore(%arg19 : memref<!tpu.dma_semaphore, #tpu.memory_space<semaphore_mem>>) src(%arg10 : memref<8x8x256xf32, #tpu.memory_space<vmem>>) dst(%dma_wait3A_343 : memref<8x8x256xf32, #tpu.memory_space<hbm>>)
    %add3A_344 = arith.constant 15 : i32
    %add3A_345 = arith.addi %mul3A_2, %add3A_344 : i32
    %mul3A_346 = arith.constant 8 : i32
    %mul3A_347 = arith.muli %add3A_345, %mul3A_346 : i32
    %dma_wait3A_348 = arith.constant 0 : i32
    %dma_wait3A_349 = arith.constant 1536 : i32
    %dma_wait3A_350 = tpu.memref_slice %arg4[%mul3A_347, %dma_wait3A_348, %dma_wait3A_349] : memref<4096x8x2048xf32, #tpu.memory_space<hbm>> -> memref<8x8x256xf32, #tpu.memory_space<hbm>>
    %dma_wait3A_351 = arith.constant 0 : i32
    %dma_wait3A_352 = arith.constant 1536 : i32
    %dma_wait3A_353 = tpu.memref_slice %arg4[%mul3A_347, %dma_wait3A_351, %dma_wait3A_352] : memref<4096x8x2048xf32, #tpu.memory_space<hbm>> -> memref<8x8x256xf32, #tpu.memory_space<hbm>>
    tpu.wait_dma2 semaphore(%arg20 : memref<!tpu.dma_semaphore, #tpu.memory_space<semaphore_mem>>) src(%arg11 : memref<8x8x256xf32, #tpu.memory_space<vmem>>) dst(%dma_wait3A_353 : memref<8x8x256xf32, #tpu.memory_space<hbm>>)
    %add3A_354 = arith.constant 15 : i32
    %add3A_355 = arith.addi %mul3A_2, %add3A_354 : i32
    %mul3A_356 = arith.constant 8 : i32
    %mul3A_357 = arith.muli %add3A_355, %mul3A_356 : i32
    %dma_wait3A_358 = arith.constant 0 : i32
    %dma_wait3A_359 = arith.constant 1792 : i32
    %dma_wait3A_360 = tpu.memref_slice %arg4[%mul3A_357, %dma_wait3A_358, %dma_wait3A_359] : memref<4096x8x2048xf32, #tpu.memory_space<hbm>> -> memref<8x8x256xf32, #tpu.memory_space<hbm>>
    %dma_wait3A_361 = arith.constant 0 : i32
    %dma_wait3A_362 = arith.constant 1792 : i32
    %dma_wait3A_363 = tpu.memref_slice %arg4[%mul3A_357, %dma_wait3A_361, %dma_wait3A_362] : memref<4096x8x2048xf32, #tpu.memory_space<hbm>> -> memref<8x8x256xf32, #tpu.memory_space<hbm>>
    tpu.wait_dma2 semaphore(%arg21 : memref<!tpu.dma_semaphore, #tpu.memory_space<semaphore_mem>>) src(%arg12 : memref<8x8x256xf32, #tpu.memory_space<vmem>>) dst(%dma_wait3A_363 : memref<8x8x256xf32, #tpu.memory_space<hbm>>)
    return
  }
}

</mosaic_0001>

<sc_bundles>
// kernel: kernel.3.cloned.1.call-start
scs
__scs_entry_jumppad:
0x0: {  	(pc) =	sbr.rel $0x88, $3  }
0x1: {  	(tag) =	ssettag $0x0;
	lr =	simm.s32 $0x1  }
0x2: {  	[smem:$0x3F9F] =	sst lr;
	_ =	strace $0xD0000000  }
0x3: {  	_ = 	snop  }
0x4: {  	_ = 	snop  }
0x5: {  	_ = 	snop  }
0x6: {  	_ = 	snop  }
0x7: {  	_ = 	snop  }
__scs_overlays_trampoline_lowered:
0x8: {  	[smem:$0x3FAE] =	sst s0  }
0x9: {  	[smem:$0x3FAF] =	sst s1  }
0xa: {  	[smem:$0x3FB0] =	sst s2  }
0xb: {  	[smem:$0x3FB1] =	sst s3  }
0xc: {  	[smem:$0x3FB2] =	sst s4  }
0xd: {  	[smem:$0x3FB3] =	sst s5  }
0xe: {  	[smem:$0x3FB4] =	sst s6  }
0xf: {  	[smem:$0x3FB5] =	sst s7  }
0x10: {  	[smem:$0x3FB6] =	sst s8  }
0x11: {  	[smem:$0x3FB7] =	sst s9;
	s0 =	simm.s32 @!p0 $0x0  }
0x12: {  	s1 =	sld [smem:$0x3F9D];
	s0 =	simm.s32 @p0 $0x1  }
0x13: {  	[smem:$0x3FB8] =	sst s0;
	s0 =	simm.s32 @!p1 $0x0  }
0x14: {  	s2 =	sld [smem:$0x3F9C];
	s0 =	simm.s32 @p1 $0x1  }
0x15: {  	[smem:$0x3FB9] =	sst s0;
	s0 =	simm.s32 @!p2 $0x0  }
0x16: {  	s3 =	sld [smem:$0x3FDB];
	s0 =	simm.s32 @p2 $0x1  }
0x17: {  	s4 =	simm.s32 $0x1BF5;
	[smem:$0x3FBB] =	sst s0  }
0x18: {  	s0 =	sld [smem:$0x3F9E];
	_ =	swait.ge [sflag:s4], $0x0  }
0x19: {  	s7 =	sld [smem:$0x3F9F]  }
0x1a: {  	s8 =	sadd.s32 $0xFFFFE003, lr  }
0x1b: {  	s9 =	sadd.s32 $0xFFFFFEF7, lr;
	s5 =	simm.s32 $0xFFFFFFFF;
	p2 =	slt.u32 s8, $0xFFFFF086  }
0x1c: {  	p1 =	slt.u32 s9, $0xF7A;
	s5 =	simm.s32 @!p2 $0x0  }
0x1d: {  	s5 =	simm.s32 @p1 $0x1;
	p0 =	seq.s32 s7, s2  }
0x1e: {  	s7 =	smul.u32 @!p0 $0xF7A, s2;
	p2 =	seq.s32 @!p0 s5, $0x0  }
0x1f: {  	s9 =	smul.u32 $0xF7A, s1;
	s8 =	simm.s32 @!p0 $0x1BF5;
	p2 =	por !p2, p0  }
0x20: {  	[sflag:s8] =	ssyncset.s32 @!p0 $0xFFFFF086;
	s6 =	sadd.s32 @!p0 s3, s7;
	s7 =	simm.s32 @!p0 $0x108  }
0x21: {  	s3 =	sadd.s32 s3, s9;
	s6 =	sadd.s32 @!p0 $0x88, s6;
	s7 =	simm.s32 @p2 $0x1082  }
0x22: {  	[simem:s7], [sflag:s8] =	dma.local @!p0 [hbm:s6], $0xF7A  }
0x23: {  	s9 =	sor.u32 $0xD0000000, s2;
	s6 =	simm.s32 $0x108;
	_ =	swait.ge @!p0 [sflag:s8], $0x0  }
0x24: {  	s3 =	sadd.s32 $0x88, s3;
	s6 =	simm.s32 @!p1 $0x1082;
	[sflag:s4] =	ssyncset.s32 $0xFFFFF086  }
0x25: {  	[simem:s6], [sflag:s4] =	dma.local [hbm:s3], $0xF7A  }
0x26: {  	[smem:$0x3F9F] =	sst s1;
	(tag) =	ssettag s2;
	_ =	strace s9  }
0x27: {  	s1 =	sld [smem:$0x3FAF]  }
0x28: {  	s2 =	sld [smem:$0x3FB0]  }
0x29: {  	s4 =	sld [smem:$0x3FB2]  }
0x2a: {  	p0 =	seq.s32 s5, $0x0;
	s5 =	sld [smem:$0x3FB3]  }
0x2b: {  	s6 =	sld [smem:$0x3FB4]  }
0x2c: {  	s7 =	sld [smem:$0x3FB5]  }
0x2d: {  	s3 =	simm.s32 $0x108;
	s8 =	sld [smem:$0x3FB6]  }
0x2e: {  	s3 =	simm.s32 @!p0 $0x1082;
	s9 =	sld [smem:$0x3FB7]  }
0x2f: {  	lr =	sadd.s32 s0, s3;
	s0 =	sld [smem:$0x3FAE]  }
0x30: {  	s3 =	sld [smem:$0x3FB1]  }
0x31: {  	[smem:$0x3FBA] =	sst s10  }
0x32: {  	s10 =	sld [smem:$0x3FB8];
	_ =	sdelay $0x3  }
0x33: {  	p0 =	seq.s32 s10, $0x1;
	s10 =	sld [smem:$0x3FBA];
	_ =	sdelay $0x3  }
0x34: {  	[smem:$0x3FBA] =	sst s10  }
0x35: {  	s10 =	sld [smem:$0x3FB9];
	_ =	sdelay $0x3  }
0x36: {  	p1 =	seq.s32 s10, $0x1;
	s10 =	sld [smem:$0x3FBA];
	_ =	sdelay $0x3  }
0x37: {  	[smem:$0x3FBA] =	sst s10  }
0x38: {  	s10 =	sld [smem:$0x3FBB]  }
0x39: {  	_ = 	snop;
	(pc) =	sbr.ind lr, $3  }
0x3a: {  	_ = 	snop  }
0x3b: {  	_ = 	snop  }
0x3c: {  	p2 =	seq.s32 s10, $0x1;
	s10 =	sld [smem:$0x3FBA]  }
0x3d: {  	_ =	shalt  }
0x3e: {  	_ =	shalt  }
0x3f: {  	_ =	shalt  }
0x40: {  	_ =	shalt  }
0x41: {  	_ =	shalt  }
0x42: {  	_ =	shalt  }
0x43: {  	_ =	shalt  }
0x44: {  	_ =	shalt  }
0x45: {  	_ =	shalt  }
0x46: {  	_ =	shalt  }
0x47: {  	_ =	shalt  }
0x48: {  	_ =	shalt  }
0x49: {  	_ =	shalt  }
0x4a: {  	_ =	shalt  }
0x4b: {  	_ =	shalt  }
0x4c: {  	_ =	shalt  }
0x4d: {  	_ =	shalt  }
0x4e: {  	_ =	shalt  }
0x4f: {  	_ =	shalt  }
0x50: {  	_ =	shalt  }
0x51: {  	_ =	shalt  }
0x52: {  	_ =	shalt  }
0x53: {  	_ =	shalt  }
0x54: {  	_ =	shalt  }
0x55: {  	_ =	shalt  }
0x56: {  	_ =	shalt  }
0x57: {  	_ =	shalt  }
0x58: {  	_ =	shalt  }
0x59: {  	_ =	shalt  }
0x5a: {  	_ =	shalt  }
0x5b: {  	_ =	shalt  }
0x5c: {  	_ =	shalt  }
0x5d: {  	_ =	shalt  }
0x5e: {  	_ =	shalt  }
0x5f: {  	_ =	shalt  }
0x60: {  	_ =	shalt  }
0x61: {  	_ =	shalt  }
0x62: {  	_ =	shalt  }
0x63: {  	_ =	shalt  }
0x64: {  	_ =	shalt  }
0x65: {  	_ =	shalt  }
0x66: {  	_ =	shalt  }
0x67: {  	_ =	shalt  }
0x68: {  	_ =	shalt  }
0x69: {  	_ =	shalt  }
0x6a: {  	_ =	shalt  }
0x6b: {  	_ =	shalt  }
0x6c: {  	_ =	shalt  }
0x6d: {  	_ =	shalt  }
0x6e: {  	_ =	shalt  }
0x6f: {  	_ =	shalt  }
0x70: {  	_ =	shalt  }
0x71: {  	_ =	shalt  }
0x72: {  	_ =	shalt  }
0x73: {  	_ =	shalt  }
0x74: {  	_ =	shalt  }
0x75: {  	_ =	shalt  }
0x76: {  	_ =	shalt  }
0x77: {  	_ =	shalt  }
0x78: {  	_ =	shalt  }
0x79: {  	_ =	shalt  }
0x7a: {  	_ =	shalt  }
0x7b: {  	_ =	shalt  }
0x7c: {  	_ =	shalt  }
0x7d: {  	_ =	shalt  }
0x7e: {  	_ =	shalt  }
0x7f: {  	_ =	shalt  }
0x80: {  	_ =	shalt  }
0x81: {  	_ =	shalt  }
0x82: {  	_ =	shalt  }
0x83: {  	_ =	shalt  }
0x84: {  	_ =	shalt  }
0x85: {  	_ =	shalt  }
0x86: {  	_ =	shalt  }
0x87: {  	_ =	shalt  }
.Lfunc_end0:
.L_simem_size_0:
called_computation_lowered:
.L_overlay_start_0:
0x88: {  	s2 =	sld [smem:$0x3FD9]  }
0x89: {  	s3 =	sld [smem:$0x3FFE];
	_ =	sdelay $0x1  }
0x8a: {  	s1 =	srdreg.scid  }
0x8b: {  	s0 =	sand.u32 $0x1, s1  }
0x8c: {  	s17 =	sshll.u32 s0, $0xA;
	s2 =	sadd.s32 s3, s2  }
0x8d: {  	s2 =	sadd.s32 s2, s17  }
0x8e: {  	[smem:$0x3FC6] =	sst s2  }
0x8f: {  	_ = 	snop  }
0x90: {  	s2 =	sld [smem:$0x3FC9]  }
0x91: {  	s18 =	sld [smem:$0x3FD0];
	(tm) =	ssettm $0x1  }
0x92: {  	s4 =	sld [smem:$0x3FFB];
	_ =	sdelay $0x3  }
0x93: {  	_ =	strace s4  }
0x94: {  	s4 =	sld [smem:$0x3FFC];
	_ =	sdelay $0x3  }
0x95: {  	_ =	strace s4  }
0x96: {  	s4 =	sld [smem:$0x3FFD];
	_ =	sdelay $0x3  }
0x97: {  	_ =	strace s4  }
0x98: {  	_ =	strace $0x8FFFFFFF  }
0x99: {  	s19 =	sld [smem:$0x3FDB];
	_ =	sdelay $0x1  }
0x9a: {  	s5 =	simm.s32 $_scs_section_size  }
0x9b: {  	s6 =	simm.s32 $_size__tile_overlayer_lowered;
	s7 =	simm.s32 $_tile_overlayer_lowered  }
0x9c: {  	s22 =	simm.s32 $0x1BFF;
	s21 =	sshll.u32 s7, $0x1;
	s4 =	sadd.s32 s5, s19  }
0x9d: {  	s8 =	simm.s32 $0x0;
	s20 =	sshll.u32 s6, $0x1;
	s6 =	sadd.s32 s21, s4  }
0x9e: {  	[timem:s8], [sflag:s22] =	dma.local [hbm:s6], s20  }
0x9f: {  	_ =	swait.ge [sflag:s22], s20  }
0xa0: {  	s5 =	ssub.s32 $0x0, s20;
	[sflag:s22] =	ssyncset.done $0x0  }
0xa1: {  	[sflag:s22] =	ssyncadd.s32 s5;
	_ =	sdelay $0x1  }
0xa2: {  	s23 =	simm.s32 $0x1B8B  }
0xa3: {  	_ =	swait.ge [sflag:s23], $0x1  }
0xa4: {  	[sflag:s23] =	ssyncset.done $0x0  }
0xa5: {  	s25 =	simm.s32 $0x1B8E;
	s24 =	sld [smem:$0x3FFE];
	[sflag:s23] =	ssyncadd.s32 $0xFFFFFFFF  }
0xa6: {  	s26 =	simm.s32 $execute0_lowered;
	[smem:$0x3FD2] =	sst s25  }
0xa7: {  	s6 =	sshll.u32 s26, $0x1;
	_ =	strace $0x80000046;
	[dreg:$0x1] =	wrdreg $0xFFFFFFFF  }
0xa8: {  	s28 =	simm.s32 $_size_execute0_lowered;
	s4 =	sadd.s32 s4, s6;
	[dreg:$0x0] =	wrdreg $0x0  }
0xa9: {  	s6 =	sshll.u32 s28, $0x1;
	[dreg:$0x2] =	wrdreg s4  }
0xaa: {  	[dreg:$0x3] =	wrdreg s6  }
0xab: {  	[dreg:$0x4] =	wrdreg $0xC0  }
0xac: {  	_ =	task [dreg:s8], $0x5FFFF  }
0xad: {  	[dreg:$0x1] =	wrdreg $0xFFFFFFFF  }
0xae: {  	[dreg:$0x0] =	wrdreg $0x60  }
0xaf: {  	[dreg:$0x2] =	wrdreg s2  }
0xb0: {  	[dreg:$0x3] =	wrdreg s24  }
0xb1: {  	[dreg:$0x4] =	wrdreg s18  }
0xb2: {  	[dreg:$0x5] =	wrdreg $0x9  }
0xb3: {  	_ =	task.clear_ibuf [dreg:s8], $0x6FFFF;
	_ =	strace $0x90000046  }
0xb4: {  	s29 =	simm.s32 $0x9;
	_ =	strace $0x80000048  }
0xb5: {  	_ =	swait.ge [sflag:s29], $0x1  }
0xb6: {  	[sflag:s29] =	ssyncadd.s32 $0xFFFFFFFF  }
0xb7: {  	_ =	strace $0x90000048  }
0xb8: {  	_ =	sfence  }
0xb9: {  	s30 =	sld [smem:$0x0];
	_ =	sdelay $0x2  }
0xba: {  	s31 =	sshll.u32 s1, $0xD;
	s1 =	sshrl.u32 s1, $0x2  }
0xbb: {  	s3 =	sand.u32 $0x4000, s31;
	s1 =	sadd.s32 s1, s30  }
0xbc: {  	s0 =	sor.u32 s3, s0;
	s1 =	sshll.u32 s1, $0x11  }
0xbd: {  	s0 =	sor.u32 s1, s0  }
0xbe: {  	s0 =	sadd.s32 $0x8F2B, s0  }
0xbf: {  	[sflag:s0] =	ssyncadd.remote.s32 $0x1  }
0xc0: {  	_ =	sfence.sel $0xFFFF  }
0xc1: {  	[dreg:$0x0] =	wrdreg $0xFFFFFFFF;
	(pc) =	sbr.abs _section_cstart, $3  }
0xc2: {  	[dreg:$0x1] =	wrdreg $0xFFFFFFFF  }
0xc3: {  	_ =	task.clear_ibuf [dreg:s8], $0x2FFFF;
	_ =	strace $0x9FFFFFFF  }
0xc4: {  	(tm) =	ssettm $0x7FFFFFFF  }
0xc5: {  	_ =	shalt  }
tec
execute0_lowered:
.L_overlay_start_1:
0x0: {  	(tag) =	ssettag $0x1  }
0x1: {  	s1 =	rddreg [dreg:$0x0]  }
0x2: {  	s0 =	rddreg [dreg:$0x1]  }
0x3: {  	s2 =	srdreg.scid;
	s5 =	stileid.u32  }
0x4: {  	s3 =	rddreg [dreg:$0x2];
	s2 =	sand.u32 $0x1, s2;
	s5 =	sshll.u32 s5, $0x1  }
0x5: {  	s4 =	simm.s32 $0x0;
	s6 =	ssub.s32 $0x2, s2;
	s2 =	sor.u32 s2, s5  }
0x6: {  	[smem:$0x7FF] =	sst s4;
	s0 =	sadd.s32 $0x400, s0;
	s5 =	sshll.u32 s2, $0xF  }
0x7: {  	_ =	strace $0x80000047;
	[dreg:$0x4] =	wrdreg s0;
	s5 =	sadd.s32 s1, s5  }
0x8: {  	s30 =	simm.s32 $0x1;
	s7 =	sadd.s32 $0x100, s5;
	[dreg:$0x5] =	wrdreg s5  }
0x9: {  	s31 =	simm.s32 $0x4000;
	s18 =	sadd.s32 $0x200, s5;
	[dreg:$0x6] =	wrdreg s7  }
0xa: {  	s8 =	simm.s32 $0xA000;
	s19 =	sadd.s32 $0x300, s5;
	[dreg:$0x7] =	wrdreg s18  }
0xb: {  	s17 =	sshrl.u32 s6, $0x1;
	s20 =	sadd.s32 $0x400, s5;
	[dreg:$0x8] =	wrdreg s19  }
0xc: {  	s0 =	ssub.s32 s6, s17;
	s22 =	sadd.s32 $0x500, s5;
	[dreg:$0xa] =	wrdreg s20  }
0xd: {  	s6 =	sshll.u32 s2, $0x4;
	s24 =	sadd.s32 $0x600, s5;
	[dreg:$0xc] =	wrdreg s22  }
0xe: {  	s2 =	sshll.u32 s2, $0x12;
	s5 =	sadd.s32 $0x700, s5;
	[dreg:$0xe] =	wrdreg s24  }
0xf: {  	s9 =	simm.s32 $0x4;
	s2 =	sadd.s32 s3, s2;
	[dreg:$0x10] =	wrdreg s5  }
0x10: {  	s10 =	simm.s32 $0xE000;
	s0 =	smax.u32 s0, $0x1;
	[dreg:$0x9] =	wrdreg s2  }
0x11: {  	s12 =	simm.s32 $0x5;
	s21 =	sadd.s32 $0x100, s2;
	[dreg:$0x15] =	wrdreg s0  }
0x12: {  	s13 =	simm.s32 $0x6;
	s23 =	sadd.s32 $0x200, s2;
	[dreg:$0xb] =	wrdreg s21  }
0x13: {  	s14 =	simm.s32 $0x7;
	s25 =	sadd.s32 $0x300, s2;
	[dreg:$0xd] =	wrdreg s23  }
0x14: {  	s15 =	simm.s32 $0x8;
	s26 =	sadd.s32 $0x3C400, s2;
	[dreg:$0xf] =	wrdreg s25  }
0x15: {  	s28 =	sadd.s32 $0x3C500, s2;
	s29 =	sadd.s32 $0x3C600, s2;
	[dreg:$0x11] =	wrdreg s26  }
0x16: {  	s2 =	sadd.s32 $0x3C700, s2;
	s24 =	simm.s32 $0x6000;
	[dreg:$0x12] =	wrdreg s28  }
0x17: {  	s5 =	simm.s32 $0x3;
	s7 =	simm.s32 $0x0;
	[dreg:$0x13] =	wrdreg s29  }
0x18: {  	[dreg:$0x14] =	wrdreg s2;
	s26 =	simm.s32 $0x800;
	s2 =	simm.s32 $0x2  }
.LBB2_1:
0x19: {  	[dreg:$0x16] =	wrdreg s7  }
0x1a: {  	s0 =	rddreg [dreg:$0x4];
	s17 =	simm.s32 $0x12000;
	s18 =	simm.s32 $0x9  }
0x1b: {  	[tilespmem:s17], [sflag:$0x9] =	stream.linear.gather [hbm4b:s0+s4], $0x80, $0x38;
	[tilespmem:$0x12080] =	vst v63  }
0x1c: {  	_ =	swait.ge [sflag:s18], $0x80  }
0x1d: {  	[sflag:s18] =	ssyncset.done $0x0  }
0x1e: {  	s19 =	rddreg [dreg:$0x5];
	[sflag:s18] =	ssyncadd.s32 $0xFFFFFF80  }
0x1f: {  	v9 =	vld [tilespmem:$0x12000];
	[tilespmem:s4], [sflag:$0x1] =	stream.linear.gather [hbm4b:s19+s4], $0x800, $0x38  }
0x20: {  	s20 =	rddreg [dreg:$0x6]  }
0x21: {  	[tilespmem:s26], [sflag:$0x2] =	stream.linear.gather [hbm4b:s20+s4], $0x800, $0x38;
	[tilespmem:$0x12080] =	vst v63  }
0x22: {  	s22 =	simm.s32 $0x1000;
	s25 =	simm.s32 $0x1800;
	s21 =	rddreg [dreg:$0x7]  }
0x23: {  	[tilespmem:s22], [sflag:$0x3] =	stream.linear.gather [hbm4b:s21+s4], $0x800, $0x38;
	[tilespmem:$0x12080] =	vst v63  }
0x24: {  	s28 =	simm.s32 $0x0;
	s11 =	sand.u32 $0x60, s4;
	s23 =	rddreg [dreg:$0x8]  }
0x25: {  	[tilespmem:s25], [sflag:$0x4] =	stream.linear.gather [hbm4b:s23+s4], $0x800, $0x38;
	[tilespmem:$0x12080] =	vst v63  }
0x26: {  	s17 =	sand.u32 $0x400, s4;
	s7 =	sand.u32 $0x3FFFFF80, s28;
	_ =	swait.ge [sflag:s30], $0x800  }
0x27: {  	s7 =	sadd.s32 s17, s7;
	s18 =	sor.u32 $0x10, s11;
	v5 =	vbroadcast v9, $0x0;
	v6 =	vbroadcast v9, $0x1;
	[sflag:s30] =	ssyncset.done $0x0  }
0x28: {  	s19 =	sor.u32 s18, s7;
	v2 =	vbroadcast v9, $0x2;
	v0 =	vbroadcast v9, $0x3;
	[sflag:s30] =	ssyncadd.s32 $0xFFFFF800  }
0x29: {  	s7 =	sor.u32 s11, s7;
	v3 =	vbroadcast v9, $0x4;
	v1 =	vbroadcast v9, $0x5;
	v16 =	vld [tilespmem:s19+$0x0]  }
0x2a: {  	v4 =	vbroadcast v9, $0x6;
	v12 =	vbroadcast v9, $0x7;
	v17 =	vld [tilespmem:s7+$0x0]  }
0x2b: {  	s29 =	simm.s32 $0x0;
	v13 =	vbroadcast v9, $0x8;
	v14 =	vbroadcast v9, $0x9  }
0x2c: {  	v10 =	vbroadcast v9, $0xA;
	v7 =	vbroadcast v9, $0xB;
	s7 =	sand.u32 $0x3FFFF800, s29  }
0x2d: {  	v8 =	vbroadcast v9, $0xC;
	v15 =	vbroadcast v9, $0xF;
	s7 =	sor.u32 s17, s7  }
0x2e: {  	v11 =	vbroadcast v9, $0xD;
	v9 =	vbroadcast v9, $0xE;
	s7 =	sadd.s32 $0x2000, s7;
	vm0 =	vgt.f32 v16, $0.0e+00  }
0x2f: {  	s17 =	sor.u32 s18, s7;
	vm1 =	vgt.f32 v17, $0.0e+00;
	v16 =	vsel vm0, v13, v5;
	v17 =	vsel vm0, v15, v12  }
0x30: {  	s19 =	sor.u32 s11, s7;
	v18 =	vsel vm1, v13, v5;
	v19 =	vsel vm1, v14, v6;
	v20 =	vsel vm1, v10, v2;
	[tilespmem:s17+$0x380] =	vst v17  }
0x31: {  	v25 =	vsel vm1, v7, v0;
	v24 =	vsel vm1, v8, v3;
	v23 =	vsel vm1, v11, v1;
	[tilespmem:s19+$0x0] =	vst v18  }
0x32: {  	v22 =	vsel vm1, v9, v4;
	v21 =	vsel vm1, v15, v12;
	[tilespmem:s19+$0x80] =	vst v19;
	v18 =	vsel vm0, v14, v6  }
0x33: {  	s20 =	simm.s32 $0x0;
	s18 =	simm.s32 $0x0;
	s7 =	simm.s32 $0x0;
	[tilespmem:s19+$0x100] =	vst v20;
	v20 =	vsel vm0, v10, v2;
	v19 =	vsel vm0, v7, v0;
	v17 =	vsel vm0, v8, v3  }
.LBB2_2:
0x34: {  	s18 =	sadd.s32 $0x2, s18;
	[tilespmem:s19+$0x180] =	vst v25;
	v25 =	vsel vm0, v11, v1;
	v26 =	vsel vm0, v9, v4  }
0x35: {  	s20 =	sadd.s32 $0x20, s20;
	s7 =	sadd.s32 $0x100, s7;
	s11 =	sshll.u32 s18, $0x3;
	[tilespmem:s19+$0x200] =	vst v24  }
0x36: {  	s21 =	sand.u32 $0x60, s20;
	s22 =	sand.u32 $0x400, s7;
	s11 =	sand.u32 $0x3FFFFF80, s11;
	[tilespmem:s19+$0x280] =	vst v23  }
0x37: {  	p0 =	slt.u32 s18, $0x7E;
	s23 =	sor.u32 $0x10, s21;
	s11 =	sadd.s32 s22, s11;
	[tilespmem:s19+$0x300] =	vst v22  }
0x38: {  	s25 =	sor.u32 s21, s11;
	s11 =	sor.u32 s23, s11;
	[tilespmem:s19+$0x380] =	vst v21  }
0x39: {  	v21 =	vld [tilespmem:s11+$0x0];
	[tilespmem:s17+$0x0] =	vst v16  }
0x3a: {  	v16 =	vld [tilespmem:s25+$0x0];
	[tilespmem:s17+$0x80] =	vst v18  }
0x3b: {  	s11 =	sshll.u32 s18, $0x7;
	[tilespmem:s17+$0x100] =	vst v20  }
0x3c: {  	s11 =	sand.u32 $0x3FFFF800, s11;
	[tilespmem:s17+$0x180] =	vst v19  }
0x3d: {  	s11 =	sor.u32 s22, s11;
	[tilespmem:s17+$0x200] =	vst v17  }
0x3e: {  	s11 =	sadd.s32 $0x2000, s11;
	vm0 =	vgt.f32 v21, $0.0e+00;
	[tilespmem:s17+$0x280] =	vst v25  }
.Ltmp0:
0x3f: {  	s19 =	sor.u32 s21, s11;
	vm1 =	vgt.f32 v16, $0.0e+00;
	v16 =	vsel vm0, v13, v5;
	v17 =	vsel vm0, v15, v12;
	[tilespmem:s17+$0x300] =	vst v26;
	s17 =	sor.u32 s23, s11;
	(pc) =	sbr.rel @p0 .LBB2_2-.Ltmp0, $4  }
0x40: {  	v18 =	vsel vm1, v13, v5;
	v19 =	vsel vm1, v14, v6;
	v20 =	vsel vm1, v10, v2;
	[tilespmem:s17+$0x380] =	vst v17  }
0x41: {  	v25 =	vsel vm1, v7, v0;
	v24 =	vsel vm1, v8, v3;
	v23 =	vsel vm1, v11, v1;
	[tilespmem:s19+$0x0] =	vst v18  }
0x42: {  	v22 =	vsel vm1, v9, v4;
	v21 =	vsel vm1, v15, v12;
	v18 =	vsel vm0, v14, v6;
	[tilespmem:s19+$0x80] =	vst v19  }
0x43: {  	v17 =	vsel vm0, v8, v3;
	v19 =	vsel vm0, v7, v0;
	[tilespmem:s19+$0x100] =	vst v20;
	v20 =	vsel vm0, v10, v2  }
0x44: {  	[tilespmem:s19+$0x180] =	vst v25  }
0x45: {  	[tilespmem:s19+$0x200] =	vst v24  }
0x46: {  	[tilespmem:s19+$0x280] =	vst v23  }
0x47: {  	[tilespmem:s19+$0x300] =	vst v22  }
0x48: {  	[tilespmem:s19+$0x380] =	vst v21  }
0x49: {  	[tilespmem:s17+$0x0] =	vst v16  }
0x4a: {  	[tilespmem:s17+$0x80] =	vst v18  }
0x4b: {  	[tilespmem:s17+$0x100] =	vst v20  }
0x4c: {  	[tilespmem:s17+$0x180] =	vst v19  }
0x4d: {  	v16 =	vsel vm0, v11, v1;
	[tilespmem:s17+$0x200] =	vst v17  }
0x4e: {  	v17 =	vsel vm0, v9, v4;
	[tilespmem:s17+$0x280] =	vst v16  }
0x4f: {  	s7 =	simm.s32 $0x2000;
	[tilespmem:s17+$0x300] =	vst v17  }
0x50: {  	s25 =	simm.s32 $0x0;
	s17 =	simm.s32 $0x0;
	s0 =	rddreg [dreg:$0x9]  }
0x51: {  	[hbm4b:s0+s26] =	stream.strided.scatter [tilespmem:s7], [sflag:$0x5], $0x4000, s31, s26, $0x38;
	[tilespmem:$0x12080] =	vst v63  }
0x52: {  	s23 =	rddreg [dreg:$0xa];
	s11 =	sand.u32 $0x400, s17;
	s7 =	sand.u32 $0x3FFFFF80, s25  }
0x53: {  	[tilespmem:s17], [sflag:$0x1] =	stream.linear.gather [hbm4b:s23+s17], $0x800, $0x38;
	[tilespmem:$0x12080] =	vst v63  }
0x54: {  	s28 =	sand.u32 $0x60, s17;
	s7 =	sadd.s32 s11, s7;
	_ =	swait.ge [sflag:s2], $0x800  }
0x55: {  	s18 =	sor.u32 $0x10, s28;
	s7 =	sadd.s32 $0x800, s7;
	[sflag:s2] =	ssyncset.done $0x0  }
0x56: {  	s20 =	sor.u32 s18, s7;
	[sflag:s2] =	ssyncadd.s32 $0xFFFFF800  }
0x57: {  	s7 =	sor.u32 s28, s7;
	v16 =	vld [tilespmem:s20+$0x0]  }
0x58: {  	v17 =	vld [tilespmem:s7+$0x0]  }
0x59: {  	s29 =	simm.s32 $0x0  }
0x5a: {  	s7 =	sand.u32 $0x3FFFF800, s29  }
0x5b: {  	s7 =	sor.u32 s11, s7  }
0x5c: {  	s7 =	sadd.s32 $0x6000, s7;
	vm0 =	vgt.f32 v16, $0.0e+00  }
0x5d: {  	s18 =	sor.u32 s18, s7;
	vm1 =	vgt.f32 v17, $0.0e+00;
	v16 =	vsel vm0, v13, v5;
	v17 =	vsel vm0, v15, v12  }
0x5e: {  	s7 =	sor.u32 s28, s7;
	v18 =	vsel vm1, v13, v5;
	v20 =	vsel vm1, v14, v6;
	v23 =	vsel vm1, v10, v2;
	[tilespmem:s18+$0x380] =	vst v17  }
0x5f: {  	v22 =	vsel vm1, v7, v0;
	v21 =	vsel vm1, v8, v3;
	v19 =	vsel vm1, v11, v1;
	[tilespmem:s7+$0x0] =	vst v18  }
0x60: {  	s19 =	simm.s32 $0x0;
	s20 =	simm.s32 $0x0;
	[tilespmem:s7+$0x80] =	vst v20;
	v20 =	vsel vm1, v9, v4;
	v18 =	vsel vm1, v15, v12;
	v17 =	vsel vm0, v14, v6  }
.LBB2_4:
0x61: {  	s19 =	sadd.s32 $0x2, s19;
	[tilespmem:s7+$0x100] =	vst v23;
	v23 =	vsel vm0, v10, v2;
	v24 =	vsel vm0, v7, v0;
	v25 =	vsel vm0, v8, v3  }
0x62: {  	v26 =	vsel vm0, v9, v4;
	s17 =	sadd.s32 $0x100, s17;
	s11 =	sshll.u32 s19, $0x3;
	p0 =	slt.u32 s19, $0x7E;
	[tilespmem:s7+$0x180] =	vst v22;
	v22 =	vsel vm0, v11, v1  }
0x63: {  	s20 =	sadd.s32 $0x20, s20;
	s21 =	sand.u32 $0x400, s17;
	s11 =	sand.u32 $0x3FFFFF80, s11;
	[tilespmem:s7+$0x200] =	vst v21  }
0x64: {  	s22 =	sand.u32 $0x60, s20;
	s11 =	sadd.s32 s21, s11;
	[tilespmem:s7+$0x280] =	vst v19  }
0x65: {  	s23 =	sor.u32 $0x10, s22;
	s11 =	sadd.s32 $0x800, s11;
	[tilespmem:s7+$0x300] =	vst v20  }
0x66: {  	s25 =	sor.u32 s22, s11;
	s11 =	sor.u32 s23, s11;
	[tilespmem:s7+$0x380] =	vst v18  }
0x67: {  	v18 =	vld [tilespmem:s11+$0x0];
	[tilespmem:s18+$0x0] =	vst v16  }
0x68: {  	v16 =	vld [tilespmem:s25+$0x0];
	[tilespmem:s18+$0x80] =	vst v17  }
0x69: {  	s7 =	sshll.u32 s19, $0x7;
	[tilespmem:s18+$0x100] =	vst v23  }
0x6a: {  	s7 =	sand.u32 $0x3FFFF800, s7;
	[tilespmem:s18+$0x180] =	vst v24  }
0x6b: {  	s7 =	sor.u32 s21, s7;
	[tilespmem:s18+$0x200] =	vst v25  }
.Ltmp1:
0x6c: {  	s11 =	sadd.s32 $0x6000, s7;
	vm0 =	vgt.f32 v18, $0.0e+00;
	[tilespmem:s18+$0x280] =	vst v22;
	(pc) =	sbr.rel @p0 .LBB2_4-.Ltmp1, $4  }
0x6d: {  	s7 =	sor.u32 s22, s11;
	vm1 =	vgt.f32 v16, $0.0e+00;
	v16 =	vsel vm0, v13, v5;
	v17 =	vsel vm0, v15, v12;
	[tilespmem:s18+$0x300] =	vst v26;
	s18 =	sor.u32 s23, s11  }
0x6e: {  	v18 =	vsel vm1, v13, v5;
	v20 =	vsel vm1, v14, v6;
	v23 =	vsel vm1, v10, v2;
	[tilespmem:s18+$0x380] =	vst v17  }
0x6f: {  	v22 =	vsel vm1, v7, v0;
	v21 =	vsel vm1, v8, v3;
	v19 =	vsel vm1, v11, v1;
	[tilespmem:s7+$0x0] =	vst v18  }
0x70: {  	v17 =	vsel vm0, v14, v6;
	v18 =	vsel vm1, v15, v12;
	[tilespmem:s7+$0x80] =	vst v20;
	v20 =	vsel vm1, v9, v4  }
0x71: {  	[tilespmem:s7+$0x100] =	vst v23  }
0x72: {  	[tilespmem:s7+$0x180] =	vst v22  }
0x73: {  	[tilespmem:s7+$0x200] =	vst v21  }
0x74: {  	[tilespmem:s7+$0x280] =	vst v19  }
0x75: {  	[tilespmem:s7+$0x300] =	vst v20  }
0x76: {  	[tilespmem:s7+$0x380] =	vst v18  }
0x77: {  	[tilespmem:s18+$0x0] =	vst v16  }
0x78: {  	v16 =	vsel vm0, v10, v2;
	[tilespmem:s18+$0x80] =	vst v17  }
0x79: {  	v17 =	vsel vm0, v7, v0;
	[tilespmem:s18+$0x100] =	vst v16  }
0x7a: {  	v16 =	vsel vm0, v8, v3;
	[tilespmem:s18+$0x180] =	vst v17  }
0x7b: {  	v17 =	vsel vm0, v11, v1;
	[tilespmem:s18+$0x200] =	vst v16  }
0x7c: {  	v16 =	vsel vm0, v9, v4;
	[tilespmem:s18+$0x280] =	vst v17  }
0x7d: {  	[tilespmem:s18+$0x300] =	vst v16  }
0x7e: {  	s17 =	simm.s32 $0x0;
	s25 =	simm.s32 $0x0;
	s0 =	rddreg [dreg:$0xb]  }
0x7f: {  	[hbm4b:s0+s26] =	stream.strided.scatter [tilespmem:s24], [sflag:$0x6], $0x4000, s31, s26, $0x38;
	[tilespmem:$0x12080] =	vst v63  }
0x80: {  	s11 =	sand.u32 $0x400, s17;
	s7 =	sand.u32 $0x3FFFFF80, s25;
	s23 =	rddreg [dreg:$0xc]  }
0x81: {  	[tilespmem:s26], [sflag:$0x2] =	stream.linear.gather [hbm4b:s23+s17], $0x800, $0x38;
	[tilespmem:$0x12080] =	vst v63  }
0x82: {  	s19 =	sand.u32 $0x60, s17;
	s7 =	sadd.s32 s11, s7;
	_ =	swait.ge [sflag:s5], $0x800  }
0x83: {  	s28 =	sor.u32 $0x10, s19;
	s7 =	sadd.s32 $0x1000, s7;
	[sflag:s5] =	ssyncset.done $0x0  }
0x84: {  	s20 =	sor.u32 s28, s7;
	[sflag:s5] =	ssyncadd.s32 $0xFFFFF800  }
0x85: {  	s7 =	sor.u32 s19, s7;
	v16 =	vld [tilespmem:s20+$0x0]  }
0x86: {  	v17 =	vld [tilespmem:s7+$0x0]  }
0x87: {  	s29 =	simm.s32 $0x0  }
0x88: {  	s7 =	sand.u32 $0x3FFFF800, s29  }
0x89: {  	s7 =	sor.u32 s11, s7  }
0x8a: {  	s7 =	sadd.s32 $0xA000, s7;
	vm0 =	vgt.f32 v16, $0.0e+00  }
0x8b: {  	s18 =	sor.u32 s28, s7;
	vm1 =	vgt.f32 v17, $0.0e+00;
	v16 =	vsel vm0, v13, v5;
	v17 =	vsel vm0, v15, v12  }
0x8c: {  	s7 =	sor.u32 s19, s7;
	v18 =	vsel vm1, v13, v5;
	v20 =	vsel vm1, v14, v6;
	v23 =	vsel vm1, v10, v2;
	[tilespmem:s18+$0x380] =	vst v17  }
0x8d: {  	v22 =	vsel vm1, v7, v0;
	v21 =	vsel vm1, v8, v3;
	v19 =	vsel vm1, v11, v1;
	[tilespmem:s7+$0x0] =	vst v18  }
0x8e: {  	s20 =	simm.s32 $0x0;
	s19 =	simm.s32 $0x0;
	[tilespmem:s7+$0x80] =	vst v20;
	v20 =	vsel vm1, v9, v4;
	v18 =	vsel vm1, v15, v12;
	v17 =	vsel vm0, v14, v6  }
.LBB2_6:
0x8f: {  	s19 =	sadd.s32 $0x2, s19;
	[tilespmem:s7+$0x100] =	vst v23;
	v23 =	vsel vm0, v10, v2;
	v24 =	vsel vm0, v7, v0;
	v25 =	vsel vm0, v8, v3  }
0x90: {  	v26 =	vsel vm0, v9, v4;
	s17 =	sadd.s32 $0x100, s17;
	s11 =	sshll.u32 s19, $0x3;
	p0 =	slt.u32 s19, $0x7E;
	[tilespmem:s7+$0x180] =	vst v22;
	v22 =	vsel vm0, v11, v1  }
0x91: {  	s20 =	sadd.s32 $0x20, s20;
	s21 =	sand.u32 $0x400, s17;
	s11 =	sand.u32 $0x3FFFFF80, s11;
	[tilespmem:s7+$0x200] =	vst v21  }
0x92: {  	s22 =	sand.u32 $0x60, s20;
	s11 =	sadd.s32 s21, s11;
	[tilespmem:s7+$0x280] =	vst v19  }
0x93: {  	s23 =	sor.u32 $0x10, s22;
	s11 =	sadd.s32 $0x1000, s11;
	[tilespmem:s7+$0x300] =	vst v20  }
0x94: {  	s25 =	sor.u32 s22, s11;
	s11 =	sor.u32 s23, s11;
	[tilespmem:s7+$0x380] =	vst v18  }
0x95: {  	v18 =	vld [tilespmem:s11+$0x0];
	[tilespmem:s18+$0x0] =	vst v16  }
0x96: {  	v16 =	vld [tilespmem:s25+$0x0];
	[tilespmem:s18+$0x80] =	vst v17  }
0x97: {  	s7 =	sshll.u32 s19, $0x7;
	[tilespmem:s18+$0x100] =	vst v23  }
0x98: {  	s7 =	sand.u32 $0x3FFFF800, s7;
	[tilespmem:s18+$0x180] =	vst v24  }
0x99: {  	s7 =	sor.u32 s21, s7;
	[tilespmem:s18+$0x200] =	vst v25  }
.Ltmp2:
0x9a: {  	s11 =	sadd.s32 $0xA000, s7;
	vm0 =	vgt.f32 v18, $0.0e+00;
	[tilespmem:s18+$0x280] =	vst v22;
	(pc) =	sbr.rel @p0 .LBB2_6-.Ltmp2, $4  }
0x9b: {  	s7 =	sor.u32 s22, s11;
	vm1 =	vgt.f32 v16, $0.0e+00;
	v16 =	vsel vm0, v13, v5;
	v17 =	vsel vm0, v15, v12;
	[tilespmem:s18+$0x300] =	vst v26;
	s18 =	sor.u32 s23, s11  }
0x9c: {  	v18 =	vsel vm1, v13, v5;
	v20 =	vsel vm1, v14, v6;
	v23 =	vsel vm1, v10, v2;
	[tilespmem:s18+$0x380] =	vst v17  }
0x9d: {  	v22 =	vsel vm1, v7, v0;
	v21 =	vsel vm1, v8, v3;
	v19 =	vsel vm1, v11, v1;
	[tilespmem:s7+$0x0] =	vst v18  }
0x9e: {  	v17 =	vsel vm0, v14, v6;
	v18 =	vsel vm1, v15, v12;
	[tilespmem:s7+$0x80] =	vst v20;
	v20 =	vsel vm1, v9, v4  }
0x9f: {  	[tilespmem:s7+$0x100] =	vst v23  }
0xa0: {  	[tilespmem:s7+$0x180] =	vst v22  }
0xa1: {  	[tilespmem:s7+$0x200] =	vst v21  }
0xa2: {  	[tilespmem:s7+$0x280] =	vst v19  }
0xa3: {  	[tilespmem:s7+$0x300] =	vst v20  }
0xa4: {  	[tilespmem:s7+$0x380] =	vst v18  }
0xa5: {  	[tilespmem:s18+$0x0] =	vst v16  }
0xa6: {  	v16 =	vsel vm0, v10, v2;
	[tilespmem:s18+$0x80] =	vst v17  }
0xa7: {  	v17 =	vsel vm0, v7, v0;
	[tilespmem:s18+$0x100] =	vst v16  }
0xa8: {  	v16 =	vsel vm0, v8, v3;
	[tilespmem:s18+$0x180] =	vst v17  }
0xa9: {  	v17 =	vsel vm0, v11, v1;
	[tilespmem:s18+$0x200] =	vst v16  }
0xaa: {  	v16 =	vsel vm0, v9, v4;
	[tilespmem:s18+$0x280] =	vst v17  }
0xab: {  	s17 =	simm.s32 $0x0;
	[tilespmem:s18+$0x300] =	vst v16  }
0xac: {  	s23 =	simm.s32 $0x1000;
	s25 =	simm.s32 $0x0;
	s0 =	rddreg [dreg:$0xd]  }
0xad: {  	[hbm4b:s0+s26] =	stream.strided.scatter [tilespmem:s8], [sflag:$0x7], $0x4000, s31, s26, $0x38;
	[tilespmem:$0x12080] =	vst v63  }
0xae: {  	s11 =	sand.u32 $0x400, s17;
	s7 =	sand.u32 $0x3FFFFF80, s25;
	s22 =	rddreg [dreg:$0xe]  }
0xaf: {  	[tilespmem:s23], [sflag:$0x3] =	stream.linear.gather [hbm4b:s22+s17], $0x800, $0x38;
	[tilespmem:$0x12080] =	vst v63  }
0xb0: {  	s19 =	sand.u32 $0x60, s17;
	s7 =	sadd.s32 s11, s7;
	_ =	swait.ge [sflag:s9], $0x800  }
0xb1: {  	s28 =	sor.u32 $0x10, s19;
	s7 =	sadd.s32 $0x1800, s7;
	[sflag:s9] =	ssyncset.done $0x0  }
0xb2: {  	s20 =	sor.u32 s28, s7;
	[sflag:s9] =	ssyncadd.s32 $0xFFFFF800  }
0xb3: {  	s7 =	sor.u32 s19, s7;
	v16 =	vld [tilespmem:s20+$0x0]  }
0xb4: {  	v17 =	vld [tilespmem:s7+$0x0]  }
0xb5: {  	s29 =	simm.s32 $0x0  }
0xb6: {  	s7 =	sand.u32 $0x3FFFF800, s29  }
0xb7: {  	s7 =	sor.u32 s11, s7  }
0xb8: {  	s7 =	sadd.s32 $0xE000, s7;
	vm0 =	vgt.f32 v16, $0.0e+00  }
0xb9: {  	s18 =	sor.u32 s28, s7;
	vm1 =	vgt.f32 v17, $0.0e+00;
	v16 =	vsel vm0, v13, v5;
	v17 =	vsel vm0, v15, v12  }
0xba: {  	s7 =	sor.u32 s19, s7;
	v18 =	vsel vm1, v13, v5;
	v20 =	vsel vm1, v14, v6;
	v23 =	vsel vm1, v10, v2;
	[tilespmem:s18+$0x380] =	vst v17  }
0xbb: {  	v22 =	vsel vm1, v7, v0;
	v21 =	vsel vm1, v8, v3;
	v19 =	vsel vm1, v11, v1;
	[tilespmem:s7+$0x0] =	vst v18  }
0xbc: {  	s20 =	simm.s32 $0x0;
	s19 =	simm.s32 $0x0;
	[tilespmem:s7+$0x80] =	vst v20;
	v20 =	vsel vm1, v9, v4;
	v18 =	vsel vm1, v15, v12;
	v17 =	vsel vm0, v14, v6  }
.LBB2_8:
0xbd: {  	s19 =	sadd.s32 $0x2, s19;
	[tilespmem:s7+$0x100] =	vst v23;
	v23 =	vsel vm0, v10, v2;
	v24 =	vsel vm0, v7, v0;
	v25 =	vsel vm0, v8, v3  }
0xbe: {  	v26 =	vsel vm0, v9, v4;
	s17 =	sadd.s32 $0x100, s17;
	s11 =	sshll.u32 s19, $0x3;
	p0 =	slt.u32 s19, $0x7E;
	[tilespmem:s7+$0x180] =	vst v22;
	v22 =	vsel vm0, v11, v1  }
0xbf: {  	s20 =	sadd.s32 $0x20, s20;
	s21 =	sand.u32 $0x400, s17;
	s11 =	sand.u32 $0x3FFFFF80, s11;
	[tilespmem:s7+$0x200] =	vst v21  }
0xc0: {  	s22 =	sand.u32 $0x60, s20;
	s11 =	sadd.s32 s21, s11;
	[tilespmem:s7+$0x280] =	vst v19  }
0xc1: {  	s23 =	sor.u32 $0x10, s22;
	s11 =	sadd.s32 $0x1800, s11;
	[tilespmem:s7+$0x300] =	vst v20  }
0xc2: {  	s25 =	sor.u32 s22, s11;
	s11 =	sor.u32 s23, s11;
	[tilespmem:s7+$0x380] =	vst v18  }
0xc3: {  	v18 =	vld [tilespmem:s11+$0x0];
	[tilespmem:s18+$0x0] =	vst v16  }
0xc4: {  	v16 =	vld [tilespmem:s25+$0x0];
	[tilespmem:s18+$0x80] =	vst v17  }
0xc5: {  	s7 =	sshll.u32 s19, $0x7;
	[tilespmem:s18+$0x100] =	vst v23  }
0xc6: {  	s7 =	sand.u32 $0x3FFFF800, s7;
	[tilespmem:s18+$0x180] =	vst v24  }
0xc7: {  	s7 =	sor.u32 s21, s7;
	[tilespmem:s18+$0x200] =	vst v25  }
.Ltmp3:
0xc8: {  	s11 =	sadd.s32 $0xE000, s7;
	vm0 =	vgt.f32 v18, $0.0e+00;
	[tilespmem:s18+$0x280] =	vst v22;
	(pc) =	sbr.rel @p0 .LBB2_8-.Ltmp3, $4  }
0xc9: {  	s7 =	sor.u32 s22, s11;
	vm1 =	vgt.f32 v16, $0.0e+00;
	v16 =	vsel vm0, v13, v5;
	v17 =	vsel vm0, v15, v12;
	[tilespmem:s18+$0x300] =	vst v26;
	s18 =	sor.u32 s23, s11  }
0xca: {  	v18 =	vsel vm1, v13, v5;
	v20 =	vsel vm1, v14, v6;
	v23 =	vsel vm1, v10, v2;
	[tilespmem:s18+$0x380] =	vst v17  }
0xcb: {  	v22 =	vsel vm1, v7, v0;
	v21 =	vsel vm1, v8, v3;
	v19 =	vsel vm1, v11, v1;
	[tilespmem:s7+$0x0] =	vst v18  }
0xcc: {  	v17 =	vsel vm0, v14, v6;
	v18 =	vsel vm1, v15, v12;
	[tilespmem:s7+$0x80] =	vst v20;
	v20 =	vsel vm1, v9, v4  }
0xcd: {  	[tilespmem:s7+$0x100] =	vst v23  }
0xce: {  	[tilespmem:s7+$0x180] =	vst v22  }
0xcf: {  	[tilespmem:s7+$0x200] =	vst v21  }
0xd0: {  	[tilespmem:s7+$0x280] =	vst v19  }
0xd1: {  	[tilespmem:s7+$0x300] =	vst v20  }
0xd2: {  	[tilespmem:s7+$0x380] =	vst v18  }
0xd3: {  	[tilespmem:s18+$0x0] =	vst v16  }
0xd4: {  	v16 =	vsel vm0, v10, v2;
	[tilespmem:s18+$0x80] =	vst v17  }
0xd5: {  	v17 =	vsel vm0, v7, v0;
	[tilespmem:s18+$0x100] =	vst v16  }
0xd6: {  	v16 =	vsel vm0, v8, v3;
	[tilespmem:s18+$0x180] =	vst v17  }
0xd7: {  	v17 =	vsel vm0, v11, v1;
	[tilespmem:s18+$0x200] =	vst v16  }
0xd8: {  	v16 =	vsel vm0, v9, v4;
	[tilespmem:s18+$0x280] =	vst v17  }
0xd9: {  	[tilespmem:s18+$0x300] =	vst v16  }
0xda: {  	s0 =	rddreg [dreg:$0xf]  }
0xdb: {  	[hbm4b:s0+s26] =	stream.strided.scatter [tilespmem:s10], [sflag:$0x8], $0x4000, s31, s26, $0x38;
	[tilespmem:$0x12080] =	vst v63  }
0xdc: {  	s29 =	simm.s32 $0x1800;
	s17 =	simm.s32 $0x1;
	s28 =	rddreg [dreg:$0x10]  }
0xdd: {  	[tilespmem:s29], [sflag:$0x4] =	stream.linear.gather [hbm4b:s28+s4], $0x800, $0x38;
	[tilespmem:$0x12080] =	vst v63  }
.LBB2_10:
0xde: {  	_ =	swait.ge [sflag:s30], $0x800  }
0xdf: {  	s18 =	simm.s32 $0x0;
	[sflag:s30] =	ssyncset.done $0x0  }
0xe0: {  	s7 =	simm.s32 $0x0;
	s11 =	sand.u32 $0x60, s18;
	[sflag:s30] =	ssyncadd.s32 $0xFFFFF800  }
0xe1: {  	s19 =	sand.u32 $0x400, s18;
	s7 =	sand.u32 $0x3FFFFF80, s7;
	_ =	swait.ge [sflag:s12], $0x4000  }
0xe2: {  	s7 =	sadd.s32 s19, s7;
	s20 =	sor.u32 $0x10, s11;
	[sflag:s12] =	ssyncset.done $0x0  }
0xe3: {  	s21 =	sor.u32 s20, s7;
	[sflag:s12] =	ssyncadd.s32 $0xFFFFC000  }
0xe4: {  	s7 =	sor.u32 s11, s7;
	v16 =	vld [tilespmem:s21+$0x0]  }
0xe5: {  	v17 =	vld [tilespmem:s7+$0x0]  }
0xe6: {  	s29 =	simm.s32 $0x0  }
0xe7: {  	s7 =	sand.u32 $0x3FFFF800, s29  }
0xe8: {  	s7 =	sor.u32 s19, s7  }
0xe9: {  	s7 =	sadd.s32 $0x2000, s7;
	vm0 =	vgt.f32 v16, $0.0e+00  }
0xea: {  	s21 =	sor.u32 s20, s7;
	vm1 =	vgt.f32 v17, $0.0e+00;
	v16 =	vsel vm0, v13, v5;
	v17 =	vsel vm0, v15, v12  }
0xeb: {  	s20 =	sor.u32 s11, s7;
	v18 =	vsel vm1, v13, v5;
	v19 =	vsel vm1, v14, v6;
	v20 =	vsel vm1, v10, v2;
	[tilespmem:s21+$0x380] =	vst v17  }
0xec: {  	v25 =	vsel vm1, v7, v0;
	v24 =	vsel vm1, v8, v3;
	v23 =	vsel vm1, v11, v1;
	[tilespmem:s20+$0x0] =	vst v18  }
0xed: {  	v22 =	vsel vm1, v9, v4;
	v21 =	vsel vm1, v15, v12;
	[tilespmem:s20+$0x80] =	vst v19;
	v18 =	vsel vm0, v14, v6  }
0xee: {  	s19 =	simm.s32 $0x0;
	s7 =	simm.s32 $0x0;
	[tilespmem:s20+$0x100] =	vst v20;
	v20 =	vsel vm0, v10, v2;
	v19 =	vsel vm0, v7, v0;
	v17 =	vsel vm0, v8, v3  }
.LBB2_11:
0xef: {  	s19 =	sadd.s32 $0x2, s19;
	[tilespmem:s20+$0x180] =	vst v25;
	v25 =	vsel vm0, v11, v1;
	v26 =	vsel vm0, v9, v4  }
0xf0: {  	s18 =	sadd.s32 $0x20, s18;
	s7 =	sadd.s32 $0x100, s7;
	s11 =	sshll.u32 s19, $0x3;
	[tilespmem:s20+$0x200] =	vst v24  }
0xf1: {  	s22 =	sand.u32 $0x60, s18;
	s23 =	sand.u32 $0x400, s7;
	s11 =	sand.u32 $0x3FFFFF80, s11;
	[tilespmem:s20+$0x280] =	vst v23  }
0xf2: {  	p0 =	slt.u32 s19, $0x7E;
	s25 =	sor.u32 $0x10, s22;
	s11 =	sadd.s32 s23, s11;
	[tilespmem:s20+$0x300] =	vst v22  }
0xf3: {  	s16 =	sor.u32 s22, s11;
	s11 =	sor.u32 s25, s11;
	[tilespmem:s20+$0x380] =	vst v21  }
0xf4: {  	v21 =	vld [tilespmem:s11+$0x0];
	[tilespmem:s21+$0x0] =	vst v16  }
0xf5: {  	v16 =	vld [tilespmem:s16+$0x0];
	[tilespmem:s21+$0x80] =	vst v18  }
0xf6: {  	s11 =	sshll.u32 s19, $0x7;
	[tilespmem:s21+$0x100] =	vst v20  }
0xf7: {  	s11 =	sand.u32 $0x3FFFF800, s11;
	[tilespmem:s21+$0x180] =	vst v19  }
0xf8: {  	s11 =	sor.u32 s23, s11;
	[tilespmem:s21+$0x200] =	vst v17  }
0xf9: {  	s11 =	sadd.s32 $0x2000, s11;
	vm0 =	vgt.f32 v21, $0.0e+00;
	[tilespmem:s21+$0x280] =	vst v25  }
.Ltmp4:
0xfa: {  	s20 =	sor.u32 s22, s11;
	vm1 =	vgt.f32 v16, $0.0e+00;
	v16 =	vsel vm0, v13, v5;
	v17 =	vsel vm0, v15, v12;
	[tilespmem:s21+$0x300] =	vst v26;
	s21 =	sor.u32 s25, s11;
	(pc) =	sbr.rel @p0 .LBB2_11-.Ltmp4, $4  }
0xfb: {  	v18 =	vsel vm1, v13, v5;
	v19 =	vsel vm1, v14, v6;
	v20 =	vsel vm1, v10, v2;
	[tilespmem:s21+$0x380] =	vst v17  }
0xfc: {  	v25 =	vsel vm1, v7, v0;
	v24 =	vsel vm1, v8, v3;
	v23 =	vsel vm1, v11, v1;
	[tilespmem:s20+$0x0] =	vst v18  }
0xfd: {  	v22 =	vsel vm1, v9, v4;
	v21 =	vsel vm1, v15, v12;
	v18 =	vsel vm0, v14, v6;
	[tilespmem:s20+$0x80] =	vst v19  }
0xfe: {  	v17 =	vsel vm0, v8, v3;
	v19 =	vsel vm0, v7, v0;
	[tilespmem:s20+$0x100] =	vst v20;
	v20 =	vsel vm0, v10, v2  }
0xff: {  	[tilespmem:s20+$0x180] =	vst v25  }
0x100: {  	[tilespmem:s20+$0x200] =	vst v24  }
0x101: {  	[tilespmem:s20+$0x280] =	vst v23  }
0x102: {  	[tilespmem:s20+$0x300] =	vst v22  }
0x103: {  	[tilespmem:s20+$0x380] =	vst v21  }
0x104: {  	[tilespmem:s21+$0x0] =	vst v16  }
0x105: {  	[tilespmem:s21+$0x80] =	vst v18  }
0x106: {  	[tilespmem:s21+$0x100] =	vst v20  }
0x107: {  	[tilespmem:s21+$0x180] =	vst v19;
	s7 =	sshrl.u32 s17, $0x1;
	s11 =	sshll.u32 s17, $0xA  }
0x108: {  	v16 =	vsel vm0, v11, v1;
	[tilespmem:s21+$0x200] =	vst v17;
	s7 =	sor.u32 s6, s7;
	s20 =	sand.u32 $0x400, s11  }
0x109: {  	v17 =	vsel vm0, v9, v4;
	s18 =	sshll.u32 s17, $0x2;
	[tilespmem:s21+$0x280] =	vst v16;
	s19 =	sshll.u32 s7, $0xE;
	s16 =	sadd.s32 s3, s20  }
0x10a: {  	s0 =	simm.s32 $0x2000;
	[tilespmem:s21+$0x300] =	vst v17;
	s22 =	sadd.s32 $0x4, s18;
	s7 =	sadd.s32 s19, s16  }
0x10b: {  	[hbm4b:s7+s26] =	stream.strided.scatter [tilespmem:s0], [sflag:$0x5], $0x4000, s31, s26, $0x38;
	[tilespmem:$0x12080] =	vst v63  }
0x10c: {  	s23 =	sshrl.u32 s22, $0x3;
	s7 =	sshll.u32 s22, $0x8  }
0x10d: {  	s11 =	sadd.s32 s6, s23;
	s7 =	sand.u32 $0x400, s7  }
0x10e: {  	s11 =	sshll.u32 s11, $0xB;
	s7 =	sadd.s32 s1, s7  }
0x10f: {  	s21 =	simm.s32 $0x0;
	s7 =	sadd.s32 s11, s7  }
0x110: {  	[tilespmem:s21], [sflag:$0x1] =	stream.linear.gather [hbm4b:s7+s21], $0x800, $0x38;
	[tilespmem:$0x12080] =	vst v63  }
0x111: {  	_ =	swait.ge [sflag:s2], $0x800  }
0x112: {  	s25 =	simm.s32 $0x0;
	[sflag:s2] =	ssyncset.done $0x0  }
0x113: {  	s28 =	sand.u32 $0x400, s21;
	s7 =	sand.u32 $0x3FFFFF80, s25;
	[sflag:s2] =	ssyncadd.s32 $0xFFFFF800  }
0x114: {  	s16 =	sand.u32 $0x60, s21;
	s7 =	sadd.s32 s28, s7;
	_ =	swait.ge [sflag:s13], $0x4000  }
0x115: {  	s22 =	sor.u32 $0x10, s16;
	s7 =	sadd.s32 $0x800, s7;
	[sflag:s13] =	ssyncset.done $0x0  }
0x116: {  	s23 =	sor.u32 s22, s7;
	[sflag:s13] =	ssyncadd.s32 $0xFFFFC000  }
0x117: {  	s7 =	sor.u32 s16, s7;
	v16 =	vld [tilespmem:s23+$0x0]  }
0x118: {  	v17 =	vld [tilespmem:s7+$0x0]  }
0x119: {  	s29 =	simm.s32 $0x0  }
0x11a: {  	s7 =	sand.u32 $0x3FFFF800, s29  }
0x11b: {  	s7 =	sor.u32 s28, s7  }
0x11c: {  	s7 =	sadd.s32 $0x6000, s7;
	vm0 =	vgt.f32 v16, $0.0e+00  }
0x11d: {  	s22 =	sor.u32 s22, s7;
	vm1 =	vgt.f32 v17, $0.0e+00;
	v16 =	vsel vm0, v13, v5;
	v17 =	vsel vm0, v15, v12  }
0x11e: {  	s11 =	sor.u32 s16, s7;
	v18 =	vsel vm1, v13, v5;
	v20 =	vsel vm1, v14, v6;
	v23 =	vsel vm1, v10, v2;
	[tilespmem:s22+$0x380] =	vst v17  }
0x11f: {  	v22 =	vsel vm1, v7, v0;
	v21 =	vsel vm1, v8, v3;
	v19 =	vsel vm1, v11, v1;
	[tilespmem:s11+$0x0] =	vst v18  }
0x120: {  	s23 =	simm.s32 $0x0;
	s7 =	simm.s32 $0x0;
	[tilespmem:s11+$0x80] =	vst v20;
	v20 =	vsel vm1, v9, v4;
	v18 =	vsel vm1, v15, v12;
	v17 =	vsel vm0, v14, v6  }
.LBB2_13:
0x121: {  	s23 =	sadd.s32 $0x2, s23;
	[tilespmem:s11+$0x100] =	vst v23;
	v23 =	vsel vm0, v10, v2;
	v24 =	vsel vm0, v7, v0;
	v25 =	vsel vm0, v8, v3  }
0x122: {  	v26 =	vsel vm0, v9, v4;
	s21 =	sadd.s32 $0x100, s21;
	s16 =	sshll.u32 s23, $0x3;
	p0 =	slt.u32 s23, $0x7E;
	[tilespmem:s11+$0x180] =	vst v22;
	v22 =	vsel vm0, v11, v1  }
0x123: {  	s7 =	sadd.s32 $0x20, s7;
	s25 =	sand.u32 $0x400, s21;
	s16 =	sand.u32 $0x3FFFFF80, s16;
	[tilespmem:s11+$0x200] =	vst v21  }
0x124: {  	s28 =	sand.u32 $0x60, s7;
	s16 =	sadd.s32 s25, s16;
	[tilespmem:s11+$0x280] =	vst v19  }
0x125: {  	s29 =	sor.u32 $0x10, s28;
	s16 =	sadd.s32 $0x800, s16;
	[tilespmem:s11+$0x300] =	vst v20  }
0x126: {  	s0 =	sor.u32 s28, s16;
	s16 =	sor.u32 s29, s16;
	[tilespmem:s11+$0x380] =	vst v18  }
0x127: {  	v18 =	vld [tilespmem:s16+$0x0];
	[tilespmem:s22+$0x0] =	vst v16  }
0x128: {  	v16 =	vld [tilespmem:s0+$0x0];
	[tilespmem:s22+$0x80] =	vst v17  }
0x129: {  	s0 =	sshll.u32 s23, $0x7;
	[tilespmem:s22+$0x100] =	vst v23  }
0x12a: {  	s0 =	sand.u32 $0x3FFFF800, s0;
	[tilespmem:s22+$0x180] =	vst v24  }
0x12b: {  	s0 =	sor.u32 s25, s0;
	[tilespmem:s22+$0x200] =	vst v25  }
.Ltmp5:
0x12c: {  	s0 =	sadd.s32 $0x6000, s0;
	vm0 =	vgt.f32 v18, $0.0e+00;
	[tilespmem:s22+$0x280] =	vst v22;
	(pc) =	sbr.rel @p0 .LBB2_13-.Ltmp5, $4  }
0x12d: {  	s11 =	sor.u32 s28, s0;
	vm1 =	vgt.f32 v16, $0.0e+00;
	v16 =	vsel vm0, v13, v5;
	v17 =	vsel vm0, v15, v12;
	[tilespmem:s22+$0x300] =	vst v26;
	s22 =	sor.u32 s29, s0  }
0x12e: {  	v18 =	vsel vm1, v13, v5;
	v20 =	vsel vm1, v14, v6;
	v23 =	vsel vm1, v10, v2;
	[tilespmem:s22+$0x380] =	vst v17  }
0x12f: {  	v22 =	vsel vm1, v7, v0;
	v21 =	vsel vm1, v8, v3;
	v19 =	vsel vm1, v11, v1;
	[tilespmem:s11+$0x0] =	vst v18  }
0x130: {  	v17 =	vsel vm0, v14, v6;
	v18 =	vsel vm1, v15, v12;
	[tilespmem:s11+$0x80] =	vst v20;
	v20 =	vsel vm1, v9, v4  }
0x131: {  	[tilespmem:s11+$0x100] =	vst v23  }
0x132: {  	[tilespmem:s11+$0x180] =	vst v22  }
0x133: {  	[tilespmem:s11+$0x200] =	vst v21  }
0x134: {  	[tilespmem:s11+$0x280] =	vst v19  }
0x135: {  	[tilespmem:s11+$0x300] =	vst v20  }
0x136: {  	[tilespmem:s11+$0x380] =	vst v18  }
0x137: {  	[tilespmem:s22+$0x0] =	vst v16  }
0x138: {  	v16 =	vsel vm0, v10, v2;
	[tilespmem:s22+$0x80] =	vst v17  }
0x139: {  	v17 =	vsel vm0, v7, v0;
	[tilespmem:s22+$0x100] =	vst v16  }
0x13a: {  	v16 =	vsel vm0, v8, v3;
	[tilespmem:s22+$0x180] =	vst v17  }
0x13b: {  	s0 =	sadd.s32 s20, s3;
	v17 =	vsel vm0, v11, v1;
	[tilespmem:s22+$0x200] =	vst v16  }
0x13c: {  	s19 =	sadd.s32 s19, s0;
	v16 =	vsel vm0, v9, v4;
	[tilespmem:s22+$0x280] =	vst v17  }
0x13d: {  	s0 =	sadd.s32 $0x100, s19;
	[tilespmem:s22+$0x300] =	vst v16;
	s22 =	sadd.s32 $0x5, s18  }
0x13e: {  	[hbm4b:s0+s26] =	stream.strided.scatter [tilespmem:s24], [sflag:$0x6], $0x4000, s31, s26, $0x38;
	[tilespmem:$0x12080] =	vst v63  }
0x13f: {  	s7 =	sshrl.u32 s22, $0x3;
	s0 =	sshll.u32 s22, $0x8  }
0x140: {  	s7 =	sadd.s32 s6, s7;
	s0 =	sand.u32 $0x500, s0  }
0x141: {  	s7 =	sshll.u32 s7, $0xB;
	s0 =	sadd.s32 s1, s0  }
0x142: {  	s20 =	simm.s32 $0x0;
	s0 =	sadd.s32 s7, s0  }
0x143: {  	[tilespmem:s26], [sflag:$0x2] =	stream.linear.gather [hbm4b:s0+s20], $0x800, $0x38;
	[tilespmem:$0x12080] =	vst v63  }
0x144: {  	_ =	swait.ge [sflag:s5], $0x800  }
0x145: {  	s23 =	simm.s32 $0x0;
	[sflag:s5] =	ssyncset.done $0x0  }
0x146: {  	s25 =	sand.u32 $0x400, s20;
	s0 =	sand.u32 $0x3FFFFF80, s23;
	[sflag:s5] =	ssyncadd.s32 $0xFFFFF800  }
0x147: {  	s28 =	sand.u32 $0x60, s20;
	s0 =	sadd.s32 s25, s0;
	_ =	swait.ge [sflag:s14], $0x4000  }
0x148: {  	s16 =	sor.u32 $0x10, s28;
	s0 =	sadd.s32 $0x1000, s0;
	[sflag:s14] =	ssyncset.done $0x0  }
0x149: {  	s21 =	sor.u32 s16, s0;
	[sflag:s14] =	ssyncadd.s32 $0xFFFFC000  }
0x14a: {  	s0 =	sor.u32 s28, s0;
	v16 =	vld [tilespmem:s21+$0x0]  }
0x14b: {  	v17 =	vld [tilespmem:s0+$0x0]  }
0x14c: {  	s29 =	simm.s32 $0x0  }
0x14d: {  	s0 =	sand.u32 $0x3FFFF800, s29  }
0x14e: {  	s0 =	sor.u32 s25, s0  }
0x14f: {  	s0 =	sadd.s32 $0xA000, s0;
	vm0 =	vgt.f32 v16, $0.0e+00  }
0x150: {  	s21 =	sor.u32 s16, s0;
	vm1 =	vgt.f32 v17, $0.0e+00;
	v16 =	vsel vm0, v13, v5;
	v17 =	vsel vm0, v15, v12  }
0x151: {  	s11 =	sor.u32 s28, s0;
	v18 =	vsel vm1, v13, v5;
	v20 =	vsel vm1, v14, v6;
	v23 =	vsel vm1, v10, v2;
	[tilespmem:s21+$0x380] =	vst v17  }
0x152: {  	v22 =	vsel vm1, v7, v0;
	v21 =	vsel vm1, v8, v3;
	v19 =	vsel vm1, v11, v1;
	[tilespmem:s11+$0x0] =	vst v18  }
0x153: {  	s22 =	simm.s32 $0x0;
	s7 =	simm.s32 $0x0;
	[tilespmem:s11+$0x80] =	vst v20;
	v20 =	vsel vm1, v9, v4;
	v18 =	vsel vm1, v15, v12;
	v17 =	vsel vm0, v14, v6  }
.LBB2_15:
0x154: {  	s22 =	sadd.s32 $0x2, s22;
	[tilespmem:s11+$0x100] =	vst v23;
	v23 =	vsel vm0, v10, v2;
	v24 =	vsel vm0, v7, v0;
	v25 =	vsel vm0, v8, v3  }
0x155: {  	v26 =	vsel vm0, v9, v4;
	s20 =	sadd.s32 $0x100, s20;
	s0 =	sshll.u32 s22, $0x3;
	p0 =	slt.u32 s22, $0x7E;
	[tilespmem:s11+$0x180] =	vst v22;
	v22 =	vsel vm0, v11, v1  }
0x156: {  	s7 =	sadd.s32 $0x20, s7;
	s16 =	sand.u32 $0x400, s20;
	s0 =	sand.u32 $0x3FFFFF80, s0;
	[tilespmem:s11+$0x200] =	vst v21  }
0x157: {  	s23 =	sand.u32 $0x60, s7;
	s0 =	sadd.s32 s16, s0;
	[tilespmem:s11+$0x280] =	vst v19  }
0x158: {  	s25 =	sor.u32 $0x10, s23;
	s0 =	sadd.s32 $0x1000, s0;
	[tilespmem:s11+$0x300] =	vst v20  }
0x159: {  	s28 =	sor.u32 s23, s0;
	s0 =	sor.u32 s25, s0;
	[tilespmem:s11+$0x380] =	vst v18  }
0x15a: {  	v18 =	vld [tilespmem:s0+$0x0];
	[tilespmem:s21+$0x0] =	vst v16  }
0x15b: {  	v16 =	vld [tilespmem:s28+$0x0];
	[tilespmem:s21+$0x80] =	vst v17  }
0x15c: {  	s0 =	sshll.u32 s22, $0x7;
	[tilespmem:s21+$0x100] =	vst v23  }
0x15d: {  	s0 =	sand.u32 $0x3FFFF800, s0;
	[tilespmem:s21+$0x180] =	vst v24  }
0x15e: {  	s0 =	sor.u32 s16, s0;
	[tilespmem:s21+$0x200] =	vst v25  }
.Ltmp6:
0x15f: {  	s0 =	sadd.s32 $0xA000, s0;
	vm0 =	vgt.f32 v18, $0.0e+00;
	[tilespmem:s21+$0x280] =	vst v22;
	(pc) =	sbr.rel @p0 .LBB2_15-.Ltmp6, $4  }
0x160: {  	s11 =	sor.u32 s23, s0;
	vm1 =	vgt.f32 v16, $0.0e+00;
	v16 =	vsel vm0, v13, v5;
	v17 =	vsel vm0, v15, v12;
	[tilespmem:s21+$0x300] =	vst v26;
	s21 =	sor.u32 s25, s0  }
0x161: {  	v18 =	vsel vm1, v13, v5;
	v20 =	vsel vm1, v14, v6;
	v23 =	vsel vm1, v10, v2;
	[tilespmem:s21+$0x380] =	vst v17  }
0x162: {  	v22 =	vsel vm1, v7, v0;
	v21 =	vsel vm1, v8, v3;
	v19 =	vsel vm1, v11, v1;
	[tilespmem:s11+$0x0] =	vst v18  }
0x163: {  	v17 =	vsel vm0, v14, v6;
	v18 =	vsel vm1, v15, v12;
	[tilespmem:s11+$0x80] =	vst v20;
	v20 =	vsel vm1, v9, v4  }
0x164: {  	[tilespmem:s11+$0x100] =	vst v23  }
0x165: {  	[tilespmem:s11+$0x180] =	vst v22  }
0x166: {  	[tilespmem:s11+$0x200] =	vst v21  }
0x167: {  	[tilespmem:s11+$0x280] =	vst v19  }
0x168: {  	[tilespmem:s11+$0x300] =	vst v20  }
0x169: {  	[tilespmem:s11+$0x380] =	vst v18  }
0x16a: {  	[tilespmem:s21+$0x0] =	vst v16  }
0x16b: {  	v16 =	vsel vm0, v10, v2;
	[tilespmem:s21+$0x80] =	vst v17  }
0x16c: {  	v17 =	vsel vm0, v7, v0;
	[tilespmem:s21+$0x100] =	vst v16  }
0x16d: {  	v16 =	vsel vm0, v8, v3;
	[tilespmem:s21+$0x180] =	vst v17  }
0x16e: {  	v17 =	vsel vm0, v11, v1;
	[tilespmem:s21+$0x200] =	vst v16  }
0x16f: {  	v16 =	vsel vm0, v9, v4;
	[tilespmem:s21+$0x280] =	vst v17  }
0x170: {  	s0 =	sadd.s32 $0x200, s19;
	s20 =	sadd.s32 $0x6, s18;
	[tilespmem:s21+$0x300] =	vst v16  }
0x171: {  	[hbm4b:s0+s26] =	stream.strided.scatter [tilespmem:s8], [sflag:$0x7], $0x4000, s31, s26, $0x38;
	[tilespmem:$0x12080] =	vst v63  }
0x172: {  	s7 =	sshrl.u32 s20, $0x3;
	s0 =	sshll.u32 s20, $0x8  }
0x173: {  	s7 =	sadd.s32 s6, s7;
	s0 =	sand.u32 $0x600, s0  }
0x174: {  	s7 =	sshll.u32 s7, $0xB;
	s0 =	sadd.s32 s1, s0  }
0x175: {  	s21 =	simm.s32 $0x1000;
	s20 =	simm.s32 $0x0;
	s0 =	sadd.s32 s7, s0  }
0x176: {  	[tilespmem:s21], [sflag:$0x3] =	stream.linear.gather [hbm4b:s0+s20], $0x800, $0x38;
	[tilespmem:$0x12080] =	vst v63  }
0x177: {  	_ =	swait.ge [sflag:s9], $0x800  }
0x178: {  	s22 =	simm.s32 $0x0;
	[sflag:s9] =	ssyncset.done $0x0  }
0x179: {  	s23 =	sand.u32 $0x400, s20;
	s0 =	sand.u32 $0x3FFFFF80, s22;
	[sflag:s9] =	ssyncadd.s32 $0xFFFFF800  }
0x17a: {  	s25 =	sand.u32 $0x60, s20;
	s0 =	sadd.s32 s23, s0;
	_ =	swait.ge [sflag:s15], $0x4000  }
0x17b: {  	s16 =	sor.u32 $0x10, s25;
	s0 =	sadd.s32 $0x1800, s0;
	[sflag:s15] =	ssyncset.done $0x0  }
0x17c: {  	s28 =	sor.u32 s16, s0;
	[sflag:s15] =	ssyncadd.s32 $0xFFFFC000  }
0x17d: {  	s0 =	sor.u32 s25, s0;
	v16 =	vld [tilespmem:s28+$0x0]  }
0x17e: {  	v17 =	vld [tilespmem:s0+$0x0]  }
0x17f: {  	s29 =	simm.s32 $0x0  }
0x180: {  	s0 =	sand.u32 $0x3FFFF800, s29  }
0x181: {  	s0 =	sor.u32 s23, s0  }
0x182: {  	s0 =	sadd.s32 $0xE000, s0;
	vm0 =	vgt.f32 v16, $0.0e+00  }
0x183: {  	s21 =	sor.u32 s16, s0;
	vm1 =	vgt.f32 v17, $0.0e+00;
	v16 =	vsel vm0, v13, v5;
	v17 =	vsel vm0, v15, v12  }
0x184: {  	s11 =	sor.u32 s25, s0;
	v18 =	vsel vm1, v13, v5;
	v20 =	vsel vm1, v14, v6;
	v23 =	vsel vm1, v10, v2;
	[tilespmem:s21+$0x380] =	vst v17  }
0x185: {  	v22 =	vsel vm1, v7, v0;
	v21 =	vsel vm1, v8, v3;
	v19 =	vsel vm1, v11, v1;
	[tilespmem:s11+$0x0] =	vst v18  }
0x186: {  	s7 =	simm.s32 $0x0;
	s22 =	simm.s32 $0x0;
	[tilespmem:s11+$0x80] =	vst v20;
	v20 =	vsel vm1, v9, v4;
	v18 =	vsel vm1, v15, v12;
	v17 =	vsel vm0, v14, v6  }
.LBB2_17:
0x187: {  	s22 =	sadd.s32 $0x2, s22;
	[tilespmem:s11+$0x100] =	vst v23;
	v23 =	vsel vm0, v10, v2;
	v24 =	vsel vm0, v7, v0;
	v25 =	vsel vm0, v8, v3  }
0x188: {  	v26 =	vsel vm0, v9, v4;
	s20 =	sadd.s32 $0x100, s20;
	s0 =	sshll.u32 s22, $0x3;
	p0 =	slt.u32 s22, $0x7E;
	[tilespmem:s11+$0x180] =	vst v22;
	v22 =	vsel vm0, v11, v1  }
0x189: {  	s7 =	sadd.s32 $0x20, s7;
	s16 =	sand.u32 $0x400, s20;
	s0 =	sand.u32 $0x3FFFFF80, s0;
	[tilespmem:s11+$0x200] =	vst v21  }
0x18a: {  	s23 =	sand.u32 $0x60, s7;
	s0 =	sadd.s32 s16, s0;
	[tilespmem:s11+$0x280] =	vst v19  }
0x18b: {  	s25 =	sor.u32 $0x10, s23;
	s0 =	sadd.s32 $0x1800, s0;
	[tilespmem:s11+$0x300] =	vst v20  }
0x18c: {  	s28 =	sor.u32 s23, s0;
	s0 =	sor.u32 s25, s0;
	[tilespmem:s11+$0x380] =	vst v18  }
0x18d: {  	v18 =	vld [tilespmem:s0+$0x0];
	[tilespmem:s21+$0x0] =	vst v16  }
0x18e: {  	v16 =	vld [tilespmem:s28+$0x0];
	[tilespmem:s21+$0x80] =	vst v17  }
0x18f: {  	s0 =	sshll.u32 s22, $0x7;
	[tilespmem:s21+$0x100] =	vst v23  }
0x190: {  	s0 =	sand.u32 $0x3FFFF800, s0;
	[tilespmem:s21+$0x180] =	vst v24  }
0x191: {  	s0 =	sor.u32 s16, s0;
	[tilespmem:s21+$0x200] =	vst v25  }
.Ltmp7:
0x192: {  	s0 =	sadd.s32 $0xE000, s0;
	vm0 =	vgt.f32 v18, $0.0e+00;
	[tilespmem:s21+$0x280] =	vst v22;
	(pc) =	sbr.rel @p0 .LBB2_17-.Ltmp7, $4  }
0x193: {  	s11 =	sor.u32 s23, s0;
	vm1 =	vgt.f32 v16, $0.0e+00;
	v16 =	vsel vm0, v13, v5;
	v17 =	vsel vm0, v15, v12;
	[tilespmem:s21+$0x300] =	vst v26;
	s21 =	sor.u32 s25, s0  }
0x194: {  	v18 =	vsel vm1, v13, v5;
	v20 =	vsel vm1, v14, v6;
	v23 =	vsel vm1, v10, v2;
	[tilespmem:s21+$0x380] =	vst v17  }
0x195: {  	v22 =	vsel vm1, v7, v0;
	v21 =	vsel vm1, v8, v3;
	v19 =	vsel vm1, v11, v1;
	[tilespmem:s11+$0x0] =	vst v18  }
0x196: {  	v17 =	vsel vm0, v14, v6;
	v18 =	vsel vm1, v15, v12;
	[tilespmem:s11+$0x80] =	vst v20;
	v20 =	vsel vm1, v9, v4  }
0x197: {  	[tilespmem:s11+$0x100] =	vst v23  }
0x198: {  	[tilespmem:s11+$0x180] =	vst v22  }
0x199: {  	[tilespmem:s11+$0x200] =	vst v21  }
0x19a: {  	[tilespmem:s11+$0x280] =	vst v19  }
0x19b: {  	[tilespmem:s11+$0x300] =	vst v20  }
0x19c: {  	[tilespmem:s11+$0x380] =	vst v18  }
0x19d: {  	[tilespmem:s21+$0x0] =	vst v16  }
0x19e: {  	v16 =	vsel vm0, v10, v2;
	[tilespmem:s21+$0x80] =	vst v17  }
0x19f: {  	v17 =	vsel vm0, v7, v0;
	[tilespmem:s21+$0x100] =	vst v16  }
0x1a0: {  	v16 =	vsel vm0, v8, v3;
	[tilespmem:s21+$0x180] =	vst v17  }
0x1a1: {  	v17 =	vsel vm0, v11, v1;
	[tilespmem:s21+$0x200] =	vst v16  }
0x1a2: {  	s17 =	sadd.s32 $0x1, s17;
	v16 =	vsel vm0, v9, v4;
	[tilespmem:s21+$0x280] =	vst v17  }
0x1a3: {  	s0 =	sadd.s32 $0x300, s19;
	s28 =	sadd.s32 $0x7, s18;
	p0 =	sne.s32 s17, $0x1F;
	[tilespmem:s21+$0x300] =	vst v16  }
0x1a4: {  	[hbm4b:s0+s26] =	stream.strided.scatter [tilespmem:s10], [sflag:$0x8], $0x4000, s31, s26, $0x38;
	[tilespmem:$0x12080] =	vst v63  }
.Ltmp8:
0x1a5: {  	s7 =	sshrl.u32 s28, $0x3;
	s0 =	sshll.u32 s28, $0x8;
	(pc) =	sbr.rel @p0 .LBB2_10-.Ltmp8, $4  }
0x1a6: {  	s7 =	sadd.s32 s6, s7;
	s0 =	sand.u32 $0x700, s0  }
0x1a7: {  	s7 =	sshll.u32 s7, $0xB;
	s0 =	sadd.s32 s1, s0  }
0x1a8: {  	s29 =	simm.s32 $0x1800;
	s0 =	sadd.s32 s7, s0  }
0x1a9: {  	[tilespmem:s29], [sflag:$0x4] =	stream.linear.gather [hbm4b:s0+s4], $0x800, $0x38;
	[tilespmem:$0x12080] =	vst v63  }
0x1aa: {  	_ =	swait.ge [sflag:s30], $0x800  }
0x1ab: {  	s17 =	simm.s32 $0x0;
	[sflag:s30] =	ssyncset.done $0x0  }
0x1ac: {  	s0 =	simm.s32 $0x0;
	s7 =	sand.u32 $0x60, s17;
	[sflag:s30] =	ssyncadd.s32 $0xFFFFF800  }
0x1ad: {  	s11 =	sand.u32 $0x400, s17;
	s0 =	sand.u32 $0x3FFFFF80, s0;
	_ =	swait.ge [sflag:s12], $0x4000  }
0x1ae: {  	s0 =	sadd.s32 s11, s0;
	s16 =	sor.u32 $0x10, s7;
	[sflag:s12] =	ssyncset.done $0x0  }
0x1af: {  	s18 =	sor.u32 s16, s0;
	[sflag:s12] =	ssyncadd.s32 $0xFFFFC000  }
0x1b0: {  	s0 =	sor.u32 s7, s0;
	v16 =	vld [tilespmem:s18+$0x0]  }
0x1b1: {  	v17 =	vld [tilespmem:s0+$0x0]  }
0x1b2: {  	s29 =	simm.s32 $0x0  }
0x1b3: {  	s0 =	sand.u32 $0x3FFFF800, s29  }
0x1b4: {  	s0 =	sor.u32 s11, s0  }
0x1b5: {  	s0 =	sadd.s32 $0x2000, s0;
	vm0 =	vgt.f32 v16, $0.0e+00  }
0x1b6: {  	s18 =	sor.u32 s16, s0;
	vm1 =	vgt.f32 v17, $0.0e+00;
	v16 =	vsel vm0, v13, v5;
	v17 =	vsel vm0, v15, v12  }
0x1b7: {  	s20 =	sor.u32 s7, s0;
	v18 =	vsel vm1, v13, v5;
	v19 =	vsel vm1, v14, v6;
	v20 =	vsel vm1, v10, v2;
	[tilespmem:s18+$0x380] =	vst v17  }
0x1b8: {  	v25 =	vsel vm1, v7, v0;
	v24 =	vsel vm1, v8, v3;
	v23 =	vsel vm1, v11, v1;
	[tilespmem:s20+$0x0] =	vst v18  }
0x1b9: {  	v22 =	vsel vm1, v9, v4;
	v21 =	vsel vm1, v15, v12;
	[tilespmem:s20+$0x80] =	vst v19;
	v18 =	vsel vm0, v14, v6  }
0x1ba: {  	s19 =	simm.s32 $0x0;
	s7 =	simm.s32 $0x0;
	[tilespmem:s20+$0x100] =	vst v20;
	v20 =	vsel vm0, v10, v2;
	v19 =	vsel vm0, v7, v0;
	v17 =	vsel vm0, v8, v3  }
.LBB2_20:
0x1bb: {  	s19 =	sadd.s32 $0x2, s19;
	[tilespmem:s20+$0x180] =	vst v25;
	v25 =	vsel vm0, v11, v1;
	v26 =	vsel vm0, v9, v4  }
0x1bc: {  	s17 =	sadd.s32 $0x20, s17;
	s7 =	sadd.s32 $0x100, s7;
	s0 =	sshll.u32 s19, $0x3;
	[tilespmem:s20+$0x200] =	vst v24  }
0x1bd: {  	s11 =	sand.u32 $0x60, s17;
	s16 =	sand.u32 $0x400, s7;
	s0 =	sand.u32 $0x3FFFFF80, s0;
	[tilespmem:s20+$0x280] =	vst v23  }
0x1be: {  	p0 =	slt.u32 s19, $0x7E;
	s21 =	sor.u32 $0x10, s11;
	s0 =	sadd.s32 s16, s0;
	[tilespmem:s20+$0x300] =	vst v22  }
0x1bf: {  	s22 =	sor.u32 s11, s0;
	s0 =	sor.u32 s21, s0;
	[tilespmem:s20+$0x380] =	vst v21  }
0x1c0: {  	v21 =	vld [tilespmem:s0+$0x0];
	[tilespmem:s18+$0x0] =	vst v16  }
0x1c1: {  	v16 =	vld [tilespmem:s22+$0x0];
	[tilespmem:s18+$0x80] =	vst v18  }
0x1c2: {  	s0 =	sshll.u32 s19, $0x7;
	[tilespmem:s18+$0x100] =	vst v20  }
0x1c3: {  	s0 =	sand.u32 $0x3FFFF800, s0;
	[tilespmem:s18+$0x180] =	vst v19  }
0x1c4: {  	s0 =	sor.u32 s16, s0;
	[tilespmem:s18+$0x200] =	vst v17  }
0x1c5: {  	s0 =	sadd.s32 $0x2000, s0;
	vm0 =	vgt.f32 v21, $0.0e+00;
	[tilespmem:s18+$0x280] =	vst v25  }
.Ltmp9:
0x1c6: {  	s20 =	sor.u32 s11, s0;
	vm1 =	vgt.f32 v16, $0.0e+00;
	v16 =	vsel vm0, v13, v5;
	v17 =	vsel vm0, v15, v12;
	[tilespmem:s18+$0x300] =	vst v26;
	s18 =	sor.u32 s21, s0;
	(pc) =	sbr.rel @p0 .LBB2_20-.Ltmp9, $4  }
0x1c7: {  	v18 =	vsel vm1, v13, v5;
	v19 =	vsel vm1, v14, v6;
	v20 =	vsel vm1, v10, v2;
	[tilespmem:s18+$0x380] =	vst v17  }
0x1c8: {  	v25 =	vsel vm1, v7, v0;
	v24 =	vsel vm1, v8, v3;
	v23 =	vsel vm1, v11, v1;
	[tilespmem:s20+$0x0] =	vst v18  }
0x1c9: {  	v22 =	vsel vm1, v9, v4;
	v21 =	vsel vm1, v15, v12;
	v18 =	vsel vm0, v14, v6;
	[tilespmem:s20+$0x80] =	vst v19  }
0x1ca: {  	v17 =	vsel vm0, v8, v3;
	v19 =	vsel vm0, v7, v0;
	[tilespmem:s20+$0x100] =	vst v20;
	v20 =	vsel vm0, v10, v2  }
0x1cb: {  	[tilespmem:s20+$0x180] =	vst v25  }
0x1cc: {  	[tilespmem:s20+$0x200] =	vst v24  }
0x1cd: {  	[tilespmem:s20+$0x280] =	vst v23  }
0x1ce: {  	[tilespmem:s20+$0x300] =	vst v22  }
0x1cf: {  	[tilespmem:s20+$0x380] =	vst v21  }
0x1d0: {  	[tilespmem:s18+$0x0] =	vst v16  }
0x1d1: {  	[tilespmem:s18+$0x80] =	vst v18  }
0x1d2: {  	[tilespmem:s18+$0x100] =	vst v20  }
0x1d3: {  	[tilespmem:s18+$0x180] =	vst v19  }
0x1d4: {  	v16 =	vsel vm0, v11, v1;
	[tilespmem:s18+$0x200] =	vst v17  }
0x1d5: {  	v17 =	vsel vm0, v9, v4;
	[tilespmem:s18+$0x280] =	vst v16  }
0x1d6: {  	[tilespmem:s18+$0x300] =	vst v17  }
0x1d7: {  	s7 =	simm.s32 $0x2000;
	s0 =	rddreg [dreg:$0x11]  }
0x1d8: {  	[hbm4b:s0+s26] =	stream.strided.scatter [tilespmem:s7], [sflag:$0x5], $0x4000, s31, s26, $0x38;
	[tilespmem:$0x12080] =	vst v63  }
0x1d9: {  	_ =	swait.ge [sflag:s2], $0x800  }
0x1da: {  	s17 =	simm.s32 $0x0;
	s23 =	simm.s32 $0x0;
	[sflag:s2] =	ssyncset.done $0x0  }
0x1db: {  	s25 =	sand.u32 $0x400, s17;
	s0 =	sand.u32 $0x3FFFFF80, s23;
	[sflag:s2] =	ssyncadd.s32 $0xFFFFF800  }
0x1dc: {  	s11 =	sand.u32 $0x60, s17;
	s0 =	sadd.s32 s25, s0;
	_ =	swait.ge [sflag:s13], $0x4000  }
0x1dd: {  	s16 =	sor.u32 $0x10, s11;
	s0 =	sadd.s32 $0x800, s0;
	[sflag:s13] =	ssyncset.done $0x0  }
0x1de: {  	s28 =	sor.u32 s16, s0;
	[sflag:s13] =	ssyncadd.s32 $0xFFFFC000  }
0x1df: {  	s0 =	sor.u32 s11, s0;
	v16 =	vld [tilespmem:s28+$0x0]  }
0x1e0: {  	v17 =	vld [tilespmem:s0+$0x0]  }
0x1e1: {  	s29 =	simm.s32 $0x0  }
0x1e2: {  	s0 =	sand.u32 $0x3FFFF800, s29  }
0x1e3: {  	s0 =	sor.u32 s25, s0  }
0x1e4: {  	s0 =	sadd.s32 $0x6000, s0;
	vm0 =	vgt.f32 v16, $0.0e+00  }
0x1e5: {  	s18 =	sor.u32 s16, s0;
	vm1 =	vgt.f32 v17, $0.0e+00;
	v16 =	vsel vm0, v13, v5;
	v17 =	vsel vm0, v15, v12  }
0x1e6: {  	s11 =	sor.u32 s11, s0;
	v18 =	vsel vm1, v13, v5;
	v20 =	vsel vm1, v14, v6;
	v23 =	vsel vm1, v10, v2;
	[tilespmem:s18+$0x380] =	vst v17  }
0x1e7: {  	v22 =	vsel vm1, v7, v0;
	v21 =	vsel vm1, v8, v3;
	v19 =	vsel vm1, v11, v1;
	[tilespmem:s11+$0x0] =	vst v18  }
0x1e8: {  	s19 =	simm.s32 $0x0;
	s7 =	simm.s32 $0x0;
	[tilespmem:s11+$0x80] =	vst v20;
	v20 =	vsel vm1, v9, v4;
	v18 =	vsel vm1, v15, v12;
	v17 =	vsel vm0, v14, v6  }
.LBB2_22:
0x1e9: {  	s19 =	sadd.s32 $0x2, s19;
	[tilespmem:s11+$0x100] =	vst v23;
	v23 =	vsel vm0, v10, v2;
	v24 =	vsel vm0, v7, v0;
	v25 =	vsel vm0, v8, v3  }
0x1ea: {  	v26 =	vsel vm0, v9, v4;
	s17 =	sadd.s32 $0x100, s17;
	s0 =	sshll.u32 s19, $0x3;
	p0 =	slt.u32 s19, $0x7E;
	[tilespmem:s11+$0x180] =	vst v22;
	v22 =	vsel vm0, v11, v1  }
0x1eb: {  	s7 =	sadd.s32 $0x20, s7;
	s16 =	sand.u32 $0x400, s17;
	s0 =	sand.u32 $0x3FFFFF80, s0;
	[tilespmem:s11+$0x200] =	vst v21  }
0x1ec: {  	s20 =	sand.u32 $0x60, s7;
	s0 =	sadd.s32 s16, s0;
	[tilespmem:s11+$0x280] =	vst v19  }
0x1ed: {  	s21 =	sor.u32 $0x10, s20;
	s0 =	sadd.s32 $0x800, s0;
	[tilespmem:s11+$0x300] =	vst v20  }
0x1ee: {  	s22 =	sor.u32 s20, s0;
	s0 =	sor.u32 s21, s0;
	[tilespmem:s11+$0x380] =	vst v18  }
0x1ef: {  	v18 =	vld [tilespmem:s0+$0x0];
	[tilespmem:s18+$0x0] =	vst v16  }
0x1f0: {  	v16 =	vld [tilespmem:s22+$0x0];
	[tilespmem:s18+$0x80] =	vst v17  }
0x1f1: {  	s0 =	sshll.u32 s19, $0x7;
	[tilespmem:s18+$0x100] =	vst v23  }
0x1f2: {  	s0 =	sand.u32 $0x3FFFF800, s0;
	[tilespmem:s18+$0x180] =	vst v24  }
0x1f3: {  	s0 =	sor.u32 s16, s0;
	[tilespmem:s18+$0x200] =	vst v25  }
.Ltmp10:
0x1f4: {  	s0 =	sadd.s32 $0x6000, s0;
	vm0 =	vgt.f32 v18, $0.0e+00;
	[tilespmem:s18+$0x280] =	vst v22;
	(pc) =	sbr.rel @p0 .LBB2_22-.Ltmp10, $4  }
0x1f5: {  	s11 =	sor.u32 s20, s0;
	vm1 =	vgt.f32 v16, $0.0e+00;
	v16 =	vsel vm0, v13, v5;
	v17 =	vsel vm0, v15, v12;
	[tilespmem:s18+$0x300] =	vst v26;
	s18 =	sor.u32 s21, s0  }
0x1f6: {  	v18 =	vsel vm1, v13, v5;
	v20 =	vsel vm1, v14, v6;
	v23 =	vsel vm1, v10, v2;
	[tilespmem:s18+$0x380] =	vst v17  }
0x1f7: {  	v22 =	vsel vm1, v7, v0;
	v21 =	vsel vm1, v8, v3;
	v19 =	vsel vm1, v11, v1;
	[tilespmem:s11+$0x0] =	vst v18  }
0x1f8: {  	v17 =	vsel vm0, v14, v6;
	v18 =	vsel vm1, v15, v12;
	[tilespmem:s11+$0x80] =	vst v20;
	v20 =	vsel vm1, v9, v4  }
0x1f9: {  	[tilespmem:s11+$0x100] =	vst v23  }
0x1fa: {  	[tilespmem:s11+$0x180] =	vst v22  }
0x1fb: {  	[tilespmem:s11+$0x200] =	vst v21  }
0x1fc: {  	[tilespmem:s11+$0x280] =	vst v19  }
0x1fd: {  	[tilespmem:s11+$0x300] =	vst v20  }
0x1fe: {  	[tilespmem:s11+$0x380] =	vst v18  }
0x1ff: {  	[tilespmem:s18+$0x0] =	vst v16  }
0x200: {  	v16 =	vsel vm0, v10, v2;
	[tilespmem:s18+$0x80] =	vst v17  }
0x201: {  	v17 =	vsel vm0, v7, v0;
	[tilespmem:s18+$0x100] =	vst v16  }
0x202: {  	v16 =	vsel vm0, v8, v3;
	[tilespmem:s18+$0x180] =	vst v17  }
0x203: {  	v17 =	vsel vm0, v11, v1;
	[tilespmem:s18+$0x200] =	vst v16  }
0x204: {  	v16 =	vsel vm0, v9, v4;
	[tilespmem:s18+$0x280] =	vst v17  }
0x205: {  	[tilespmem:s18+$0x300] =	vst v16  }
0x206: {  	s0 =	rddreg [dreg:$0x12]  }
0x207: {  	[hbm4b:s0+s26] =	stream.strided.scatter [tilespmem:s24], [sflag:$0x6], $0x4000, s31, s26, $0x38;
	[tilespmem:$0x12080] =	vst v63  }
0x208: {  	_ =	swait.ge [sflag:s5], $0x800  }
0x209: {  	s17 =	simm.s32 $0x0;
	s23 =	simm.s32 $0x0;
	[sflag:s5] =	ssyncset.done $0x0  }
0x20a: {  	s7 =	sand.u32 $0x400, s17;
	s0 =	sand.u32 $0x3FFFFF80, s23;
	[sflag:s5] =	ssyncadd.s32 $0xFFFFF800  }
0x20b: {  	s25 =	sand.u32 $0x60, s17;
	s0 =	sadd.s32 s7, s0;
	_ =	swait.ge [sflag:s14], $0x4000  }
0x20c: {  	s16 =	sor.u32 $0x10, s25;
	s0 =	sadd.s32 $0x1000, s0;
	[sflag:s14] =	ssyncset.done $0x0  }
0x20d: {  	s28 =	sor.u32 s16, s0;
	[sflag:s14] =	ssyncadd.s32 $0xFFFFC000  }
0x20e: {  	s0 =	sor.u32 s25, s0;
	v16 =	vld [tilespmem:s28+$0x0]  }
0x20f: {  	v17 =	vld [tilespmem:s0+$0x0]  }
0x210: {  	s29 =	simm.s32 $0x0  }
0x211: {  	s0 =	sand.u32 $0x3FFFF800, s29  }
0x212: {  	s0 =	sor.u32 s7, s0  }
0x213: {  	s0 =	sadd.s32 $0xA000, s0;
	vm0 =	vgt.f32 v16, $0.0e+00  }
0x214: {  	s18 =	sor.u32 s16, s0;
	vm1 =	vgt.f32 v17, $0.0e+00;
	v16 =	vsel vm0, v13, v5;
	v17 =	vsel vm0, v15, v12  }
0x215: {  	s11 =	sor.u32 s25, s0;
	v18 =	vsel vm1, v13, v5;
	v20 =	vsel vm1, v14, v6;
	v23 =	vsel vm1, v10, v2;
	[tilespmem:s18+$0x380] =	vst v17  }
0x216: {  	v22 =	vsel vm1, v7, v0;
	v21 =	vsel vm1, v8, v3;
	v19 =	vsel vm1, v11, v1;
	[tilespmem:s11+$0x0] =	vst v18  }
0x217: {  	s19 =	simm.s32 $0x0;
	s7 =	simm.s32 $0x0;
	[tilespmem:s11+$0x80] =	vst v20;
	v20 =	vsel vm1, v9, v4;
	v18 =	vsel vm1, v15, v12;
	v17 =	vsel vm0, v14, v6  }
.LBB2_24:
0x218: {  	s19 =	sadd.s32 $0x2, s19;
	[tilespmem:s11+$0x100] =	vst v23;
	v23 =	vsel vm0, v10, v2;
	v24 =	vsel vm0, v7, v0;
	v25 =	vsel vm0, v8, v3  }
0x219: {  	v26 =	vsel vm0, v9, v4;
	s17 =	sadd.s32 $0x100, s17;
	s0 =	sshll.u32 s19, $0x3;
	p0 =	slt.u32 s19, $0x7E;
	[tilespmem:s11+$0x180] =	vst v22;
	v22 =	vsel vm0, v11, v1  }
0x21a: {  	s7 =	sadd.s32 $0x20, s7;
	s16 =	sand.u32 $0x400, s17;
	s0 =	sand.u32 $0x3FFFFF80, s0;
	[tilespmem:s11+$0x200] =	vst v21  }
0x21b: {  	s20 =	sand.u32 $0x60, s7;
	s0 =	sadd.s32 s16, s0;
	[tilespmem:s11+$0x280] =	vst v19  }
0x21c: {  	s21 =	sor.u32 $0x10, s20;
	s0 =	sadd.s32 $0x1000, s0;
	[tilespmem:s11+$0x300] =	vst v20  }
0x21d: {  	s22 =	sor.u32 s20, s0;
	s0 =	sor.u32 s21, s0;
	[tilespmem:s11+$0x380] =	vst v18  }
0x21e: {  	v18 =	vld [tilespmem:s0+$0x0];
	[tilespmem:s18+$0x0] =	vst v16  }
0x21f: {  	v16 =	vld [tilespmem:s22+$0x0];
	[tilespmem:s18+$0x80] =	vst v17  }
0x220: {  	s0 =	sshll.u32 s19, $0x7;
	[tilespmem:s18+$0x100] =	vst v23  }
0x221: {  	s0 =	sand.u32 $0x3FFFF800, s0;
	[tilespmem:s18+$0x180] =	vst v24  }
0x222: {  	s0 =	sor.u32 s16, s0;
	[tilespmem:s18+$0x200] =	vst v25  }
.Ltmp11:
0x223: {  	s0 =	sadd.s32 $0xA000, s0;
	vm0 =	vgt.f32 v18, $0.0e+00;
	[tilespmem:s18+$0x280] =	vst v22;
	(pc) =	sbr.rel @p0 .LBB2_24-.Ltmp11, $4  }
0x224: {  	s11 =	sor.u32 s20, s0;
	vm1 =	vgt.f32 v16, $0.0e+00;
	v16 =	vsel vm0, v13, v5;
	v17 =	vsel vm0, v15, v12;
	[tilespmem:s18+$0x300] =	vst v26;
	s18 =	sor.u32 s21, s0  }
0x225: {  	v18 =	vsel vm1, v13, v5;
	v20 =	vsel vm1, v14, v6;
	v23 =	vsel vm1, v10, v2;
	[tilespmem:s18+$0x380] =	vst v17  }
0x226: {  	v22 =	vsel vm1, v7, v0;
	v21 =	vsel vm1, v8, v3;
	v19 =	vsel vm1, v11, v1;
	[tilespmem:s11+$0x0] =	vst v18  }
0x227: {  	v17 =	vsel vm0, v14, v6;
	v18 =	vsel vm1, v15, v12;
	[tilespmem:s11+$0x80] =	vst v20;
	v20 =	vsel vm1, v9, v4  }
0x228: {  	[tilespmem:s11+$0x100] =	vst v23  }
0x229: {  	[tilespmem:s11+$0x180] =	vst v22  }
0x22a: {  	[tilespmem:s11+$0x200] =	vst v21  }
0x22b: {  	[tilespmem:s11+$0x280] =	vst v19  }
0x22c: {  	[tilespmem:s11+$0x300] =	vst v20  }
0x22d: {  	[tilespmem:s11+$0x380] =	vst v18  }
0x22e: {  	[tilespmem:s18+$0x0] =	vst v16  }
0x22f: {  	v16 =	vsel vm0, v10, v2;
	[tilespmem:s18+$0x80] =	vst v17  }
0x230: {  	v17 =	vsel vm0, v7, v0;
	[tilespmem:s18+$0x100] =	vst v16  }
0x231: {  	v16 =	vsel vm0, v8, v3;
	[tilespmem:s18+$0x180] =	vst v17  }
0x232: {  	v17 =	vsel vm0, v11, v1;
	[tilespmem:s18+$0x200] =	vst v16  }
0x233: {  	v16 =	vsel vm0, v9, v4;
	[tilespmem:s18+$0x280] =	vst v17  }
0x234: {  	[tilespmem:s18+$0x300] =	vst v16  }
0x235: {  	s0 =	rddreg [dreg:$0x13]  }
0x236: {  	[hbm4b:s0+s26] =	stream.strided.scatter [tilespmem:s8], [sflag:$0x7], $0x4000, s31, s26, $0x38;
	[tilespmem:$0x12080] =	vst v63  }
0x237: {  	_ =	swait.ge [sflag:s9], $0x800  }
0x238: {  	s17 =	simm.s32 $0x0;
	s23 =	simm.s32 $0x0;
	[sflag:s9] =	ssyncset.done $0x0  }
0x239: {  	s7 =	sand.u32 $0x400, s17;
	s0 =	sand.u32 $0x3FFFFF80, s23;
	[sflag:s9] =	ssyncadd.s32 $0xFFFFF800  }
0x23a: {  	s25 =	sand.u32 $0x60, s17;
	s0 =	sadd.s32 s7, s0;
	_ =	swait.ge [sflag:s15], $0x4000  }
0x23b: {  	s16 =	sor.u32 $0x10, s25;
	s0 =	sadd.s32 $0x1800, s0;
	[sflag:s15] =	ssyncset.done $0x0  }
0x23c: {  	s28 =	sor.u32 s16, s0;
	[sflag:s15] =	ssyncadd.s32 $0xFFFFC000  }
0x23d: {  	s0 =	sor.u32 s25, s0;
	v16 =	vld [tilespmem:s28+$0x0]  }
0x23e: {  	v17 =	vld [tilespmem:s0+$0x0]  }
0x23f: {  	s29 =	simm.s32 $0x0  }
0x240: {  	s0 =	sand.u32 $0x3FFFF800, s29  }
0x241: {  	s0 =	sor.u32 s7, s0  }
0x242: {  	s0 =	sadd.s32 $0xE000, s0;
	vm0 =	vgt.f32 v16, $0.0e+00  }
0x243: {  	s18 =	sor.u32 s16, s0;
	vm1 =	vgt.f32 v17, $0.0e+00;
	v16 =	vsel vm0, v13, v5;
	v17 =	vsel vm0, v15, v12  }
0x244: {  	s11 =	sor.u32 s25, s0;
	v18 =	vsel vm1, v13, v5;
	v20 =	vsel vm1, v14, v6;
	v23 =	vsel vm1, v10, v2;
	[tilespmem:s18+$0x380] =	vst v17  }
0x245: {  	v22 =	vsel vm1, v7, v0;
	v21 =	vsel vm1, v8, v3;
	v19 =	vsel vm1, v11, v1;
	[tilespmem:s11+$0x0] =	vst v18  }
0x246: {  	s19 =	simm.s32 $0x0;
	s7 =	simm.s32 $0x0;
	[tilespmem:s11+$0x80] =	vst v20;
	v20 =	vsel vm1, v9, v4;
	v18 =	vsel vm1, v15, v12;
	v17 =	vsel vm0, v14, v6  }
.LBB2_26:
0x247: {  	s19 =	sadd.s32 $0x2, s19;
	[tilespmem:s11+$0x100] =	vst v23;
	v23 =	vsel vm0, v10, v2;
	v24 =	vsel vm0, v7, v0;
	v25 =	vsel vm0, v8, v3  }
0x248: {  	v26 =	vsel vm0, v9, v4;
	s17 =	sadd.s32 $0x100, s17;
	s0 =	sshll.u32 s19, $0x3;
	p0 =	slt.u32 s19, $0x7E;
	[tilespmem:s11+$0x180] =	vst v22;
	v22 =	vsel vm0, v11, v1  }
0x249: {  	s7 =	sadd.s32 $0x20, s7;
	s16 =	sand.u32 $0x400, s17;
	s0 =	sand.u32 $0x3FFFFF80, s0;
	[tilespmem:s11+$0x200] =	vst v21  }
0x24a: {  	s20 =	sand.u32 $0x60, s7;
	s0 =	sadd.s32 s16, s0;
	[tilespmem:s11+$0x280] =	vst v19  }
0x24b: {  	s21 =	sor.u32 $0x10, s20;
	s0 =	sadd.s32 $0x1800, s0;
	[tilespmem:s11+$0x300] =	vst v20  }
0x24c: {  	s22 =	sor.u32 s20, s0;
	s0 =	sor.u32 s21, s0;
	[tilespmem:s11+$0x380] =	vst v18  }
0x24d: {  	v18 =	vld [tilespmem:s0+$0x0];
	[tilespmem:s18+$0x0] =	vst v16  }
0x24e: {  	v16 =	vld [tilespmem:s22+$0x0];
	[tilespmem:s18+$0x80] =	vst v17  }
0x24f: {  	s0 =	sshll.u32 s19, $0x7;
	[tilespmem:s18+$0x100] =	vst v23  }
0x250: {  	s0 =	sand.u32 $0x3FFFF800, s0;
	[tilespmem:s18+$0x180] =	vst v24  }
0x251: {  	s0 =	sor.u32 s16, s0;
	[tilespmem:s18+$0x200] =	vst v25  }
.Ltmp12:
0x252: {  	s0 =	sadd.s32 $0xE000, s0;
	vm0 =	vgt.f32 v18, $0.0e+00;
	[tilespmem:s18+$0x280] =	vst v22;
	(pc) =	sbr.rel @p0 .LBB2_26-.Ltmp12, $4  }
0x253: {  	s11 =	sor.u32 s20, s0;
	vm1 =	vgt.f32 v16, $0.0e+00;
	v16 =	vsel vm0, v13, v5;
	v17 =	vsel vm0, v15, v12;
	[tilespmem:s18+$0x300] =	vst v26;
	s18 =	sor.u32 s21, s0  }
0x254: {  	v18 =	vsel vm1, v13, v5;
	v20 =	vsel vm1, v14, v6;
	v23 =	vsel vm1, v10, v2;
	[tilespmem:s18+$0x380] =	vst v17  }
0x255: {  	v22 =	vsel vm1, v7, v0;
	v21 =	vsel vm1, v8, v3;
	v19 =	vsel vm1, v11, v1;
	[tilespmem:s11+$0x0] =	vst v18  }
0x256: {  	v17 =	vsel vm0, v14, v6;
	v18 =	vsel vm1, v15, v12;
	[tilespmem:s11+$0x80] =	vst v20;
	v20 =	vsel vm1, v9, v4  }
0x257: {  	[tilespmem:s11+$0x100] =	vst v23  }
0x258: {  	[tilespmem:s11+$0x180] =	vst v22  }
0x259: {  	[tilespmem:s11+$0x200] =	vst v21  }
0x25a: {  	[tilespmem:s11+$0x280] =	vst v19  }
0x25b: {  	[tilespmem:s11+$0x300] =	vst v20  }
0x25c: {  	[tilespmem:s11+$0x380] =	vst v18  }
0x25d: {  	[tilespmem:s18+$0x0] =	vst v16  }
0x25e: {  	v2 =	vsel vm0, v10, v2;
	[tilespmem:s18+$0x80] =	vst v17  }
0x25f: {  	v0 =	vsel vm0, v7, v0;
	[tilespmem:s18+$0x100] =	vst v2  }
0x260: {  	v61 =	vsel vm0, v8, v3;
	[tilespmem:s18+$0x180] =	vst v0  }
0x261: {  	v62 =	vsel vm0, v11, v1;
	[tilespmem:s18+$0x200] =	vst v61  }
0x262: {  	v63 =	vsel vm0, v9, v4;
	[tilespmem:s18+$0x280] =	vst v62  }
0x263: {  	[tilespmem:s18+$0x300] =	vst v63  }
0x264: {  	s0 =	rddreg [dreg:$0x14]  }
0x265: {  	[hbm4b:s0+s26] =	stream.strided.scatter [tilespmem:s10], [sflag:$0x8], $0x4000, s31, s26, $0x38;
	[tilespmem:$0x12080] =	vst v63  }
0x266: {  	_ =	swait.ge [sflag:s12], $0x4000  }
0x267: {  	[sflag:s12] =	ssyncset.done $0x0  }
0x268: {  	[sflag:s12] =	ssyncadd.s32 $0xFFFFC000  }
0x269: {  	_ =	swait.ge [sflag:s13], $0x4000  }
0x26a: {  	[sflag:s13] =	ssyncset.done $0x0  }
0x26b: {  	[sflag:s13] =	ssyncadd.s32 $0xFFFFC000  }
0x26c: {  	_ =	swait.ge [sflag:s14], $0x4000  }
0x26d: {  	[sflag:s14] =	ssyncset.done $0x0  }
0x26e: {  	[sflag:s14] =	ssyncadd.s32 $0xFFFFC000  }
0x26f: {  	_ =	swait.ge [sflag:s15], $0x4000  }
0x270: {  	s7 =	rddreg [dreg:$0x16]  }
0x271: {  	s29 =	rddreg [dreg:$0x15];
	s7 =	sadd.s32 $0x1, s7  }
0x272: {  	p0 =	sne.s32 s7, s29  }
.Ltmp13:
0x273: {  	_ = 	snop;
	(pc) =	sbr.rel @p0 .LBB2_1-.Ltmp13, $3  }
0x274: {  	_ =	sdelay $0x1  }
0x275: {  	[sflag:s15] =	ssyncset.done $0x0  }
0x276: {  	[sflag:s15] =	ssyncadd.s32 $0xFFFFC000  }
0x277: {  	_ =	sfence.sel $0x180000  }
0x278: {  	[bflag:$0x0] =	sbarrier.arrive $0xFFFF  }
0x279: {  	_ =	strace $0x90000047  }
0x27a: {  	s0 =	stileid.u32;
	[bflag:$0x2] =	sbarrier.arrive $0xFFFF  }
0x27b: {  	p0 =	sne.s32 s0, $0x0;
	s0 =	rddreg [dreg:$0x3]  }
0x27c: {  	s0 =	sadd.s32 @!p0 $0x100000, s0  }
0x27d: {  	[sflag:s0] =	ssyncadd.tile.s32 @!p0 $0x1;
	_ =	shalt  }
.Lfunc_end2:
_tile_overlayer_lowered:
.L_overlay_start_2:
0x27e: {  	(tag) =	ssettag $0x2  }
0x27f: {  	s0 =	rddreg [dreg:$0x0];
	s2 =	stileid.u32  }
0x280: {  	s1 =	rddreg [dreg:$0x1];
	p0 =	sne.s32 s2, $0x0  }
0x281: {  	s3 =	rddreg [dreg:$0x2];
	[bflag:$0x3] =	sbarrier.arrive $0xFFFF;
	s2 =	simm.s32 @!p0 $0x1C09  }
0x282: {  	[timem:s3], [sflag:s2] =	dma.local @!p0 [hbm:s0], s1  }
0x283: {  	s0 =	simm.s32 @!p0 $0x9  }
0x284: {  	_ =	swait.ge @!p0 [sflag:s0], s1  }
0x285: {  	s1 =	ssub.s32 @!p0 $0x0, s1;
	[sflag:s0] =	ssyncset.done @!p0 $0x0  }
0x286: {  	[sflag:s0] =	ssyncadd.s32 @!p0 s1  }
0x287: {  	[bflag:$0x3] =	sbarrier.arrive $0xFFFF  }
0x288: {  	_ =	shalt  }

</sc_bundles>
